<compile_context>
chip_gen: v7x
topology: tpu7x:2x2x1
jax: 0.10.2.dev20260603
libtpu: 0.0.44.dev20260713+nightly
codegen_flags: <defaults>
</compile_context>

<pallas_src>
import functools

import jax
import jax.numpy as jnp
from jax import lax
from jax.experimental import pallas as pl
from jax.experimental.pallas import tpu as pltpu
from jax.experimental.pallas import tpu_sc as plsc

N = 10000
E = 160000
DF = 256
DH = 512
DC = 40

_ROWS = 400
_GRID = N // _ROWS
_NSUB = 16
_NPAD = 10240
_RPS = _NPAD // _NSUB
_ZR = 128


def _vmesh():
    return plsc.VectorSubcoreMesh(core_axis_name="c", subcore_axis_name="s")




_KF = 80
_EPS_E = 5200
_EPAD = 32 * _EPS_E
_TRASH = 10100


def _make_deg():
    K = _KF
    NCH = _EPS_E // K

    @functools.partial(
        pl.kernel,
        out_type=jax.ShapeDtypeStruct((2, _NPAD, 16), jnp.float32),
        mesh=_vmesh(),
        scratch_types=[
            pltpu.VMEM((NCH, K), jnp.int32),
            pltpu.VMEM((K, 16), jnp.float32),
            pltpu.VMEM((_ZR, 16), jnp.float32),
            pltpu.VMEM_SHARED((_NPAD, 16), jnp.float32),
        ],
    )
    def deg_kernel(dst2, out, didx2, ones, zbuf, acc):
        cid = lax.axis_index("c")
        sid = lax.axis_index("s")

        @pl.loop(0, _ZR)
        def _(r):
            zbuf[r, :] = jnp.zeros((16,), jnp.float32)

        @pl.loop(0, K)
        def _(r):
            ones[r, :] = jnp.full((16,), 1.0, jnp.float32)

        pltpu.sync_copy(dst2.at[cid * _NSUB + sid], didx2)

        @pl.loop(0, _RPS // _ZR)
        def _(j):
            pltpu.sync_copy(zbuf, acc.at[pl.ds(sid * _RPS + j * _ZR, _ZR), :])

        plsc.subcore_barrier()

        @pl.loop(0, NCH)
        def _(c):
            pltpu.sync_copy(ones, acc.at[didx2.at[c]], add=True)

        plsc.subcore_barrier()

        r0 = sid * _RPS
        pltpu.sync_copy(acc.at[pl.ds(r0, _RPS), :],
                        out.at[cid].at[pl.ds(r0, _RPS), :])

    return deg_kernel


def _edge_pipeline(gather_src, sidx1, didx2, k, msg0, msg1, sems, acc, nch):
    assert nch % 2 == 1 and nch >= 5
    gs0, gs1, ss0, ss1 = sems

    def g_start(c, msg, sem):
        off = pl.multiple_of(c * k, 8)
        pltpu.make_async_copy(gather_src.at[sidx1.at[pl.ds(off, k)]], msg,
                              sem).start()

    def g_wait(msg, sem):
        pltpu.make_async_copy(gather_src.at[sidx1.at[pl.ds(0, k)]], msg,
                              sem).wait()

    def s_start(c, msg, sem):
        pltpu.make_async_copy(msg, acc.at[didx2.at[c]], sem).start(add=True)

    def s_wait(msg, sem):
        pltpu.make_async_copy(msg, acc.at[didx2.at[0]], sem).wait()

    g_start(0, msg0, gs0)
    g_start(1, msg1, gs1)

    @pl.loop(0, (nch - 3) // 2)
    def _(t):
        c0 = 2 * t
        g_wait(msg0, gs0)
        s_start(c0, msg0, ss0)
        g_wait(msg1, gs1)
        s_start(c0 + 1, msg1, ss1)
        s_wait(msg0, ss0)
        g_start(c0 + 2, msg0, gs0)
        s_wait(msg1, ss1)
        g_start(c0 + 3, msg1, gs1)

    g_wait(msg0, gs0)
    s_start(nch - 3, msg0, ss0)
    g_wait(msg1, gs1)
    s_start(nch - 2, msg1, ss1)
    s_wait(msg0, ss0)
    g_start(nch - 1, msg0, gs0)
    g_wait(msg0, gs0)
    s_start(nch - 1, msg0, ss0)
    s_wait(msg1, ss1)
    s_wait(msg0, ss0)


def _zero_acc(msg0, acc, sid, k, dc, dtype=jnp.float32):
    if dtype == jnp.float32:
        @pl.loop(0, k)
        def _(r):
            @pl.loop(0, dc, step=16)
            def _(cc):
                msg0[r, pl.ds(cc, 16)] = jnp.zeros((16,), dtype)
    else:
        @pl.loop(0, k, step=2)
        def _(r):
            @pl.loop(0, dc, step=16)
            def _(cc):
                msg0[pl.ds(r, 2), pl.ds(cc, 16)] = jnp.zeros((2, 16), dtype)

    @pl.loop(0, _RPS // k)
    def _(j):
        pltpu.sync_copy(msg0, acc.at[pl.ds(sid * _RPS + j * k, k), :])


def _make_prop(nb, dc, dtype=jnp.float32):
    K = _KF
    EPS = E // _NSUB
    NCH = EPS // K
    bpc = nb // 2

    @functools.partial(
        pl.kernel,
        out_type=jax.ShapeDtypeStruct((nb, _NPAD, dc), dtype),
        mesh=_vmesh(),
        scratch_types=[
            pltpu.VMEM((EPS,), jnp.int32),
            pltpu.VMEM((NCH, K), jnp.int32),
            pltpu.VMEM((K, dc), dtype),
            pltpu.VMEM((K, dc), dtype),
            pltpu.VMEM_SHARED((_NPAD, dc), dtype),
            pltpu.SemaphoreType.DMA,
            pltpu.SemaphoreType.DMA,
            pltpu.SemaphoreType.DMA,
            pltpu.SemaphoreType.DMA,
        ],
    )
    def prop_kernel(xsb, src, dst2, out,
                    sidx1, didx2, msg0, msg1, acc, gs0, gs1, ss0, ss1):
        cid = lax.axis_index("c")
        sid = lax.axis_index("s")

        pltpu.sync_copy(src.at[pl.ds(sid * EPS, EPS)], sidx1)
        pltpu.sync_copy(dst2.at[sid], didx2)

        for b in range(nb):
            @pl.when(cid == b // bpc)
            def _():
                _zero_acc(msg0, acc, sid, K, dc, dtype)
                plsc.subcore_barrier()

                _edge_pipeline(xsb.at[b], sidx1, didx2, K,
                               msg0, msg1, (gs0, gs1, ss0, ss1), acc, NCH)

                plsc.subcore_barrier()

                r0 = sid * _RPS
                pltpu.sync_copy(acc.at[pl.ds(r0, _RPS), :],
                                out.at[b].at[pl.ds(r0, _RPS), :])

    return prop_kernel


def _make_prop_esplit():
    K = _KF
    EPS = _EPS_E
    NCH = EPS // K
    dc = 128

    @functools.partial(
        pl.kernel,
        out_type=jax.ShapeDtypeStruct((2, _NPAD, dc), jnp.float32),
        mesh=_vmesh(),
        scratch_types=[
            pltpu.VMEM((EPS,), jnp.int32),
            pltpu.VMEM((NCH, K), jnp.int32),
            pltpu.VMEM((K, dc), jnp.float32),
            pltpu.VMEM((K, dc), jnp.float32),
            pltpu.VMEM_SHARED((_NPAD, dc), jnp.float32),
            pltpu.SemaphoreType.DMA,
            pltpu.SemaphoreType.DMA,
            pltpu.SemaphoreType.DMA,
            pltpu.SemaphoreType.DMA,
        ],
    )
    def prop_kernel(xs, src, dst2, out,
                    sidx1, didx2, msg0, msg1, acc, gs0, gs1, ss0, ss1):
        cid = lax.axis_index("c")
        sid = lax.axis_index("s")

        wid = cid * _NSUB + sid
        pltpu.sync_copy(src.at[pl.ds(wid * EPS, EPS)], sidx1)
        pltpu.sync_copy(dst2.at[wid], didx2)

        _zero_acc(msg0, acc, sid, K, dc)
        plsc.subcore_barrier()

        _edge_pipeline(xs, sidx1, didx2, K, msg0, msg1,
                       (gs0, gs1, ss0, ss1), acc, NCH)

        plsc.subcore_barrier()

        r0 = sid * _RPS
        pltpu.sync_copy(acc.at[pl.ds(r0, _RPS), :],
                        out.at[cid].at[pl.ds(r0, _RPS), :])

    return prop_kernel




def _prep_call(degp, x):
    def body(degp_ref, x_ref, dinv_ref, xsb_ref):
        deg = degp_ref[0, :, 0:1] + degp_ref[1, :, 0:1] + 1.0
        dinv = lax.rsqrt(deg)
        dinv_ref[...] = dinv
        xs = x_ref[...] * dinv
        xsb_ref[0] = xs[:, :128]
        xsb_ref[1] = xs[:, 128:]

    return pl.pallas_call(
        body,
        grid=(_GRID,),
        in_specs=[
            pl.BlockSpec((2, _ROWS, 16), lambda i: (0, i, 0)),
            pl.BlockSpec((_ROWS, DF), lambda i: (i, 0)),
        ],
        out_specs=[
            pl.BlockSpec((_ROWS, 1), lambda i: (i, 0)),
            pl.BlockSpec((2, _ROWS, 128), lambda i: (0, i, 0)),
        ],
        out_shape=[
            jax.ShapeDtypeStruct((N, 1), jnp.float32),
            jax.ShapeDtypeStruct((2, N, 128), jnp.float32),
        ],
    )(degp, x)


def _layer1_call(acc1, x, dinv, W1, b1):
    def body(acc_ref, x_ref, dinv_ref, W1_ref, b1_ref, h1_ref, hs_ref):
        d = dinv_ref[...]
        acc = jnp.concatenate([acc_ref[0], acc_ref[1]], axis=1)
        p0 = d * acc + (d * d) * x_ref[...]
        h1 = jnp.maximum(
            jnp.dot(p0, W1_ref[...], preferred_element_type=jnp.float32)
            + b1_ref[...], 0.0)
        h1_ref[...] = h1
        hs = h1 * d
        for b in range(4):
            hs_ref[b] = hs[:, b * 128:(b + 1) * 128]

    return pl.pallas_call(
        body,
        grid=(_GRID,),
        in_specs=[
            pl.BlockSpec((2, _ROWS, 128), lambda i: (0, i, 0)),
            pl.BlockSpec((_ROWS, DF), lambda i: (i, 0)),
            pl.BlockSpec((_ROWS, 1), lambda i: (i, 0)),
            pl.BlockSpec((DF, DH), lambda i: (0, 0)),
            pl.BlockSpec((1, DH), lambda i: (0, 0)),
        ],
        out_specs=[
            pl.BlockSpec((_ROWS, DH), lambda i: (i, 0)),
            pl.BlockSpec((4, _ROWS, 128), lambda i: (0, i, 0)),
        ],
        out_shape=[
            jax.ShapeDtypeStruct((N, DH), jnp.float32),
            jax.ShapeDtypeStruct((4, N, 128), jnp.float32),
        ],
    )(acc1, x, dinv, W1, b1)


def _layer2_call(acc2, h1, dinv, W2, b2, Wl):
    def body(acc_ref, h1_ref, dinv_ref, W2_ref, b2_ref, Wl_ref, y_ref, ys_ref):
        d = dinv_ref[...]
        acc = jnp.concatenate([acc_ref[b] for b in range(4)], axis=1)
        h1 = h1_ref[...]
        p1 = d * acc + (d * d) * h1
        h2 = jnp.maximum(
            jnp.dot(p1, W2_ref[...], preferred_element_type=jnp.float32)
            + b2_ref[...], 0.0)
        wl = Wl_ref[...]
        y = (jnp.dot(h1, wl[:DH], preferred_element_type=jnp.float32)
             + jnp.dot(h2, wl[DH:], preferred_element_type=jnp.float32))
        y_ref[...] = y
        ys = y * d
        ys_ref[...] = jnp.concatenate(
            [ys, jnp.zeros((_ROWS, 128 - DC), jnp.float32)], axis=1)

    return pl.pallas_call(
        body,
        grid=(_GRID,),
        in_specs=[
            pl.BlockSpec((4, _ROWS, 128), lambda i: (0, i, 0)),
            pl.BlockSpec((_ROWS, DH), lambda i: (i, 0)),
            pl.BlockSpec((_ROWS, 1), lambda i: (i, 0)),
            pl.BlockSpec((DH, DH), lambda i: (0, 0)),
            pl.BlockSpec((1, DH), lambda i: (0, 0)),
            pl.BlockSpec((2 * DH, DC), lambda i: (0, 0)),
        ],
        out_specs=[
            pl.BlockSpec((_ROWS, DC), lambda i: (i, 0)),
            pl.BlockSpec((_ROWS, 128), lambda i: (i, 0)),
        ],
        out_shape=[
            jax.ShapeDtypeStruct((N, DC), jnp.float32),
            jax.ShapeDtypeStruct((N, 128), jnp.float32),
        ],
    )(acc2, h1, dinv, W2, b2, Wl)


def _final_call(acc3, y, dinv, bl):
    def body(acc_ref, y_ref, dinv_ref, bl_ref, out_ref):
        d = dinv_ref[...]
        acc40 = (acc_ref[0] + acc_ref[1])[:, :DC]
        out_ref[...] = d * acc40 + (d * d) * y_ref[...] + bl_ref[...]

    return pl.pallas_call(
        body,
        grid=(_GRID,),
        in_specs=[
            pl.BlockSpec((2, _ROWS, 128), lambda i: (0, i, 0)),
            pl.BlockSpec((_ROWS, DC), lambda i: (i, 0)),
            pl.BlockSpec((_ROWS, 1), lambda i: (i, 0)),
            pl.BlockSpec((1, DC), lambda i: (0, 0)),
        ],
        out_specs=pl.BlockSpec((_ROWS, DC), lambda i: (i, 0)),
        out_shape=jax.ShapeDtypeStruct((N, DC), jnp.float32),
    )(acc3, y, dinv, bl)


_DEG = _make_deg()
_PROP1 = _make_prop(2, 128)
_PROP2 = _make_prop(4, 128)
_PROP3 = _make_prop_esplit()


def kernel(x, edge_index, W1, b1, W2, b2, Wl, bl):
    ei = edge_index.astype(jnp.int32)
    src, dst = ei[0], ei[1]
    dst_f = dst.reshape(_NSUB, (E // _NSUB) // _KF, _KF)
    pad_i = jnp.arange(_EPAD - E, dtype=jnp.int32)
    srcp = jnp.concatenate([src, pad_i % N])
    dstp = jnp.concatenate([dst, N + pad_i % (_NPAD - N - 8)])
    dst_e = dstp.reshape(2 * _NSUB, _EPS_E // _KF, _KF)
    degp = _DEG(dst_e)
    dinv, xsb = _prep_call(degp, x)
    acc1 = _PROP1(xsb, src, dst_f)
    h1, hs1 = _layer1_call(acc1, x, dinv, W1, b1.reshape(1, DH))
    acc2 = _PROP2(hs1, src, dst_f)
    y, ysb = _layer2_call(acc2, h1, dinv, W2, b2.reshape(1, DH), Wl)
    acc3 = _PROP3(ysb, srcp, dst_e)
    out = _final_call(acc3, y, dinv, bl.reshape(1, DC))
    return (out, out)

# --- scband reference (transcript-rebuilt; emitter-appended) ---
"""Pipeline reference for scband-gcn-jk-74345883894244 (READ-ONLY COPY).

The authoritative reference and input builder live on the scoring server;
editing this copy changes nothing except your own understanding.
"""

import jax, jax.numpy as jnp
import numpy as np

N_NODES = 10000
N_EDGES = 160000
D_FEAT = 256
HIDDEN = 512
N_CLASSES = 40


def gcn_propagate(x, src, dst, num_nodes):
    # GCN normalization with self-loops (PyG gcn_norm, edge_weight=1)
    loop = jnp.arange(num_nodes, dtype=src.dtype)
    src2 = jnp.concatenate([src, loop])
    dst2 = jnp.concatenate([dst, loop])
    deg = jnp.zeros((num_nodes,), x.dtype).at[dst2].add(1.0)
    dinv = jnp.where(deg > 0, 1.0 / jnp.sqrt(deg), 0.0)
    norm = dinv[src2] * dinv[dst2]
    msg = x[src2] * norm[:, None]
    return jnp.zeros((num_nodes, x.shape[1]), x.dtype).at[dst2].add(msg)


def setup_inputs(seed: int = 0):
    key = jax.random.key(seed)
    ks = jax.random.split(key, 8)
    x = jax.random.normal(ks[0], (N_NODES, D_FEAT), dtype=jnp.float32)
    edge_index = jax.random.randint(ks[1], (2, N_EDGES), 0, N_NODES)
    W1 = jax.random.normal(ks[2], (D_FEAT, HIDDEN), dtype=jnp.float32) * (1.0 / np.sqrt(D_FEAT))
    b1 = jnp.zeros((HIDDEN,), dtype=jnp.float32)
    W2 = jax.random.normal(ks[3], (HIDDEN, HIDDEN), dtype=jnp.float32) * (1.0 / np.sqrt(HIDDEN))
    b2 = jnp.zeros((HIDDEN,), dtype=jnp.float32)
    Wl = jax.random.normal(ks[4], (2 * HIDDEN, N_CLASSES), dtype=jnp.float32) * (1.0 / np.sqrt(2 * HIDDEN))
    bl = jnp.zeros((N_CLASSES,), dtype=jnp.float32)
    return {"x": x, "edge_index": edge_index, "W1": W1, "b1": b1, "W2": W2, "b2": b2, "Wl": Wl, "bl": bl}


def reference(x, edge_index, W1, b1, W2, b2, Wl, bl):
    src, dst = edge_index[0], edge_index[1]
    # conv1 (GCNConv) + relu; dropout is identity in eval mode
    x1 = jax.nn.relu(gcn_propagate(x @ W1, src, dst, N_NODES) + b1)
    # conv2 (GCNConv) + relu
    x2 = jax.nn.relu(gcn_propagate(x1 @ W2, src, dst, N_NODES) + b2)
    # JumpingKnowledge mode='cat'
    xc = jnp.concatenate([x1, x2], axis=1)
    # APPNP K=1, alpha=0: one gcn-normalized propagation step
    xp = gcn_propagate(xc, src, dst, N_NODES)
    out = xp @ Wl + bl
    return (out, out)

if __name__ == "__main__":
    import jax
    _d = setup_inputs()
    print(jax.jit(kernel)(*tuple(_d.values())))

</pallas_src>

<mosaic_0001>
#map = affine_map<(d0, d1) -> (0, 0)>
#map1 = affine_map<(d0, d1) -> (0)>
#map2 = affine_map<(d0, d1) -> (0, 0, 0)>
module attributes {stable_mosaic.version = 14 : i64} {
  func.func @prop_kernel(%arg0: i32, %arg1: i32, %arg2: memref<10000x128xf32, #tpu.memory_space<hbm>>, %arg3: memref<166400xi32, #tpu.memory_space<hbm>>, %arg4: memref<32x65x80xi32, #tpu.memory_space<hbm>>, %arg5: memref<2x10240x128xf32, #tpu.memory_space<hbm>>, %arg6: memref<5200xi32, #tpu.memory_space<vmem>>, %arg7: memref<65x80xi32, #tpu.memory_space<vmem>>, %arg8: memref<80x128xf32, #tpu.memory_space<vmem>>, %arg9: memref<80x128xf32, #tpu.memory_space<vmem>>, %arg10: memref<10240x128xf32, #tpu.memory_space<vmem_shared>>, %arg11: memref<!tpu.dma_semaphore, #tpu.memory_space<semaphore_mem>>, %arg12: memref<!tpu.dma_semaphore, #tpu.memory_space<semaphore_mem>>, %arg13: memref<!tpu.dma_semaphore, #tpu.memory_space<semaphore_mem>>, %arg14: memref<!tpu.dma_semaphore, #tpu.memory_space<semaphore_mem>>) attributes {dimension_semantics = [#tpu.dimension_semantics<core_parallel>, #tpu.dimension_semantics<subcore_parallel>], iteration_bounds = array<i64: 2, 16>, scalar_prefetch = 0 : i64, scratch_operands = 9 : i64, tpu.core_type = #tpu.core_type<sc_vector_subcore>, window_params = [{transform_indices = #map}, {transform_indices = #map1}, {transform_indices = #map2}, {transform_indices = #map2}]} {
    %mul3A = arith.constant 16 : i32
    %mul3A_0 = arith.muli %arg0, %mul3A : i32
    %add3A = arith.addi %mul3A_0, %arg1 : i32
    %mul3A_1 = arith.constant 5200 : i32
    %mul3A_2 = arith.muli %add3A, %mul3A_1 : i32
    "tpu.region"() ({
      %run_scoped3A = tpu.sem_alloc : memref<!tpu.dma_semaphore, #tpu.memory_space<semaphore_mem>>
      %dma_start3A_92 = tpu.memref_slice %arg3[%mul3A_2] : memref<166400xi32, #tpu.memory_space<hbm>> -> memref<5200xi32, #tpu.memory_space<hbm>>
      %dma_start3A_93 = tpu.memref_slice %arg3[%mul3A_2] : memref<166400xi32, #tpu.memory_space<hbm>> -> memref<5200xi32, #tpu.memory_space<hbm>>
      tpu.enqueue_dma source(%dma_start3A_93 : memref<5200xi32, #tpu.memory_space<hbm>>) target(%arg6 : memref<5200xi32, #tpu.memory_space<vmem>>) target_semaphore(%run_scoped3A : memref<!tpu.dma_semaphore, #tpu.memory_space<semaphore_mem>>)
      %dma_wait3A_94 = tpu.memref_slice %arg3[%mul3A_2] : memref<166400xi32, #tpu.memory_space<hbm>> -> memref<5200xi32, #tpu.memory_space<hbm>>
      %dma_wait3A_95 = tpu.memref_slice %arg3[%mul3A_2] : memref<166400xi32, #tpu.memory_space<hbm>> -> memref<5200xi32, #tpu.memory_space<hbm>>
      tpu.wait_dma2 semaphore(%run_scoped3A : memref<!tpu.dma_semaphore, #tpu.memory_space<semaphore_mem>>) src(%dma_wait3A_95 : memref<5200xi32, #tpu.memory_space<hbm>>) dst(%arg6 : memref<5200xi32, #tpu.memory_space<vmem>>)
      tpu.yield
    }) : () -> ()
    "tpu.region"() ({
      %run_scoped3A = tpu.sem_alloc : memref<!tpu.dma_semaphore, #tpu.memory_space<semaphore_mem>>
      %dma_start3A_92 = arith.constant 0 : i32
      %dma_start3A_93 = arith.constant 0 : i32
      %dma_start3A_94 = tpu.memref_slice %arg4[%add3A, %dma_start3A_92, %dma_start3A_93] : memref<32x65x80xi32, #tpu.memory_space<hbm>> -> memref<1x65x80xi32, #tpu.memory_space<hbm>>
      %dma_start3A_95 = tpu.memref_squeeze %dma_start3A_94 : memref<1x65x80xi32, #tpu.memory_space<hbm>> -> memref<65x80xi32, #tpu.memory_space<hbm>>
      %dma_start3A_96 = arith.constant 0 : i32
      %dma_start3A_97 = arith.constant 0 : i32
      %dma_start3A_98 = tpu.memref_slice %arg4[%add3A, %dma_start3A_96, %dma_start3A_97] : memref<32x65x80xi32, #tpu.memory_space<hbm>> -> memref<1x65x80xi32, #tpu.memory_space<hbm>>
      %dma_start3A_99 = tpu.memref_squeeze %dma_start3A_98 : memref<1x65x80xi32, #tpu.memory_space<hbm>> -> memref<65x80xi32, #tpu.memory_space<hbm>>
      tpu.enqueue_dma source(%dma_start3A_99 : memref<65x80xi32, #tpu.memory_space<hbm>>) target(%arg7 : memref<65x80xi32, #tpu.memory_space<vmem>>) target_semaphore(%run_scoped3A : memref<!tpu.dma_semaphore, #tpu.memory_space<semaphore_mem>>)
      %dma_wait3A_100 = arith.constant 0 : i32
      %dma_wait3A_101 = arith.constant 0 : i32
      %dma_wait3A_102 = tpu.memref_slice %arg4[%add3A, %dma_wait3A_100, %dma_wait3A_101] : memref<32x65x80xi32, #tpu.memory_space<hbm>> -> memref<1x65x80xi32, #tpu.memory_space<hbm>>
      %dma_wait3A_103 = tpu.memref_squeeze %dma_wait3A_102 : memref<1x65x80xi32, #tpu.memory_space<hbm>> -> memref<65x80xi32, #tpu.memory_space<hbm>>
      %dma_wait3A_104 = arith.constant 0 : i32
      %dma_wait3A_105 = arith.constant 0 : i32
      %dma_wait3A_106 = tpu.memref_slice %arg4[%add3A, %dma_wait3A_104, %dma_wait3A_105] : memref<32x65x80xi32, #tpu.memory_space<hbm>> -> memref<1x65x80xi32, #tpu.memory_space<hbm>>
      %dma_wait3A_107 = tpu.memref_squeeze %dma_wait3A_106 : memref<1x65x80xi32, #tpu.memory_space<hbm>> -> memref<65x80xi32, #tpu.memory_space<hbm>>
      tpu.wait_dma2 semaphore(%run_scoped3A : memref<!tpu.dma_semaphore, #tpu.memory_space<semaphore_mem>>) src(%dma_wait3A_107 : memref<65x80xi32, #tpu.memory_space<hbm>>) dst(%arg7 : memref<65x80xi32, #tpu.memory_space<vmem>>)
      tpu.yield
    }) : () -> ()
    %scan3A = arith.constant 0 : i32
    %scan3A_3 = arith.constant 80 : i32
    %scan3A_4 = arith.addi %scan3A, %scan3A_3 : i32
    %scan3A_5 = arith.constant 1 : i32
    scf.for %scan3A_92 = %scan3A to %scan3A_4 step %scan3A_5  : i32 {
      %mul3A_93 = arith.constant 1 : i32
      %mul3A_94 = arith.muli %scan3A_92, %mul3A_93 : i32
      %add3A_95 = arith.constant 0 : i32
      %add3A_96 = arith.addi %add3A_95, %mul3A_94 : i32
      %scan3A_97 = arith.constant 0 : i32
      %scan3A_98 = arith.constant 8 : i32
      %scan3A_99 = arith.addi %scan3A_97, %scan3A_98 : i32
      %scan3A_100 = arith.constant 1 : i32
      scf.for %scan3A_102 = %scan3A_97 to %scan3A_99 step %scan3A_100  : i32 {
        %mul3A_103 = arith.constant 16 : i32
        %mul3A_104 = arith.muli %scan3A_102, %mul3A_103 : i32
        %add3A_105 = arith.constant 0 : i32
        %add3A_106 = arith.addi %add3A_105, %mul3A_104 : i32
        %broadcast_in_dim3A = arith.constant 0.000000e+00 : f32
        %broadcast_in_dim3A_107 = vector.broadcast %broadcast_in_dim3A : f32 to vector<16xf32>
        %swap3A = arith.index_cast %add3A_96 : i32 to index
        %swap3A_108 = arith.index_cast %add3A_106 : i32 to index
        %swap3A_109 = tpu.vector_load %arg8[%swap3A, %swap3A_108] {strides = array<i32>} : memref<80x128xf32, #tpu.memory_space<vmem>>, vector<1x16xf32>,
        %swap3A_110 = vector.shape_cast %swap3A_109 : vector<1x16xf32> to vector<16xf32>
        %swap3A_111 = vector.shape_cast %broadcast_in_dim3A_107 : vector<16xf32> to vector<1x16xf32>
        tpu.vector_store %arg8[%swap3A, %swap3A_108], %swap3A_111 {strides = array<i32>} : memref<80x128xf32, #tpu.memory_space<vmem>>, vector<1x16xf32>,
      }
      %scan3A_101 = arith.constant 8 : i32
    }
    %scan3A_6 = arith.constant 80 : i32
    %scan3A_7 = arith.constant 0 : i32
    %scan3A_8 = arith.constant 8 : i32
    %scan3A_9 = arith.addi %scan3A_7, %scan3A_8 : i32
    %scan3A_10 = arith.constant 1 : i32
    scf.for %scan3A_92 = %scan3A_7 to %scan3A_9 step %scan3A_10  : i32 {
      %mul3A_93 = arith.constant 1 : i32
      %mul3A_94 = arith.muli %scan3A_92, %mul3A_93 : i32
      %add3A_95 = arith.constant 0 : i32
      %add3A_96 = arith.addi %add3A_95, %mul3A_94 : i32
      %mul3A_97 = arith.constant 640 : i32
      %mul3A_98 = arith.muli %arg1, %mul3A_97 : i32
      %mul3A_99 = arith.constant 80 : i32
      %mul3A_100 = arith.muli %add3A_96, %mul3A_99 : i32
      %add3A_101 = arith.addi %mul3A_98, %mul3A_100 : i32
      "tpu.region"() ({
        %run_scoped3A = tpu.sem_alloc : memref<!tpu.dma_semaphore, #tpu.memory_space<semaphore_mem>>
        %dma_start3A_102 = arith.constant 0 : i32
        %dma_start3A_103 = tpu.memref_slice %arg10[%add3A_101, %dma_start3A_102] : memref<10240x128xf32, #tpu.memory_space<vmem_shared>> -> memref<80x128xf32, #tpu.memory_space<vmem_shared>>
        %dma_start3A_104 = arith.constant 0 : i32
        %dma_start3A_105 = tpu.memref_slice %arg10[%add3A_101, %dma_start3A_104] : memref<10240x128xf32, #tpu.memory_space<vmem_shared>> -> memref<80x128xf32, #tpu.memory_space<vmem_shared>>
        tpu.enqueue_dma source(%arg8 : memref<80x128xf32, #tpu.memory_space<vmem>>) target(%dma_start3A_105 : memref<80x128xf32, #tpu.memory_space<vmem_shared>>) target_semaphore(%run_scoped3A : memref<!tpu.dma_semaphore, #tpu.memory_space<semaphore_mem>>)
        %dma_wait3A_106 = arith.constant 0 : i32
        %dma_wait3A_107 = tpu.memref_slice %arg10[%add3A_101, %dma_wait3A_106] : memref<10240x128xf32, #tpu.memory_space<vmem_shared>> -> memref<80x128xf32, #tpu.memory_space<vmem_shared>>
        %dma_wait3A_108 = arith.constant 0 : i32
        %dma_wait3A_109 = tpu.memref_slice %arg10[%add3A_101, %dma_wait3A_108] : memref<10240x128xf32, #tpu.memory_space<vmem_shared>> -> memref<80x128xf32, #tpu.memory_space<vmem_shared>>
        tpu.wait_dma2 semaphore(%run_scoped3A : memref<!tpu.dma_semaphore, #tpu.memory_space<semaphore_mem>>) src(%arg8 : memref<80x128xf32, #tpu.memory_space<vmem>>) dst(%dma_wait3A_109 : memref<80x128xf32, #tpu.memory_space<vmem_shared>>)
        tpu.yield
      }) : () -> ()
    }
    %scan3A_11 = arith.constant 8 : i32
    %barrier3A = arith.constant 0 : index
    tpu.barrier barrier_id(%barrier3A)
    %multiple_of3A = arith.constant 0 : i32
    %multiple_of3A_12 = tpu.assume_multiple %multiple_of3A, 8 : i32
    %dma_start3A = tpu.memref_slice %arg6[%multiple_of3A_12] : memref<5200xi32, #tpu.memory_space<vmem>> -> memref<80xi32, #tpu.memory_space<vmem>>
    %dma_start3A_13 = arith.constant 0 : i32
    %dma_start3A_14 = arith.constant 0 : i32
    %dma_start3A_15 = tpu.memref_slice %arg2[%dma_start3A_13, %dma_start3A_14] : memref<10000x128xf32, #tpu.memory_space<hbm>> -> memref<10000x128xf32, #tpu.memory_space<hbm>>
    tpu.enqueue_indirect_dma source(%dma_start3A_15 : memref<10000x128xf32, #tpu.memory_space<hbm>>) target(%arg8 : memref<80x128xf32, #tpu.memory_space<vmem>>) offsets(%dma_start3A : memref<80xi32, #tpu.memory_space<vmem>>) semaphore(%arg11 : memref<!tpu.dma_semaphore, #tpu.memory_space<semaphore_mem>>)
    %multiple_of3A_16 = arith.constant 80 : i32
    %multiple_of3A_17 = tpu.assume_multiple %multiple_of3A_16, 8 : i32
    %dma_start3A_18 = tpu.memref_slice %arg6[%multiple_of3A_17] : memref<5200xi32, #tpu.memory_space<vmem>> -> memref<80xi32, #tpu.memory_space<vmem>>
    %dma_start3A_19 = arith.constant 0 : i32
    %dma_start3A_20 = arith.constant 0 : i32
    %dma_start3A_21 = tpu.memref_slice %arg2[%dma_start3A_19, %dma_start3A_20] : memref<10000x128xf32, #tpu.memory_space<hbm>> -> memref<10000x128xf32, #tpu.memory_space<hbm>>
    tpu.enqueue_indirect_dma source(%dma_start3A_21 : memref<10000x128xf32, #tpu.memory_space<hbm>>) target(%arg9 : memref<80x128xf32, #tpu.memory_space<vmem>>) offsets(%dma_start3A_18 : memref<80xi32, #tpu.memory_space<vmem>>) semaphore(%arg12 : memref<!tpu.dma_semaphore, #tpu.memory_space<semaphore_mem>>)
    %scan3A_22 = arith.constant 0 : i32
    %scan3A_23 = arith.constant 31 : i32
    %scan3A_24 = arith.addi %scan3A_22, %scan3A_23 : i32
    %scan3A_25 = arith.constant 1 : i32
    scf.for %scan3A_92 = %scan3A_22 to %scan3A_24 step %scan3A_25  : i32 {
      %mul3A_93 = arith.constant 1 : i32
      %mul3A_94 = arith.muli %scan3A_92, %mul3A_93 : i32
      %add3A_95 = arith.constant 0 : i32
      %add3A_96 = arith.addi %add3A_95, %mul3A_94 : i32
      %mul3A_97 = arith.constant 2 : i32
      %mul3A_98 = arith.muli %mul3A_97, %add3A_96 : i32
      %dma_wait3A_99 = arith.constant 0 : i32
      %dma_wait3A_100 = tpu.memref_slice %arg6[%dma_wait3A_99] : memref<5200xi32, #tpu.memory_space<vmem>> -> memref<80xi32, #tpu.memory_space<vmem>>
      %dma_wait3A_101 = arith.constant 0 : i32
      %dma_wait3A_102 = arith.constant 0 : i32
      %dma_wait3A_103 = tpu.memref_slice %arg2[%dma_wait3A_101, %dma_wait3A_102] : memref<10000x128xf32, #tpu.memory_space<hbm>> -> memref<10000x128xf32, #tpu.memory_space<hbm>>
      tpu.wait_indirect_dma semaphore(%arg11 : memref<!tpu.dma_semaphore, #tpu.memory_space<semaphore_mem>>) src(%dma_wait3A_103 : memref<10000x128xf32, #tpu.memory_space<hbm>>) dst(%arg8 : memref<80x128xf32, #tpu.memory_space<vmem>>)
      %dma_start3A_104 = arith.constant 0 : i32
      %dma_start3A_105 = tpu.memref_slice %arg7[%mul3A_98, %dma_start3A_104] : memref<65x80xi32, #tpu.memory_space<vmem>> -> memref<1x80xi32, #tpu.memory_space<vmem>>
      %dma_start3A_106 = tpu.memref_squeeze %dma_start3A_105 : memref<1x80xi32, #tpu.memory_space<vmem>> -> memref<80xi32, #tpu.memory_space<vmem>>
      %dma_start3A_107 = arith.constant 0 : i32
      %dma_start3A_108 = arith.constant 0 : i32
      %dma_start3A_109 = tpu.memref_slice %arg10[%dma_start3A_107, %dma_start3A_108] : memref<10240x128xf32, #tpu.memory_space<vmem_shared>> -> memref<10240x128xf32, #tpu.memory_space<vmem_shared>>
      tpu.enqueue_indirect_dma source(%arg8 : memref<80x128xf32, #tpu.memory_space<vmem>>) target(%dma_start3A_109 : memref<10240x128xf32, #tpu.memory_space<vmem_shared>>) offsets(%dma_start3A_106 : memref<80xi32, #tpu.memory_space<vmem>>) semaphore(%arg13 : memref<!tpu.dma_semaphore, #tpu.memory_space<semaphore_mem>>) {add = true}
      %dma_wait3A_110 = arith.constant 0 : i32
      %dma_wait3A_111 = tpu.memref_slice %arg6[%dma_wait3A_110] : memref<5200xi32, #tpu.memory_space<vmem>> -> memref<80xi32, #tpu.memory_space<vmem>>
      %dma_wait3A_112 = arith.constant 0 : i32
      %dma_wait3A_113 = arith.constant 0 : i32
      %dma_wait3A_114 = tpu.memref_slice %arg2[%dma_wait3A_112, %dma_wait3A_113] : memref<10000x128xf32, #tpu.memory_space<hbm>> -> memref<10000x128xf32, #tpu.memory_space<hbm>>
      tpu.wait_indirect_dma semaphore(%arg12 : memref<!tpu.dma_semaphore, #tpu.memory_space<semaphore_mem>>) src(%dma_wait3A_114 : memref<10000x128xf32, #tpu.memory_space<hbm>>) dst(%arg9 : memref<80x128xf32, #tpu.memory_space<vmem>>)
      %add3A_115 = arith.constant 1 : i32
      %add3A_116 = arith.addi %mul3A_98, %add3A_115 : i32
      %dma_start3A_117 = arith.constant 0 : i32
      %dma_start3A_118 = tpu.memref_slice %arg7[%add3A_116, %dma_start3A_117] : memref<65x80xi32, #tpu.memory_space<vmem>> -> memref<1x80xi32, #tpu.memory_space<vmem>>
      %dma_start3A_119 = tpu.memref_squeeze %dma_start3A_118 : memref<1x80xi32, #tpu.memory_space<vmem>> -> memref<80xi32, #tpu.memory_space<vmem>>
      %dma_start3A_120 = arith.constant 0 : i32
      %dma_start3A_121 = arith.constant 0 : i32
      %dma_start3A_122 = tpu.memref_slice %arg10[%dma_start3A_120, %dma_start3A_121] : memref<10240x128xf32, #tpu.memory_space<vmem_shared>> -> memref<10240x128xf32, #tpu.memory_space<vmem_shared>>
      tpu.enqueue_indirect_dma source(%arg9 : memref<80x128xf32, #tpu.memory_space<vmem>>) target(%dma_start3A_122 : memref<10240x128xf32, #tpu.memory_space<vmem_shared>>) offsets(%dma_start3A_119 : memref<80xi32, #tpu.memory_space<vmem>>) semaphore(%arg14 : memref<!tpu.dma_semaphore, #tpu.memory_space<semaphore_mem>>) {add = true}
      %dma_wait3A_123 = arith.constant 0 : i32
      %dma_wait3A_124 = arith.constant 0 : i32
      %dma_wait3A_125 = tpu.memref_slice %arg7[%dma_wait3A_123, %dma_wait3A_124] : memref<65x80xi32, #tpu.memory_space<vmem>> -> memref<1x80xi32, #tpu.memory_space<vmem>>
      %dma_wait3A_126 = tpu.memref_squeeze %dma_wait3A_125 : memref<1x80xi32, #tpu.memory_space<vmem>> -> memref<80xi32, #tpu.memory_space<vmem>>
      %dma_wait3A_127 = arith.constant 0 : i32
      %dma_wait3A_128 = arith.constant 0 : i32
      %dma_wait3A_129 = tpu.memref_slice %arg10[%dma_wait3A_127, %dma_wait3A_128] : memref<10240x128xf32, #tpu.memory_space<vmem_shared>> -> memref<10240x128xf32, #tpu.memory_space<vmem_shared>>
      tpu.wait_indirect_dma semaphore(%arg13 : memref<!tpu.dma_semaphore, #tpu.memory_space<semaphore_mem>>) src(%arg8 : memref<80x128xf32, #tpu.memory_space<vmem>>) dst(%dma_wait3A_129 : memref<10240x128xf32, #tpu.memory_space<vmem_shared>>)
      %add3A_130 = arith.constant 2 : i32
      %add3A_131 = arith.addi %mul3A_98, %add3A_130 : i32
      %mul3A_132 = arith.constant 80 : i32
      %mul3A_133 = arith.muli %add3A_131, %mul3A_132 : i32
      %multiple_of3A_134 = tpu.assume_multiple %mul3A_133, 8 : i32
      %dma_start3A_135 = tpu.memref_slice %arg6[%multiple_of3A_134] : memref<5200xi32, #tpu.memory_space<vmem>> -> memref<80xi32, #tpu.memory_space<vmem>>
      %dma_start3A_136 = arith.constant 0 : i32
      %dma_start3A_137 = arith.constant 0 : i32
      %dma_start3A_138 = tpu.memref_slice %arg2[%dma_start3A_136, %dma_start3A_137] : memref<10000x128xf32, #tpu.memory_space<hbm>> -> memref<10000x128xf32, #tpu.memory_space<hbm>>
      tpu.enqueue_indirect_dma source(%dma_start3A_138 : memref<10000x128xf32, #tpu.memory_space<hbm>>) target(%arg8 : memref<80x128xf32, #tpu.memory_space<vmem>>) offsets(%dma_start3A_135 : memref<80xi32, #tpu.memory_space<vmem>>) semaphore(%arg11 : memref<!tpu.dma_semaphore, #tpu.memory_space<semaphore_mem>>)
      %dma_wait3A_139 = arith.constant 0 : i32
      %dma_wait3A_140 = arith.constant 0 : i32
      %dma_wait3A_141 = tpu.memref_slice %arg7[%dma_wait3A_139, %dma_wait3A_140] : memref<65x80xi32, #tpu.memory_space<vmem>> -> memref<1x80xi32, #tpu.memory_space<vmem>>
      %dma_wait3A_142 = tpu.memref_squeeze %dma_wait3A_141 : memref<1x80xi32, #tpu.memory_space<vmem>> -> memref<80xi32, #tpu.memory_space<vmem>>
      %dma_wait3A_143 = arith.constant 0 : i32
      %dma_wait3A_144 = arith.constant 0 : i32
      %dma_wait3A_145 = tpu.memref_slice %arg10[%dma_wait3A_143, %dma_wait3A_144] : memref<10240x128xf32, #tpu.memory_space<vmem_shared>> -> memref<10240x128xf32, #tpu.memory_space<vmem_shared>>
      tpu.wait_indirect_dma semaphore(%arg14 : memref<!tpu.dma_semaphore, #tpu.memory_space<semaphore_mem>>) src(%arg9 : memref<80x128xf32, #tpu.memory_space<vmem>>) dst(%dma_wait3A_145 : memref<10240x128xf32, #tpu.memory_space<vmem_shared>>)
      %add3A_146 = arith.constant 3 : i32
      %add3A_147 = arith.addi %mul3A_98, %add3A_146 : i32
      %mul3A_148 = arith.constant 80 : i32
      %mul3A_149 = arith.muli %add3A_147, %mul3A_148 : i32
      %multiple_of3A_150 = tpu.assume_multiple %mul3A_149, 8 : i32
      %dma_start3A_151 = tpu.memref_slice %arg6[%multiple_of3A_150] : memref<5200xi32, #tpu.memory_space<vmem>> -> memref<80xi32, #tpu.memory_space<vmem>>
      %dma_start3A_152 = arith.constant 0 : i32
      %dma_start3A_153 = arith.constant 0 : i32
      %dma_start3A_154 = tpu.memref_slice %arg2[%dma_start3A_152, %dma_start3A_153] : memref<10000x128xf32, #tpu.memory_space<hbm>> -> memref<10000x128xf32, #tpu.memory_space<hbm>>
      tpu.enqueue_indirect_dma source(%dma_start3A_154 : memref<10000x128xf32, #tpu.memory_space<hbm>>) target(%arg9 : memref<80x128xf32, #tpu.memory_space<vmem>>) offsets(%dma_start3A_151 : memref<80xi32, #tpu.memory_space<vmem>>) semaphore(%arg12 : memref<!tpu.dma_semaphore, #tpu.memory_space<semaphore_mem>>)
    }
    %scan3A_26 = arith.constant 31 : i32
    %dma_wait3A = arith.constant 0 : i32
    %dma_wait3A_27 = tpu.memref_slice %arg6[%dma_wait3A] : memref<5200xi32, #tpu.memory_space<vmem>> -> memref<80xi32, #tpu.memory_space<vmem>>
    %dma_wait3A_28 = arith.constant 0 : i32
    %dma_wait3A_29 = arith.constant 0 : i32
    %dma_wait3A_30 = tpu.memref_slice %arg2[%dma_wait3A_28, %dma_wait3A_29] : memref<10000x128xf32, #tpu.memory_space<hbm>> -> memref<10000x128xf32, #tpu.memory_space<hbm>>
    tpu.wait_indirect_dma semaphore(%arg11 : memref<!tpu.dma_semaphore, #tpu.memory_space<semaphore_mem>>) src(%dma_wait3A_30 : memref<10000x128xf32, #tpu.memory_space<hbm>>) dst(%arg8 : memref<80x128xf32, #tpu.memory_space<vmem>>)
    %dma_start3A_31 = arith.constant 62 : i32
    %dma_start3A_32 = arith.constant 0 : i32
    %dma_start3A_33 = tpu.memref_slice %arg7[%dma_start3A_31, %dma_start3A_32] : memref<65x80xi32, #tpu.memory_space<vmem>> -> memref<1x80xi32, #tpu.memory_space<vmem>>
    %dma_start3A_34 = tpu.memref_squeeze %dma_start3A_33 : memref<1x80xi32, #tpu.memory_space<vmem>> -> memref<80xi32, #tpu.memory_space<vmem>>
    %dma_start3A_35 = arith.constant 0 : i32
    %dma_start3A_36 = arith.constant 0 : i32
    %dma_start3A_37 = tpu.memref_slice %arg10[%dma_start3A_35, %dma_start3A_36] : memref<10240x128xf32, #tpu.memory_space<vmem_shared>> -> memref<10240x128xf32, #tpu.memory_space<vmem_shared>>
    tpu.enqueue_indirect_dma source(%arg8 : memref<80x128xf32, #tpu.memory_space<vmem>>) target(%dma_start3A_37 : memref<10240x128xf32, #tpu.memory_space<vmem_shared>>) offsets(%dma_start3A_34 : memref<80xi32, #tpu.memory_space<vmem>>) semaphore(%arg13 : memref<!tpu.dma_semaphore, #tpu.memory_space<semaphore_mem>>) {add = true}
    %dma_wait3A_38 = arith.constant 0 : i32
    %dma_wait3A_39 = tpu.memref_slice %arg6[%dma_wait3A_38] : memref<5200xi32, #tpu.memory_space<vmem>> -> memref<80xi32, #tpu.memory_space<vmem>>
    %dma_wait3A_40 = arith.constant 0 : i32
    %dma_wait3A_41 = arith.constant 0 : i32
    %dma_wait3A_42 = tpu.memref_slice %arg2[%dma_wait3A_40, %dma_wait3A_41] : memref<10000x128xf32, #tpu.memory_space<hbm>> -> memref<10000x128xf32, #tpu.memory_space<hbm>>
    tpu.wait_indirect_dma semaphore(%arg12 : memref<!tpu.dma_semaphore, #tpu.memory_space<semaphore_mem>>) src(%dma_wait3A_42 : memref<10000x128xf32, #tpu.memory_space<hbm>>) dst(%arg9 : memref<80x128xf32, #tpu.memory_space<vmem>>)
    %dma_start3A_43 = arith.constant 63 : i32
    %dma_start3A_44 = arith.constant 0 : i32
    %dma_start3A_45 = tpu.memref_slice %arg7[%dma_start3A_43, %dma_start3A_44] : memref<65x80xi32, #tpu.memory_space<vmem>> -> memref<1x80xi32, #tpu.memory_space<vmem>>
    %dma_start3A_46 = tpu.memref_squeeze %dma_start3A_45 : memref<1x80xi32, #tpu.memory_space<vmem>> -> memref<80xi32, #tpu.memory_space<vmem>>
    %dma_start3A_47 = arith.constant 0 : i32
    %dma_start3A_48 = arith.constant 0 : i32
    %dma_start3A_49 = tpu.memref_slice %arg10[%dma_start3A_47, %dma_start3A_48] : memref<10240x128xf32, #tpu.memory_space<vmem_shared>> -> memref<10240x128xf32, #tpu.memory_space<vmem_shared>>
    tpu.enqueue_indirect_dma source(%arg9 : memref<80x128xf32, #tpu.memory_space<vmem>>) target(%dma_start3A_49 : memref<10240x128xf32, #tpu.memory_space<vmem_shared>>) offsets(%dma_start3A_46 : memref<80xi32, #tpu.memory_space<vmem>>) semaphore(%arg14 : memref<!tpu.dma_semaphore, #tpu.memory_space<semaphore_mem>>) {add = true}
    %dma_wait3A_50 = arith.constant 0 : i32
    %dma_wait3A_51 = arith.constant 0 : i32
    %dma_wait3A_52 = tpu.memref_slice %arg7[%dma_wait3A_50, %dma_wait3A_51] : memref<65x80xi32, #tpu.memory_space<vmem>> -> memref<1x80xi32, #tpu.memory_space<vmem>>
    %dma_wait3A_53 = tpu.memref_squeeze %dma_wait3A_52 : memref<1x80xi32, #tpu.memory_space<vmem>> -> memref<80xi32, #tpu.memory_space<vmem>>
    %dma_wait3A_54 = arith.constant 0 : i32
    %dma_wait3A_55 = arith.constant 0 : i32
    %dma_wait3A_56 = tpu.memref_slice %arg10[%dma_wait3A_54, %dma_wait3A_55] : memref<10240x128xf32, #tpu.memory_space<vmem_shared>> -> memref<10240x128xf32, #tpu.memory_space<vmem_shared>>
    tpu.wait_indirect_dma semaphore(%arg13 : memref<!tpu.dma_semaphore, #tpu.memory_space<semaphore_mem>>) src(%arg8 : memref<80x128xf32, #tpu.memory_space<vmem>>) dst(%dma_wait3A_56 : memref<10240x128xf32, #tpu.memory_space<vmem_shared>>)
    %multiple_of3A_57 = arith.constant 5120 : i32
    %multiple_of3A_58 = tpu.assume_multiple %multiple_of3A_57, 8 : i32
    %dma_start3A_59 = tpu.memref_slice %arg6[%multiple_of3A_58] : memref<5200xi32, #tpu.memory_space<vmem>> -> memref<80xi32, #tpu.memory_space<vmem>>
    %dma_start3A_60 = arith.constant 0 : i32
    %dma_start3A_61 = arith.constant 0 : i32
    %dma_start3A_62 = tpu.memref_slice %arg2[%dma_start3A_60, %dma_start3A_61] : memref<10000x128xf32, #tpu.memory_space<hbm>> -> memref<10000x128xf32, #tpu.memory_space<hbm>>
    tpu.enqueue_indirect_dma source(%dma_start3A_62 : memref<10000x128xf32, #tpu.memory_space<hbm>>) target(%arg8 : memref<80x128xf32, #tpu.memory_space<vmem>>) offsets(%dma_start3A_59 : memref<80xi32, #tpu.memory_space<vmem>>) semaphore(%arg11 : memref<!tpu.dma_semaphore, #tpu.memory_space<semaphore_mem>>)
    %dma_wait3A_63 = arith.constant 0 : i32
    %dma_wait3A_64 = tpu.memref_slice %arg6[%dma_wait3A_63] : memref<5200xi32, #tpu.memory_space<vmem>> -> memref<80xi32, #tpu.memory_space<vmem>>
    %dma_wait3A_65 = arith.constant 0 : i32
    %dma_wait3A_66 = arith.constant 0 : i32
    %dma_wait3A_67 = tpu.memref_slice %arg2[%dma_wait3A_65, %dma_wait3A_66] : memref<10000x128xf32, #tpu.memory_space<hbm>> -> memref<10000x128xf32, #tpu.memory_space<hbm>>
    tpu.wait_indirect_dma semaphore(%arg11 : memref<!tpu.dma_semaphore, #tpu.memory_space<semaphore_mem>>) src(%dma_wait3A_67 : memref<10000x128xf32, #tpu.memory_space<hbm>>) dst(%arg8 : memref<80x128xf32, #tpu.memory_space<vmem>>)
    %dma_start3A_68 = arith.constant 64 : i32
    %dma_start3A_69 = arith.constant 0 : i32
    %dma_start3A_70 = tpu.memref_slice %arg7[%dma_start3A_68, %dma_start3A_69] : memref<65x80xi32, #tpu.memory_space<vmem>> -> memref<1x80xi32, #tpu.memory_space<vmem>>
    %dma_start3A_71 = tpu.memref_squeeze %dma_start3A_70 : memref<1x80xi32, #tpu.memory_space<vmem>> -> memref<80xi32, #tpu.memory_space<vmem>>
    %dma_start3A_72 = arith.constant 0 : i32
    %dma_start3A_73 = arith.constant 0 : i32
    %dma_start3A_74 = tpu.memref_slice %arg10[%dma_start3A_72, %dma_start3A_73] : memref<10240x128xf32, #tpu.memory_space<vmem_shared>> -> memref<10240x128xf32, #tpu.memory_space<vmem_shared>>
    tpu.enqueue_indirect_dma source(%arg8 : memref<80x128xf32, #tpu.memory_space<vmem>>) target(%dma_start3A_74 : memref<10240x128xf32, #tpu.memory_space<vmem_shared>>) offsets(%dma_start3A_71 : memref<80xi32, #tpu.memory_space<vmem>>) semaphore(%arg13 : memref<!tpu.dma_semaphore, #tpu.memory_space<semaphore_mem>>) {add = true}
    %dma_wait3A_75 = arith.constant 0 : i32
    %dma_wait3A_76 = arith.constant 0 : i32
    %dma_wait3A_77 = tpu.memref_slice %arg7[%dma_wait3A_75, %dma_wait3A_76] : memref<65x80xi32, #tpu.memory_space<vmem>> -> memref<1x80xi32, #tpu.memory_space<vmem>>
    %dma_wait3A_78 = tpu.memref_squeeze %dma_wait3A_77 : memref<1x80xi32, #tpu.memory_space<vmem>> -> memref<80xi32, #tpu.memory_space<vmem>>
    %dma_wait3A_79 = arith.constant 0 : i32
    %dma_wait3A_80 = arith.constant 0 : i32
    %dma_wait3A_81 = tpu.memref_slice %arg10[%dma_wait3A_79, %dma_wait3A_80] : memref<10240x128xf32, #tpu.memory_space<vmem_shared>> -> memref<10240x128xf32, #tpu.memory_space<vmem_shared>>
    tpu.wait_indirect_dma semaphore(%arg14 : memref<!tpu.dma_semaphore, #tpu.memory_space<semaphore_mem>>) src(%arg9 : memref<80x128xf32, #tpu.memory_space<vmem>>) dst(%dma_wait3A_81 : memref<10240x128xf32, #tpu.memory_space<vmem_shared>>)
    %dma_wait3A_82 = arith.constant 0 : i32
    %dma_wait3A_83 = arith.constant 0 : i32
    %dma_wait3A_84 = tpu.memref_slice %arg7[%dma_wait3A_82, %dma_wait3A_83] : memref<65x80xi32, #tpu.memory_space<vmem>> -> memref<1x80xi32, #tpu.memory_space<vmem>>
    %dma_wait3A_85 = tpu.memref_squeeze %dma_wait3A_84 : memref<1x80xi32, #tpu.memory_space<vmem>> -> memref<80xi32, #tpu.memory_space<vmem>>
    %dma_wait3A_86 = arith.constant 0 : i32
    %dma_wait3A_87 = arith.constant 0 : i32
    %dma_wait3A_88 = tpu.memref_slice %arg10[%dma_wait3A_86, %dma_wait3A_87] : memref<10240x128xf32, #tpu.memory_space<vmem_shared>> -> memref<10240x128xf32, #tpu.memory_space<vmem_shared>>
    tpu.wait_indirect_dma semaphore(%arg13 : memref<!tpu.dma_semaphore, #tpu.memory_space<semaphore_mem>>) src(%arg8 : memref<80x128xf32, #tpu.memory_space<vmem>>) dst(%dma_wait3A_88 : memref<10240x128xf32, #tpu.memory_space<vmem_shared>>)
    %barrier3A_89 = arith.constant 0 : index
    tpu.barrier barrier_id(%barrier3A_89)
    %mul3A_90 = arith.constant 640 : i32
    %mul3A_91 = arith.muli %arg1, %mul3A_90 : i32
    "tpu.region"() ({
      %run_scoped3A = tpu.sem_alloc : memref<!tpu.dma_semaphore, #tpu.memory_space<semaphore_mem>>
      %dma_start3A_92 = arith.constant 0 : i32
      %dma_start3A_93 = arith.constant 0 : i32
      %dma_start3A_94 = tpu.memref_slice %arg5[%arg0, %dma_start3A_92, %dma_start3A_93] : memref<2x10240x128xf32, #tpu.memory_space<hbm>> -> memref<1x10240x128xf32, #tpu.memory_space<hbm>>
      %dma_start3A_95 = tpu.memref_squeeze %dma_start3A_94 : memref<1x10240x128xf32, #tpu.memory_space<hbm>> -> memref<10240x128xf32, #tpu.memory_space<hbm>>
      %dma_start3A_96 = arith.constant 0 : i32
      %dma_start3A_97 = tpu.memref_slice %dma_start3A_95[%mul3A_91, %dma_start3A_96] : memref<10240x128xf32, #tpu.memory_space<hbm>> -> memref<640x128xf32, #tpu.memory_space<hbm>>
      %dma_start3A_98 = arith.constant 0 : i32
      %dma_start3A_99 = tpu.memref_slice %arg10[%mul3A_91, %dma_start3A_98] : memref<10240x128xf32, #tpu.memory_space<vmem_shared>> -> memref<640x128xf32, #tpu.memory_space<vmem_shared>>
      tpu.enqueue_dma source(%dma_start3A_99 : memref<640x128xf32, #tpu.memory_space<vmem_shared>>) target(%dma_start3A_97 : memref<640x128xf32, #tpu.memory_space<hbm>>) target_semaphore(%run_scoped3A : memref<!tpu.dma_semaphore, #tpu.memory_space<semaphore_mem>>)
      %dma_wait3A_100 = arith.constant 0 : i32
      %dma_wait3A_101 = arith.constant 0 : i32
      %dma_wait3A_102 = tpu.memref_slice %arg5[%arg0, %dma_wait3A_100, %dma_wait3A_101] : memref<2x10240x128xf32, #tpu.memory_space<hbm>> -> memref<1x10240x128xf32, #tpu.memory_space<hbm>>
      %dma_wait3A_103 = tpu.memref_squeeze %dma_wait3A_102 : memref<1x10240x128xf32, #tpu.memory_space<hbm>> -> memref<10240x128xf32, #tpu.memory_space<hbm>>
      %dma_wait3A_104 = arith.constant 0 : i32
      %dma_wait3A_105 = tpu.memref_slice %dma_wait3A_103[%mul3A_91, %dma_wait3A_104] : memref<10240x128xf32, #tpu.memory_space<hbm>> -> memref<640x128xf32, #tpu.memory_space<hbm>>
      %dma_wait3A_106 = arith.constant 0 : i32
      %dma_wait3A_107 = tpu.memref_slice %arg10[%mul3A_91, %dma_wait3A_106] : memref<10240x128xf32, #tpu.memory_space<vmem_shared>> -> memref<640x128xf32, #tpu.memory_space<vmem_shared>>
      tpu.wait_dma2 semaphore(%run_scoped3A : memref<!tpu.dma_semaphore, #tpu.memory_space<semaphore_mem>>) src(%dma_wait3A_107 : memref<640x128xf32, #tpu.memory_space<vmem_shared>>) dst(%dma_wait3A_105 : memref<640x128xf32, #tpu.memory_space<hbm>>)
      tpu.yield
    }) : () -> ()
    return
  }
}

#map = affine_map<(d0, d1) -> (0, 0, 0)>
module attributes {stable_mosaic.version = 14 : i64} {
  func.func @deg_kernel(%arg0: i32, %arg1: i32, %arg2: memref<32x65x80xi32, #tpu.memory_space<hbm>>, %arg3: memref<2x10240x16xf32, #tpu.memory_space<hbm>>, %arg4: memref<65x80xi32, #tpu.memory_space<vmem>>, %arg5: memref<80x16xf32, #tpu.memory_space<vmem>>, %arg6: memref<128x16xf32, #tpu.memory_space<vmem>>, %arg7: memref<10240x16xf32, #tpu.memory_space<vmem_shared>>) attributes {dimension_semantics = [#tpu.dimension_semantics<core_parallel>, #tpu.dimension_semantics<subcore_parallel>], iteration_bounds = array<i64: 2, 16>, scalar_prefetch = 0 : i64, scratch_operands = 4 : i64, tpu.core_type = #tpu.core_type<sc_vector_subcore>, window_params = [{transform_indices = #map}, {transform_indices = #map}]} {
    %scan3A = arith.constant 0 : i32
    %scan3A_0 = arith.constant 128 : i32
    %scan3A_1 = arith.addi %scan3A, %scan3A_0 : i32
    %scan3A_2 = arith.constant 1 : i32
    scf.for %scan3A_23 = %scan3A to %scan3A_1 step %scan3A_2  : i32 {
      %mul3A_24 = arith.constant 1 : i32
      %mul3A_25 = arith.muli %scan3A_23, %mul3A_24 : i32
      %add3A_26 = arith.constant 0 : i32
      %add3A_27 = arith.addi %add3A_26, %mul3A_25 : i32
      %broadcast_in_dim3A = arith.constant 0.000000e+00 : f32
      %broadcast_in_dim3A_28 = vector.broadcast %broadcast_in_dim3A : f32 to vector<16xf32>
      %swap3A = arith.index_cast %add3A_27 : i32 to index
      %swap3A_29 = arith.constant 0 : index
      %swap3A_30 = tpu.vector_load %arg6[%swap3A, %swap3A_29] {strides = array<i32>} : memref<128x16xf32, #tpu.memory_space<vmem>>, vector<1x16xf32>,
      %swap3A_31 = vector.shape_cast %swap3A_30 : vector<1x16xf32> to vector<16xf32>
      %swap3A_32 = vector.shape_cast %broadcast_in_dim3A_28 : vector<16xf32> to vector<1x16xf32>
      tpu.vector_store %arg6[%swap3A, %swap3A_29], %swap3A_32 {strides = array<i32>} : memref<128x16xf32, #tpu.memory_space<vmem>>, vector<1x16xf32>,
    }
    %scan3A_3 = arith.constant 128 : i32
    %scan3A_4 = arith.constant 0 : i32
    %scan3A_5 = arith.constant 80 : i32
    %scan3A_6 = arith.addi %scan3A_4, %scan3A_5 : i32
    %scan3A_7 = arith.constant 1 : i32
    scf.for %scan3A_23 = %scan3A_4 to %scan3A_6 step %scan3A_7  : i32 {
      %mul3A_24 = arith.constant 1 : i32
      %mul3A_25 = arith.muli %scan3A_23, %mul3A_24 : i32
      %add3A_26 = arith.constant 0 : i32
      %add3A_27 = arith.addi %add3A_26, %mul3A_25 : i32
      %broadcast_in_dim3A = arith.constant 1.000000e+00 : f32
      %broadcast_in_dim3A_28 = vector.broadcast %broadcast_in_dim3A : f32 to vector<16xf32>
      %swap3A = arith.index_cast %add3A_27 : i32 to index
      %swap3A_29 = arith.constant 0 : index
      %swap3A_30 = tpu.vector_load %arg5[%swap3A, %swap3A_29] {strides = array<i32>} : memref<80x16xf32, #tpu.memory_space<vmem>>, vector<1x16xf32>,
      %swap3A_31 = vector.shape_cast %swap3A_30 : vector<1x16xf32> to vector<16xf32>
      %swap3A_32 = vector.shape_cast %broadcast_in_dim3A_28 : vector<16xf32> to vector<1x16xf32>
      tpu.vector_store %arg5[%swap3A, %swap3A_29], %swap3A_32 {strides = array<i32>} : memref<80x16xf32, #tpu.memory_space<vmem>>, vector<1x16xf32>,
    }
    %scan3A_8 = arith.constant 80 : i32
    %mul3A = arith.constant 16 : i32
    %mul3A_9 = arith.muli %arg0, %mul3A : i32
    %add3A = arith.addi %mul3A_9, %arg1 : i32
    "tpu.region"() ({
      %run_scoped3A = tpu.sem_alloc : memref<!tpu.dma_semaphore, #tpu.memory_space<semaphore_mem>>
      %dma_start3A = arith.constant 0 : i32
      %dma_start3A_23 = arith.constant 0 : i32
      %dma_start3A_24 = tpu.memref_slice %arg2[%add3A, %dma_start3A, %dma_start3A_23] : memref<32x65x80xi32, #tpu.memory_space<hbm>> -> memref<1x65x80xi32, #tpu.memory_space<hbm>>
      %dma_start3A_25 = tpu.memref_squeeze %dma_start3A_24 : memref<1x65x80xi32, #tpu.memory_space<hbm>> -> memref<65x80xi32, #tpu.memory_space<hbm>>
      %dma_start3A_26 = arith.constant 0 : i32
      %dma_start3A_27 = arith.constant 0 : i32
      %dma_start3A_28 = tpu.memref_slice %arg2[%add3A, %dma_start3A_26, %dma_start3A_27] : memref<32x65x80xi32, #tpu.memory_space<hbm>> -> memref<1x65x80xi32, #tpu.memory_space<hbm>>
      %dma_start3A_29 = tpu.memref_squeeze %dma_start3A_28 : memref<1x65x80xi32, #tpu.memory_space<hbm>> -> memref<65x80xi32, #tpu.memory_space<hbm>>
      tpu.enqueue_dma source(%dma_start3A_29 : memref<65x80xi32, #tpu.memory_space<hbm>>) target(%arg4 : memref<65x80xi32, #tpu.memory_space<vmem>>) target_semaphore(%run_scoped3A : memref<!tpu.dma_semaphore, #tpu.memory_space<semaphore_mem>>)
      %dma_wait3A = arith.constant 0 : i32
      %dma_wait3A_30 = arith.constant 0 : i32
      %dma_wait3A_31 = tpu.memref_slice %arg2[%add3A, %dma_wait3A, %dma_wait3A_30] : memref<32x65x80xi32, #tpu.memory_space<hbm>> -> memref<1x65x80xi32, #tpu.memory_space<hbm>>
      %dma_wait3A_32 = tpu.memref_squeeze %dma_wait3A_31 : memref<1x65x80xi32, #tpu.memory_space<hbm>> -> memref<65x80xi32, #tpu.memory_space<hbm>>
      %dma_wait3A_33 = arith.constant 0 : i32
      %dma_wait3A_34 = arith.constant 0 : i32
      %dma_wait3A_35 = tpu.memref_slice %arg2[%add3A, %dma_wait3A_33, %dma_wait3A_34] : memref<32x65x80xi32, #tpu.memory_space<hbm>> -> memref<1x65x80xi32, #tpu.memory_space<hbm>>
      %dma_wait3A_36 = tpu.memref_squeeze %dma_wait3A_35 : memref<1x65x80xi32, #tpu.memory_space<hbm>> -> memref<65x80xi32, #tpu.memory_space<hbm>>
      tpu.wait_dma2 semaphore(%run_scoped3A : memref<!tpu.dma_semaphore, #tpu.memory_space<semaphore_mem>>) src(%dma_wait3A_36 : memref<65x80xi32, #tpu.memory_space<hbm>>) dst(%arg4 : memref<65x80xi32, #tpu.memory_space<vmem>>)
      tpu.yield
    }) : () -> ()
    %scan3A_10 = arith.constant 0 : i32
    %scan3A_11 = arith.constant 5 : i32
    %scan3A_12 = arith.addi %scan3A_10, %scan3A_11 : i32
    %scan3A_13 = arith.constant 1 : i32
    scf.for %scan3A_23 = %scan3A_10 to %scan3A_12 step %scan3A_13  : i32 {
      %mul3A_24 = arith.constant 1 : i32
      %mul3A_25 = arith.muli %scan3A_23, %mul3A_24 : i32
      %add3A_26 = arith.constant 0 : i32
      %add3A_27 = arith.addi %add3A_26, %mul3A_25 : i32
      %mul3A_28 = arith.constant 640 : i32
      %mul3A_29 = arith.muli %arg1, %mul3A_28 : i32
      %mul3A_30 = arith.constant 128 : i32
      %mul3A_31 = arith.muli %add3A_27, %mul3A_30 : i32
      %add3A_32 = arith.addi %mul3A_29, %mul3A_31 : i32
      "tpu.region"() ({
        %run_scoped3A = tpu.sem_alloc : memref<!tpu.dma_semaphore, #tpu.memory_space<semaphore_mem>>
        %dma_start3A = arith.constant 0 : i32
        %dma_start3A_33 = tpu.memref_slice %arg7[%add3A_32, %dma_start3A] : memref<10240x16xf32, #tpu.memory_space<vmem_shared>> -> memref<128x16xf32, #tpu.memory_space<vmem_shared>>
        %dma_start3A_34 = arith.constant 0 : i32
        %dma_start3A_35 = tpu.memref_slice %arg7[%add3A_32, %dma_start3A_34] : memref<10240x16xf32, #tpu.memory_space<vmem_shared>> -> memref<128x16xf32, #tpu.memory_space<vmem_shared>>
        tpu.enqueue_dma source(%arg6 : memref<128x16xf32, #tpu.memory_space<vmem>>) target(%dma_start3A_35 : memref<128x16xf32, #tpu.memory_space<vmem_shared>>) target_semaphore(%run_scoped3A : memref<!tpu.dma_semaphore, #tpu.memory_space<semaphore_mem>>)
        %dma_wait3A = arith.constant 0 : i32
        %dma_wait3A_36 = tpu.memref_slice %arg7[%add3A_32, %dma_wait3A] : memref<10240x16xf32, #tpu.memory_space<vmem_shared>> -> memref<128x16xf32, #tpu.memory_space<vmem_shared>>
        %dma_wait3A_37 = arith.constant 0 : i32
        %dma_wait3A_38 = tpu.memref_slice %arg7[%add3A_32, %dma_wait3A_37] : memref<10240x16xf32, #tpu.memory_space<vmem_shared>> -> memref<128x16xf32, #tpu.memory_space<vmem_shared>>
        tpu.wait_dma2 semaphore(%run_scoped3A : memref<!tpu.dma_semaphore, #tpu.memory_space<semaphore_mem>>) src(%arg6 : memref<128x16xf32, #tpu.memory_space<vmem>>) dst(%dma_wait3A_38 : memref<128x16xf32, #tpu.memory_space<vmem_shared>>)
        tpu.yield
      }) : () -> ()
    }
    %scan3A_14 = arith.constant 5 : i32
    %barrier3A = arith.constant 0 : index
    tpu.barrier barrier_id(%barrier3A)
    %scan3A_15 = arith.constant 0 : i32
    %scan3A_16 = arith.constant 65 : i32
    %scan3A_17 = arith.addi %scan3A_15, %scan3A_16 : i32
    %scan3A_18 = arith.constant 1 : i32
    scf.for %scan3A_23 = %scan3A_15 to %scan3A_17 step %scan3A_18  : i32 {
      %mul3A_24 = arith.constant 1 : i32
      %mul3A_25 = arith.muli %scan3A_23, %mul3A_24 : i32
      %add3A_26 = arith.constant 0 : i32
      %add3A_27 = arith.addi %add3A_26, %mul3A_25 : i32
      "tpu.region"() ({
        %run_scoped3A = tpu.sem_alloc : memref<!tpu.dma_semaphore, #tpu.memory_space<semaphore_mem>>
        %dma_start3A = arith.constant 0 : i32
        %dma_start3A_28 = tpu.memref_slice %arg4[%add3A_27, %dma_start3A] : memref<65x80xi32, #tpu.memory_space<vmem>> -> memref<1x80xi32, #tpu.memory_space<vmem>>
        %dma_start3A_29 = tpu.memref_squeeze %dma_start3A_28 : memref<1x80xi32, #tpu.memory_space<vmem>> -> memref<80xi32, #tpu.memory_space<vmem>>
        %dma_start3A_30 = arith.constant 0 : i32
        %dma_start3A_31 = arith.constant 0 : i32
        %dma_start3A_32 = tpu.memref_slice %arg7[%dma_start3A_30, %dma_start3A_31] : memref<10240x16xf32, #tpu.memory_space<vmem_shared>> -> memref<10240x16xf32, #tpu.memory_space<vmem_shared>>
        tpu.enqueue_indirect_dma source(%arg5 : memref<80x16xf32, #tpu.memory_space<vmem>>) target(%dma_start3A_32 : memref<10240x16xf32, #tpu.memory_space<vmem_shared>>) offsets(%dma_start3A_29 : memref<80xi32, #tpu.memory_space<vmem>>) semaphore(%run_scoped3A : memref<!tpu.dma_semaphore, #tpu.memory_space<semaphore_mem>>) {add = true}
        %dma_wait3A = arith.constant 0 : i32
        %dma_wait3A_33 = tpu.memref_slice %arg4[%add3A_27, %dma_wait3A] : memref<65x80xi32, #tpu.memory_space<vmem>> -> memref<1x80xi32, #tpu.memory_space<vmem>>
        %dma_wait3A_34 = tpu.memref_squeeze %dma_wait3A_33 : memref<1x80xi32, #tpu.memory_space<vmem>> -> memref<80xi32, #tpu.memory_space<vmem>>
        %dma_wait3A_35 = arith.constant 0 : i32
        %dma_wait3A_36 = arith.constant 0 : i32
        %dma_wait3A_37 = tpu.memref_slice %arg7[%dma_wait3A_35, %dma_wait3A_36] : memref<10240x16xf32, #tpu.memory_space<vmem_shared>> -> memref<10240x16xf32, #tpu.memory_space<vmem_shared>>
        tpu.wait_indirect_dma semaphore(%run_scoped3A : memref<!tpu.dma_semaphore, #tpu.memory_space<semaphore_mem>>) src(%arg5 : memref<80x16xf32, #tpu.memory_space<vmem>>) dst(%dma_wait3A_37 : memref<10240x16xf32, #tpu.memory_space<vmem_shared>>)
        tpu.yield
      }) : () -> ()
    }
    %scan3A_19 = arith.constant 65 : i32
    %barrier3A_20 = arith.constant 0 : index
    tpu.barrier barrier_id(%barrier3A_20)
    %mul3A_21 = arith.constant 640 : i32
    %mul3A_22 = arith.muli %arg1, %mul3A_21 : i32
    "tpu.region"() ({
      %run_scoped3A = tpu.sem_alloc : memref<!tpu.dma_semaphore, #tpu.memory_space<semaphore_mem>>
      %dma_start3A = arith.constant 0 : i32
      %dma_start3A_23 = arith.constant 0 : i32
      %dma_start3A_24 = tpu.memref_slice %arg3[%arg0, %dma_start3A, %dma_start3A_23] : memref<2x10240x16xf32, #tpu.memory_space<hbm>> -> memref<1x10240x16xf32, #tpu.memory_space<hbm>>
      %dma_start3A_25 = tpu.memref_squeeze %dma_start3A_24 : memref<1x10240x16xf32, #tpu.memory_space<hbm>> -> memref<10240x16xf32, #tpu.memory_space<hbm>>
      %dma_start3A_26 = arith.constant 0 : i32
      %dma_start3A_27 = tpu.memref_slice %dma_start3A_25[%mul3A_22, %dma_start3A_26] : memref<10240x16xf32, #tpu.memory_space<hbm>> -> memref<640x16xf32, #tpu.memory_space<hbm>>
      %dma_start3A_28 = arith.constant 0 : i32
      %dma_start3A_29 = tpu.memref_slice %arg7[%mul3A_22, %dma_start3A_28] : memref<10240x16xf32, #tpu.memory_space<vmem_shared>> -> memref<640x16xf32, #tpu.memory_space<vmem_shared>>
      tpu.enqueue_dma source(%dma_start3A_29 : memref<640x16xf32, #tpu.memory_space<vmem_shared>>) target(%dma_start3A_27 : memref<640x16xf32, #tpu.memory_space<hbm>>) target_semaphore(%run_scoped3A : memref<!tpu.dma_semaphore, #tpu.memory_space<semaphore_mem>>)
      %dma_wait3A = arith.constant 0 : i32
      %dma_wait3A_30 = arith.constant 0 : i32
      %dma_wait3A_31 = tpu.memref_slice %arg3[%arg0, %dma_wait3A, %dma_wait3A_30] : memref<2x10240x16xf32, #tpu.memory_space<hbm>> -> memref<1x10240x16xf32, #tpu.memory_space<hbm>>
      %dma_wait3A_32 = tpu.memref_squeeze %dma_wait3A_31 : memref<1x10240x16xf32, #tpu.memory_space<hbm>> -> memref<10240x16xf32, #tpu.memory_space<hbm>>
      %dma_wait3A_33 = arith.constant 0 : i32
      %dma_wait3A_34 = tpu.memref_slice %dma_wait3A_32[%mul3A_22, %dma_wait3A_33] : memref<10240x16xf32, #tpu.memory_space<hbm>> -> memref<640x16xf32, #tpu.memory_space<hbm>>
      %dma_wait3A_35 = arith.constant 0 : i32
      %dma_wait3A_36 = tpu.memref_slice %arg7[%mul3A_22, %dma_wait3A_35] : memref<10240x16xf32, #tpu.memory_space<vmem_shared>> -> memref<640x16xf32, #tpu.memory_space<vmem_shared>>
      tpu.wait_dma2 semaphore(%run_scoped3A : memref<!tpu.dma_semaphore, #tpu.memory_space<semaphore_mem>>) src(%dma_wait3A_36 : memref<640x16xf32, #tpu.memory_space<vmem_shared>>) dst(%dma_wait3A_34 : memref<640x16xf32, #tpu.memory_space<hbm>>)
      tpu.yield
    }) : () -> ()
    return
  }
}

#map = affine_map<(d0, d1) -> (0, 0, 0)>
#map1 = affine_map<(d0, d1) -> (0)>
module attributes {stable_mosaic.version = 14 : i64} {
  func.func @prop_kernel(%arg0: i32, %arg1: i32, %arg2: memref<4x10000x128xf32, #tpu.memory_space<hbm>>, %arg3: memref<160000xi32, #tpu.memory_space<hbm>>, %arg4: memref<16x125x80xi32, #tpu.memory_space<hbm>>, %arg5: memref<4x10240x128xf32, #tpu.memory_space<hbm>>, %arg6: memref<10000xi32, #tpu.memory_space<vmem>>, %arg7: memref<125x80xi32, #tpu.memory_space<vmem>>, %arg8: memref<80x128xf32, #tpu.memory_space<vmem>>, %arg9: memref<80x128xf32, #tpu.memory_space<vmem>>, %arg10: memref<10240x128xf32, #tpu.memory_space<vmem_shared>>, %arg11: memref<!tpu.dma_semaphore, #tpu.memory_space<semaphore_mem>>, %arg12: memref<!tpu.dma_semaphore, #tpu.memory_space<semaphore_mem>>, %arg13: memref<!tpu.dma_semaphore, #tpu.memory_space<semaphore_mem>>, %arg14: memref<!tpu.dma_semaphore, #tpu.memory_space<semaphore_mem>>) attributes {dimension_semantics = [#tpu.dimension_semantics<core_parallel>, #tpu.dimension_semantics<subcore_parallel>], iteration_bounds = array<i64: 2, 16>, scalar_prefetch = 0 : i64, scratch_operands = 9 : i64, tpu.core_type = #tpu.core_type<sc_vector_subcore>, window_params = [{transform_indices = #map}, {transform_indices = #map1}, {transform_indices = #map}, {transform_indices = #map}]} {
    %mul3A = arith.constant 10000 : i32
    %mul3A_0 = arith.muli %arg1, %mul3A : i32
    "tpu.region"() ({
      %run_scoped3A = tpu.sem_alloc : memref<!tpu.dma_semaphore, #tpu.memory_space<semaphore_mem>>
      %dma_start3A = tpu.memref_slice %arg3[%mul3A_0] : memref<160000xi32, #tpu.memory_space<hbm>> -> memref<10000xi32, #tpu.memory_space<hbm>>
      %dma_start3A_18 = tpu.memref_slice %arg3[%mul3A_0] : memref<160000xi32, #tpu.memory_space<hbm>> -> memref<10000xi32, #tpu.memory_space<hbm>>
      tpu.enqueue_dma source(%dma_start3A_18 : memref<10000xi32, #tpu.memory_space<hbm>>) target(%arg6 : memref<10000xi32, #tpu.memory_space<vmem>>) target_semaphore(%run_scoped3A : memref<!tpu.dma_semaphore, #tpu.memory_space<semaphore_mem>>)
      %dma_wait3A = tpu.memref_slice %arg3[%mul3A_0] : memref<160000xi32, #tpu.memory_space<hbm>> -> memref<10000xi32, #tpu.memory_space<hbm>>
      %dma_wait3A_19 = tpu.memref_slice %arg3[%mul3A_0] : memref<160000xi32, #tpu.memory_space<hbm>> -> memref<10000xi32, #tpu.memory_space<hbm>>
      tpu.wait_dma2 semaphore(%run_scoped3A : memref<!tpu.dma_semaphore, #tpu.memory_space<semaphore_mem>>) src(%dma_wait3A_19 : memref<10000xi32, #tpu.memory_space<hbm>>) dst(%arg6 : memref<10000xi32, #tpu.memory_space<vmem>>)
      tpu.yield
    }) : () -> ()
    "tpu.region"() ({
      %run_scoped3A = tpu.sem_alloc : memref<!tpu.dma_semaphore, #tpu.memory_space<semaphore_mem>>
      %dma_start3A = arith.constant 0 : i32
      %dma_start3A_18 = arith.constant 0 : i32
      %dma_start3A_19 = tpu.memref_slice %arg4[%arg1, %dma_start3A, %dma_start3A_18] : memref<16x125x80xi32, #tpu.memory_space<hbm>> -> memref<1x125x80xi32, #tpu.memory_space<hbm>>
      %dma_start3A_20 = tpu.memref_squeeze %dma_start3A_19 : memref<1x125x80xi32, #tpu.memory_space<hbm>> -> memref<125x80xi32, #tpu.memory_space<hbm>>
      %dma_start3A_21 = arith.constant 0 : i32
      %dma_start3A_22 = arith.constant 0 : i32
      %dma_start3A_23 = tpu.memref_slice %arg4[%arg1, %dma_start3A_21, %dma_start3A_22] : memref<16x125x80xi32, #tpu.memory_space<hbm>> -> memref<1x125x80xi32, #tpu.memory_space<hbm>>
      %dma_start3A_24 = tpu.memref_squeeze %dma_start3A_23 : memref<1x125x80xi32, #tpu.memory_space<hbm>> -> memref<125x80xi32, #tpu.memory_space<hbm>>
      tpu.enqueue_dma source(%dma_start3A_24 : memref<125x80xi32, #tpu.memory_space<hbm>>) target(%arg7 : memref<125x80xi32, #tpu.memory_space<vmem>>) target_semaphore(%run_scoped3A : memref<!tpu.dma_semaphore, #tpu.memory_space<semaphore_mem>>)
      %dma_wait3A = arith.constant 0 : i32
      %dma_wait3A_25 = arith.constant 0 : i32
      %dma_wait3A_26 = tpu.memref_slice %arg4[%arg1, %dma_wait3A, %dma_wait3A_25] : memref<16x125x80xi32, #tpu.memory_space<hbm>> -> memref<1x125x80xi32, #tpu.memory_space<hbm>>
      %dma_wait3A_27 = tpu.memref_squeeze %dma_wait3A_26 : memref<1x125x80xi32, #tpu.memory_space<hbm>> -> memref<125x80xi32, #tpu.memory_space<hbm>>
      %dma_wait3A_28 = arith.constant 0 : i32
      %dma_wait3A_29 = arith.constant 0 : i32
      %dma_wait3A_30 = tpu.memref_slice %arg4[%arg1, %dma_wait3A_28, %dma_wait3A_29] : memref<16x125x80xi32, #tpu.memory_space<hbm>> -> memref<1x125x80xi32, #tpu.memory_space<hbm>>
      %dma_wait3A_31 = tpu.memref_squeeze %dma_wait3A_30 : memref<1x125x80xi32, #tpu.memory_space<hbm>> -> memref<125x80xi32, #tpu.memory_space<hbm>>
      tpu.wait_dma2 semaphore(%run_scoped3A : memref<!tpu.dma_semaphore, #tpu.memory_space<semaphore_mem>>) src(%dma_wait3A_31 : memref<125x80xi32, #tpu.memory_space<hbm>>) dst(%arg7 : memref<125x80xi32, #tpu.memory_space<vmem>>)
      tpu.yield
    }) : () -> ()
    %eq3A = arith.constant 0 : i32
    %eq3A_1 = arith.cmpi eq, %arg0, %eq3A : i32
    %convert_element_type3A = arith.extui %eq3A_1 : i1 to i32
    %cond3A = arith.constant 0 : i32
    %cond3A_2 = arith.cmpi ne, %convert_element_type3A, %cond3A : i32
    scf.if %cond3A_2 {
      %scan3A = arith.constant 0 : i32
      %scan3A_18 = arith.constant 80 : i32
      %scan3A_19 = arith.addi %scan3A, %scan3A_18 : i32
      %scan3A_20 = arith.constant 1 : i32
      scf.for %scan3A_138 = %scan3A to %scan3A_19 step %scan3A_20  : i32 {
        %mul3A_139 = arith.constant 1 : i32
        %mul3A_140 = arith.muli %scan3A_138, %mul3A_139 : i32
        %add3A = arith.constant 0 : i32
        %add3A_141 = arith.addi %add3A, %mul3A_140 : i32
        %scan3A_142 = arith.constant 0 : i32
        %scan3A_143 = arith.constant 8 : i32
        %scan3A_144 = arith.addi %scan3A_142, %scan3A_143 : i32
        %scan3A_145 = arith.constant 1 : i32
        scf.for %scan3A_147 = %scan3A_142 to %scan3A_144 step %scan3A_145  : i32 {
          %mul3A_148 = arith.constant 16 : i32
          %mul3A_149 = arith.muli %scan3A_147, %mul3A_148 : i32
          %add3A_150 = arith.constant 0 : i32
          %add3A_151 = arith.addi %add3A_150, %mul3A_149 : i32
          %broadcast_in_dim3A = arith.constant 0.000000e+00 : f32
          %broadcast_in_dim3A_152 = vector.broadcast %broadcast_in_dim3A : f32 to vector<16xf32>
          %swap3A = arith.index_cast %add3A_141 : i32 to index
          %swap3A_153 = arith.index_cast %add3A_151 : i32 to index
          %swap3A_154 = tpu.vector_load %arg8[%swap3A, %swap3A_153] {strides = array<i32>} : memref<80x128xf32, #tpu.memory_space<vmem>>, vector<1x16xf32>,
          %swap3A_155 = vector.shape_cast %swap3A_154 : vector<1x16xf32> to vector<16xf32>
          %swap3A_156 = vector.shape_cast %broadcast_in_dim3A_152 : vector<16xf32> to vector<1x16xf32>
          tpu.vector_store %arg8[%swap3A, %swap3A_153], %swap3A_156 {strides = array<i32>} : memref<80x128xf32, #tpu.memory_space<vmem>>, vector<1x16xf32>,
        }
        %scan3A_146 = arith.constant 8 : i32
      }
      %scan3A_21 = arith.constant 80 : i32
      %scan3A_22 = arith.constant 0 : i32
      %scan3A_23 = arith.constant 8 : i32
      %scan3A_24 = arith.addi %scan3A_22, %scan3A_23 : i32
      %scan3A_25 = arith.constant 1 : i32
      scf.for %scan3A_138 = %scan3A_22 to %scan3A_24 step %scan3A_25  : i32 {
        %mul3A_139 = arith.constant 1 : i32
        %mul3A_140 = arith.muli %scan3A_138, %mul3A_139 : i32
        %add3A = arith.constant 0 : i32
        %add3A_141 = arith.addi %add3A, %mul3A_140 : i32
        %mul3A_142 = arith.constant 640 : i32
        %mul3A_143 = arith.muli %arg1, %mul3A_142 : i32
        %mul3A_144 = arith.constant 80 : i32
        %mul3A_145 = arith.muli %add3A_141, %mul3A_144 : i32
        %add3A_146 = arith.addi %mul3A_143, %mul3A_145 : i32
        "tpu.region"() ({
          %run_scoped3A_147 = tpu.sem_alloc : memref<!tpu.dma_semaphore, #tpu.memory_space<semaphore_mem>>
          %dma_start3A_148 = arith.constant 0 : i32
          %dma_start3A_149 = tpu.memref_slice %arg10[%add3A_146, %dma_start3A_148] : memref<10240x128xf32, #tpu.memory_space<vmem_shared>> -> memref<80x128xf32, #tpu.memory_space<vmem_shared>>
          %dma_start3A_150 = arith.constant 0 : i32
          %dma_start3A_151 = tpu.memref_slice %arg10[%add3A_146, %dma_start3A_150] : memref<10240x128xf32, #tpu.memory_space<vmem_shared>> -> memref<80x128xf32, #tpu.memory_space<vmem_shared>>
          tpu.enqueue_dma source(%arg8 : memref<80x128xf32, #tpu.memory_space<vmem>>) target(%dma_start3A_151 : memref<80x128xf32, #tpu.memory_space<vmem_shared>>) target_semaphore(%run_scoped3A_147 : memref<!tpu.dma_semaphore, #tpu.memory_space<semaphore_mem>>)
          %dma_wait3A_152 = arith.constant 0 : i32
          %dma_wait3A_153 = tpu.memref_slice %arg10[%add3A_146, %dma_wait3A_152] : memref<10240x128xf32, #tpu.memory_space<vmem_shared>> -> memref<80x128xf32, #tpu.memory_space<vmem_shared>>
          %dma_wait3A_154 = arith.constant 0 : i32
          %dma_wait3A_155 = tpu.memref_slice %arg10[%add3A_146, %dma_wait3A_154] : memref<10240x128xf32, #tpu.memory_space<vmem_shared>> -> memref<80x128xf32, #tpu.memory_space<vmem_shared>>
          tpu.wait_dma2 semaphore(%run_scoped3A_147 : memref<!tpu.dma_semaphore, #tpu.memory_space<semaphore_mem>>) src(%arg8 : memref<80x128xf32, #tpu.memory_space<vmem>>) dst(%dma_wait3A_155 : memref<80x128xf32, #tpu.memory_space<vmem_shared>>)
          tpu.yield
        }) : () -> ()
      }
      %scan3A_26 = arith.constant 8 : i32
      %barrier3A = arith.constant 0 : index
      tpu.barrier barrier_id(%barrier3A)
      %multiple_of3A = arith.constant 0 : i32
      %multiple_of3A_27 = tpu.assume_multiple %multiple_of3A, 8 : i32
      %dma_start3A = arith.constant 0 : i32
      %dma_start3A_28 = tpu.memref_slice %arg6[%multiple_of3A_27] : memref<10000xi32, #tpu.memory_space<vmem>> -> memref<80xi32, #tpu.memory_space<vmem>>
      %dma_start3A_29 = arith.constant 0 : i32
      %dma_start3A_30 = arith.constant 0 : i32
      %dma_start3A_31 = tpu.memref_slice %arg2[%dma_start3A, %dma_start3A_29, %dma_start3A_30] : memref<4x10000x128xf32, #tpu.memory_space<hbm>> -> memref<1x10000x128xf32, #tpu.memory_space<hbm>>
      %dma_start3A_32 = tpu.memref_squeeze %dma_start3A_31 : memref<1x10000x128xf32, #tpu.memory_space<hbm>> -> memref<10000x128xf32, #tpu.memory_space<hbm>>
      %dma_start3A_33 = arith.constant 0 : i32
      %dma_start3A_34 = arith.constant 0 : i32
      %dma_start3A_35 = tpu.memref_slice %dma_start3A_32[%dma_start3A_33, %dma_start3A_34] : memref<10000x128xf32, #tpu.memory_space<hbm>> -> memref<10000x128xf32, #tpu.memory_space<hbm>>
      tpu.enqueue_indirect_dma source(%dma_start3A_35 : memref<10000x128xf32, #tpu.memory_space<hbm>>) target(%arg8 : memref<80x128xf32, #tpu.memory_space<vmem>>) offsets(%dma_start3A_28 : memref<80xi32, #tpu.memory_space<vmem>>) semaphore(%arg11 : memref<!tpu.dma_semaphore, #tpu.memory_space<semaphore_mem>>)
      %multiple_of3A_36 = arith.constant 80 : i32
      %multiple_of3A_37 = tpu.assume_multiple %multiple_of3A_36, 8 : i32
      %dma_start3A_38 = arith.constant 0 : i32
      %dma_start3A_39 = tpu.memref_slice %arg6[%multiple_of3A_37] : memref<10000xi32, #tpu.memory_space<vmem>> -> memref<80xi32, #tpu.memory_space<vmem>>
      %dma_start3A_40 = arith.constant 0 : i32
      %dma_start3A_41 = arith.constant 0 : i32
      %dma_start3A_42 = tpu.memref_slice %arg2[%dma_start3A_38, %dma_start3A_40, %dma_start3A_41] : memref<4x10000x128xf32, #tpu.memory_space<hbm>> -> memref<1x10000x128xf32, #tpu.memory_space<hbm>>
      %dma_start3A_43 = tpu.memref_squeeze %dma_start3A_42 : memref<1x10000x128xf32, #tpu.memory_space<hbm>> -> memref<10000x128xf32, #tpu.memory_space<hbm>>
      %dma_start3A_44 = arith.constant 0 : i32
      %dma_start3A_45 = arith.constant 0 : i32
      %dma_start3A_46 = tpu.memref_slice %dma_start3A_43[%dma_start3A_44, %dma_start3A_45] : memref<10000x128xf32, #tpu.memory_space<hbm>> -> memref<10000x128xf32, #tpu.memory_space<hbm>>
      tpu.enqueue_indirect_dma source(%dma_start3A_46 : memref<10000x128xf32, #tpu.memory_space<hbm>>) target(%arg9 : memref<80x128xf32, #tpu.memory_space<vmem>>) offsets(%dma_start3A_39 : memref<80xi32, #tpu.memory_space<vmem>>) semaphore(%arg12 : memref<!tpu.dma_semaphore, #tpu.memory_space<semaphore_mem>>)
      %scan3A_47 = arith.constant 0 : i32
      %scan3A_48 = arith.constant 0 : i32
      %scan3A_49 = arith.constant 61 : i32
      %scan3A_50 = arith.addi %scan3A_48, %scan3A_49 : i32
      %scan3A_51 = arith.constant 1 : i32
      scf.for %scan3A_138 = %scan3A_48 to %scan3A_50 step %scan3A_51  : i32 {
        %mul3A_139 = arith.constant 1 : i32
        %mul3A_140 = arith.muli %scan3A_138, %mul3A_139 : i32
        %add3A = arith.constant 0 : i32
        %add3A_141 = arith.addi %add3A, %mul3A_140 : i32
        %mul3A_142 = arith.constant 2 : i32
        %mul3A_143 = arith.muli %mul3A_142, %add3A_141 : i32
        %dma_wait3A_144 = arith.constant 0 : i32
        %dma_wait3A_145 = tpu.memref_slice %arg6[%dma_wait3A_144] : memref<10000xi32, #tpu.memory_space<vmem>> -> memref<80xi32, #tpu.memory_space<vmem>>
        %dma_wait3A_146 = arith.constant 0 : i32
        %dma_wait3A_147 = arith.constant 0 : i32
        %dma_wait3A_148 = tpu.memref_slice %arg2[%scan3A_47, %dma_wait3A_146, %dma_wait3A_147] : memref<4x10000x128xf32, #tpu.memory_space<hbm>> -> memref<1x10000x128xf32, #tpu.memory_space<hbm>>
        %dma_wait3A_149 = tpu.memref_squeeze %dma_wait3A_148 : memref<1x10000x128xf32, #tpu.memory_space<hbm>> -> memref<10000x128xf32, #tpu.memory_space<hbm>>
        %dma_wait3A_150 = arith.constant 0 : i32
        %dma_wait3A_151 = arith.constant 0 : i32
        %dma_wait3A_152 = tpu.memref_slice %dma_wait3A_149[%dma_wait3A_150, %dma_wait3A_151] : memref<10000x128xf32, #tpu.memory_space<hbm>> -> memref<10000x128xf32, #tpu.memory_space<hbm>>
        tpu.wait_indirect_dma semaphore(%arg11 : memref<!tpu.dma_semaphore, #tpu.memory_space<semaphore_mem>>) src(%dma_wait3A_152 : memref<10000x128xf32, #tpu.memory_space<hbm>>) dst(%arg8 : memref<80x128xf32, #tpu.memory_space<vmem>>)
        %dma_start3A_153 = arith.constant 0 : i32
        %dma_start3A_154 = tpu.memref_slice %arg7[%mul3A_143, %dma_start3A_153] : memref<125x80xi32, #tpu.memory_space<vmem>> -> memref<1x80xi32, #tpu.memory_space<vmem>>
        %dma_start3A_155 = tpu.memref_squeeze %dma_start3A_154 : memref<1x80xi32, #tpu.memory_space<vmem>> -> memref<80xi32, #tpu.memory_space<vmem>>
        %dma_start3A_156 = arith.constant 0 : i32
        %dma_start3A_157 = arith.constant 0 : i32
        %dma_start3A_158 = tpu.memref_slice %arg10[%dma_start3A_156, %dma_start3A_157] : memref<10240x128xf32, #tpu.memory_space<vmem_shared>> -> memref<10240x128xf32, #tpu.memory_space<vmem_shared>>
        tpu.enqueue_indirect_dma source(%arg8 : memref<80x128xf32, #tpu.memory_space<vmem>>) target(%dma_start3A_158 : memref<10240x128xf32, #tpu.memory_space<vmem_shared>>) offsets(%dma_start3A_155 : memref<80xi32, #tpu.memory_space<vmem>>) semaphore(%arg13 : memref<!tpu.dma_semaphore, #tpu.memory_space<semaphore_mem>>) {add = true}
        %dma_wait3A_159 = arith.constant 0 : i32
        %dma_wait3A_160 = tpu.memref_slice %arg6[%dma_wait3A_159] : memref<10000xi32, #tpu.memory_space<vmem>> -> memref<80xi32, #tpu.memory_space<vmem>>
        %dma_wait3A_161 = arith.constant 0 : i32
        %dma_wait3A_162 = arith.constant 0 : i32
        %dma_wait3A_163 = tpu.memref_slice %arg2[%scan3A_47, %dma_wait3A_161, %dma_wait3A_162] : memref<4x10000x128xf32, #tpu.memory_space<hbm>> -> memref<1x10000x128xf32, #tpu.memory_space<hbm>>
        %dma_wait3A_164 = tpu.memref_squeeze %dma_wait3A_163 : memref<1x10000x128xf32, #tpu.memory_space<hbm>> -> memref<10000x128xf32, #tpu.memory_space<hbm>>
        %dma_wait3A_165 = arith.constant 0 : i32
        %dma_wait3A_166 = arith.constant 0 : i32
        %dma_wait3A_167 = tpu.memref_slice %dma_wait3A_164[%dma_wait3A_165, %dma_wait3A_166] : memref<10000x128xf32, #tpu.memory_space<hbm>> -> memref<10000x128xf32, #tpu.memory_space<hbm>>
        tpu.wait_indirect_dma semaphore(%arg12 : memref<!tpu.dma_semaphore, #tpu.memory_space<semaphore_mem>>) src(%dma_wait3A_167 : memref<10000x128xf32, #tpu.memory_space<hbm>>) dst(%arg9 : memref<80x128xf32, #tpu.memory_space<vmem>>)
        %add3A_168 = arith.constant 1 : i32
        %add3A_169 = arith.addi %mul3A_143, %add3A_168 : i32
        %dma_start3A_170 = arith.constant 0 : i32
        %dma_start3A_171 = tpu.memref_slice %arg7[%add3A_169, %dma_start3A_170] : memref<125x80xi32, #tpu.memory_space<vmem>> -> memref<1x80xi32, #tpu.memory_space<vmem>>
        %dma_start3A_172 = tpu.memref_squeeze %dma_start3A_171 : memref<1x80xi32, #tpu.memory_space<vmem>> -> memref<80xi32, #tpu.memory_space<vmem>>
        %dma_start3A_173 = arith.constant 0 : i32
        %dma_start3A_174 = arith.constant 0 : i32
        %dma_start3A_175 = tpu.memref_slice %arg10[%dma_start3A_173, %dma_start3A_174] : memref<10240x128xf32, #tpu.memory_space<vmem_shared>> -> memref<10240x128xf32, #tpu.memory_space<vmem_shared>>
        tpu.enqueue_indirect_dma source(%arg9 : memref<80x128xf32, #tpu.memory_space<vmem>>) target(%dma_start3A_175 : memref<10240x128xf32, #tpu.memory_space<vmem_shared>>) offsets(%dma_start3A_172 : memref<80xi32, #tpu.memory_space<vmem>>) semaphore(%arg14 : memref<!tpu.dma_semaphore, #tpu.memory_space<semaphore_mem>>) {add = true}
        %dma_wait3A_176 = arith.constant 0 : i32
        %dma_wait3A_177 = arith.constant 0 : i32
        %dma_wait3A_178 = tpu.memref_slice %arg7[%dma_wait3A_176, %dma_wait3A_177] : memref<125x80xi32, #tpu.memory_space<vmem>> -> memref<1x80xi32, #tpu.memory_space<vmem>>
        %dma_wait3A_179 = tpu.memref_squeeze %dma_wait3A_178 : memref<1x80xi32, #tpu.memory_space<vmem>> -> memref<80xi32, #tpu.memory_space<vmem>>
        %dma_wait3A_180 = arith.constant 0 : i32
        %dma_wait3A_181 = arith.constant 0 : i32
        %dma_wait3A_182 = tpu.memref_slice %arg10[%dma_wait3A_180, %dma_wait3A_181] : memref<10240x128xf32, #tpu.memory_space<vmem_shared>> -> memref<10240x128xf32, #tpu.memory_space<vmem_shared>>
        tpu.wait_indirect_dma semaphore(%arg13 : memref<!tpu.dma_semaphore, #tpu.memory_space<semaphore_mem>>) src(%arg8 : memref<80x128xf32, #tpu.memory_space<vmem>>) dst(%dma_wait3A_182 : memref<10240x128xf32, #tpu.memory_space<vmem_shared>>)
        %add3A_183 = arith.constant 2 : i32
        %add3A_184 = arith.addi %mul3A_143, %add3A_183 : i32
        %mul3A_185 = arith.constant 80 : i32
        %mul3A_186 = arith.muli %add3A_184, %mul3A_185 : i32
        %multiple_of3A_187 = tpu.assume_multiple %mul3A_186, 8 : i32
        %dma_start3A_188 = tpu.memref_slice %arg6[%multiple_of3A_187] : memref<10000xi32, #tpu.memory_space<vmem>> -> memref<80xi32, #tpu.memory_space<vmem>>
        %dma_start3A_189 = arith.constant 0 : i32
        %dma_start3A_190 = arith.constant 0 : i32
        %dma_start3A_191 = tpu.memref_slice %arg2[%scan3A_47, %dma_start3A_189, %dma_start3A_190] : memref<4x10000x128xf32, #tpu.memory_space<hbm>> -> memref<1x10000x128xf32, #tpu.memory_space<hbm>>
        %dma_start3A_192 = tpu.memref_squeeze %dma_start3A_191 : memref<1x10000x128xf32, #tpu.memory_space<hbm>> -> memref<10000x128xf32, #tpu.memory_space<hbm>>
        %dma_start3A_193 = arith.constant 0 : i32
        %dma_start3A_194 = arith.constant 0 : i32
        %dma_start3A_195 = tpu.memref_slice %dma_start3A_192[%dma_start3A_193, %dma_start3A_194] : memref<10000x128xf32, #tpu.memory_space<hbm>> -> memref<10000x128xf32, #tpu.memory_space<hbm>>
        tpu.enqueue_indirect_dma source(%dma_start3A_195 : memref<10000x128xf32, #tpu.memory_space<hbm>>) target(%arg8 : memref<80x128xf32, #tpu.memory_space<vmem>>) offsets(%dma_start3A_188 : memref<80xi32, #tpu.memory_space<vmem>>) semaphore(%arg11 : memref<!tpu.dma_semaphore, #tpu.memory_space<semaphore_mem>>)
        %dma_wait3A_196 = arith.constant 0 : i32
        %dma_wait3A_197 = arith.constant 0 : i32
        %dma_wait3A_198 = tpu.memref_slice %arg7[%dma_wait3A_196, %dma_wait3A_197] : memref<125x80xi32, #tpu.memory_space<vmem>> -> memref<1x80xi32, #tpu.memory_space<vmem>>
        %dma_wait3A_199 = tpu.memref_squeeze %dma_wait3A_198 : memref<1x80xi32, #tpu.memory_space<vmem>> -> memref<80xi32, #tpu.memory_space<vmem>>
        %dma_wait3A_200 = arith.constant 0 : i32
        %dma_wait3A_201 = arith.constant 0 : i32
        %dma_wait3A_202 = tpu.memref_slice %arg10[%dma_wait3A_200, %dma_wait3A_201] : memref<10240x128xf32, #tpu.memory_space<vmem_shared>> -> memref<10240x128xf32, #tpu.memory_space<vmem_shared>>
        tpu.wait_indirect_dma semaphore(%arg14 : memref<!tpu.dma_semaphore, #tpu.memory_space<semaphore_mem>>) src(%arg9 : memref<80x128xf32, #tpu.memory_space<vmem>>) dst(%dma_wait3A_202 : memref<10240x128xf32, #tpu.memory_space<vmem_shared>>)
        %add3A_203 = arith.constant 3 : i32
        %add3A_204 = arith.addi %mul3A_143, %add3A_203 : i32
        %mul3A_205 = arith.constant 80 : i32
        %mul3A_206 = arith.muli %add3A_204, %mul3A_205 : i32
        %multiple_of3A_207 = tpu.assume_multiple %mul3A_206, 8 : i32
        %dma_start3A_208 = tpu.memref_slice %arg6[%multiple_of3A_207] : memref<10000xi32, #tpu.memory_space<vmem>> -> memref<80xi32, #tpu.memory_space<vmem>>
        %dma_start3A_209 = arith.constant 0 : i32
        %dma_start3A_210 = arith.constant 0 : i32
        %dma_start3A_211 = tpu.memref_slice %arg2[%scan3A_47, %dma_start3A_209, %dma_start3A_210] : memref<4x10000x128xf32, #tpu.memory_space<hbm>> -> memref<1x10000x128xf32, #tpu.memory_space<hbm>>
        %dma_start3A_212 = tpu.memref_squeeze %dma_start3A_211 : memref<1x10000x128xf32, #tpu.memory_space<hbm>> -> memref<10000x128xf32, #tpu.memory_space<hbm>>
        %dma_start3A_213 = arith.constant 0 : i32
        %dma_start3A_214 = arith.constant 0 : i32
        %dma_start3A_215 = tpu.memref_slice %dma_start3A_212[%dma_start3A_213, %dma_start3A_214] : memref<10000x128xf32, #tpu.memory_space<hbm>> -> memref<10000x128xf32, #tpu.memory_space<hbm>>
        tpu.enqueue_indirect_dma source(%dma_start3A_215 : memref<10000x128xf32, #tpu.memory_space<hbm>>) target(%arg9 : memref<80x128xf32, #tpu.memory_space<vmem>>) offsets(%dma_start3A_208 : memref<80xi32, #tpu.memory_space<vmem>>) semaphore(%arg12 : memref<!tpu.dma_semaphore, #tpu.memory_space<semaphore_mem>>)
      }
      %scan3A_52 = arith.constant 61 : i32
      %dma_wait3A = arith.constant 0 : i32
      %dma_wait3A_53 = arith.constant 0 : i32
      %dma_wait3A_54 = tpu.memref_slice %arg6[%dma_wait3A_53] : memref<10000xi32, #tpu.memory_space<vmem>> -> memref<80xi32, #tpu.memory_space<vmem>>
      %dma_wait3A_55 = arith.constant 0 : i32
      %dma_wait3A_56 = arith.constant 0 : i32
      %dma_wait3A_57 = tpu.memref_slice %arg2[%dma_wait3A, %dma_wait3A_55, %dma_wait3A_56] : memref<4x10000x128xf32, #tpu.memory_space<hbm>> -> memref<1x10000x128xf32, #tpu.memory_space<hbm>>
      %dma_wait3A_58 = tpu.memref_squeeze %dma_wait3A_57 : memref<1x10000x128xf32, #tpu.memory_space<hbm>> -> memref<10000x128xf32, #tpu.memory_space<hbm>>
      %dma_wait3A_59 = arith.constant 0 : i32
      %dma_wait3A_60 = arith.constant 0 : i32
      %dma_wait3A_61 = tpu.memref_slice %dma_wait3A_58[%dma_wait3A_59, %dma_wait3A_60] : memref<10000x128xf32, #tpu.memory_space<hbm>> -> memref<10000x128xf32, #tpu.memory_space<hbm>>
      tpu.wait_indirect_dma semaphore(%arg11 : memref<!tpu.dma_semaphore, #tpu.memory_space<semaphore_mem>>) src(%dma_wait3A_61 : memref<10000x128xf32, #tpu.memory_space<hbm>>) dst(%arg8 : memref<80x128xf32, #tpu.memory_space<vmem>>)
      %dma_start3A_62 = arith.constant 122 : i32
      %dma_start3A_63 = arith.constant 0 : i32
      %dma_start3A_64 = tpu.memref_slice %arg7[%dma_start3A_62, %dma_start3A_63] : memref<125x80xi32, #tpu.memory_space<vmem>> -> memref<1x80xi32, #tpu.memory_space<vmem>>
      %dma_start3A_65 = tpu.memref_squeeze %dma_start3A_64 : memref<1x80xi32, #tpu.memory_space<vmem>> -> memref<80xi32, #tpu.memory_space<vmem>>
      %dma_start3A_66 = arith.constant 0 : i32
      %dma_start3A_67 = arith.constant 0 : i32
      %dma_start3A_68 = tpu.memref_slice %arg10[%dma_start3A_66, %dma_start3A_67] : memref<10240x128xf32, #tpu.memory_space<vmem_shared>> -> memref<10240x128xf32, #tpu.memory_space<vmem_shared>>
      tpu.enqueue_indirect_dma source(%arg8 : memref<80x128xf32, #tpu.memory_space<vmem>>) target(%dma_start3A_68 : memref<10240x128xf32, #tpu.memory_space<vmem_shared>>) offsets(%dma_start3A_65 : memref<80xi32, #tpu.memory_space<vmem>>) semaphore(%arg13 : memref<!tpu.dma_semaphore, #tpu.memory_space<semaphore_mem>>) {add = true}
      %dma_wait3A_69 = arith.constant 0 : i32
      %dma_wait3A_70 = arith.constant 0 : i32
      %dma_wait3A_71 = tpu.memref_slice %arg6[%dma_wait3A_70] : memref<10000xi32, #tpu.memory_space<vmem>> -> memref<80xi32, #tpu.memory_space<vmem>>
      %dma_wait3A_72 = arith.constant 0 : i32
      %dma_wait3A_73 = arith.constant 0 : i32
      %dma_wait3A_74 = tpu.memref_slice %arg2[%dma_wait3A_69, %dma_wait3A_72, %dma_wait3A_73] : memref<4x10000x128xf32, #tpu.memory_space<hbm>> -> memref<1x10000x128xf32, #tpu.memory_space<hbm>>
      %dma_wait3A_75 = tpu.memref_squeeze %dma_wait3A_74 : memref<1x10000x128xf32, #tpu.memory_space<hbm>> -> memref<10000x128xf32, #tpu.memory_space<hbm>>
      %dma_wait3A_76 = arith.constant 0 : i32
      %dma_wait3A_77 = arith.constant 0 : i32
      %dma_wait3A_78 = tpu.memref_slice %dma_wait3A_75[%dma_wait3A_76, %dma_wait3A_77] : memref<10000x128xf32, #tpu.memory_space<hbm>> -> memref<10000x128xf32, #tpu.memory_space<hbm>>
      tpu.wait_indirect_dma semaphore(%arg12 : memref<!tpu.dma_semaphore, #tpu.memory_space<semaphore_mem>>) src(%dma_wait3A_78 : memref<10000x128xf32, #tpu.memory_space<hbm>>) dst(%arg9 : memref<80x128xf32, #tpu.memory_space<vmem>>)
      %dma_start3A_79 = arith.constant 123 : i32
      %dma_start3A_80 = arith.constant 0 : i32
      %dma_start3A_81 = tpu.memref_slice %arg7[%dma_start3A_79, %dma_start3A_80] : memref<125x80xi32, #tpu.memory_space<vmem>> -> memref<1x80xi32, #tpu.memory_space<vmem>>
      %dma_start3A_82 = tpu.memref_squeeze %dma_start3A_81 : memref<1x80xi32, #tpu.memory_space<vmem>> -> memref<80xi32, #tpu.memory_space<vmem>>
      %dma_start3A_83 = arith.constant 0 : i32
      %dma_start3A_84 = arith.constant 0 : i32
      %dma_start3A_85 = tpu.memref_slice %arg10[%dma_start3A_83, %dma_start3A_84] : memref<10240x128xf32, #tpu.memory_space<vmem_shared>> -> memref<10240x128xf32, #tpu.memory_space<vmem_shared>>
      tpu.enqueue_indirect_dma source(%arg9 : memref<80x128xf32, #tpu.memory_space<vmem>>) target(%dma_start3A_85 : memref<10240x128xf32, #tpu.memory_space<vmem_shared>>) offsets(%dma_start3A_82 : memref<80xi32, #tpu.memory_space<vmem>>) semaphore(%arg14 : memref<!tpu.dma_semaphore, #tpu.memory_space<semaphore_mem>>) {add = true}
      %dma_wait3A_86 = arith.constant 0 : i32
      %dma_wait3A_87 = arith.constant 0 : i32
      %dma_wait3A_88 = tpu.memref_slice %arg7[%dma_wait3A_86, %dma_wait3A_87] : memref<125x80xi32, #tpu.memory_space<vmem>> -> memref<1x80xi32, #tpu.memory_space<vmem>>
      %dma_wait3A_89 = tpu.memref_squeeze %dma_wait3A_88 : memref<1x80xi32, #tpu.memory_space<vmem>> -> memref<80xi32, #tpu.memory_space<vmem>>
      %dma_wait3A_90 = arith.constant 0 : i32
      %dma_wait3A_91 = arith.constant 0 : i32
      %dma_wait3A_92 = tpu.memref_slice %arg10[%dma_wait3A_90, %dma_wait3A_91] : memref<10240x128xf32, #tpu.memory_space<vmem_shared>> -> memref<10240x128xf32, #tpu.memory_space<vmem_shared>>
      tpu.wait_indirect_dma semaphore(%arg13 : memref<!tpu.dma_semaphore, #tpu.memory_space<semaphore_mem>>) src(%arg8 : memref<80x128xf32, #tpu.memory_space<vmem>>) dst(%dma_wait3A_92 : memref<10240x128xf32, #tpu.memory_space<vmem_shared>>)
      %multiple_of3A_93 = arith.constant 9920 : i32
      %multiple_of3A_94 = tpu.assume_multiple %multiple_of3A_93, 8 : i32
      %dma_start3A_95 = arith.constant 0 : i32
      %dma_start3A_96 = tpu.memref_slice %arg6[%multiple_of3A_94] : memref<10000xi32, #tpu.memory_space<vmem>> -> memref<80xi32, #tpu.memory_space<vmem>>
      %dma_start3A_97 = arith.constant 0 : i32
      %dma_start3A_98 = arith.constant 0 : i32
      %dma_start3A_99 = tpu.memref_slice %arg2[%dma_start3A_95, %dma_start3A_97, %dma_start3A_98] : memref<4x10000x128xf32, #tpu.memory_space<hbm>> -> memref<1x10000x128xf32, #tpu.memory_space<hbm>>
      %dma_start3A_100 = tpu.memref_squeeze %dma_start3A_99 : memref<1x10000x128xf32, #tpu.memory_space<hbm>> -> memref<10000x128xf32, #tpu.memory_space<hbm>>
      %dma_start3A_101 = arith.constant 0 : i32
      %dma_start3A_102 = arith.constant 0 : i32
      %dma_start3A_103 = tpu.memref_slice %dma_start3A_100[%dma_start3A_101, %dma_start3A_102] : memref<10000x128xf32, #tpu.memory_space<hbm>> -> memref<10000x128xf32, #tpu.memory_space<hbm>>
      tpu.enqueue_indirect_dma source(%dma_start3A_103 : memref<10000x128xf32, #tpu.memory_space<hbm>>) target(%arg8 : memref<80x128xf32, #tpu.memory_space<vmem>>) offsets(%dma_start3A_96 : memref<80xi32, #tpu.memory_space<vmem>>) semaphore(%arg11 : memref<!tpu.dma_semaphore, #tpu.memory_space<semaphore_mem>>)
      %dma_wait3A_104 = arith.constant 0 : i32
      %dma_wait3A_105 = arith.constant 0 : i32
      %dma_wait3A_106 = tpu.memref_slice %arg6[%dma_wait3A_105] : memref<10000xi32, #tpu.memory_space<vmem>> -> memref<80xi32, #tpu.memory_space<vmem>>
      %dma_wait3A_107 = arith.constant 0 : i32
      %dma_wait3A_108 = arith.constant 0 : i32
      %dma_wait3A_109 = tpu.memref_slice %arg2[%dma_wait3A_104, %dma_wait3A_107, %dma_wait3A_108] : memref<4x10000x128xf32, #tpu.memory_space<hbm>> -> memref<1x10000x128xf32, #tpu.memory_space<hbm>>
      %dma_wait3A_110 = tpu.memref_squeeze %dma_wait3A_109 : memref<1x10000x128xf32, #tpu.memory_space<hbm>> -> memref<10000x128xf32, #tpu.memory_space<hbm>>
      %dma_wait3A_111 = arith.constant 0 : i32
      %dma_wait3A_112 = arith.constant 0 : i32
      %dma_wait3A_113 = tpu.memref_slice %dma_wait3A_110[%dma_wait3A_111, %dma_wait3A_112] : memref<10000x128xf32, #tpu.memory_space<hbm>> -> memref<10000x128xf32, #tpu.memory_space<hbm>>
      tpu.wait_indirect_dma semaphore(%arg11 : memref<!tpu.dma_semaphore, #tpu.memory_space<semaphore_mem>>) src(%dma_wait3A_113 : memref<10000x128xf32, #tpu.memory_space<hbm>>) dst(%arg8 : memref<80x128xf32, #tpu.memory_space<vmem>>)
      %dma_start3A_114 = arith.constant 124 : i32
      %dma_start3A_115 = arith.constant 0 : i32
      %dma_start3A_116 = tpu.memref_slice %arg7[%dma_start3A_114, %dma_start3A_115] : memref<125x80xi32, #tpu.memory_space<vmem>> -> memref<1x80xi32, #tpu.memory_space<vmem>>
      %dma_start3A_117 = tpu.memref_squeeze %dma_start3A_116 : memref<1x80xi32, #tpu.memory_space<vmem>> -> memref<80xi32, #tpu.memory_space<vmem>>
      %dma_start3A_118 = arith.constant 0 : i32
      %dma_start3A_119 = arith.constant 0 : i32
      %dma_start3A_120 = tpu.memref_slice %arg10[%dma_start3A_118, %dma_start3A_119] : memref<10240x128xf32, #tpu.memory_space<vmem_shared>> -> memref<10240x128xf32, #tpu.memory_space<vmem_shared>>
      tpu.enqueue_indirect_dma source(%arg8 : memref<80x128xf32, #tpu.memory_space<vmem>>) target(%dma_start3A_120 : memref<10240x128xf32, #tpu.memory_space<vmem_shared>>) offsets(%dma_start3A_117 : memref<80xi32, #tpu.memory_space<vmem>>) semaphore(%arg13 : memref<!tpu.dma_semaphore, #tpu.memory_space<semaphore_mem>>) {add = true}
      %dma_wait3A_121 = arith.constant 0 : i32
      %dma_wait3A_122 = arith.constant 0 : i32
      %dma_wait3A_123 = tpu.memref_slice %arg7[%dma_wait3A_121, %dma_wait3A_122] : memref<125x80xi32, #tpu.memory_space<vmem>> -> memref<1x80xi32, #tpu.memory_space<vmem>>
      %dma_wait3A_124 = tpu.memref_squeeze %dma_wait3A_123 : memref<1x80xi32, #tpu.memory_space<vmem>> -> memref<80xi32, #tpu.memory_space<vmem>>
      %dma_wait3A_125 = arith.constant 0 : i32
      %dma_wait3A_126 = arith.constant 0 : i32
      %dma_wait3A_127 = tpu.memref_slice %arg10[%dma_wait3A_125, %dma_wait3A_126] : memref<10240x128xf32, #tpu.memory_space<vmem_shared>> -> memref<10240x128xf32, #tpu.memory_space<vmem_shared>>
      tpu.wait_indirect_dma semaphore(%arg14 : memref<!tpu.dma_semaphore, #tpu.memory_space<semaphore_mem>>) src(%arg9 : memref<80x128xf32, #tpu.memory_space<vmem>>) dst(%dma_wait3A_127 : memref<10240x128xf32, #tpu.memory_space<vmem_shared>>)
      %dma_wait3A_128 = arith.constant 0 : i32
      %dma_wait3A_129 = arith.constant 0 : i32
      %dma_wait3A_130 = tpu.memref_slice %arg7[%dma_wait3A_128, %dma_wait3A_129] : memref<125x80xi32, #tpu.memory_space<vmem>> -> memref<1x80xi32, #tpu.memory_space<vmem>>
      %dma_wait3A_131 = tpu.memref_squeeze %dma_wait3A_130 : memref<1x80xi32, #tpu.memory_space<vmem>> -> memref<80xi32, #tpu.memory_space<vmem>>
      %dma_wait3A_132 = arith.constant 0 : i32
      %dma_wait3A_133 = arith.constant 0 : i32
      %dma_wait3A_134 = tpu.memref_slice %arg10[%dma_wait3A_132, %dma_wait3A_133] : memref<10240x128xf32, #tpu.memory_space<vmem_shared>> -> memref<10240x128xf32, #tpu.memory_space<vmem_shared>>
      tpu.wait_indirect_dma semaphore(%arg13 : memref<!tpu.dma_semaphore, #tpu.memory_space<semaphore_mem>>) src(%arg8 : memref<80x128xf32, #tpu.memory_space<vmem>>) dst(%dma_wait3A_134 : memref<10240x128xf32, #tpu.memory_space<vmem_shared>>)
      %barrier3A_135 = arith.constant 0 : index
      tpu.barrier barrier_id(%barrier3A_135)
      %mul3A_136 = arith.constant 640 : i32
      %mul3A_137 = arith.muli %arg1, %mul3A_136 : i32
      %run_scoped3A = arith.constant 0 : i32
      "tpu.region"() ({
        %run_scoped3A_138 = tpu.sem_alloc : memref<!tpu.dma_semaphore, #tpu.memory_space<semaphore_mem>>
        %dma_start3A_139 = arith.constant 0 : i32
        %dma_start3A_140 = arith.constant 0 : i32
        %dma_start3A_141 = tpu.memref_slice %arg5[%run_scoped3A, %dma_start3A_139, %dma_start3A_140] : memref<4x10240x128xf32, #tpu.memory_space<hbm>> -> memref<1x10240x128xf32, #tpu.memory_space<hbm>>
        %dma_start3A_142 = tpu.memref_squeeze %dma_start3A_141 : memref<1x10240x128xf32, #tpu.memory_space<hbm>> -> memref<10240x128xf32, #tpu.memory_space<hbm>>
        %dma_start3A_143 = arith.constant 0 : i32
        %dma_start3A_144 = tpu.memref_slice %dma_start3A_142[%mul3A_137, %dma_start3A_143] : memref<10240x128xf32, #tpu.memory_space<hbm>> -> memref<640x128xf32, #tpu.memory_space<hbm>>
        %dma_start3A_145 = arith.constant 0 : i32
        %dma_start3A_146 = tpu.memref_slice %arg10[%mul3A_137, %dma_start3A_145] : memref<10240x128xf32, #tpu.memory_space<vmem_shared>> -> memref<640x128xf32, #tpu.memory_space<vmem_shared>>
        tpu.enqueue_dma source(%dma_start3A_146 : memref<640x128xf32, #tpu.memory_space<vmem_shared>>) target(%dma_start3A_144 : memref<640x128xf32, #tpu.memory_space<hbm>>) target_semaphore(%run_scoped3A_138 : memref<!tpu.dma_semaphore, #tpu.memory_space<semaphore_mem>>)
        %dma_wait3A_147 = arith.constant 0 : i32
        %dma_wait3A_148 = arith.constant 0 : i32
        %dma_wait3A_149 = tpu.memref_slice %arg5[%run_scoped3A, %dma_wait3A_147, %dma_wait3A_148] : memref<4x10240x128xf32, #tpu.memory_space<hbm>> -> memref<1x10240x128xf32, #tpu.memory_space<hbm>>
        %dma_wait3A_150 = tpu.memref_squeeze %dma_wait3A_149 : memref<1x10240x128xf32, #tpu.memory_space<hbm>> -> memref<10240x128xf32, #tpu.memory_space<hbm>>
        %dma_wait3A_151 = arith.constant 0 : i32
        %dma_wait3A_152 = tpu.memref_slice %dma_wait3A_150[%mul3A_137, %dma_wait3A_151] : memref<10240x128xf32, #tpu.memory_space<hbm>> -> memref<640x128xf32, #tpu.memory_space<hbm>>
        %dma_wait3A_153 = arith.constant 0 : i32
        %dma_wait3A_154 = tpu.memref_slice %arg10[%mul3A_137, %dma_wait3A_153] : memref<10240x128xf32, #tpu.memory_space<vmem_shared>> -> memref<640x128xf32, #tpu.memory_space<vmem_shared>>
        tpu.wait_dma2 semaphore(%run_scoped3A_138 : memref<!tpu.dma_semaphore, #tpu.memory_space<semaphore_mem>>) src(%dma_wait3A_154 : memref<640x128xf32, #tpu.memory_space<vmem_shared>>) dst(%dma_wait3A_152 : memref<640x128xf32, #tpu.memory_space<hbm>>)
        tpu.yield
      }) : () -> ()
    } else {
    }
    %eq3A_3 = arith.constant 0 : i32
    %eq3A_4 = arith.cmpi eq, %arg0, %eq3A_3 : i32
    %convert_element_type3A_5 = arith.extui %eq3A_4 : i1 to i32
    %cond3A_6 = arith.constant 0 : i32
    %cond3A_7 = arith.cmpi ne, %convert_element_type3A_5, %cond3A_6 : i32
    scf.if %cond3A_7 {
      %scan3A = arith.constant 0 : i32
      %scan3A_18 = arith.constant 80 : i32
      %scan3A_19 = arith.addi %scan3A, %scan3A_18 : i32
      %scan3A_20 = arith.constant 1 : i32
      scf.for %scan3A_138 = %scan3A to %scan3A_19 step %scan3A_20  : i32 {
        %mul3A_139 = arith.constant 1 : i32
        %mul3A_140 = arith.muli %scan3A_138, %mul3A_139 : i32
        %add3A = arith.constant 0 : i32
        %add3A_141 = arith.addi %add3A, %mul3A_140 : i32
        %scan3A_142 = arith.constant 0 : i32
        %scan3A_143 = arith.constant 8 : i32
        %scan3A_144 = arith.addi %scan3A_142, %scan3A_143 : i32
        %scan3A_145 = arith.constant 1 : i32
        scf.for %scan3A_147 = %scan3A_142 to %scan3A_144 step %scan3A_145  : i32 {
          %mul3A_148 = arith.constant 16 : i32
          %mul3A_149 = arith.muli %scan3A_147, %mul3A_148 : i32
          %add3A_150 = arith.constant 0 : i32
          %add3A_151 = arith.addi %add3A_150, %mul3A_149 : i32
          %broadcast_in_dim3A = arith.constant 0.000000e+00 : f32
          %broadcast_in_dim3A_152 = vector.broadcast %broadcast_in_dim3A : f32 to vector<16xf32>
          %swap3A = arith.index_cast %add3A_141 : i32 to index
          %swap3A_153 = arith.index_cast %add3A_151 : i32 to index
          %swap3A_154 = tpu.vector_load %arg8[%swap3A, %swap3A_153] {strides = array<i32>} : memref<80x128xf32, #tpu.memory_space<vmem>>, vector<1x16xf32>,
          %swap3A_155 = vector.shape_cast %swap3A_154 : vector<1x16xf32> to vector<16xf32>
          %swap3A_156 = vector.shape_cast %broadcast_in_dim3A_152 : vector<16xf32> to vector<1x16xf32>
          tpu.vector_store %arg8[%swap3A, %swap3A_153], %swap3A_156 {strides = array<i32>} : memref<80x128xf32, #tpu.memory_space<vmem>>, vector<1x16xf32>,
        }
        %scan3A_146 = arith.constant 8 : i32
      }
      %scan3A_21 = arith.constant 80 : i32
      %scan3A_22 = arith.constant 0 : i32
      %scan3A_23 = arith.constant 8 : i32
      %scan3A_24 = arith.addi %scan3A_22, %scan3A_23 : i32
      %scan3A_25 = arith.constant 1 : i32
      scf.for %scan3A_138 = %scan3A_22 to %scan3A_24 step %scan3A_25  : i32 {
        %mul3A_139 = arith.constant 1 : i32
        %mul3A_140 = arith.muli %scan3A_138, %mul3A_139 : i32
        %add3A = arith.constant 0 : i32
        %add3A_141 = arith.addi %add3A, %mul3A_140 : i32
        %mul3A_142 = arith.constant 640 : i32
        %mul3A_143 = arith.muli %arg1, %mul3A_142 : i32
        %mul3A_144 = arith.constant 80 : i32
        %mul3A_145 = arith.muli %add3A_141, %mul3A_144 : i32
        %add3A_146 = arith.addi %mul3A_143, %mul3A_145 : i32
        "tpu.region"() ({
          %run_scoped3A_147 = tpu.sem_alloc : memref<!tpu.dma_semaphore, #tpu.memory_space<semaphore_mem>>
          %dma_start3A_148 = arith.constant 0 : i32
          %dma_start3A_149 = tpu.memref_slice %arg10[%add3A_146, %dma_start3A_148] : memref<10240x128xf32, #tpu.memory_space<vmem_shared>> -> memref<80x128xf32, #tpu.memory_space<vmem_shared>>
          %dma_start3A_150 = arith.constant 0 : i32
          %dma_start3A_151 = tpu.memref_slice %arg10[%add3A_146, %dma_start3A_150] : memref<10240x128xf32, #tpu.memory_space<vmem_shared>> -> memref<80x128xf32, #tpu.memory_space<vmem_shared>>
          tpu.enqueue_dma source(%arg8 : memref<80x128xf32, #tpu.memory_space<vmem>>) target(%dma_start3A_151 : memref<80x128xf32, #tpu.memory_space<vmem_shared>>) target_semaphore(%run_scoped3A_147 : memref<!tpu.dma_semaphore, #tpu.memory_space<semaphore_mem>>)
          %dma_wait3A_152 = arith.constant 0 : i32
          %dma_wait3A_153 = tpu.memref_slice %arg10[%add3A_146, %dma_wait3A_152] : memref<10240x128xf32, #tpu.memory_space<vmem_shared>> -> memref<80x128xf32, #tpu.memory_space<vmem_shared>>
          %dma_wait3A_154 = arith.constant 0 : i32
          %dma_wait3A_155 = tpu.memref_slice %arg10[%add3A_146, %dma_wait3A_154] : memref<10240x128xf32, #tpu.memory_space<vmem_shared>> -> memref<80x128xf32, #tpu.memory_space<vmem_shared>>
          tpu.wait_dma2 semaphore(%run_scoped3A_147 : memref<!tpu.dma_semaphore, #tpu.memory_space<semaphore_mem>>) src(%arg8 : memref<80x128xf32, #tpu.memory_space<vmem>>) dst(%dma_wait3A_155 : memref<80x128xf32, #tpu.memory_space<vmem_shared>>)
          tpu.yield
        }) : () -> ()
      }
      %scan3A_26 = arith.constant 8 : i32
      %barrier3A = arith.constant 0 : index
      tpu.barrier barrier_id(%barrier3A)
      %multiple_of3A = arith.constant 0 : i32
      %multiple_of3A_27 = tpu.assume_multiple %multiple_of3A, 8 : i32
      %dma_start3A = arith.constant 1 : i32
      %dma_start3A_28 = tpu.memref_slice %arg6[%multiple_of3A_27] : memref<10000xi32, #tpu.memory_space<vmem>> -> memref<80xi32, #tpu.memory_space<vmem>>
      %dma_start3A_29 = arith.constant 0 : i32
      %dma_start3A_30 = arith.constant 0 : i32
      %dma_start3A_31 = tpu.memref_slice %arg2[%dma_start3A, %dma_start3A_29, %dma_start3A_30] : memref<4x10000x128xf32, #tpu.memory_space<hbm>> -> memref<1x10000x128xf32, #tpu.memory_space<hbm>>
      %dma_start3A_32 = tpu.memref_squeeze %dma_start3A_31 : memref<1x10000x128xf32, #tpu.memory_space<hbm>> -> memref<10000x128xf32, #tpu.memory_space<hbm>>
      %dma_start3A_33 = arith.constant 0 : i32
      %dma_start3A_34 = arith.constant 0 : i32
      %dma_start3A_35 = tpu.memref_slice %dma_start3A_32[%dma_start3A_33, %dma_start3A_34] : memref<10000x128xf32, #tpu.memory_space<hbm>> -> memref<10000x128xf32, #tpu.memory_space<hbm>>
      tpu.enqueue_indirect_dma source(%dma_start3A_35 : memref<10000x128xf32, #tpu.memory_space<hbm>>) target(%arg8 : memref<80x128xf32, #tpu.memory_space<vmem>>) offsets(%dma_start3A_28 : memref<80xi32, #tpu.memory_space<vmem>>) semaphore(%arg11 : memref<!tpu.dma_semaphore, #tpu.memory_space<semaphore_mem>>)
      %multiple_of3A_36 = arith.constant 80 : i32
      %multiple_of3A_37 = tpu.assume_multiple %multiple_of3A_36, 8 : i32
      %dma_start3A_38 = arith.constant 1 : i32
      %dma_start3A_39 = tpu.memref_slice %arg6[%multiple_of3A_37] : memref<10000xi32, #tpu.memory_space<vmem>> -> memref<80xi32, #tpu.memory_space<vmem>>
      %dma_start3A_40 = arith.constant 0 : i32
      %dma_start3A_41 = arith.constant 0 : i32
      %dma_start3A_42 = tpu.memref_slice %arg2[%dma_start3A_38, %dma_start3A_40, %dma_start3A_41] : memref<4x10000x128xf32, #tpu.memory_space<hbm>> -> memref<1x10000x128xf32, #tpu.memory_space<hbm>>
      %dma_start3A_43 = tpu.memref_squeeze %dma_start3A_42 : memref<1x10000x128xf32, #tpu.memory_space<hbm>> -> memref<10000x128xf32, #tpu.memory_space<hbm>>
      %dma_start3A_44 = arith.constant 0 : i32
      %dma_start3A_45 = arith.constant 0 : i32
      %dma_start3A_46 = tpu.memref_slice %dma_start3A_43[%dma_start3A_44, %dma_start3A_45] : memref<10000x128xf32, #tpu.memory_space<hbm>> -> memref<10000x128xf32, #tpu.memory_space<hbm>>
      tpu.enqueue_indirect_dma source(%dma_start3A_46 : memref<10000x128xf32, #tpu.memory_space<hbm>>) target(%arg9 : memref<80x128xf32, #tpu.memory_space<vmem>>) offsets(%dma_start3A_39 : memref<80xi32, #tpu.memory_space<vmem>>) semaphore(%arg12 : memref<!tpu.dma_semaphore, #tpu.memory_space<semaphore_mem>>)
      %scan3A_47 = arith.constant 1 : i32
      %scan3A_48 = arith.constant 0 : i32
      %scan3A_49 = arith.constant 61 : i32
      %scan3A_50 = arith.addi %scan3A_48, %scan3A_49 : i32
      %scan3A_51 = arith.constant 1 : i32
      scf.for %scan3A_138 = %scan3A_48 to %scan3A_50 step %scan3A_51  : i32 {
        %mul3A_139 = arith.constant 1 : i32
        %mul3A_140 = arith.muli %scan3A_138, %mul3A_139 : i32
        %add3A = arith.constant 0 : i32
        %add3A_141 = arith.addi %add3A, %mul3A_140 : i32
        %mul3A_142 = arith.constant 2 : i32
        %mul3A_143 = arith.muli %mul3A_142, %add3A_141 : i32
        %dma_wait3A_144 = arith.constant 0 : i32
        %dma_wait3A_145 = tpu.memref_slice %arg6[%dma_wait3A_144] : memref<10000xi32, #tpu.memory_space<vmem>> -> memref<80xi32, #tpu.memory_space<vmem>>
        %dma_wait3A_146 = arith.constant 0 : i32
        %dma_wait3A_147 = arith.constant 0 : i32
        %dma_wait3A_148 = tpu.memref_slice %arg2[%scan3A_47, %dma_wait3A_146, %dma_wait3A_147] : memref<4x10000x128xf32, #tpu.memory_space<hbm>> -> memref<1x10000x128xf32, #tpu.memory_space<hbm>>
        %dma_wait3A_149 = tpu.memref_squeeze %dma_wait3A_148 : memref<1x10000x128xf32, #tpu.memory_space<hbm>> -> memref<10000x128xf32, #tpu.memory_space<hbm>>
        %dma_wait3A_150 = arith.constant 0 : i32
        %dma_wait3A_151 = arith.constant 0 : i32
        %dma_wait3A_152 = tpu.memref_slice %dma_wait3A_149[%dma_wait3A_150, %dma_wait3A_151] : memref<10000x128xf32, #tpu.memory_space<hbm>> -> memref<10000x128xf32, #tpu.memory_space<hbm>>
        tpu.wait_indirect_dma semaphore(%arg11 : memref<!tpu.dma_semaphore, #tpu.memory_space<semaphore_mem>>) src(%dma_wait3A_152 : memref<10000x128xf32, #tpu.memory_space<hbm>>) dst(%arg8 : memref<80x128xf32, #tpu.memory_space<vmem>>)
        %dma_start3A_153 = arith.constant 0 : i32
        %dma_start3A_154 = tpu.memref_slice %arg7[%mul3A_143, %dma_start3A_153] : memref<125x80xi32, #tpu.memory_space<vmem>> -> memref<1x80xi32, #tpu.memory_space<vmem>>
        %dma_start3A_155 = tpu.memref_squeeze %dma_start3A_154 : memref<1x80xi32, #tpu.memory_space<vmem>> -> memref<80xi32, #tpu.memory_space<vmem>>
        %dma_start3A_156 = arith.constant 0 : i32
        %dma_start3A_157 = arith.constant 0 : i32
        %dma_start3A_158 = tpu.memref_slice %arg10[%dma_start3A_156, %dma_start3A_157] : memref<10240x128xf32, #tpu.memory_space<vmem_shared>> -> memref<10240x128xf32, #tpu.memory_space<vmem_shared>>
        tpu.enqueue_indirect_dma source(%arg8 : memref<80x128xf32, #tpu.memory_space<vmem>>) target(%dma_start3A_158 : memref<10240x128xf32, #tpu.memory_space<vmem_shared>>) offsets(%dma_start3A_155 : memref<80xi32, #tpu.memory_space<vmem>>) semaphore(%arg13 : memref<!tpu.dma_semaphore, #tpu.memory_space<semaphore_mem>>) {add = true}
        %dma_wait3A_159 = arith.constant 0 : i32
        %dma_wait3A_160 = tpu.memref_slice %arg6[%dma_wait3A_159] : memref<10000xi32, #tpu.memory_space<vmem>> -> memref<80xi32, #tpu.memory_space<vmem>>
        %dma_wait3A_161 = arith.constant 0 : i32
        %dma_wait3A_162 = arith.constant 0 : i32
        %dma_wait3A_163 = tpu.memref_slice %arg2[%scan3A_47, %dma_wait3A_161, %dma_wait3A_162] : memref<4x10000x128xf32, #tpu.memory_space<hbm>> -> memref<1x10000x128xf32, #tpu.memory_space<hbm>>
        %dma_wait3A_164 = tpu.memref_squeeze %dma_wait3A_163 : memref<1x10000x128xf32, #tpu.memory_space<hbm>> -> memref<10000x128xf32, #tpu.memory_space<hbm>>
        %dma_wait3A_165 = arith.constant 0 : i32
        %dma_wait3A_166 = arith.constant 0 : i32
        %dma_wait3A_167 = tpu.memref_slice %dma_wait3A_164[%dma_wait3A_165, %dma_wait3A_166] : memref<10000x128xf32, #tpu.memory_space<hbm>> -> memref<10000x128xf32, #tpu.memory_space<hbm>>
        tpu.wait_indirect_dma semaphore(%arg12 : memref<!tpu.dma_semaphore, #tpu.memory_space<semaphore_mem>>) src(%dma_wait3A_167 : memref<10000x128xf32, #tpu.memory_space<hbm>>) dst(%arg9 : memref<80x128xf32, #tpu.memory_space<vmem>>)
        %add3A_168 = arith.constant 1 : i32
        %add3A_169 = arith.addi %mul3A_143, %add3A_168 : i32
        %dma_start3A_170 = arith.constant 0 : i32
        %dma_start3A_171 = tpu.memref_slice %arg7[%add3A_169, %dma_start3A_170] : memref<125x80xi32, #tpu.memory_space<vmem>> -> memref<1x80xi32, #tpu.memory_space<vmem>>
        %dma_start3A_172 = tpu.memref_squeeze %dma_start3A_171 : memref<1x80xi32, #tpu.memory_space<vmem>> -> memref<80xi32, #tpu.memory_space<vmem>>
        %dma_start3A_173 = arith.constant 0 : i32
        %dma_start3A_174 = arith.constant 0 : i32
        %dma_start3A_175 = tpu.memref_slice %arg10[%dma_start3A_173, %dma_start3A_174] : memref<10240x128xf32, #tpu.memory_space<vmem_shared>> -> memref<10240x128xf32, #tpu.memory_space<vmem_shared>>
        tpu.enqueue_indirect_dma source(%arg9 : memref<80x128xf32, #tpu.memory_space<vmem>>) target(%dma_start3A_175 : memref<10240x128xf32, #tpu.memory_space<vmem_shared>>) offsets(%dma_start3A_172 : memref<80xi32, #tpu.memory_space<vmem>>) semaphore(%arg14 : memref<!tpu.dma_semaphore, #tpu.memory_space<semaphore_mem>>) {add = true}
        %dma_wait3A_176 = arith.constant 0 : i32
        %dma_wait3A_177 = arith.constant 0 : i32
        %dma_wait3A_178 = tpu.memref_slice %arg7[%dma_wait3A_176, %dma_wait3A_177] : memref<125x80xi32, #tpu.memory_space<vmem>> -> memref<1x80xi32, #tpu.memory_space<vmem>>
        %dma_wait3A_179 = tpu.memref_squeeze %dma_wait3A_178 : memref<1x80xi32, #tpu.memory_space<vmem>> -> memref<80xi32, #tpu.memory_space<vmem>>
        %dma_wait3A_180 = arith.constant 0 : i32
        %dma_wait3A_181 = arith.constant 0 : i32
        %dma_wait3A_182 = tpu.memref_slice %arg10[%dma_wait3A_180, %dma_wait3A_181] : memref<10240x128xf32, #tpu.memory_space<vmem_shared>> -> memref<10240x128xf32, #tpu.memory_space<vmem_shared>>
        tpu.wait_indirect_dma semaphore(%arg13 : memref<!tpu.dma_semaphore, #tpu.memory_space<semaphore_mem>>) src(%arg8 : memref<80x128xf32, #tpu.memory_space<vmem>>) dst(%dma_wait3A_182 : memref<10240x128xf32, #tpu.memory_space<vmem_shared>>)
        %add3A_183 = arith.constant 2 : i32
        %add3A_184 = arith.addi %mul3A_143, %add3A_183 : i32
        %mul3A_185 = arith.constant 80 : i32
        %mul3A_186 = arith.muli %add3A_184, %mul3A_185 : i32
        %multiple_of3A_187 = tpu.assume_multiple %mul3A_186, 8 : i32
        %dma_start3A_188 = tpu.memref_slice %arg6[%multiple_of3A_187] : memref<10000xi32, #tpu.memory_space<vmem>> -> memref<80xi32, #tpu.memory_space<vmem>>
        %dma_start3A_189 = arith.constant 0 : i32
        %dma_start3A_190 = arith.constant 0 : i32
        %dma_start3A_191 = tpu.memref_slice %arg2[%scan3A_47, %dma_start3A_189, %dma_start3A_190] : memref<4x10000x128xf32, #tpu.memory_space<hbm>> -> memref<1x10000x128xf32, #tpu.memory_space<hbm>>
        %dma_start3A_192 = tpu.memref_squeeze %dma_start3A_191 : memref<1x10000x128xf32, #tpu.memory_space<hbm>> -> memref<10000x128xf32, #tpu.memory_space<hbm>>
        %dma_start3A_193 = arith.constant 0 : i32
        %dma_start3A_194 = arith.constant 0 : i32
        %dma_start3A_195 = tpu.memref_slice %dma_start3A_192[%dma_start3A_193, %dma_start3A_194] : memref<10000x128xf32, #tpu.memory_space<hbm>> -> memref<10000x128xf32, #tpu.memory_space<hbm>>
        tpu.enqueue_indirect_dma source(%dma_start3A_195 : memref<10000x128xf32, #tpu.memory_space<hbm>>) target(%arg8 : memref<80x128xf32, #tpu.memory_space<vmem>>) offsets(%dma_start3A_188 : memref<80xi32, #tpu.memory_space<vmem>>) semaphore(%arg11 : memref<!tpu.dma_semaphore, #tpu.memory_space<semaphore_mem>>)
        %dma_wait3A_196 = arith.constant 0 : i32
        %dma_wait3A_197 = arith.constant 0 : i32
        %dma_wait3A_198 = tpu.memref_slice %arg7[%dma_wait3A_196, %dma_wait3A_197] : memref<125x80xi32, #tpu.memory_space<vmem>> -> memref<1x80xi32, #tpu.memory_space<vmem>>
        %dma_wait3A_199 = tpu.memref_squeeze %dma_wait3A_198 : memref<1x80xi32, #tpu.memory_space<vmem>> -> memref<80xi32, #tpu.memory_space<vmem>>
        %dma_wait3A_200 = arith.constant 0 : i32
        %dma_wait3A_201 = arith.constant 0 : i32
        %dma_wait3A_202 = tpu.memref_slice %arg10[%dma_wait3A_200, %dma_wait3A_201] : memref<10240x128xf32, #tpu.memory_space<vmem_shared>> -> memref<10240x128xf32, #tpu.memory_space<vmem_shared>>
        tpu.wait_indirect_dma semaphore(%arg14 : memref<!tpu.dma_semaphore, #tpu.memory_space<semaphore_mem>>) src(%arg9 : memref<80x128xf32, #tpu.memory_space<vmem>>) dst(%dma_wait3A_202 : memref<10240x128xf32, #tpu.memory_space<vmem_shared>>)
        %add3A_203 = arith.constant 3 : i32
        %add3A_204 = arith.addi %mul3A_143, %add3A_203 : i32
        %mul3A_205 = arith.constant 80 : i32
        %mul3A_206 = arith.muli %add3A_204, %mul3A_205 : i32
        %multiple_of3A_207 = tpu.assume_multiple %mul3A_206, 8 : i32
        %dma_start3A_208 = tpu.memref_slice %arg6[%multiple_of3A_207] : memref<10000xi32, #tpu.memory_space<vmem>> -> memref<80xi32, #tpu.memory_space<vmem>>
        %dma_start3A_209 = arith.constant 0 : i32
        %dma_start3A_210 = arith.constant 0 : i32
        %dma_start3A_211 = tpu.memref_slice %arg2[%scan3A_47, %dma_start3A_209, %dma_start3A_210] : memref<4x10000x128xf32, #tpu.memory_space<hbm>> -> memref<1x10000x128xf32, #tpu.memory_space<hbm>>
        %dma_start3A_212 = tpu.memref_squeeze %dma_start3A_211 : memref<1x10000x128xf32, #tpu.memory_space<hbm>> -> memref<10000x128xf32, #tpu.memory_space<hbm>>
        %dma_start3A_213 = arith.constant 0 : i32
        %dma_start3A_214 = arith.constant 0 : i32
        %dma_start3A_215 = tpu.memref_slice %dma_start3A_212[%dma_start3A_213, %dma_start3A_214] : memref<10000x128xf32, #tpu.memory_space<hbm>> -> memref<10000x128xf32, #tpu.memory_space<hbm>>
        tpu.enqueue_indirect_dma source(%dma_start3A_215 : memref<10000x128xf32, #tpu.memory_space<hbm>>) target(%arg9 : memref<80x128xf32, #tpu.memory_space<vmem>>) offsets(%dma_start3A_208 : memref<80xi32, #tpu.memory_space<vmem>>) semaphore(%arg12 : memref<!tpu.dma_semaphore, #tpu.memory_space<semaphore_mem>>)
      }
      %scan3A_52 = arith.constant 61 : i32
      %dma_wait3A = arith.constant 1 : i32
      %dma_wait3A_53 = arith.constant 0 : i32
      %dma_wait3A_54 = tpu.memref_slice %arg6[%dma_wait3A_53] : memref<10000xi32, #tpu.memory_space<vmem>> -> memref<80xi32, #tpu.memory_space<vmem>>
      %dma_wait3A_55 = arith.constant 0 : i32
      %dma_wait3A_56 = arith.constant 0 : i32
      %dma_wait3A_57 = tpu.memref_slice %arg2[%dma_wait3A, %dma_wait3A_55, %dma_wait3A_56] : memref<4x10000x128xf32, #tpu.memory_space<hbm>> -> memref<1x10000x128xf32, #tpu.memory_space<hbm>>
      %dma_wait3A_58 = tpu.memref_squeeze %dma_wait3A_57 : memref<1x10000x128xf32, #tpu.memory_space<hbm>> -> memref<10000x128xf32, #tpu.memory_space<hbm>>
      %dma_wait3A_59 = arith.constant 0 : i32
      %dma_wait3A_60 = arith.constant 0 : i32
      %dma_wait3A_61 = tpu.memref_slice %dma_wait3A_58[%dma_wait3A_59, %dma_wait3A_60] : memref<10000x128xf32, #tpu.memory_space<hbm>> -> memref<10000x128xf32, #tpu.memory_space<hbm>>
      tpu.wait_indirect_dma semaphore(%arg11 : memref<!tpu.dma_semaphore, #tpu.memory_space<semaphore_mem>>) src(%dma_wait3A_61 : memref<10000x128xf32, #tpu.memory_space<hbm>>) dst(%arg8 : memref<80x128xf32, #tpu.memory_space<vmem>>)
      %dma_start3A_62 = arith.constant 122 : i32
      %dma_start3A_63 = arith.constant 0 : i32
      %dma_start3A_64 = tpu.memref_slice %arg7[%dma_start3A_62, %dma_start3A_63] : memref<125x80xi32, #tpu.memory_space<vmem>> -> memref<1x80xi32, #tpu.memory_space<vmem>>
      %dma_start3A_65 = tpu.memref_squeeze %dma_start3A_64 : memref<1x80xi32, #tpu.memory_space<vmem>> -> memref<80xi32, #tpu.memory_space<vmem>>
      %dma_start3A_66 = arith.constant 0 : i32
      %dma_start3A_67 = arith.constant 0 : i32
      %dma_start3A_68 = tpu.memref_slice %arg10[%dma_start3A_66, %dma_start3A_67] : memref<10240x128xf32, #tpu.memory_space<vmem_shared>> -> memref<10240x128xf32, #tpu.memory_space<vmem_shared>>
      tpu.enqueue_indirect_dma source(%arg8 : memref<80x128xf32, #tpu.memory_space<vmem>>) target(%dma_start3A_68 : memref<10240x128xf32, #tpu.memory_space<vmem_shared>>) offsets(%dma_start3A_65 : memref<80xi32, #tpu.memory_space<vmem>>) semaphore(%arg13 : memref<!tpu.dma_semaphore, #tpu.memory_space<semaphore_mem>>) {add = true}
      %dma_wait3A_69 = arith.constant 1 : i32
      %dma_wait3A_70 = arith.constant 0 : i32
      %dma_wait3A_71 = tpu.memref_slice %arg6[%dma_wait3A_70] : memref<10000xi32, #tpu.memory_space<vmem>> -> memref<80xi32, #tpu.memory_space<vmem>>
      %dma_wait3A_72 = arith.constant 0 : i32
      %dma_wait3A_73 = arith.constant 0 : i32
      %dma_wait3A_74 = tpu.memref_slice %arg2[%dma_wait3A_69, %dma_wait3A_72, %dma_wait3A_73] : memref<4x10000x128xf32, #tpu.memory_space<hbm>> -> memref<1x10000x128xf32, #tpu.memory_space<hbm>>
      %dma_wait3A_75 = tpu.memref_squeeze %dma_wait3A_74 : memref<1x10000x128xf32, #tpu.memory_space<hbm>> -> memref<10000x128xf32, #tpu.memory_space<hbm>>
      %dma_wait3A_76 = arith.constant 0 : i32
      %dma_wait3A_77 = arith.constant 0 : i32
      %dma_wait3A_78 = tpu.memref_slice %dma_wait3A_75[%dma_wait3A_76, %dma_wait3A_77] : memref<10000x128xf32, #tpu.memory_space<hbm>> -> memref<10000x128xf32, #tpu.memory_space<hbm>>
      tpu.wait_indirect_dma semaphore(%arg12 : memref<!tpu.dma_semaphore, #tpu.memory_space<semaphore_mem>>) src(%dma_wait3A_78 : memref<10000x128xf32, #tpu.memory_space<hbm>>) dst(%arg9 : memref<80x128xf32, #tpu.memory_space<vmem>>)
      %dma_start3A_79 = arith.constant 123 : i32
      %dma_start3A_80 = arith.constant 0 : i32
      %dma_start3A_81 = tpu.memref_slice %arg7[%dma_start3A_79, %dma_start3A_80] : memref<125x80xi32, #tpu.memory_space<vmem>> -> memref<1x80xi32, #tpu.memory_space<vmem>>
      %dma_start3A_82 = tpu.memref_squeeze %dma_start3A_81 : memref<1x80xi32, #tpu.memory_space<vmem>> -> memref<80xi32, #tpu.memory_space<vmem>>
      %dma_start3A_83 = arith.constant 0 : i32
      %dma_start3A_84 = arith.constant 0 : i32
      %dma_start3A_85 = tpu.memref_slice %arg10[%dma_start3A_83, %dma_start3A_84] : memref<10240x128xf32, #tpu.memory_space<vmem_shared>> -> memref<10240x128xf32, #tpu.memory_space<vmem_shared>>
      tpu.enqueue_indirect_dma source(%arg9 : memref<80x128xf32, #tpu.memory_space<vmem>>) target(%dma_start3A_85 : memref<10240x128xf32, #tpu.memory_space<vmem_shared>>) offsets(%dma_start3A_82 : memref<80xi32, #tpu.memory_space<vmem>>) semaphore(%arg14 : memref<!tpu.dma_semaphore, #tpu.memory_space<semaphore_mem>>) {add = true}
      %dma_wait3A_86 = arith.constant 0 : i32
      %dma_wait3A_87 = arith.constant 0 : i32
      %dma_wait3A_88 = tpu.memref_slice %arg7[%dma_wait3A_86, %dma_wait3A_87] : memref<125x80xi32, #tpu.memory_space<vmem>> -> memref<1x80xi32, #tpu.memory_space<vmem>>
      %dma_wait3A_89 = tpu.memref_squeeze %dma_wait3A_88 : memref<1x80xi32, #tpu.memory_space<vmem>> -> memref<80xi32, #tpu.memory_space<vmem>>
      %dma_wait3A_90 = arith.constant 0 : i32
      %dma_wait3A_91 = arith.constant 0 : i32
      %dma_wait3A_92 = tpu.memref_slice %arg10[%dma_wait3A_90, %dma_wait3A_91] : memref<10240x128xf32, #tpu.memory_space<vmem_shared>> -> memref<10240x128xf32, #tpu.memory_space<vmem_shared>>
      tpu.wait_indirect_dma semaphore(%arg13 : memref<!tpu.dma_semaphore, #tpu.memory_space<semaphore_mem>>) src(%arg8 : memref<80x128xf32, #tpu.memory_space<vmem>>) dst(%dma_wait3A_92 : memref<10240x128xf32, #tpu.memory_space<vmem_shared>>)
      %multiple_of3A_93 = arith.constant 9920 : i32
      %multiple_of3A_94 = tpu.assume_multiple %multiple_of3A_93, 8 : i32
      %dma_start3A_95 = arith.constant 1 : i32
      %dma_start3A_96 = tpu.memref_slice %arg6[%multiple_of3A_94] : memref<10000xi32, #tpu.memory_space<vmem>> -> memref<80xi32, #tpu.memory_space<vmem>>
      %dma_start3A_97 = arith.constant 0 : i32
      %dma_start3A_98 = arith.constant 0 : i32
      %dma_start3A_99 = tpu.memref_slice %arg2[%dma_start3A_95, %dma_start3A_97, %dma_start3A_98] : memref<4x10000x128xf32, #tpu.memory_space<hbm>> -> memref<1x10000x128xf32, #tpu.memory_space<hbm>>
      %dma_start3A_100 = tpu.memref_squeeze %dma_start3A_99 : memref<1x10000x128xf32, #tpu.memory_space<hbm>> -> memref<10000x128xf32, #tpu.memory_space<hbm>>
      %dma_start3A_101 = arith.constant 0 : i32
      %dma_start3A_102 = arith.constant 0 : i32
      %dma_start3A_103 = tpu.memref_slice %dma_start3A_100[%dma_start3A_101, %dma_start3A_102] : memref<10000x128xf32, #tpu.memory_space<hbm>> -> memref<10000x128xf32, #tpu.memory_space<hbm>>
      tpu.enqueue_indirect_dma source(%dma_start3A_103 : memref<10000x128xf32, #tpu.memory_space<hbm>>) target(%arg8 : memref<80x128xf32, #tpu.memory_space<vmem>>) offsets(%dma_start3A_96 : memref<80xi32, #tpu.memory_space<vmem>>) semaphore(%arg11 : memref<!tpu.dma_semaphore, #tpu.memory_space<semaphore_mem>>)
      %dma_wait3A_104 = arith.constant 1 : i32
      %dma_wait3A_105 = arith.constant 0 : i32
      %dma_wait3A_106 = tpu.memref_slice %arg6[%dma_wait3A_105] : memref<10000xi32, #tpu.memory_space<vmem>> -> memref<80xi32, #tpu.memory_space<vmem>>
      %dma_wait3A_107 = arith.constant 0 : i32
      %dma_wait3A_108 = arith.constant 0 : i32
      %dma_wait3A_109 = tpu.memref_slice %arg2[%dma_wait3A_104, %dma_wait3A_107, %dma_wait3A_108] : memref<4x10000x128xf32, #tpu.memory_space<hbm>> -> memref<1x10000x128xf32, #tpu.memory_space<hbm>>
      %dma_wait3A_110 = tpu.memref_squeeze %dma_wait3A_109 : memref<1x10000x128xf32, #tpu.memory_space<hbm>> -> memref<10000x128xf32, #tpu.memory_space<hbm>>
      %dma_wait3A_111 = arith.constant 0 : i32
      %dma_wait3A_112 = arith.constant 0 : i32
      %dma_wait3A_113 = tpu.memref_slice %dma_wait3A_110[%dma_wait3A_111, %dma_wait3A_112] : memref<10000x128xf32, #tpu.memory_space<hbm>> -> memref<10000x128xf32, #tpu.memory_space<hbm>>
      tpu.wait_indirect_dma semaphore(%arg11 : memref<!tpu.dma_semaphore, #tpu.memory_space<semaphore_mem>>) src(%dma_wait3A_113 : memref<10000x128xf32, #tpu.memory_space<hbm>>) dst(%arg8 : memref<80x128xf32, #tpu.memory_space<vmem>>)
      %dma_start3A_114 = arith.constant 124 : i32
      %dma_start3A_115 = arith.constant 0 : i32
      %dma_start3A_116 = tpu.memref_slice %arg7[%dma_start3A_114, %dma_start3A_115] : memref<125x80xi32, #tpu.memory_space<vmem>> -> memref<1x80xi32, #tpu.memory_space<vmem>>
      %dma_start3A_117 = tpu.memref_squeeze %dma_start3A_116 : memref<1x80xi32, #tpu.memory_space<vmem>> -> memref<80xi32, #tpu.memory_space<vmem>>
      %dma_start3A_118 = arith.constant 0 : i32
      %dma_start3A_119 = arith.constant 0 : i32
      %dma_start3A_120 = tpu.memref_slice %arg10[%dma_start3A_118, %dma_start3A_119] : memref<10240x128xf32, #tpu.memory_space<vmem_shared>> -> memref<10240x128xf32, #tpu.memory_space<vmem_shared>>
      tpu.enqueue_indirect_dma source(%arg8 : memref<80x128xf32, #tpu.memory_space<vmem>>) target(%dma_start3A_120 : memref<10240x128xf32, #tpu.memory_space<vmem_shared>>) offsets(%dma_start3A_117 : memref<80xi32, #tpu.memory_space<vmem>>) semaphore(%arg13 : memref<!tpu.dma_semaphore, #tpu.memory_space<semaphore_mem>>) {add = true}
      %dma_wait3A_121 = arith.constant 0 : i32
      %dma_wait3A_122 = arith.constant 0 : i32
      %dma_wait3A_123 = tpu.memref_slice %arg7[%dma_wait3A_121, %dma_wait3A_122] : memref<125x80xi32, #tpu.memory_space<vmem>> -> memref<1x80xi32, #tpu.memory_space<vmem>>
      %dma_wait3A_124 = tpu.memref_squeeze %dma_wait3A_123 : memref<1x80xi32, #tpu.memory_space<vmem>> -> memref<80xi32, #tpu.memory_space<vmem>>
      %dma_wait3A_125 = arith.constant 0 : i32
      %dma_wait3A_126 = arith.constant 0 : i32
      %dma_wait3A_127 = tpu.memref_slice %arg10[%dma_wait3A_125, %dma_wait3A_126] : memref<10240x128xf32, #tpu.memory_space<vmem_shared>> -> memref<10240x128xf32, #tpu.memory_space<vmem_shared>>
      tpu.wait_indirect_dma semaphore(%arg14 : memref<!tpu.dma_semaphore, #tpu.memory_space<semaphore_mem>>) src(%arg9 : memref<80x128xf32, #tpu.memory_space<vmem>>) dst(%dma_wait3A_127 : memref<10240x128xf32, #tpu.memory_space<vmem_shared>>)
      %dma_wait3A_128 = arith.constant 0 : i32
      %dma_wait3A_129 = arith.constant 0 : i32
      %dma_wait3A_130 = tpu.memref_slice %arg7[%dma_wait3A_128, %dma_wait3A_129] : memref<125x80xi32, #tpu.memory_space<vmem>> -> memref<1x80xi32, #tpu.memory_space<vmem>>
      %dma_wait3A_131 = tpu.memref_squeeze %dma_wait3A_130 : memref<1x80xi32, #tpu.memory_space<vmem>> -> memref<80xi32, #tpu.memory_space<vmem>>
      %dma_wait3A_132 = arith.constant 0 : i32
      %dma_wait3A_133 = arith.constant 0 : i32
      %dma_wait3A_134 = tpu.memref_slice %arg10[%dma_wait3A_132, %dma_wait3A_133] : memref<10240x128xf32, #tpu.memory_space<vmem_shared>> -> memref<10240x128xf32, #tpu.memory_space<vmem_shared>>
      tpu.wait_indirect_dma semaphore(%arg13 : memref<!tpu.dma_semaphore, #tpu.memory_space<semaphore_mem>>) src(%arg8 : memref<80x128xf32, #tpu.memory_space<vmem>>) dst(%dma_wait3A_134 : memref<10240x128xf32, #tpu.memory_space<vmem_shared>>)
      %barrier3A_135 = arith.constant 0 : index
      tpu.barrier barrier_id(%barrier3A_135)
      %mul3A_136 = arith.constant 640 : i32
      %mul3A_137 = arith.muli %arg1, %mul3A_136 : i32
      %run_scoped3A = arith.constant 1 : i32
      "tpu.region"() ({
        %run_scoped3A_138 = tpu.sem_alloc : memref<!tpu.dma_semaphore, #tpu.memory_space<semaphore_mem>>
        %dma_start3A_139 = arith.constant 0 : i32
        %dma_start3A_140 = arith.constant 0 : i32
        %dma_start3A_141 = tpu.memref_slice %arg5[%run_scoped3A, %dma_start3A_139, %dma_start3A_140] : memref<4x10240x128xf32, #tpu.memory_space<hbm>> -> memref<1x10240x128xf32, #tpu.memory_space<hbm>>
        %dma_start3A_142 = tpu.memref_squeeze %dma_start3A_141 : memref<1x10240x128xf32, #tpu.memory_space<hbm>> -> memref<10240x128xf32, #tpu.memory_space<hbm>>
        %dma_start3A_143 = arith.constant 0 : i32
        %dma_start3A_144 = tpu.memref_slice %dma_start3A_142[%mul3A_137, %dma_start3A_143] : memref<10240x128xf32, #tpu.memory_space<hbm>> -> memref<640x128xf32, #tpu.memory_space<hbm>>
        %dma_start3A_145 = arith.constant 0 : i32
        %dma_start3A_146 = tpu.memref_slice %arg10[%mul3A_137, %dma_start3A_145] : memref<10240x128xf32, #tpu.memory_space<vmem_shared>> -> memref<640x128xf32, #tpu.memory_space<vmem_shared>>
        tpu.enqueue_dma source(%dma_start3A_146 : memref<640x128xf32, #tpu.memory_space<vmem_shared>>) target(%dma_start3A_144 : memref<640x128xf32, #tpu.memory_space<hbm>>) target_semaphore(%run_scoped3A_138 : memref<!tpu.dma_semaphore, #tpu.memory_space<semaphore_mem>>)
        %dma_wait3A_147 = arith.constant 0 : i32
        %dma_wait3A_148 = arith.constant 0 : i32
        %dma_wait3A_149 = tpu.memref_slice %arg5[%run_scoped3A, %dma_wait3A_147, %dma_wait3A_148] : memref<4x10240x128xf32, #tpu.memory_space<hbm>> -> memref<1x10240x128xf32, #tpu.memory_space<hbm>>
        %dma_wait3A_150 = tpu.memref_squeeze %dma_wait3A_149 : memref<1x10240x128xf32, #tpu.memory_space<hbm>> -> memref<10240x128xf32, #tpu.memory_space<hbm>>
        %dma_wait3A_151 = arith.constant 0 : i32
        %dma_wait3A_152 = tpu.memref_slice %dma_wait3A_150[%mul3A_137, %dma_wait3A_151] : memref<10240x128xf32, #tpu.memory_space<hbm>> -> memref<640x128xf32, #tpu.memory_space<hbm>>
        %dma_wait3A_153 = arith.constant 0 : i32
        %dma_wait3A_154 = tpu.memref_slice %arg10[%mul3A_137, %dma_wait3A_153] : memref<10240x128xf32, #tpu.memory_space<vmem_shared>> -> memref<640x128xf32, #tpu.memory_space<vmem_shared>>
        tpu.wait_dma2 semaphore(%run_scoped3A_138 : memref<!tpu.dma_semaphore, #tpu.memory_space<semaphore_mem>>) src(%dma_wait3A_154 : memref<640x128xf32, #tpu.memory_space<vmem_shared>>) dst(%dma_wait3A_152 : memref<640x128xf32, #tpu.memory_space<hbm>>)
        tpu.yield
      }) : () -> ()
    } else {
    }
    %eq3A_8 = arith.constant 1 : i32
    %eq3A_9 = arith.cmpi eq, %arg0, %eq3A_8 : i32
    %convert_element_type3A_10 = arith.extui %eq3A_9 : i1 to i32
    %cond3A_11 = arith.constant 0 : i32
    %cond3A_12 = arith.cmpi ne, %convert_element_type3A_10, %cond3A_11 : i32
    scf.if %cond3A_12 {
      %scan3A = arith.constant 0 : i32
      %scan3A_18 = arith.constant 80 : i32
      %scan3A_19 = arith.addi %scan3A, %scan3A_18 : i32
      %scan3A_20 = arith.constant 1 : i32
      scf.for %scan3A_138 = %scan3A to %scan3A_19 step %scan3A_20  : i32 {
        %mul3A_139 = arith.constant 1 : i32
        %mul3A_140 = arith.muli %scan3A_138, %mul3A_139 : i32
        %add3A = arith.constant 0 : i32
        %add3A_141 = arith.addi %add3A, %mul3A_140 : i32
        %scan3A_142 = arith.constant 0 : i32
        %scan3A_143 = arith.constant 8 : i32
        %scan3A_144 = arith.addi %scan3A_142, %scan3A_143 : i32
        %scan3A_145 = arith.constant 1 : i32
        scf.for %scan3A_147 = %scan3A_142 to %scan3A_144 step %scan3A_145  : i32 {
          %mul3A_148 = arith.constant 16 : i32
          %mul3A_149 = arith.muli %scan3A_147, %mul3A_148 : i32
          %add3A_150 = arith.constant 0 : i32
          %add3A_151 = arith.addi %add3A_150, %mul3A_149 : i32
          %broadcast_in_dim3A = arith.constant 0.000000e+00 : f32
          %broadcast_in_dim3A_152 = vector.broadcast %broadcast_in_dim3A : f32 to vector<16xf32>
          %swap3A = arith.index_cast %add3A_141 : i32 to index
          %swap3A_153 = arith.index_cast %add3A_151 : i32 to index
          %swap3A_154 = tpu.vector_load %arg8[%swap3A, %swap3A_153] {strides = array<i32>} : memref<80x128xf32, #tpu.memory_space<vmem>>, vector<1x16xf32>,
          %swap3A_155 = vector.shape_cast %swap3A_154 : vector<1x16xf32> to vector<16xf32>
          %swap3A_156 = vector.shape_cast %broadcast_in_dim3A_152 : vector<16xf32> to vector<1x16xf32>
          tpu.vector_store %arg8[%swap3A, %swap3A_153], %swap3A_156 {strides = array<i32>} : memref<80x128xf32, #tpu.memory_space<vmem>>, vector<1x16xf32>,
        }
        %scan3A_146 = arith.constant 8 : i32
      }
      %scan3A_21 = arith.constant 80 : i32
      %scan3A_22 = arith.constant 0 : i32
      %scan3A_23 = arith.constant 8 : i32
      %scan3A_24 = arith.addi %scan3A_22, %scan3A_23 : i32
      %scan3A_25 = arith.constant 1 : i32
      scf.for %scan3A_138 = %scan3A_22 to %scan3A_24 step %scan3A_25  : i32 {
        %mul3A_139 = arith.constant 1 : i32
        %mul3A_140 = arith.muli %scan3A_138, %mul3A_139 : i32
        %add3A = arith.constant 0 : i32
        %add3A_141 = arith.addi %add3A, %mul3A_140 : i32
        %mul3A_142 = arith.constant 640 : i32
        %mul3A_143 = arith.muli %arg1, %mul3A_142 : i32
        %mul3A_144 = arith.constant 80 : i32
        %mul3A_145 = arith.muli %add3A_141, %mul3A_144 : i32
        %add3A_146 = arith.addi %mul3A_143, %mul3A_145 : i32
        "tpu.region"() ({
          %run_scoped3A_147 = tpu.sem_alloc : memref<!tpu.dma_semaphore, #tpu.memory_space<semaphore_mem>>
          %dma_start3A_148 = arith.constant 0 : i32
          %dma_start3A_149 = tpu.memref_slice %arg10[%add3A_146, %dma_start3A_148] : memref<10240x128xf32, #tpu.memory_space<vmem_shared>> -> memref<80x128xf32, #tpu.memory_space<vmem_shared>>
          %dma_start3A_150 = arith.constant 0 : i32
          %dma_start3A_151 = tpu.memref_slice %arg10[%add3A_146, %dma_start3A_150] : memref<10240x128xf32, #tpu.memory_space<vmem_shared>> -> memref<80x128xf32, #tpu.memory_space<vmem_shared>>
          tpu.enqueue_dma source(%arg8 : memref<80x128xf32, #tpu.memory_space<vmem>>) target(%dma_start3A_151 : memref<80x128xf32, #tpu.memory_space<vmem_shared>>) target_semaphore(%run_scoped3A_147 : memref<!tpu.dma_semaphore, #tpu.memory_space<semaphore_mem>>)
          %dma_wait3A_152 = arith.constant 0 : i32
          %dma_wait3A_153 = tpu.memref_slice %arg10[%add3A_146, %dma_wait3A_152] : memref<10240x128xf32, #tpu.memory_space<vmem_shared>> -> memref<80x128xf32, #tpu.memory_space<vmem_shared>>
          %dma_wait3A_154 = arith.constant 0 : i32
          %dma_wait3A_155 = tpu.memref_slice %arg10[%add3A_146, %dma_wait3A_154] : memref<10240x128xf32, #tpu.memory_space<vmem_shared>> -> memref<80x128xf32, #tpu.memory_space<vmem_shared>>
          tpu.wait_dma2 semaphore(%run_scoped3A_147 : memref<!tpu.dma_semaphore, #tpu.memory_space<semaphore_mem>>) src(%arg8 : memref<80x128xf32, #tpu.memory_space<vmem>>) dst(%dma_wait3A_155 : memref<80x128xf32, #tpu.memory_space<vmem_shared>>)
          tpu.yield
        }) : () -> ()
      }
      %scan3A_26 = arith.constant 8 : i32
      %barrier3A = arith.constant 0 : index
      tpu.barrier barrier_id(%barrier3A)
      %multiple_of3A = arith.constant 0 : i32
      %multiple_of3A_27 = tpu.assume_multiple %multiple_of3A, 8 : i32
      %dma_start3A = arith.constant 2 : i32
      %dma_start3A_28 = tpu.memref_slice %arg6[%multiple_of3A_27] : memref<10000xi32, #tpu.memory_space<vmem>> -> memref<80xi32, #tpu.memory_space<vmem>>
      %dma_start3A_29 = arith.constant 0 : i32
      %dma_start3A_30 = arith.constant 0 : i32
      %dma_start3A_31 = tpu.memref_slice %arg2[%dma_start3A, %dma_start3A_29, %dma_start3A_30] : memref<4x10000x128xf32, #tpu.memory_space<hbm>> -> memref<1x10000x128xf32, #tpu.memory_space<hbm>>
      %dma_start3A_32 = tpu.memref_squeeze %dma_start3A_31 : memref<1x10000x128xf32, #tpu.memory_space<hbm>> -> memref<10000x128xf32, #tpu.memory_space<hbm>>
      %dma_start3A_33 = arith.constant 0 : i32
      %dma_start3A_34 = arith.constant 0 : i32
      %dma_start3A_35 = tpu.memref_slice %dma_start3A_32[%dma_start3A_33, %dma_start3A_34] : memref<10000x128xf32, #tpu.memory_space<hbm>> -> memref<10000x128xf32, #tpu.memory_space<hbm>>
      tpu.enqueue_indirect_dma source(%dma_start3A_35 : memref<10000x128xf32, #tpu.memory_space<hbm>>) target(%arg8 : memref<80x128xf32, #tpu.memory_space<vmem>>) offsets(%dma_start3A_28 : memref<80xi32, #tpu.memory_space<vmem>>) semaphore(%arg11 : memref<!tpu.dma_semaphore, #tpu.memory_space<semaphore_mem>>)
      %multiple_of3A_36 = arith.constant 80 : i32
      %multiple_of3A_37 = tpu.assume_multiple %multiple_of3A_36, 8 : i32
      %dma_start3A_38 = arith.constant 2 : i32
      %dma_start3A_39 = tpu.memref_slice %arg6[%multiple_of3A_37] : memref<10000xi32, #tpu.memory_space<vmem>> -> memref<80xi32, #tpu.memory_space<vmem>>
      %dma_start3A_40 = arith.constant 0 : i32
      %dma_start3A_41 = arith.constant 0 : i32
      %dma_start3A_42 = tpu.memref_slice %arg2[%dma_start3A_38, %dma_start3A_40, %dma_start3A_41] : memref<4x10000x128xf32, #tpu.memory_space<hbm>> -> memref<1x10000x128xf32, #tpu.memory_space<hbm>>
      %dma_start3A_43 = tpu.memref_squeeze %dma_start3A_42 : memref<1x10000x128xf32, #tpu.memory_space<hbm>> -> memref<10000x128xf32, #tpu.memory_space<hbm>>
      %dma_start3A_44 = arith.constant 0 : i32
      %dma_start3A_45 = arith.constant 0 : i32
      %dma_start3A_46 = tpu.memref_slice %dma_start3A_43[%dma_start3A_44, %dma_start3A_45] : memref<10000x128xf32, #tpu.memory_space<hbm>> -> memref<10000x128xf32, #tpu.memory_space<hbm>>
      tpu.enqueue_indirect_dma source(%dma_start3A_46 : memref<10000x128xf32, #tpu.memory_space<hbm>>) target(%arg9 : memref<80x128xf32, #tpu.memory_space<vmem>>) offsets(%dma_start3A_39 : memref<80xi32, #tpu.memory_space<vmem>>) semaphore(%arg12 : memref<!tpu.dma_semaphore, #tpu.memory_space<semaphore_mem>>)
      %scan3A_47 = arith.constant 2 : i32
      %scan3A_48 = arith.constant 0 : i32
      %scan3A_49 = arith.constant 61 : i32
      %scan3A_50 = arith.addi %scan3A_48, %scan3A_49 : i32
      %scan3A_51 = arith.constant 1 : i32
      scf.for %scan3A_138 = %scan3A_48 to %scan3A_50 step %scan3A_51  : i32 {
        %mul3A_139 = arith.constant 1 : i32
        %mul3A_140 = arith.muli %scan3A_138, %mul3A_139 : i32
        %add3A = arith.constant 0 : i32
        %add3A_141 = arith.addi %add3A, %mul3A_140 : i32
        %mul3A_142 = arith.constant 2 : i32
        %mul3A_143 = arith.muli %mul3A_142, %add3A_141 : i32
        %dma_wait3A_144 = arith.constant 0 : i32
        %dma_wait3A_145 = tpu.memref_slice %arg6[%dma_wait3A_144] : memref<10000xi32, #tpu.memory_space<vmem>> -> memref<80xi32, #tpu.memory_space<vmem>>
        %dma_wait3A_146 = arith.constant 0 : i32
        %dma_wait3A_147 = arith.constant 0 : i32
        %dma_wait3A_148 = tpu.memref_slice %arg2[%scan3A_47, %dma_wait3A_146, %dma_wait3A_147] : memref<4x10000x128xf32, #tpu.memory_space<hbm>> -> memref<1x10000x128xf32, #tpu.memory_space<hbm>>
        %dma_wait3A_149 = tpu.memref_squeeze %dma_wait3A_148 : memref<1x10000x128xf32, #tpu.memory_space<hbm>> -> memref<10000x128xf32, #tpu.memory_space<hbm>>
        %dma_wait3A_150 = arith.constant 0 : i32
        %dma_wait3A_151 = arith.constant 0 : i32
        %dma_wait3A_152 = tpu.memref_slice %dma_wait3A_149[%dma_wait3A_150, %dma_wait3A_151] : memref<10000x128xf32, #tpu.memory_space<hbm>> -> memref<10000x128xf32, #tpu.memory_space<hbm>>
        tpu.wait_indirect_dma semaphore(%arg11 : memref<!tpu.dma_semaphore, #tpu.memory_space<semaphore_mem>>) src(%dma_wait3A_152 : memref<10000x128xf32, #tpu.memory_space<hbm>>) dst(%arg8 : memref<80x128xf32, #tpu.memory_space<vmem>>)
        %dma_start3A_153 = arith.constant 0 : i32
        %dma_start3A_154 = tpu.memref_slice %arg7[%mul3A_143, %dma_start3A_153] : memref<125x80xi32, #tpu.memory_space<vmem>> -> memref<1x80xi32, #tpu.memory_space<vmem>>
        %dma_start3A_155 = tpu.memref_squeeze %dma_start3A_154 : memref<1x80xi32, #tpu.memory_space<vmem>> -> memref<80xi32, #tpu.memory_space<vmem>>
        %dma_start3A_156 = arith.constant 0 : i32
        %dma_start3A_157 = arith.constant 0 : i32
        %dma_start3A_158 = tpu.memref_slice %arg10[%dma_start3A_156, %dma_start3A_157] : memref<10240x128xf32, #tpu.memory_space<vmem_shared>> -> memref<10240x128xf32, #tpu.memory_space<vmem_shared>>
        tpu.enqueue_indirect_dma source(%arg8 : memref<80x128xf32, #tpu.memory_space<vmem>>) target(%dma_start3A_158 : memref<10240x128xf32, #tpu.memory_space<vmem_shared>>) offsets(%dma_start3A_155 : memref<80xi32, #tpu.memory_space<vmem>>) semaphore(%arg13 : memref<!tpu.dma_semaphore, #tpu.memory_space<semaphore_mem>>) {add = true}
        %dma_wait3A_159 = arith.constant 0 : i32
        %dma_wait3A_160 = tpu.memref_slice %arg6[%dma_wait3A_159] : memref<10000xi32, #tpu.memory_space<vmem>> -> memref<80xi32, #tpu.memory_space<vmem>>
        %dma_wait3A_161 = arith.constant 0 : i32
        %dma_wait3A_162 = arith.constant 0 : i32
        %dma_wait3A_163 = tpu.memref_slice %arg2[%scan3A_47, %dma_wait3A_161, %dma_wait3A_162] : memref<4x10000x128xf32, #tpu.memory_space<hbm>> -> memref<1x10000x128xf32, #tpu.memory_space<hbm>>
        %dma_wait3A_164 = tpu.memref_squeeze %dma_wait3A_163 : memref<1x10000x128xf32, #tpu.memory_space<hbm>> -> memref<10000x128xf32, #tpu.memory_space<hbm>>
        %dma_wait3A_165 = arith.constant 0 : i32
        %dma_wait3A_166 = arith.constant 0 : i32
        %dma_wait3A_167 = tpu.memref_slice %dma_wait3A_164[%dma_wait3A_165, %dma_wait3A_166] : memref<10000x128xf32, #tpu.memory_space<hbm>> -> memref<10000x128xf32, #tpu.memory_space<hbm>>
        tpu.wait_indirect_dma semaphore(%arg12 : memref<!tpu.dma_semaphore, #tpu.memory_space<semaphore_mem>>) src(%dma_wait3A_167 : memref<10000x128xf32, #tpu.memory_space<hbm>>) dst(%arg9 : memref<80x128xf32, #tpu.memory_space<vmem>>)
        %add3A_168 = arith.constant 1 : i32
        %add3A_169 = arith.addi %mul3A_143, %add3A_168 : i32
        %dma_start3A_170 = arith.constant 0 : i32
        %dma_start3A_171 = tpu.memref_slice %arg7[%add3A_169, %dma_start3A_170] : memref<125x80xi32, #tpu.memory_space<vmem>> -> memref<1x80xi32, #tpu.memory_space<vmem>>
        %dma_start3A_172 = tpu.memref_squeeze %dma_start3A_171 : memref<1x80xi32, #tpu.memory_space<vmem>> -> memref<80xi32, #tpu.memory_space<vmem>>
        %dma_start3A_173 = arith.constant 0 : i32
        %dma_start3A_174 = arith.constant 0 : i32
        %dma_start3A_175 = tpu.memref_slice %arg10[%dma_start3A_173, %dma_start3A_174] : memref<10240x128xf32, #tpu.memory_space<vmem_shared>> -> memref<10240x128xf32, #tpu.memory_space<vmem_shared>>
        tpu.enqueue_indirect_dma source(%arg9 : memref<80x128xf32, #tpu.memory_space<vmem>>) target(%dma_start3A_175 : memref<10240x128xf32, #tpu.memory_space<vmem_shared>>) offsets(%dma_start3A_172 : memref<80xi32, #tpu.memory_space<vmem>>) semaphore(%arg14 : memref<!tpu.dma_semaphore, #tpu.memory_space<semaphore_mem>>) {add = true}
        %dma_wait3A_176 = arith.constant 0 : i32
        %dma_wait3A_177 = arith.constant 0 : i32
        %dma_wait3A_178 = tpu.memref_slice %arg7[%dma_wait3A_176, %dma_wait3A_177] : memref<125x80xi32, #tpu.memory_space<vmem>> -> memref<1x80xi32, #tpu.memory_space<vmem>>
        %dma_wait3A_179 = tpu.memref_squeeze %dma_wait3A_178 : memref<1x80xi32, #tpu.memory_space<vmem>> -> memref<80xi32, #tpu.memory_space<vmem>>
        %dma_wait3A_180 = arith.constant 0 : i32
        %dma_wait3A_181 = arith.constant 0 : i32
        %dma_wait3A_182 = tpu.memref_slice %arg10[%dma_wait3A_180, %dma_wait3A_181] : memref<10240x128xf32, #tpu.memory_space<vmem_shared>> -> memref<10240x128xf32, #tpu.memory_space<vmem_shared>>
        tpu.wait_indirect_dma semaphore(%arg13 : memref<!tpu.dma_semaphore, #tpu.memory_space<semaphore_mem>>) src(%arg8 : memref<80x128xf32, #tpu.memory_space<vmem>>) dst(%dma_wait3A_182 : memref<10240x128xf32, #tpu.memory_space<vmem_shared>>)
        %add3A_183 = arith.constant 2 : i32
        %add3A_184 = arith.addi %mul3A_143, %add3A_183 : i32
        %mul3A_185 = arith.constant 80 : i32
        %mul3A_186 = arith.muli %add3A_184, %mul3A_185 : i32
        %multiple_of3A_187 = tpu.assume_multiple %mul3A_186, 8 : i32
        %dma_start3A_188 = tpu.memref_slice %arg6[%multiple_of3A_187] : memref<10000xi32, #tpu.memory_space<vmem>> -> memref<80xi32, #tpu.memory_space<vmem>>
        %dma_start3A_189 = arith.constant 0 : i32
        %dma_start3A_190 = arith.constant 0 : i32
        %dma_start3A_191 = tpu.memref_slice %arg2[%scan3A_47, %dma_start3A_189, %dma_start3A_190] : memref<4x10000x128xf32, #tpu.memory_space<hbm>> -> memref<1x10000x128xf32, #tpu.memory_space<hbm>>
        %dma_start3A_192 = tpu.memref_squeeze %dma_start3A_191 : memref<1x10000x128xf32, #tpu.memory_space<hbm>> -> memref<10000x128xf32, #tpu.memory_space<hbm>>
        %dma_start3A_193 = arith.constant 0 : i32
        %dma_start3A_194 = arith.constant 0 : i32
        %dma_start3A_195 = tpu.memref_slice %dma_start3A_192[%dma_start3A_193, %dma_start3A_194] : memref<10000x128xf32, #tpu.memory_space<hbm>> -> memref<10000x128xf32, #tpu.memory_space<hbm>>
        tpu.enqueue_indirect_dma source(%dma_start3A_195 : memref<10000x128xf32, #tpu.memory_space<hbm>>) target(%arg8 : memref<80x128xf32, #tpu.memory_space<vmem>>) offsets(%dma_start3A_188 : memref<80xi32, #tpu.memory_space<vmem>>) semaphore(%arg11 : memref<!tpu.dma_semaphore, #tpu.memory_space<semaphore_mem>>)
        %dma_wait3A_196 = arith.constant 0 : i32
        %dma_wait3A_197 = arith.constant 0 : i32
        %dma_wait3A_198 = tpu.memref_slice %arg7[%dma_wait3A_196, %dma_wait3A_197] : memref<125x80xi32, #tpu.memory_space<vmem>> -> memref<1x80xi32, #tpu.memory_space<vmem>>
        %dma_wait3A_199 = tpu.memref_squeeze %dma_wait3A_198 : memref<1x80xi32, #tpu.memory_space<vmem>> -> memref<80xi32, #tpu.memory_space<vmem>>
        %dma_wait3A_200 = arith.constant 0 : i32
        %dma_wait3A_201 = arith.constant 0 : i32
        %dma_wait3A_202 = tpu.memref_slice %arg10[%dma_wait3A_200, %dma_wait3A_201] : memref<10240x128xf32, #tpu.memory_space<vmem_shared>> -> memref<10240x128xf32, #tpu.memory_space<vmem_shared>>
        tpu.wait_indirect_dma semaphore(%arg14 : memref<!tpu.dma_semaphore, #tpu.memory_space<semaphore_mem>>) src(%arg9 : memref<80x128xf32, #tpu.memory_space<vmem>>) dst(%dma_wait3A_202 : memref<10240x128xf32, #tpu.memory_space<vmem_shared>>)
        %add3A_203 = arith.constant 3 : i32
        %add3A_204 = arith.addi %mul3A_143, %add3A_203 : i32
        %mul3A_205 = arith.constant 80 : i32
        %mul3A_206 = arith.muli %add3A_204, %mul3A_205 : i32
        %multiple_of3A_207 = tpu.assume_multiple %mul3A_206, 8 : i32
        %dma_start3A_208 = tpu.memref_slice %arg6[%multiple_of3A_207] : memref<10000xi32, #tpu.memory_space<vmem>> -> memref<80xi32, #tpu.memory_space<vmem>>
        %dma_start3A_209 = arith.constant 0 : i32
        %dma_start3A_210 = arith.constant 0 : i32
        %dma_start3A_211 = tpu.memref_slice %arg2[%scan3A_47, %dma_start3A_209, %dma_start3A_210] : memref<4x10000x128xf32, #tpu.memory_space<hbm>> -> memref<1x10000x128xf32, #tpu.memory_space<hbm>>
        %dma_start3A_212 = tpu.memref_squeeze %dma_start3A_211 : memref<1x10000x128xf32, #tpu.memory_space<hbm>> -> memref<10000x128xf32, #tpu.memory_space<hbm>>
        %dma_start3A_213 = arith.constant 0 : i32
        %dma_start3A_214 = arith.constant 0 : i32
        %dma_start3A_215 = tpu.memref_slice %dma_start3A_212[%dma_start3A_213, %dma_start3A_214] : memref<10000x128xf32, #tpu.memory_space<hbm>> -> memref<10000x128xf32, #tpu.memory_space<hbm>>
        tpu.enqueue_indirect_dma source(%dma_start3A_215 : memref<10000x128xf32, #tpu.memory_space<hbm>>) target(%arg9 : memref<80x128xf32, #tpu.memory_space<vmem>>) offsets(%dma_start3A_208 : memref<80xi32, #tpu.memory_space<vmem>>) semaphore(%arg12 : memref<!tpu.dma_semaphore, #tpu.memory_space<semaphore_mem>>)
      }
      %scan3A_52 = arith.constant 61 : i32
      %dma_wait3A = arith.constant 2 : i32
      %dma_wait3A_53 = arith.constant 0 : i32
      %dma_wait3A_54 = tpu.memref_slice %arg6[%dma_wait3A_53] : memref<10000xi32, #tpu.memory_space<vmem>> -> memref<80xi32, #tpu.memory_space<vmem>>
      %dma_wait3A_55 = arith.constant 0 : i32
      %dma_wait3A_56 = arith.constant 0 : i32
      %dma_wait3A_57 = tpu.memref_slice %arg2[%dma_wait3A, %dma_wait3A_55, %dma_wait3A_56] : memref<4x10000x128xf32, #tpu.memory_space<hbm>> -> memref<1x10000x128xf32, #tpu.memory_space<hbm>>
      %dma_wait3A_58 = tpu.memref_squeeze %dma_wait3A_57 : memref<1x10000x128xf32, #tpu.memory_space<hbm>> -> memref<10000x128xf32, #tpu.memory_space<hbm>>
      %dma_wait3A_59 = arith.constant 0 : i32
      %dma_wait3A_60 = arith.constant 0 : i32
      %dma_wait3A_61 = tpu.memref_slice %dma_wait3A_58[%dma_wait3A_59, %dma_wait3A_60] : memref<10000x128xf32, #tpu.memory_space<hbm>> -> memref<10000x128xf32, #tpu.memory_space<hbm>>
      tpu.wait_indirect_dma semaphore(%arg11 : memref<!tpu.dma_semaphore, #tpu.memory_space<semaphore_mem>>) src(%dma_wait3A_61 : memref<10000x128xf32, #tpu.memory_space<hbm>>) dst(%arg8 : memref<80x128xf32, #tpu.memory_space<vmem>>)
      %dma_start3A_62 = arith.constant 122 : i32
      %dma_start3A_63 = arith.constant 0 : i32
      %dma_start3A_64 = tpu.memref_slice %arg7[%dma_start3A_62, %dma_start3A_63] : memref<125x80xi32, #tpu.memory_space<vmem>> -> memref<1x80xi32, #tpu.memory_space<vmem>>
      %dma_start3A_65 = tpu.memref_squeeze %dma_start3A_64 : memref<1x80xi32, #tpu.memory_space<vmem>> -> memref<80xi32, #tpu.memory_space<vmem>>
      %dma_start3A_66 = arith.constant 0 : i32
      %dma_start3A_67 = arith.constant 0 : i32
      %dma_start3A_68 = tpu.memref_slice %arg10[%dma_start3A_66, %dma_start3A_67] : memref<10240x128xf32, #tpu.memory_space<vmem_shared>> -> memref<10240x128xf32, #tpu.memory_space<vmem_shared>>
      tpu.enqueue_indirect_dma source(%arg8 : memref<80x128xf32, #tpu.memory_space<vmem>>) target(%dma_start3A_68 : memref<10240x128xf32, #tpu.memory_space<vmem_shared>>) offsets(%dma_start3A_65 : memref<80xi32, #tpu.memory_space<vmem>>) semaphore(%arg13 : memref<!tpu.dma_semaphore, #tpu.memory_space<semaphore_mem>>) {add = true}
      %dma_wait3A_69 = arith.constant 2 : i32
      %dma_wait3A_70 = arith.constant 0 : i32
      %dma_wait3A_71 = tpu.memref_slice %arg6[%dma_wait3A_70] : memref<10000xi32, #tpu.memory_space<vmem>> -> memref<80xi32, #tpu.memory_space<vmem>>
      %dma_wait3A_72 = arith.constant 0 : i32
      %dma_wait3A_73 = arith.constant 0 : i32
      %dma_wait3A_74 = tpu.memref_slice %arg2[%dma_wait3A_69, %dma_wait3A_72, %dma_wait3A_73] : memref<4x10000x128xf32, #tpu.memory_space<hbm>> -> memref<1x10000x128xf32, #tpu.memory_space<hbm>>
      %dma_wait3A_75 = tpu.memref_squeeze %dma_wait3A_74 : memref<1x10000x128xf32, #tpu.memory_space<hbm>> -> memref<10000x128xf32, #tpu.memory_space<hbm>>
      %dma_wait3A_76 = arith.constant 0 : i32
      %dma_wait3A_77 = arith.constant 0 : i32
      %dma_wait3A_78 = tpu.memref_slice %dma_wait3A_75[%dma_wait3A_76, %dma_wait3A_77] : memref<10000x128xf32, #tpu.memory_space<hbm>> -> memref<10000x128xf32, #tpu.memory_space<hbm>>
      tpu.wait_indirect_dma semaphore(%arg12 : memref<!tpu.dma_semaphore, #tpu.memory_space<semaphore_mem>>) src(%dma_wait3A_78 : memref<10000x128xf32, #tpu.memory_space<hbm>>) dst(%arg9 : memref<80x128xf32, #tpu.memory_space<vmem>>)
      %dma_start3A_79 = arith.constant 123 : i32
      %dma_start3A_80 = arith.constant 0 : i32
      %dma_start3A_81 = tpu.memref_slice %arg7[%dma_start3A_79, %dma_start3A_80] : memref<125x80xi32, #tpu.memory_space<vmem>> -> memref<1x80xi32, #tpu.memory_space<vmem>>
      %dma_start3A_82 = tpu.memref_squeeze %dma_start3A_81 : memref<1x80xi32, #tpu.memory_space<vmem>> -> memref<80xi32, #tpu.memory_space<vmem>>
      %dma_start3A_83 = arith.constant 0 : i32
      %dma_start3A_84 = arith.constant 0 : i32
      %dma_start3A_85 = tpu.memref_slice %arg10[%dma_start3A_83, %dma_start3A_84] : memref<10240x128xf32, #tpu.memory_space<vmem_shared>> -> memref<10240x128xf32, #tpu.memory_space<vmem_shared>>
      tpu.enqueue_indirect_dma source(%arg9 : memref<80x128xf32, #tpu.memory_space<vmem>>) target(%dma_start3A_85 : memref<10240x128xf32, #tpu.memory_space<vmem_shared>>) offsets(%dma_start3A_82 : memref<80xi32, #tpu.memory_space<vmem>>) semaphore(%arg14 : memref<!tpu.dma_semaphore, #tpu.memory_space<semaphore_mem>>) {add = true}
      %dma_wait3A_86 = arith.constant 0 : i32
      %dma_wait3A_87 = arith.constant 0 : i32
      %dma_wait3A_88 = tpu.memref_slice %arg7[%dma_wait3A_86, %dma_wait3A_87] : memref<125x80xi32, #tpu.memory_space<vmem>> -> memref<1x80xi32, #tpu.memory_space<vmem>>
      %dma_wait3A_89 = tpu.memref_squeeze %dma_wait3A_88 : memref<1x80xi32, #tpu.memory_space<vmem>> -> memref<80xi32, #tpu.memory_space<vmem>>
      %dma_wait3A_90 = arith.constant 0 : i32
      %dma_wait3A_91 = arith.constant 0 : i32
      %dma_wait3A_92 = tpu.memref_slice %arg10[%dma_wait3A_90, %dma_wait3A_91] : memref<10240x128xf32, #tpu.memory_space<vmem_shared>> -> memref<10240x128xf32, #tpu.memory_space<vmem_shared>>
      tpu.wait_indirect_dma semaphore(%arg13 : memref<!tpu.dma_semaphore, #tpu.memory_space<semaphore_mem>>) src(%arg8 : memref<80x128xf32, #tpu.memory_space<vmem>>) dst(%dma_wait3A_92 : memref<10240x128xf32, #tpu.memory_space<vmem_shared>>)
      %multiple_of3A_93 = arith.constant 9920 : i32
      %multiple_of3A_94 = tpu.assume_multiple %multiple_of3A_93, 8 : i32
      %dma_start3A_95 = arith.constant 2 : i32
      %dma_start3A_96 = tpu.memref_slice %arg6[%multiple_of3A_94] : memref<10000xi32, #tpu.memory_space<vmem>> -> memref<80xi32, #tpu.memory_space<vmem>>
      %dma_start3A_97 = arith.constant 0 : i32
      %dma_start3A_98 = arith.constant 0 : i32
      %dma_start3A_99 = tpu.memref_slice %arg2[%dma_start3A_95, %dma_start3A_97, %dma_start3A_98] : memref<4x10000x128xf32, #tpu.memory_space<hbm>> -> memref<1x10000x128xf32, #tpu.memory_space<hbm>>
      %dma_start3A_100 = tpu.memref_squeeze %dma_start3A_99 : memref<1x10000x128xf32, #tpu.memory_space<hbm>> -> memref<10000x128xf32, #tpu.memory_space<hbm>>
      %dma_start3A_101 = arith.constant 0 : i32
      %dma_start3A_102 = arith.constant 0 : i32
      %dma_start3A_103 = tpu.memref_slice %dma_start3A_100[%dma_start3A_101, %dma_start3A_102] : memref<10000x128xf32, #tpu.memory_space<hbm>> -> memref<10000x128xf32, #tpu.memory_space<hbm>>
      tpu.enqueue_indirect_dma source(%dma_start3A_103 : memref<10000x128xf32, #tpu.memory_space<hbm>>) target(%arg8 : memref<80x128xf32, #tpu.memory_space<vmem>>) offsets(%dma_start3A_96 : memref<80xi32, #tpu.memory_space<vmem>>) semaphore(%arg11 : memref<!tpu.dma_semaphore, #tpu.memory_space<semaphore_mem>>)
      %dma_wait3A_104 = arith.constant 2 : i32
      %dma_wait3A_105 = arith.constant 0 : i32
      %dma_wait3A_106 = tpu.memref_slice %arg6[%dma_wait3A_105] : memref<10000xi32, #tpu.memory_space<vmem>> -> memref<80xi32, #tpu.memory_space<vmem>>
      %dma_wait3A_107 = arith.constant 0 : i32
      %dma_wait3A_108 = arith.constant 0 : i32
      %dma_wait3A_109 = tpu.memref_slice %arg2[%dma_wait3A_104, %dma_wait3A_107, %dma_wait3A_108] : memref<4x10000x128xf32, #tpu.memory_space<hbm>> -> memref<1x10000x128xf32, #tpu.memory_space<hbm>>
      %dma_wait3A_110 = tpu.memref_squeeze %dma_wait3A_109 : memref<1x10000x128xf32, #tpu.memory_space<hbm>> -> memref<10000x128xf32, #tpu.memory_space<hbm>>
      %dma_wait3A_111 = arith.constant 0 : i32
      %dma_wait3A_112 = arith.constant 0 : i32
      %dma_wait3A_113 = tpu.memref_slice %dma_wait3A_110[%dma_wait3A_111, %dma_wait3A_112] : memref<10000x128xf32, #tpu.memory_space<hbm>> -> memref<10000x128xf32, #tpu.memory_space<hbm>>
      tpu.wait_indirect_dma semaphore(%arg11 : memref<!tpu.dma_semaphore, #tpu.memory_space<semaphore_mem>>) src(%dma_wait3A_113 : memref<10000x128xf32, #tpu.memory_space<hbm>>) dst(%arg8 : memref<80x128xf32, #tpu.memory_space<vmem>>)
      %dma_start3A_114 = arith.constant 124 : i32
      %dma_start3A_115 = arith.constant 0 : i32
      %dma_start3A_116 = tpu.memref_slice %arg7[%dma_start3A_114, %dma_start3A_115] : memref<125x80xi32, #tpu.memory_space<vmem>> -> memref<1x80xi32, #tpu.memory_space<vmem>>
      %dma_start3A_117 = tpu.memref_squeeze %dma_start3A_116 : memref<1x80xi32, #tpu.memory_space<vmem>> -> memref<80xi32, #tpu.memory_space<vmem>>
      %dma_start3A_118 = arith.constant 0 : i32
      %dma_start3A_119 = arith.constant 0 : i32
      %dma_start3A_120 = tpu.memref_slice %arg10[%dma_start3A_118, %dma_start3A_119] : memref<10240x128xf32, #tpu.memory_space<vmem_shared>> -> memref<10240x128xf32, #tpu.memory_space<vmem_shared>>
      tpu.enqueue_indirect_dma source(%arg8 : memref<80x128xf32, #tpu.memory_space<vmem>>) target(%dma_start3A_120 : memref<10240x128xf32, #tpu.memory_space<vmem_shared>>) offsets(%dma_start3A_117 : memref<80xi32, #tpu.memory_space<vmem>>) semaphore(%arg13 : memref<!tpu.dma_semaphore, #tpu.memory_space<semaphore_mem>>) {add = true}
      %dma_wait3A_121 = arith.constant 0 : i32
      %dma_wait3A_122 = arith.constant 0 : i32
      %dma_wait3A_123 = tpu.memref_slice %arg7[%dma_wait3A_121, %dma_wait3A_122] : memref<125x80xi32, #tpu.memory_space<vmem>> -> memref<1x80xi32, #tpu.memory_space<vmem>>
      %dma_wait3A_124 = tpu.memref_squeeze %dma_wait3A_123 : memref<1x80xi32, #tpu.memory_space<vmem>> -> memref<80xi32, #tpu.memory_space<vmem>>
      %dma_wait3A_125 = arith.constant 0 : i32
      %dma_wait3A_126 = arith.constant 0 : i32
      %dma_wait3A_127 = tpu.memref_slice %arg10[%dma_wait3A_125, %dma_wait3A_126] : memref<10240x128xf32, #tpu.memory_space<vmem_shared>> -> memref<10240x128xf32, #tpu.memory_space<vmem_shared>>
      tpu.wait_indirect_dma semaphore(%arg14 : memref<!tpu.dma_semaphore, #tpu.memory_space<semaphore_mem>>) src(%arg9 : memref<80x128xf32, #tpu.memory_space<vmem>>) dst(%dma_wait3A_127 : memref<10240x128xf32, #tpu.memory_space<vmem_shared>>)
      %dma_wait3A_128 = arith.constant 0 : i32
      %dma_wait3A_129 = arith.constant 0 : i32
      %dma_wait3A_130 = tpu.memref_slice %arg7[%dma_wait3A_128, %dma_wait3A_129] : memref<125x80xi32, #tpu.memory_space<vmem>> -> memref<1x80xi32, #tpu.memory_space<vmem>>
      %dma_wait3A_131 = tpu.memref_squeeze %dma_wait3A_130 : memref<1x80xi32, #tpu.memory_space<vmem>> -> memref<80xi32, #tpu.memory_space<vmem>>
      %dma_wait3A_132 = arith.constant 0 : i32
      %dma_wait3A_133 = arith.constant 0 : i32
      %dma_wait3A_134 = tpu.memref_slice %arg10[%dma_wait3A_132, %dma_wait3A_133] : memref<10240x128xf32, #tpu.memory_space<vmem_shared>> -> memref<10240x128xf32, #tpu.memory_space<vmem_shared>>
      tpu.wait_indirect_dma semaphore(%arg13 : memref<!tpu.dma_semaphore, #tpu.memory_space<semaphore_mem>>) src(%arg8 : memref<80x128xf32, #tpu.memory_space<vmem>>) dst(%dma_wait3A_134 : memref<10240x128xf32, #tpu.memory_space<vmem_shared>>)
      %barrier3A_135 = arith.constant 0 : index
      tpu.barrier barrier_id(%barrier3A_135)
      %mul3A_136 = arith.constant 640 : i32
      %mul3A_137 = arith.muli %arg1, %mul3A_136 : i32
      %run_scoped3A = arith.constant 2 : i32
      "tpu.region"() ({
        %run_scoped3A_138 = tpu.sem_alloc : memref<!tpu.dma_semaphore, #tpu.memory_space<semaphore_mem>>
        %dma_start3A_139 = arith.constant 0 : i32
        %dma_start3A_140 = arith.constant 0 : i32
        %dma_start3A_141 = tpu.memref_slice %arg5[%run_scoped3A, %dma_start3A_139, %dma_start3A_140] : memref<4x10240x128xf32, #tpu.memory_space<hbm>> -> memref<1x10240x128xf32, #tpu.memory_space<hbm>>
        %dma_start3A_142 = tpu.memref_squeeze %dma_start3A_141 : memref<1x10240x128xf32, #tpu.memory_space<hbm>> -> memref<10240x128xf32, #tpu.memory_space<hbm>>
        %dma_start3A_143 = arith.constant 0 : i32
        %dma_start3A_144 = tpu.memref_slice %dma_start3A_142[%mul3A_137, %dma_start3A_143] : memref<10240x128xf32, #tpu.memory_space<hbm>> -> memref<640x128xf32, #tpu.memory_space<hbm>>
        %dma_start3A_145 = arith.constant 0 : i32
        %dma_start3A_146 = tpu.memref_slice %arg10[%mul3A_137, %dma_start3A_145] : memref<10240x128xf32, #tpu.memory_space<vmem_shared>> -> memref<640x128xf32, #tpu.memory_space<vmem_shared>>
        tpu.enqueue_dma source(%dma_start3A_146 : memref<640x128xf32, #tpu.memory_space<vmem_shared>>) target(%dma_start3A_144 : memref<640x128xf32, #tpu.memory_space<hbm>>) target_semaphore(%run_scoped3A_138 : memref<!tpu.dma_semaphore, #tpu.memory_space<semaphore_mem>>)
        %dma_wait3A_147 = arith.constant 0 : i32
        %dma_wait3A_148 = arith.constant 0 : i32
        %dma_wait3A_149 = tpu.memref_slice %arg5[%run_scoped3A, %dma_wait3A_147, %dma_wait3A_148] : memref<4x10240x128xf32, #tpu.memory_space<hbm>> -> memref<1x10240x128xf32, #tpu.memory_space<hbm>>
        %dma_wait3A_150 = tpu.memref_squeeze %dma_wait3A_149 : memref<1x10240x128xf32, #tpu.memory_space<hbm>> -> memref<10240x128xf32, #tpu.memory_space<hbm>>
        %dma_wait3A_151 = arith.constant 0 : i32
        %dma_wait3A_152 = tpu.memref_slice %dma_wait3A_150[%mul3A_137, %dma_wait3A_151] : memref<10240x128xf32, #tpu.memory_space<hbm>> -> memref<640x128xf32, #tpu.memory_space<hbm>>
        %dma_wait3A_153 = arith.constant 0 : i32
        %dma_wait3A_154 = tpu.memref_slice %arg10[%mul3A_137, %dma_wait3A_153] : memref<10240x128xf32, #tpu.memory_space<vmem_shared>> -> memref<640x128xf32, #tpu.memory_space<vmem_shared>>
        tpu.wait_dma2 semaphore(%run_scoped3A_138 : memref<!tpu.dma_semaphore, #tpu.memory_space<semaphore_mem>>) src(%dma_wait3A_154 : memref<640x128xf32, #tpu.memory_space<vmem_shared>>) dst(%dma_wait3A_152 : memref<640x128xf32, #tpu.memory_space<hbm>>)
        tpu.yield
      }) : () -> ()
    } else {
    }
    %eq3A_13 = arith.constant 1 : i32
    %eq3A_14 = arith.cmpi eq, %arg0, %eq3A_13 : i32
    %convert_element_type3A_15 = arith.extui %eq3A_14 : i1 to i32
    %cond3A_16 = arith.constant 0 : i32
    %cond3A_17 = arith.cmpi ne, %convert_element_type3A_15, %cond3A_16 : i32
    scf.if %cond3A_17 {
      %scan3A = arith.constant 0 : i32
      %scan3A_18 = arith.constant 80 : i32
      %scan3A_19 = arith.addi %scan3A, %scan3A_18 : i32
      %scan3A_20 = arith.constant 1 : i32
      scf.for %scan3A_138 = %scan3A to %scan3A_19 step %scan3A_20  : i32 {
        %mul3A_139 = arith.constant 1 : i32
        %mul3A_140 = arith.muli %scan3A_138, %mul3A_139 : i32
        %add3A = arith.constant 0 : i32
        %add3A_141 = arith.addi %add3A, %mul3A_140 : i32
        %scan3A_142 = arith.constant 0 : i32
        %scan3A_143 = arith.constant 8 : i32
        %scan3A_144 = arith.addi %scan3A_142, %scan3A_143 : i32
        %scan3A_145 = arith.constant 1 : i32
        scf.for %scan3A_147 = %scan3A_142 to %scan3A_144 step %scan3A_145  : i32 {
          %mul3A_148 = arith.constant 16 : i32
          %mul3A_149 = arith.muli %scan3A_147, %mul3A_148 : i32
          %add3A_150 = arith.constant 0 : i32
          %add3A_151 = arith.addi %add3A_150, %mul3A_149 : i32
          %broadcast_in_dim3A = arith.constant 0.000000e+00 : f32
          %broadcast_in_dim3A_152 = vector.broadcast %broadcast_in_dim3A : f32 to vector<16xf32>
          %swap3A = arith.index_cast %add3A_141 : i32 to index
          %swap3A_153 = arith.index_cast %add3A_151 : i32 to index
          %swap3A_154 = tpu.vector_load %arg8[%swap3A, %swap3A_153] {strides = array<i32>} : memref<80x128xf32, #tpu.memory_space<vmem>>, vector<1x16xf32>,
          %swap3A_155 = vector.shape_cast %swap3A_154 : vector<1x16xf32> to vector<16xf32>
          %swap3A_156 = vector.shape_cast %broadcast_in_dim3A_152 : vector<16xf32> to vector<1x16xf32>
          tpu.vector_store %arg8[%swap3A, %swap3A_153], %swap3A_156 {strides = array<i32>} : memref<80x128xf32, #tpu.memory_space<vmem>>, vector<1x16xf32>,
        }
        %scan3A_146 = arith.constant 8 : i32
      }
      %scan3A_21 = arith.constant 80 : i32
      %scan3A_22 = arith.constant 0 : i32
      %scan3A_23 = arith.constant 8 : i32
      %scan3A_24 = arith.addi %scan3A_22, %scan3A_23 : i32
      %scan3A_25 = arith.constant 1 : i32
      scf.for %scan3A_138 = %scan3A_22 to %scan3A_24 step %scan3A_25  : i32 {
        %mul3A_139 = arith.constant 1 : i32
        %mul3A_140 = arith.muli %scan3A_138, %mul3A_139 : i32
        %add3A = arith.constant 0 : i32
        %add3A_141 = arith.addi %add3A, %mul3A_140 : i32
        %mul3A_142 = arith.constant 640 : i32
        %mul3A_143 = arith.muli %arg1, %mul3A_142 : i32
        %mul3A_144 = arith.constant 80 : i32
        %mul3A_145 = arith.muli %add3A_141, %mul3A_144 : i32
        %add3A_146 = arith.addi %mul3A_143, %mul3A_145 : i32
        "tpu.region"() ({
          %run_scoped3A_147 = tpu.sem_alloc : memref<!tpu.dma_semaphore, #tpu.memory_space<semaphore_mem>>
          %dma_start3A_148 = arith.constant 0 : i32
          %dma_start3A_149 = tpu.memref_slice %arg10[%add3A_146, %dma_start3A_148] : memref<10240x128xf32, #tpu.memory_space<vmem_shared>> -> memref<80x128xf32, #tpu.memory_space<vmem_shared>>
          %dma_start3A_150 = arith.constant 0 : i32
          %dma_start3A_151 = tpu.memref_slice %arg10[%add3A_146, %dma_start3A_150] : memref<10240x128xf32, #tpu.memory_space<vmem_shared>> -> memref<80x128xf32, #tpu.memory_space<vmem_shared>>
          tpu.enqueue_dma source(%arg8 : memref<80x128xf32, #tpu.memory_space<vmem>>) target(%dma_start3A_151 : memref<80x128xf32, #tpu.memory_space<vmem_shared>>) target_semaphore(%run_scoped3A_147 : memref<!tpu.dma_semaphore, #tpu.memory_space<semaphore_mem>>)
          %dma_wait3A_152 = arith.constant 0 : i32
          %dma_wait3A_153 = tpu.memref_slice %arg10[%add3A_146, %dma_wait3A_152] : memref<10240x128xf32, #tpu.memory_space<vmem_shared>> -> memref<80x128xf32, #tpu.memory_space<vmem_shared>>
          %dma_wait3A_154 = arith.constant 0 : i32
          %dma_wait3A_155 = tpu.memref_slice %arg10[%add3A_146, %dma_wait3A_154] : memref<10240x128xf32, #tpu.memory_space<vmem_shared>> -> memref<80x128xf32, #tpu.memory_space<vmem_shared>>
          tpu.wait_dma2 semaphore(%run_scoped3A_147 : memref<!tpu.dma_semaphore, #tpu.memory_space<semaphore_mem>>) src(%arg8 : memref<80x128xf32, #tpu.memory_space<vmem>>) dst(%dma_wait3A_155 : memref<80x128xf32, #tpu.memory_space<vmem_shared>>)
          tpu.yield
        }) : () -> ()
      }
      %scan3A_26 = arith.constant 8 : i32
      %barrier3A = arith.constant 0 : index
      tpu.barrier barrier_id(%barrier3A)
      %multiple_of3A = arith.constant 0 : i32
      %multiple_of3A_27 = tpu.assume_multiple %multiple_of3A, 8 : i32
      %dma_start3A = arith.constant 3 : i32
      %dma_start3A_28 = tpu.memref_slice %arg6[%multiple_of3A_27] : memref<10000xi32, #tpu.memory_space<vmem>> -> memref<80xi32, #tpu.memory_space<vmem>>
      %dma_start3A_29 = arith.constant 0 : i32
      %dma_start3A_30 = arith.constant 0 : i32
      %dma_start3A_31 = tpu.memref_slice %arg2[%dma_start3A, %dma_start3A_29, %dma_start3A_30] : memref<4x10000x128xf32, #tpu.memory_space<hbm>> -> memref<1x10000x128xf32, #tpu.memory_space<hbm>>
      %dma_start3A_32 = tpu.memref_squeeze %dma_start3A_31 : memref<1x10000x128xf32, #tpu.memory_space<hbm>> -> memref<10000x128xf32, #tpu.memory_space<hbm>>
      %dma_start3A_33 = arith.constant 0 : i32
      %dma_start3A_34 = arith.constant 0 : i32
      %dma_start3A_35 = tpu.memref_slice %dma_start3A_32[%dma_start3A_33, %dma_start3A_34] : memref<10000x128xf32, #tpu.memory_space<hbm>> -> memref<10000x128xf32, #tpu.memory_space<hbm>>
      tpu.enqueue_indirect_dma source(%dma_start3A_35 : memref<10000x128xf32, #tpu.memory_space<hbm>>) target(%arg8 : memref<80x128xf32, #tpu.memory_space<vmem>>) offsets(%dma_start3A_28 : memref<80xi32, #tpu.memory_space<vmem>>) semaphore(%arg11 : memref<!tpu.dma_semaphore, #tpu.memory_space<semaphore_mem>>)
      %multiple_of3A_36 = arith.constant 80 : i32
      %multiple_of3A_37 = tpu.assume_multiple %multiple_of3A_36, 8 : i32
      %dma_start3A_38 = arith.constant 3 : i32
      %dma_start3A_39 = tpu.memref_slice %arg6[%multiple_of3A_37] : memref<10000xi32, #tpu.memory_space<vmem>> -> memref<80xi32, #tpu.memory_space<vmem>>
      %dma_start3A_40 = arith.constant 0 : i32
      %dma_start3A_41 = arith.constant 0 : i32
      %dma_start3A_42 = tpu.memref_slice %arg2[%dma_start3A_38, %dma_start3A_40, %dma_start3A_41] : memref<4x10000x128xf32, #tpu.memory_space<hbm>> -> memref<1x10000x128xf32, #tpu.memory_space<hbm>>
      %dma_start3A_43 = tpu.memref_squeeze %dma_start3A_42 : memref<1x10000x128xf32, #tpu.memory_space<hbm>> -> memref<10000x128xf32, #tpu.memory_space<hbm>>
      %dma_start3A_44 = arith.constant 0 : i32
      %dma_start3A_45 = arith.constant 0 : i32
      %dma_start3A_46 = tpu.memref_slice %dma_start3A_43[%dma_start3A_44, %dma_start3A_45] : memref<10000x128xf32, #tpu.memory_space<hbm>> -> memref<10000x128xf32, #tpu.memory_space<hbm>>
      tpu.enqueue_indirect_dma source(%dma_start3A_46 : memref<10000x128xf32, #tpu.memory_space<hbm>>) target(%arg9 : memref<80x128xf32, #tpu.memory_space<vmem>>) offsets(%dma_start3A_39 : memref<80xi32, #tpu.memory_space<vmem>>) semaphore(%arg12 : memref<!tpu.dma_semaphore, #tpu.memory_space<semaphore_mem>>)
      %scan3A_47 = arith.constant 3 : i32
      %scan3A_48 = arith.constant 0 : i32
      %scan3A_49 = arith.constant 61 : i32
      %scan3A_50 = arith.addi %scan3A_48, %scan3A_49 : i32
      %scan3A_51 = arith.constant 1 : i32
      scf.for %scan3A_138 = %scan3A_48 to %scan3A_50 step %scan3A_51  : i32 {
        %mul3A_139 = arith.constant 1 : i32
        %mul3A_140 = arith.muli %scan3A_138, %mul3A_139 : i32
        %add3A = arith.constant 0 : i32
        %add3A_141 = arith.addi %add3A, %mul3A_140 : i32
        %mul3A_142 = arith.constant 2 : i32
        %mul3A_143 = arith.muli %mul3A_142, %add3A_141 : i32
        %dma_wait3A_144 = arith.constant 0 : i32
        %dma_wait3A_145 = tpu.memref_slice %arg6[%dma_wait3A_144] : memref<10000xi32, #tpu.memory_space<vmem>> -> memref<80xi32, #tpu.memory_space<vmem>>
        %dma_wait3A_146 = arith.constant 0 : i32
        %dma_wait3A_147 = arith.constant 0 : i32
        %dma_wait3A_148 = tpu.memref_slice %arg2[%scan3A_47, %dma_wait3A_146, %dma_wait3A_147] : memref<4x10000x128xf32, #tpu.memory_space<hbm>> -> memref<1x10000x128xf32, #tpu.memory_space<hbm>>
        %dma_wait3A_149 = tpu.memref_squeeze %dma_wait3A_148 : memref<1x10000x128xf32, #tpu.memory_space<hbm>> -> memref<10000x128xf32, #tpu.memory_space<hbm>>
        %dma_wait3A_150 = arith.constant 0 : i32
        %dma_wait3A_151 = arith.constant 0 : i32
        %dma_wait3A_152 = tpu.memref_slice %dma_wait3A_149[%dma_wait3A_150, %dma_wait3A_151] : memref<10000x128xf32, #tpu.memory_space<hbm>> -> memref<10000x128xf32, #tpu.memory_space<hbm>>
        tpu.wait_indirect_dma semaphore(%arg11 : memref<!tpu.dma_semaphore, #tpu.memory_space<semaphore_mem>>) src(%dma_wait3A_152 : memref<10000x128xf32, #tpu.memory_space<hbm>>) dst(%arg8 : memref<80x128xf32, #tpu.memory_space<vmem>>)
        %dma_start3A_153 = arith.constant 0 : i32
        %dma_start3A_154 = tpu.memref_slice %arg7[%mul3A_143, %dma_start3A_153] : memref<125x80xi32, #tpu.memory_space<vmem>> -> memref<1x80xi32, #tpu.memory_space<vmem>>
        %dma_start3A_155 = tpu.memref_squeeze %dma_start3A_154 : memref<1x80xi32, #tpu.memory_space<vmem>> -> memref<80xi32, #tpu.memory_space<vmem>>
        %dma_start3A_156 = arith.constant 0 : i32
        %dma_start3A_157 = arith.constant 0 : i32
        %dma_start3A_158 = tpu.memref_slice %arg10[%dma_start3A_156, %dma_start3A_157] : memref<10240x128xf32, #tpu.memory_space<vmem_shared>> -> memref<10240x128xf32, #tpu.memory_space<vmem_shared>>
        tpu.enqueue_indirect_dma source(%arg8 : memref<80x128xf32, #tpu.memory_space<vmem>>) target(%dma_start3A_158 : memref<10240x128xf32, #tpu.memory_space<vmem_shared>>) offsets(%dma_start3A_155 : memref<80xi32, #tpu.memory_space<vmem>>) semaphore(%arg13 : memref<!tpu.dma_semaphore, #tpu.memory_space<semaphore_mem>>) {add = true}
        %dma_wait3A_159 = arith.constant 0 : i32
        %dma_wait3A_160 = tpu.memref_slice %arg6[%dma_wait3A_159] : memref<10000xi32, #tpu.memory_space<vmem>> -> memref<80xi32, #tpu.memory_space<vmem>>
        %dma_wait3A_161 = arith.constant 0 : i32
        %dma_wait3A_162 = arith.constant 0 : i32
        %dma_wait3A_163 = tpu.memref_slice %arg2[%scan3A_47, %dma_wait3A_161, %dma_wait3A_162] : memref<4x10000x128xf32, #tpu.memory_space<hbm>> -> memref<1x10000x128xf32, #tpu.memory_space<hbm>>
        %dma_wait3A_164 = tpu.memref_squeeze %dma_wait3A_163 : memref<1x10000x128xf32, #tpu.memory_space<hbm>> -> memref<10000x128xf32, #tpu.memory_space<hbm>>
        %dma_wait3A_165 = arith.constant 0 : i32
        %dma_wait3A_166 = arith.constant 0 : i32
        %dma_wait3A_167 = tpu.memref_slice %dma_wait3A_164[%dma_wait3A_165, %dma_wait3A_166] : memref<10000x128xf32, #tpu.memory_space<hbm>> -> memref<10000x128xf32, #tpu.memory_space<hbm>>
        tpu.wait_indirect_dma semaphore(%arg12 : memref<!tpu.dma_semaphore, #tpu.memory_space<semaphore_mem>>) src(%dma_wait3A_167 : memref<10000x128xf32, #tpu.memory_space<hbm>>) dst(%arg9 : memref<80x128xf32, #tpu.memory_space<vmem>>)
        %add3A_168 = arith.constant 1 : i32
        %add3A_169 = arith.addi %mul3A_143, %add3A_168 : i32
        %dma_start3A_170 = arith.constant 0 : i32
        %dma_start3A_171 = tpu.memref_slice %arg7[%add3A_169, %dma_start3A_170] : memref<125x80xi32, #tpu.memory_space<vmem>> -> memref<1x80xi32, #tpu.memory_space<vmem>>
        %dma_start3A_172 = tpu.memref_squeeze %dma_start3A_171 : memref<1x80xi32, #tpu.memory_space<vmem>> -> memref<80xi32, #tpu.memory_space<vmem>>
        %dma_start3A_173 = arith.constant 0 : i32
        %dma_start3A_174 = arith.constant 0 : i32
        %dma_start3A_175 = tpu.memref_slice %arg10[%dma_start3A_173, %dma_start3A_174] : memref<10240x128xf32, #tpu.memory_space<vmem_shared>> -> memref<10240x128xf32, #tpu.memory_space<vmem_shared>>
        tpu.enqueue_indirect_dma source(%arg9 : memref<80x128xf32, #tpu.memory_space<vmem>>) target(%dma_start3A_175 : memref<10240x128xf32, #tpu.memory_space<vmem_shared>>) offsets(%dma_start3A_172 : memref<80xi32, #tpu.memory_space<vmem>>) semaphore(%arg14 : memref<!tpu.dma_semaphore, #tpu.memory_space<semaphore_mem>>) {add = true}
        %dma_wait3A_176 = arith.constant 0 : i32
        %dma_wait3A_177 = arith.constant 0 : i32
        %dma_wait3A_178 = tpu.memref_slice %arg7[%dma_wait3A_176, %dma_wait3A_177] : memref<125x80xi32, #tpu.memory_space<vmem>> -> memref<1x80xi32, #tpu.memory_space<vmem>>
        %dma_wait3A_179 = tpu.memref_squeeze %dma_wait3A_178 : memref<1x80xi32, #tpu.memory_space<vmem>> -> memref<80xi32, #tpu.memory_space<vmem>>
        %dma_wait3A_180 = arith.constant 0 : i32
        %dma_wait3A_181 = arith.constant 0 : i32
        %dma_wait3A_182 = tpu.memref_slice %arg10[%dma_wait3A_180, %dma_wait3A_181] : memref<10240x128xf32, #tpu.memory_space<vmem_shared>> -> memref<10240x128xf32, #tpu.memory_space<vmem_shared>>
        tpu.wait_indirect_dma semaphore(%arg13 : memref<!tpu.dma_semaphore, #tpu.memory_space<semaphore_mem>>) src(%arg8 : memref<80x128xf32, #tpu.memory_space<vmem>>) dst(%dma_wait3A_182 : memref<10240x128xf32, #tpu.memory_space<vmem_shared>>)
        %add3A_183 = arith.constant 2 : i32
        %add3A_184 = arith.addi %mul3A_143, %add3A_183 : i32
        %mul3A_185 = arith.constant 80 : i32
        %mul3A_186 = arith.muli %add3A_184, %mul3A_185 : i32
        %multiple_of3A_187 = tpu.assume_multiple %mul3A_186, 8 : i32
        %dma_start3A_188 = tpu.memref_slice %arg6[%multiple_of3A_187] : memref<10000xi32, #tpu.memory_space<vmem>> -> memref<80xi32, #tpu.memory_space<vmem>>
        %dma_start3A_189 = arith.constant 0 : i32
        %dma_start3A_190 = arith.constant 0 : i32
        %dma_start3A_191 = tpu.memref_slice %arg2[%scan3A_47, %dma_start3A_189, %dma_start3A_190] : memref<4x10000x128xf32, #tpu.memory_space<hbm>> -> memref<1x10000x128xf32, #tpu.memory_space<hbm>>
        %dma_start3A_192 = tpu.memref_squeeze %dma_start3A_191 : memref<1x10000x128xf32, #tpu.memory_space<hbm>> -> memref<10000x128xf32, #tpu.memory_space<hbm>>
        %dma_start3A_193 = arith.constant 0 : i32
        %dma_start3A_194 = arith.constant 0 : i32
        %dma_start3A_195 = tpu.memref_slice %dma_start3A_192[%dma_start3A_193, %dma_start3A_194] : memref<10000x128xf32, #tpu.memory_space<hbm>> -> memref<10000x128xf32, #tpu.memory_space<hbm>>
        tpu.enqueue_indirect_dma source(%dma_start3A_195 : memref<10000x128xf32, #tpu.memory_space<hbm>>) target(%arg8 : memref<80x128xf32, #tpu.memory_space<vmem>>) offsets(%dma_start3A_188 : memref<80xi32, #tpu.memory_space<vmem>>) semaphore(%arg11 : memref<!tpu.dma_semaphore, #tpu.memory_space<semaphore_mem>>)
        %dma_wait3A_196 = arith.constant 0 : i32
        %dma_wait3A_197 = arith.constant 0 : i32
        %dma_wait3A_198 = tpu.memref_slice %arg7[%dma_wait3A_196, %dma_wait3A_197] : memref<125x80xi32, #tpu.memory_space<vmem>> -> memref<1x80xi32, #tpu.memory_space<vmem>>
        %dma_wait3A_199 = tpu.memref_squeeze %dma_wait3A_198 : memref<1x80xi32, #tpu.memory_space<vmem>> -> memref<80xi32, #tpu.memory_space<vmem>>
        %dma_wait3A_200 = arith.constant 0 : i32
        %dma_wait3A_201 = arith.constant 0 : i32
        %dma_wait3A_202 = tpu.memref_slice %arg10[%dma_wait3A_200, %dma_wait3A_201] : memref<10240x128xf32, #tpu.memory_space<vmem_shared>> -> memref<10240x128xf32, #tpu.memory_space<vmem_shared>>
        tpu.wait_indirect_dma semaphore(%arg14 : memref<!tpu.dma_semaphore, #tpu.memory_space<semaphore_mem>>) src(%arg9 : memref<80x128xf32, #tpu.memory_space<vmem>>) dst(%dma_wait3A_202 : memref<10240x128xf32, #tpu.memory_space<vmem_shared>>)
        %add3A_203 = arith.constant 3 : i32
        %add3A_204 = arith.addi %mul3A_143, %add3A_203 : i32
        %mul3A_205 = arith.constant 80 : i32
        %mul3A_206 = arith.muli %add3A_204, %mul3A_205 : i32
        %multiple_of3A_207 = tpu.assume_multiple %mul3A_206, 8 : i32
        %dma_start3A_208 = tpu.memref_slice %arg6[%multiple_of3A_207] : memref<10000xi32, #tpu.memory_space<vmem>> -> memref<80xi32, #tpu.memory_space<vmem>>
        %dma_start3A_209 = arith.constant 0 : i32
        %dma_start3A_210 = arith.constant 0 : i32
        %dma_start3A_211 = tpu.memref_slice %arg2[%scan3A_47, %dma_start3A_209, %dma_start3A_210] : memref<4x10000x128xf32, #tpu.memory_space<hbm>> -> memref<1x10000x128xf32, #tpu.memory_space<hbm>>
        %dma_start3A_212 = tpu.memref_squeeze %dma_start3A_211 : memref<1x10000x128xf32, #tpu.memory_space<hbm>> -> memref<10000x128xf32, #tpu.memory_space<hbm>>
        %dma_start3A_213 = arith.constant 0 : i32
        %dma_start3A_214 = arith.constant 0 : i32
        %dma_start3A_215 = tpu.memref_slice %dma_start3A_212[%dma_start3A_213, %dma_start3A_214] : memref<10000x128xf32, #tpu.memory_space<hbm>> -> memref<10000x128xf32, #tpu.memory_space<hbm>>
        tpu.enqueue_indirect_dma source(%dma_start3A_215 : memref<10000x128xf32, #tpu.memory_space<hbm>>) target(%arg9 : memref<80x128xf32, #tpu.memory_space<vmem>>) offsets(%dma_start3A_208 : memref<80xi32, #tpu.memory_space<vmem>>) semaphore(%arg12 : memref<!tpu.dma_semaphore, #tpu.memory_space<semaphore_mem>>)
      }
      %scan3A_52 = arith.constant 61 : i32
      %dma_wait3A = arith.constant 3 : i32
      %dma_wait3A_53 = arith.constant 0 : i32
      %dma_wait3A_54 = tpu.memref_slice %arg6[%dma_wait3A_53] : memref<10000xi32, #tpu.memory_space<vmem>> -> memref<80xi32, #tpu.memory_space<vmem>>
      %dma_wait3A_55 = arith.constant 0 : i32
      %dma_wait3A_56 = arith.constant 0 : i32
      %dma_wait3A_57 = tpu.memref_slice %arg2[%dma_wait3A, %dma_wait3A_55, %dma_wait3A_56] : memref<4x10000x128xf32, #tpu.memory_space<hbm>> -> memref<1x10000x128xf32, #tpu.memory_space<hbm>>
      %dma_wait3A_58 = tpu.memref_squeeze %dma_wait3A_57 : memref<1x10000x128xf32, #tpu.memory_space<hbm>> -> memref<10000x128xf32, #tpu.memory_space<hbm>>
      %dma_wait3A_59 = arith.constant 0 : i32
      %dma_wait3A_60 = arith.constant 0 : i32
      %dma_wait3A_61 = tpu.memref_slice %dma_wait3A_58[%dma_wait3A_59, %dma_wait3A_60] : memref<10000x128xf32, #tpu.memory_space<hbm>> -> memref<10000x128xf32, #tpu.memory_space<hbm>>
      tpu.wait_indirect_dma semaphore(%arg11 : memref<!tpu.dma_semaphore, #tpu.memory_space<semaphore_mem>>) src(%dma_wait3A_61 : memref<10000x128xf32, #tpu.memory_space<hbm>>) dst(%arg8 : memref<80x128xf32, #tpu.memory_space<vmem>>)
      %dma_start3A_62 = arith.constant 122 : i32
      %dma_start3A_63 = arith.constant 0 : i32
      %dma_start3A_64 = tpu.memref_slice %arg7[%dma_start3A_62, %dma_start3A_63] : memref<125x80xi32, #tpu.memory_space<vmem>> -> memref<1x80xi32, #tpu.memory_space<vmem>>
      %dma_start3A_65 = tpu.memref_squeeze %dma_start3A_64 : memref<1x80xi32, #tpu.memory_space<vmem>> -> memref<80xi32, #tpu.memory_space<vmem>>
      %dma_start3A_66 = arith.constant 0 : i32
      %dma_start3A_67 = arith.constant 0 : i32
      %dma_start3A_68 = tpu.memref_slice %arg10[%dma_start3A_66, %dma_start3A_67] : memref<10240x128xf32, #tpu.memory_space<vmem_shared>> -> memref<10240x128xf32, #tpu.memory_space<vmem_shared>>
      tpu.enqueue_indirect_dma source(%arg8 : memref<80x128xf32, #tpu.memory_space<vmem>>) target(%dma_start3A_68 : memref<10240x128xf32, #tpu.memory_space<vmem_shared>>) offsets(%dma_start3A_65 : memref<80xi32, #tpu.memory_space<vmem>>) semaphore(%arg13 : memref<!tpu.dma_semaphore, #tpu.memory_space<semaphore_mem>>) {add = true}
      %dma_wait3A_69 = arith.constant 3 : i32
      %dma_wait3A_70 = arith.constant 0 : i32
      %dma_wait3A_71 = tpu.memref_slice %arg6[%dma_wait3A_70] : memref<10000xi32, #tpu.memory_space<vmem>> -> memref<80xi32, #tpu.memory_space<vmem>>
      %dma_wait3A_72 = arith.constant 0 : i32
      %dma_wait3A_73 = arith.constant 0 : i32
      %dma_wait3A_74 = tpu.memref_slice %arg2[%dma_wait3A_69, %dma_wait3A_72, %dma_wait3A_73] : memref<4x10000x128xf32, #tpu.memory_space<hbm>> -> memref<1x10000x128xf32, #tpu.memory_space<hbm>>
      %dma_wait3A_75 = tpu.memref_squeeze %dma_wait3A_74 : memref<1x10000x128xf32, #tpu.memory_space<hbm>> -> memref<10000x128xf32, #tpu.memory_space<hbm>>
      %dma_wait3A_76 = arith.constant 0 : i32
      %dma_wait3A_77 = arith.constant 0 : i32
      %dma_wait3A_78 = tpu.memref_slice %dma_wait3A_75[%dma_wait3A_76, %dma_wait3A_77] : memref<10000x128xf32, #tpu.memory_space<hbm>> -> memref<10000x128xf32, #tpu.memory_space<hbm>>
      tpu.wait_indirect_dma semaphore(%arg12 : memref<!tpu.dma_semaphore, #tpu.memory_space<semaphore_mem>>) src(%dma_wait3A_78 : memref<10000x128xf32, #tpu.memory_space<hbm>>) dst(%arg9 : memref<80x128xf32, #tpu.memory_space<vmem>>)
      %dma_start3A_79 = arith.constant 123 : i32
      %dma_start3A_80 = arith.constant 0 : i32
      %dma_start3A_81 = tpu.memref_slice %arg7[%dma_start3A_79, %dma_start3A_80] : memref<125x80xi32, #tpu.memory_space<vmem>> -> memref<1x80xi32, #tpu.memory_space<vmem>>
      %dma_start3A_82 = tpu.memref_squeeze %dma_start3A_81 : memref<1x80xi32, #tpu.memory_space<vmem>> -> memref<80xi32, #tpu.memory_space<vmem>>
      %dma_start3A_83 = arith.constant 0 : i32
      %dma_start3A_84 = arith.constant 0 : i32
      %dma_start3A_85 = tpu.memref_slice %arg10[%dma_start3A_83, %dma_start3A_84] : memref<10240x128xf32, #tpu.memory_space<vmem_shared>> -> memref<10240x128xf32, #tpu.memory_space<vmem_shared>>
      tpu.enqueue_indirect_dma source(%arg9 : memref<80x128xf32, #tpu.memory_space<vmem>>) target(%dma_start3A_85 : memref<10240x128xf32, #tpu.memory_space<vmem_shared>>) offsets(%dma_start3A_82 : memref<80xi32, #tpu.memory_space<vmem>>) semaphore(%arg14 : memref<!tpu.dma_semaphore, #tpu.memory_space<semaphore_mem>>) {add = true}
      %dma_wait3A_86 = arith.constant 0 : i32
      %dma_wait3A_87 = arith.constant 0 : i32
      %dma_wait3A_88 = tpu.memref_slice %arg7[%dma_wait3A_86, %dma_wait3A_87] : memref<125x80xi32, #tpu.memory_space<vmem>> -> memref<1x80xi32, #tpu.memory_space<vmem>>
      %dma_wait3A_89 = tpu.memref_squeeze %dma_wait3A_88 : memref<1x80xi32, #tpu.memory_space<vmem>> -> memref<80xi32, #tpu.memory_space<vmem>>
      %dma_wait3A_90 = arith.constant 0 : i32
      %dma_wait3A_91 = arith.constant 0 : i32
      %dma_wait3A_92 = tpu.memref_slice %arg10[%dma_wait3A_90, %dma_wait3A_91] : memref<10240x128xf32, #tpu.memory_space<vmem_shared>> -> memref<10240x128xf32, #tpu.memory_space<vmem_shared>>
      tpu.wait_indirect_dma semaphore(%arg13 : memref<!tpu.dma_semaphore, #tpu.memory_space<semaphore_mem>>) src(%arg8 : memref<80x128xf32, #tpu.memory_space<vmem>>) dst(%dma_wait3A_92 : memref<10240x128xf32, #tpu.memory_space<vmem_shared>>)
      %multiple_of3A_93 = arith.constant 9920 : i32
      %multiple_of3A_94 = tpu.assume_multiple %multiple_of3A_93, 8 : i32
      %dma_start3A_95 = arith.constant 3 : i32
      %dma_start3A_96 = tpu.memref_slice %arg6[%multiple_of3A_94] : memref<10000xi32, #tpu.memory_space<vmem>> -> memref<80xi32, #tpu.memory_space<vmem>>
      %dma_start3A_97 = arith.constant 0 : i32
      %dma_start3A_98 = arith.constant 0 : i32
      %dma_start3A_99 = tpu.memref_slice %arg2[%dma_start3A_95, %dma_start3A_97, %dma_start3A_98] : memref<4x10000x128xf32, #tpu.memory_space<hbm>> -> memref<1x10000x128xf32, #tpu.memory_space<hbm>>
      %dma_start3A_100 = tpu.memref_squeeze %dma_start3A_99 : memref<1x10000x128xf32, #tpu.memory_space<hbm>> -> memref<10000x128xf32, #tpu.memory_space<hbm>>
      %dma_start3A_101 = arith.constant 0 : i32
      %dma_start3A_102 = arith.constant 0 : i32
      %dma_start3A_103 = tpu.memref_slice %dma_start3A_100[%dma_start3A_101, %dma_start3A_102] : memref<10000x128xf32, #tpu.memory_space<hbm>> -> memref<10000x128xf32, #tpu.memory_space<hbm>>
      tpu.enqueue_indirect_dma source(%dma_start3A_103 : memref<10000x128xf32, #tpu.memory_space<hbm>>) target(%arg8 : memref<80x128xf32, #tpu.memory_space<vmem>>) offsets(%dma_start3A_96 : memref<80xi32, #tpu.memory_space<vmem>>) semaphore(%arg11 : memref<!tpu.dma_semaphore, #tpu.memory_space<semaphore_mem>>)
      %dma_wait3A_104 = arith.constant 3 : i32
      %dma_wait3A_105 = arith.constant 0 : i32
      %dma_wait3A_106 = tpu.memref_slice %arg6[%dma_wait3A_105] : memref<10000xi32, #tpu.memory_space<vmem>> -> memref<80xi32, #tpu.memory_space<vmem>>
      %dma_wait3A_107 = arith.constant 0 : i32
      %dma_wait3A_108 = arith.constant 0 : i32
      %dma_wait3A_109 = tpu.memref_slice %arg2[%dma_wait3A_104, %dma_wait3A_107, %dma_wait3A_108] : memref<4x10000x128xf32, #tpu.memory_space<hbm>> -> memref<1x10000x128xf32, #tpu.memory_space<hbm>>
      %dma_wait3A_110 = tpu.memref_squeeze %dma_wait3A_109 : memref<1x10000x128xf32, #tpu.memory_space<hbm>> -> memref<10000x128xf32, #tpu.memory_space<hbm>>
      %dma_wait3A_111 = arith.constant 0 : i32
      %dma_wait3A_112 = arith.constant 0 : i32
      %dma_wait3A_113 = tpu.memref_slice %dma_wait3A_110[%dma_wait3A_111, %dma_wait3A_112] : memref<10000x128xf32, #tpu.memory_space<hbm>> -> memref<10000x128xf32, #tpu.memory_space<hbm>>
      tpu.wait_indirect_dma semaphore(%arg11 : memref<!tpu.dma_semaphore, #tpu.memory_space<semaphore_mem>>) src(%dma_wait3A_113 : memref<10000x128xf32, #tpu.memory_space<hbm>>) dst(%arg8 : memref<80x128xf32, #tpu.memory_space<vmem>>)
      %dma_start3A_114 = arith.constant 124 : i32
      %dma_start3A_115 = arith.constant 0 : i32
      %dma_start3A_116 = tpu.memref_slice %arg7[%dma_start3A_114, %dma_start3A_115] : memref<125x80xi32, #tpu.memory_space<vmem>> -> memref<1x80xi32, #tpu.memory_space<vmem>>
      %dma_start3A_117 = tpu.memref_squeeze %dma_start3A_116 : memref<1x80xi32, #tpu.memory_space<vmem>> -> memref<80xi32, #tpu.memory_space<vmem>>
      %dma_start3A_118 = arith.constant 0 : i32
      %dma_start3A_119 = arith.constant 0 : i32
      %dma_start3A_120 = tpu.memref_slice %arg10[%dma_start3A_118, %dma_start3A_119] : memref<10240x128xf32, #tpu.memory_space<vmem_shared>> -> memref<10240x128xf32, #tpu.memory_space<vmem_shared>>
      tpu.enqueue_indirect_dma source(%arg8 : memref<80x128xf32, #tpu.memory_space<vmem>>) target(%dma_start3A_120 : memref<10240x128xf32, #tpu.memory_space<vmem_shared>>) offsets(%dma_start3A_117 : memref<80xi32, #tpu.memory_space<vmem>>) semaphore(%arg13 : memref<!tpu.dma_semaphore, #tpu.memory_space<semaphore_mem>>) {add = true}
      %dma_wait3A_121 = arith.constant 0 : i32
      %dma_wait3A_122 = arith.constant 0 : i32
      %dma_wait3A_123 = tpu.memref_slice %arg7[%dma_wait3A_121, %dma_wait3A_122] : memref<125x80xi32, #tpu.memory_space<vmem>> -> memref<1x80xi32, #tpu.memory_space<vmem>>
      %dma_wait3A_124 = tpu.memref_squeeze %dma_wait3A_123 : memref<1x80xi32, #tpu.memory_space<vmem>> -> memref<80xi32, #tpu.memory_space<vmem>>
      %dma_wait3A_125 = arith.constant 0 : i32
      %dma_wait3A_126 = arith.constant 0 : i32
      %dma_wait3A_127 = tpu.memref_slice %arg10[%dma_wait3A_125, %dma_wait3A_126] : memref<10240x128xf32, #tpu.memory_space<vmem_shared>> -> memref<10240x128xf32, #tpu.memory_space<vmem_shared>>
      tpu.wait_indirect_dma semaphore(%arg14 : memref<!tpu.dma_semaphore, #tpu.memory_space<semaphore_mem>>) src(%arg9 : memref<80x128xf32, #tpu.memory_space<vmem>>) dst(%dma_wait3A_127 : memref<10240x128xf32, #tpu.memory_space<vmem_shared>>)
      %dma_wait3A_128 = arith.constant 0 : i32
      %dma_wait3A_129 = arith.constant 0 : i32
      %dma_wait3A_130 = tpu.memref_slice %arg7[%dma_wait3A_128, %dma_wait3A_129] : memref<125x80xi32, #tpu.memory_space<vmem>> -> memref<1x80xi32, #tpu.memory_space<vmem>>
      %dma_wait3A_131 = tpu.memref_squeeze %dma_wait3A_130 : memref<1x80xi32, #tpu.memory_space<vmem>> -> memref<80xi32, #tpu.memory_space<vmem>>
      %dma_wait3A_132 = arith.constant 0 : i32
      %dma_wait3A_133 = arith.constant 0 : i32
      %dma_wait3A_134 = tpu.memref_slice %arg10[%dma_wait3A_132, %dma_wait3A_133] : memref<10240x128xf32, #tpu.memory_space<vmem_shared>> -> memref<10240x128xf32, #tpu.memory_space<vmem_shared>>
      tpu.wait_indirect_dma semaphore(%arg13 : memref<!tpu.dma_semaphore, #tpu.memory_space<semaphore_mem>>) src(%arg8 : memref<80x128xf32, #tpu.memory_space<vmem>>) dst(%dma_wait3A_134 : memref<10240x128xf32, #tpu.memory_space<vmem_shared>>)
      %barrier3A_135 = arith.constant 0 : index
      tpu.barrier barrier_id(%barrier3A_135)
      %mul3A_136 = arith.constant 640 : i32
      %mul3A_137 = arith.muli %arg1, %mul3A_136 : i32
      %run_scoped3A = arith.constant 3 : i32
      "tpu.region"() ({
        %run_scoped3A_138 = tpu.sem_alloc : memref<!tpu.dma_semaphore, #tpu.memory_space<semaphore_mem>>
        %dma_start3A_139 = arith.constant 0 : i32
        %dma_start3A_140 = arith.constant 0 : i32
        %dma_start3A_141 = tpu.memref_slice %arg5[%run_scoped3A, %dma_start3A_139, %dma_start3A_140] : memref<4x10240x128xf32, #tpu.memory_space<hbm>> -> memref<1x10240x128xf32, #tpu.memory_space<hbm>>
        %dma_start3A_142 = tpu.memref_squeeze %dma_start3A_141 : memref<1x10240x128xf32, #tpu.memory_space<hbm>> -> memref<10240x128xf32, #tpu.memory_space<hbm>>
        %dma_start3A_143 = arith.constant 0 : i32
        %dma_start3A_144 = tpu.memref_slice %dma_start3A_142[%mul3A_137, %dma_start3A_143] : memref<10240x128xf32, #tpu.memory_space<hbm>> -> memref<640x128xf32, #tpu.memory_space<hbm>>
        %dma_start3A_145 = arith.constant 0 : i32
        %dma_start3A_146 = tpu.memref_slice %arg10[%mul3A_137, %dma_start3A_145] : memref<10240x128xf32, #tpu.memory_space<vmem_shared>> -> memref<640x128xf32, #tpu.memory_space<vmem_shared>>
        tpu.enqueue_dma source(%dma_start3A_146 : memref<640x128xf32, #tpu.memory_space<vmem_shared>>) target(%dma_start3A_144 : memref<640x128xf32, #tpu.memory_space<hbm>>) target_semaphore(%run_scoped3A_138 : memref<!tpu.dma_semaphore, #tpu.memory_space<semaphore_mem>>)
        %dma_wait3A_147 = arith.constant 0 : i32
        %dma_wait3A_148 = arith.constant 0 : i32
        %dma_wait3A_149 = tpu.memref_slice %arg5[%run_scoped3A, %dma_wait3A_147, %dma_wait3A_148] : memref<4x10240x128xf32, #tpu.memory_space<hbm>> -> memref<1x10240x128xf32, #tpu.memory_space<hbm>>
        %dma_wait3A_150 = tpu.memref_squeeze %dma_wait3A_149 : memref<1x10240x128xf32, #tpu.memory_space<hbm>> -> memref<10240x128xf32, #tpu.memory_space<hbm>>
        %dma_wait3A_151 = arith.constant 0 : i32
        %dma_wait3A_152 = tpu.memref_slice %dma_wait3A_150[%mul3A_137, %dma_wait3A_151] : memref<10240x128xf32, #tpu.memory_space<hbm>> -> memref<640x128xf32, #tpu.memory_space<hbm>>
        %dma_wait3A_153 = arith.constant 0 : i32
        %dma_wait3A_154 = tpu.memref_slice %arg10[%mul3A_137, %dma_wait3A_153] : memref<10240x128xf32, #tpu.memory_space<vmem_shared>> -> memref<640x128xf32, #tpu.memory_space<vmem_shared>>
        tpu.wait_dma2 semaphore(%run_scoped3A_138 : memref<!tpu.dma_semaphore, #tpu.memory_space<semaphore_mem>>) src(%dma_wait3A_154 : memref<640x128xf32, #tpu.memory_space<vmem_shared>>) dst(%dma_wait3A_152 : memref<640x128xf32, #tpu.memory_space<hbm>>)
        tpu.yield
      }) : () -> ()
    } else {
    }
    return
  }
}

#map = affine_map<(d0, d1) -> (0, 0, 0)>
#map1 = affine_map<(d0, d1) -> (0)>
module attributes {stable_mosaic.version = 14 : i64} {
  func.func @prop_kernel(%arg0: i32, %arg1: i32, %arg2: memref<2x10000x128xf32, #tpu.memory_space<hbm>>, %arg3: memref<160000xi32, #tpu.memory_space<hbm>>, %arg4: memref<16x125x80xi32, #tpu.memory_space<hbm>>, %arg5: memref<2x10240x128xf32, #tpu.memory_space<hbm>>, %arg6: memref<10000xi32, #tpu.memory_space<vmem>>, %arg7: memref<125x80xi32, #tpu.memory_space<vmem>>, %arg8: memref<80x128xf32, #tpu.memory_space<vmem>>, %arg9: memref<80x128xf32, #tpu.memory_space<vmem>>, %arg10: memref<10240x128xf32, #tpu.memory_space<vmem_shared>>, %arg11: memref<!tpu.dma_semaphore, #tpu.memory_space<semaphore_mem>>, %arg12: memref<!tpu.dma_semaphore, #tpu.memory_space<semaphore_mem>>, %arg13: memref<!tpu.dma_semaphore, #tpu.memory_space<semaphore_mem>>, %arg14: memref<!tpu.dma_semaphore, #tpu.memory_space<semaphore_mem>>) attributes {dimension_semantics = [#tpu.dimension_semantics<core_parallel>, #tpu.dimension_semantics<subcore_parallel>], iteration_bounds = array<i64: 2, 16>, scalar_prefetch = 0 : i64, scratch_operands = 9 : i64, tpu.core_type = #tpu.core_type<sc_vector_subcore>, window_params = [{transform_indices = #map}, {transform_indices = #map1}, {transform_indices = #map}, {transform_indices = #map}]} {
    %mul3A = arith.constant 10000 : i32
    %mul3A_0 = arith.muli %arg1, %mul3A : i32
    "tpu.region"() ({
      %run_scoped3A = tpu.sem_alloc : memref<!tpu.dma_semaphore, #tpu.memory_space<semaphore_mem>>
      %dma_start3A = tpu.memref_slice %arg3[%mul3A_0] : memref<160000xi32, #tpu.memory_space<hbm>> -> memref<10000xi32, #tpu.memory_space<hbm>>
      %dma_start3A_8 = tpu.memref_slice %arg3[%mul3A_0] : memref<160000xi32, #tpu.memory_space<hbm>> -> memref<10000xi32, #tpu.memory_space<hbm>>
      tpu.enqueue_dma source(%dma_start3A_8 : memref<10000xi32, #tpu.memory_space<hbm>>) target(%arg6 : memref<10000xi32, #tpu.memory_space<vmem>>) target_semaphore(%run_scoped3A : memref<!tpu.dma_semaphore, #tpu.memory_space<semaphore_mem>>)
      %dma_wait3A = tpu.memref_slice %arg3[%mul3A_0] : memref<160000xi32, #tpu.memory_space<hbm>> -> memref<10000xi32, #tpu.memory_space<hbm>>
      %dma_wait3A_9 = tpu.memref_slice %arg3[%mul3A_0] : memref<160000xi32, #tpu.memory_space<hbm>> -> memref<10000xi32, #tpu.memory_space<hbm>>
      tpu.wait_dma2 semaphore(%run_scoped3A : memref<!tpu.dma_semaphore, #tpu.memory_space<semaphore_mem>>) src(%dma_wait3A_9 : memref<10000xi32, #tpu.memory_space<hbm>>) dst(%arg6 : memref<10000xi32, #tpu.memory_space<vmem>>)
      tpu.yield
    }) : () -> ()
    "tpu.region"() ({
      %run_scoped3A = tpu.sem_alloc : memref<!tpu.dma_semaphore, #tpu.memory_space<semaphore_mem>>
      %dma_start3A = arith.constant 0 : i32
      %dma_start3A_8 = arith.constant 0 : i32
      %dma_start3A_9 = tpu.memref_slice %arg4[%arg1, %dma_start3A, %dma_start3A_8] : memref<16x125x80xi32, #tpu.memory_space<hbm>> -> memref<1x125x80xi32, #tpu.memory_space<hbm>>
      %dma_start3A_10 = tpu.memref_squeeze %dma_start3A_9 : memref<1x125x80xi32, #tpu.memory_space<hbm>> -> memref<125x80xi32, #tpu.memory_space<hbm>>
      %dma_start3A_11 = arith.constant 0 : i32
      %dma_start3A_12 = arith.constant 0 : i32
      %dma_start3A_13 = tpu.memref_slice %arg4[%arg1, %dma_start3A_11, %dma_start3A_12] : memref<16x125x80xi32, #tpu.memory_space<hbm>> -> memref<1x125x80xi32, #tpu.memory_space<hbm>>
      %dma_start3A_14 = tpu.memref_squeeze %dma_start3A_13 : memref<1x125x80xi32, #tpu.memory_space<hbm>> -> memref<125x80xi32, #tpu.memory_space<hbm>>
      tpu.enqueue_dma source(%dma_start3A_14 : memref<125x80xi32, #tpu.memory_space<hbm>>) target(%arg7 : memref<125x80xi32, #tpu.memory_space<vmem>>) target_semaphore(%run_scoped3A : memref<!tpu.dma_semaphore, #tpu.memory_space<semaphore_mem>>)
      %dma_wait3A = arith.constant 0 : i32
      %dma_wait3A_15 = arith.constant 0 : i32
      %dma_wait3A_16 = tpu.memref_slice %arg4[%arg1, %dma_wait3A, %dma_wait3A_15] : memref<16x125x80xi32, #tpu.memory_space<hbm>> -> memref<1x125x80xi32, #tpu.memory_space<hbm>>
      %dma_wait3A_17 = tpu.memref_squeeze %dma_wait3A_16 : memref<1x125x80xi32, #tpu.memory_space<hbm>> -> memref<125x80xi32, #tpu.memory_space<hbm>>
      %dma_wait3A_18 = arith.constant 0 : i32
      %dma_wait3A_19 = arith.constant 0 : i32
      %dma_wait3A_20 = tpu.memref_slice %arg4[%arg1, %dma_wait3A_18, %dma_wait3A_19] : memref<16x125x80xi32, #tpu.memory_space<hbm>> -> memref<1x125x80xi32, #tpu.memory_space<hbm>>
      %dma_wait3A_21 = tpu.memref_squeeze %dma_wait3A_20 : memref<1x125x80xi32, #tpu.memory_space<hbm>> -> memref<125x80xi32, #tpu.memory_space<hbm>>
      tpu.wait_dma2 semaphore(%run_scoped3A : memref<!tpu.dma_semaphore, #tpu.memory_space<semaphore_mem>>) src(%dma_wait3A_21 : memref<125x80xi32, #tpu.memory_space<hbm>>) dst(%arg7 : memref<125x80xi32, #tpu.memory_space<vmem>>)
      tpu.yield
    }) : () -> ()
    %eq3A = arith.constant 0 : i32
    %eq3A_1 = arith.cmpi eq, %arg0, %eq3A : i32
    %convert_element_type3A = arith.extui %eq3A_1 : i1 to i32
    %cond3A = arith.constant 0 : i32
    %cond3A_2 = arith.cmpi ne, %convert_element_type3A, %cond3A : i32
    scf.if %cond3A_2 {
      %scan3A = arith.constant 0 : i32
      %scan3A_8 = arith.constant 80 : i32
      %scan3A_9 = arith.addi %scan3A, %scan3A_8 : i32
      %scan3A_10 = arith.constant 1 : i32
      scf.for %scan3A_128 = %scan3A to %scan3A_9 step %scan3A_10  : i32 {
        %mul3A_129 = arith.constant 1 : i32
        %mul3A_130 = arith.muli %scan3A_128, %mul3A_129 : i32
        %add3A = arith.constant 0 : i32
        %add3A_131 = arith.addi %add3A, %mul3A_130 : i32
        %scan3A_132 = arith.constant 0 : i32
        %scan3A_133 = arith.constant 8 : i32
        %scan3A_134 = arith.addi %scan3A_132, %scan3A_133 : i32
        %scan3A_135 = arith.constant 1 : i32
        scf.for %scan3A_137 = %scan3A_132 to %scan3A_134 step %scan3A_135  : i32 {
          %mul3A_138 = arith.constant 16 : i32
          %mul3A_139 = arith.muli %scan3A_137, %mul3A_138 : i32
          %add3A_140 = arith.constant 0 : i32
          %add3A_141 = arith.addi %add3A_140, %mul3A_139 : i32
          %broadcast_in_dim3A = arith.constant 0.000000e+00 : f32
          %broadcast_in_dim3A_142 = vector.broadcast %broadcast_in_dim3A : f32 to vector<16xf32>
          %swap3A = arith.index_cast %add3A_131 : i32 to index
          %swap3A_143 = arith.index_cast %add3A_141 : i32 to index
          %swap3A_144 = tpu.vector_load %arg8[%swap3A, %swap3A_143] {strides = array<i32>} : memref<80x128xf32, #tpu.memory_space<vmem>>, vector<1x16xf32>,
          %swap3A_145 = vector.shape_cast %swap3A_144 : vector<1x16xf32> to vector<16xf32>
          %swap3A_146 = vector.shape_cast %broadcast_in_dim3A_142 : vector<16xf32> to vector<1x16xf32>
          tpu.vector_store %arg8[%swap3A, %swap3A_143], %swap3A_146 {strides = array<i32>} : memref<80x128xf32, #tpu.memory_space<vmem>>, vector<1x16xf32>,
        }
        %scan3A_136 = arith.constant 8 : i32
      }
      %scan3A_11 = arith.constant 80 : i32
      %scan3A_12 = arith.constant 0 : i32
      %scan3A_13 = arith.constant 8 : i32
      %scan3A_14 = arith.addi %scan3A_12, %scan3A_13 : i32
      %scan3A_15 = arith.constant 1 : i32
      scf.for %scan3A_128 = %scan3A_12 to %scan3A_14 step %scan3A_15  : i32 {
        %mul3A_129 = arith.constant 1 : i32
        %mul3A_130 = arith.muli %scan3A_128, %mul3A_129 : i32
        %add3A = arith.constant 0 : i32
        %add3A_131 = arith.addi %add3A, %mul3A_130 : i32
        %mul3A_132 = arith.constant 640 : i32
        %mul3A_133 = arith.muli %arg1, %mul3A_132 : i32
        %mul3A_134 = arith.constant 80 : i32
        %mul3A_135 = arith.muli %add3A_131, %mul3A_134 : i32
        %add3A_136 = arith.addi %mul3A_133, %mul3A_135 : i32
        "tpu.region"() ({
          %run_scoped3A_137 = tpu.sem_alloc : memref<!tpu.dma_semaphore, #tpu.memory_space<semaphore_mem>>
          %dma_start3A_138 = arith.constant 0 : i32
          %dma_start3A_139 = tpu.memref_slice %arg10[%add3A_136, %dma_start3A_138] : memref<10240x128xf32, #tpu.memory_space<vmem_shared>> -> memref<80x128xf32, #tpu.memory_space<vmem_shared>>
          %dma_start3A_140 = arith.constant 0 : i32
          %dma_start3A_141 = tpu.memref_slice %arg10[%add3A_136, %dma_start3A_140] : memref<10240x128xf32, #tpu.memory_space<vmem_shared>> -> memref<80x128xf32, #tpu.memory_space<vmem_shared>>
          tpu.enqueue_dma source(%arg8 : memref<80x128xf32, #tpu.memory_space<vmem>>) target(%dma_start3A_141 : memref<80x128xf32, #tpu.memory_space<vmem_shared>>) target_semaphore(%run_scoped3A_137 : memref<!tpu.dma_semaphore, #tpu.memory_space<semaphore_mem>>)
          %dma_wait3A_142 = arith.constant 0 : i32
          %dma_wait3A_143 = tpu.memref_slice %arg10[%add3A_136, %dma_wait3A_142] : memref<10240x128xf32, #tpu.memory_space<vmem_shared>> -> memref<80x128xf32, #tpu.memory_space<vmem_shared>>
          %dma_wait3A_144 = arith.constant 0 : i32
          %dma_wait3A_145 = tpu.memref_slice %arg10[%add3A_136, %dma_wait3A_144] : memref<10240x128xf32, #tpu.memory_space<vmem_shared>> -> memref<80x128xf32, #tpu.memory_space<vmem_shared>>
          tpu.wait_dma2 semaphore(%run_scoped3A_137 : memref<!tpu.dma_semaphore, #tpu.memory_space<semaphore_mem>>) src(%arg8 : memref<80x128xf32, #tpu.memory_space<vmem>>) dst(%dma_wait3A_145 : memref<80x128xf32, #tpu.memory_space<vmem_shared>>)
          tpu.yield
        }) : () -> ()
      }
      %scan3A_16 = arith.constant 8 : i32
      %barrier3A = arith.constant 0 : index
      tpu.barrier barrier_id(%barrier3A)
      %multiple_of3A = arith.constant 0 : i32
      %multiple_of3A_17 = tpu.assume_multiple %multiple_of3A, 8 : i32
      %dma_start3A = arith.constant 0 : i32
      %dma_start3A_18 = tpu.memref_slice %arg6[%multiple_of3A_17] : memref<10000xi32, #tpu.memory_space<vmem>> -> memref<80xi32, #tpu.memory_space<vmem>>
      %dma_start3A_19 = arith.constant 0 : i32
      %dma_start3A_20 = arith.constant 0 : i32
      %dma_start3A_21 = tpu.memref_slice %arg2[%dma_start3A, %dma_start3A_19, %dma_start3A_20] : memref<2x10000x128xf32, #tpu.memory_space<hbm>> -> memref<1x10000x128xf32, #tpu.memory_space<hbm>>
      %dma_start3A_22 = tpu.memref_squeeze %dma_start3A_21 : memref<1x10000x128xf32, #tpu.memory_space<hbm>> -> memref<10000x128xf32, #tpu.memory_space<hbm>>
      %dma_start3A_23 = arith.constant 0 : i32
      %dma_start3A_24 = arith.constant 0 : i32
      %dma_start3A_25 = tpu.memref_slice %dma_start3A_22[%dma_start3A_23, %dma_start3A_24] : memref<10000x128xf32, #tpu.memory_space<hbm>> -> memref<10000x128xf32, #tpu.memory_space<hbm>>
      tpu.enqueue_indirect_dma source(%dma_start3A_25 : memref<10000x128xf32, #tpu.memory_space<hbm>>) target(%arg8 : memref<80x128xf32, #tpu.memory_space<vmem>>) offsets(%dma_start3A_18 : memref<80xi32, #tpu.memory_space<vmem>>) semaphore(%arg11 : memref<!tpu.dma_semaphore, #tpu.memory_space<semaphore_mem>>)
      %multiple_of3A_26 = arith.constant 80 : i32
      %multiple_of3A_27 = tpu.assume_multiple %multiple_of3A_26, 8 : i32
      %dma_start3A_28 = arith.constant 0 : i32
      %dma_start3A_29 = tpu.memref_slice %arg6[%multiple_of3A_27] : memref<10000xi32, #tpu.memory_space<vmem>> -> memref<80xi32, #tpu.memory_space<vmem>>
      %dma_start3A_30 = arith.constant 0 : i32
      %dma_start3A_31 = arith.constant 0 : i32
      %dma_start3A_32 = tpu.memref_slice %arg2[%dma_start3A_28, %dma_start3A_30, %dma_start3A_31] : memref<2x10000x128xf32, #tpu.memory_space<hbm>> -> memref<1x10000x128xf32, #tpu.memory_space<hbm>>
      %dma_start3A_33 = tpu.memref_squeeze %dma_start3A_32 : memref<1x10000x128xf32, #tpu.memory_space<hbm>> -> memref<10000x128xf32, #tpu.memory_space<hbm>>
      %dma_start3A_34 = arith.constant 0 : i32
      %dma_start3A_35 = arith.constant 0 : i32
      %dma_start3A_36 = tpu.memref_slice %dma_start3A_33[%dma_start3A_34, %dma_start3A_35] : memref<10000x128xf32, #tpu.memory_space<hbm>> -> memref<10000x128xf32, #tpu.memory_space<hbm>>
      tpu.enqueue_indirect_dma source(%dma_start3A_36 : memref<10000x128xf32, #tpu.memory_space<hbm>>) target(%arg9 : memref<80x128xf32, #tpu.memory_space<vmem>>) offsets(%dma_start3A_29 : memref<80xi32, #tpu.memory_space<vmem>>) semaphore(%arg12 : memref<!tpu.dma_semaphore, #tpu.memory_space<semaphore_mem>>)
      %scan3A_37 = arith.constant 0 : i32
      %scan3A_38 = arith.constant 0 : i32
      %scan3A_39 = arith.constant 61 : i32
      %scan3A_40 = arith.addi %scan3A_38, %scan3A_39 : i32
      %scan3A_41 = arith.constant 1 : i32
      scf.for %scan3A_128 = %scan3A_38 to %scan3A_40 step %scan3A_41  : i32 {
        %mul3A_129 = arith.constant 1 : i32
        %mul3A_130 = arith.muli %scan3A_128, %mul3A_129 : i32
        %add3A = arith.constant 0 : i32
        %add3A_131 = arith.addi %add3A, %mul3A_130 : i32
        %mul3A_132 = arith.constant 2 : i32
        %mul3A_133 = arith.muli %mul3A_132, %add3A_131 : i32
        %dma_wait3A_134 = arith.constant 0 : i32
        %dma_wait3A_135 = tpu.memref_slice %arg6[%dma_wait3A_134] : memref<10000xi32, #tpu.memory_space<vmem>> -> memref<80xi32, #tpu.memory_space<vmem>>
        %dma_wait3A_136 = arith.constant 0 : i32
        %dma_wait3A_137 = arith.constant 0 : i32
        %dma_wait3A_138 = tpu.memref_slice %arg2[%scan3A_37, %dma_wait3A_136, %dma_wait3A_137] : memref<2x10000x128xf32, #tpu.memory_space<hbm>> -> memref<1x10000x128xf32, #tpu.memory_space<hbm>>
        %dma_wait3A_139 = tpu.memref_squeeze %dma_wait3A_138 : memref<1x10000x128xf32, #tpu.memory_space<hbm>> -> memref<10000x128xf32, #tpu.memory_space<hbm>>
        %dma_wait3A_140 = arith.constant 0 : i32
        %dma_wait3A_141 = arith.constant 0 : i32
        %dma_wait3A_142 = tpu.memref_slice %dma_wait3A_139[%dma_wait3A_140, %dma_wait3A_141] : memref<10000x128xf32, #tpu.memory_space<hbm>> -> memref<10000x128xf32, #tpu.memory_space<hbm>>
        tpu.wait_indirect_dma semaphore(%arg11 : memref<!tpu.dma_semaphore, #tpu.memory_space<semaphore_mem>>) src(%dma_wait3A_142 : memref<10000x128xf32, #tpu.memory_space<hbm>>) dst(%arg8 : memref<80x128xf32, #tpu.memory_space<vmem>>)
        %dma_start3A_143 = arith.constant 0 : i32
        %dma_start3A_144 = tpu.memref_slice %arg7[%mul3A_133, %dma_start3A_143] : memref<125x80xi32, #tpu.memory_space<vmem>> -> memref<1x80xi32, #tpu.memory_space<vmem>>
        %dma_start3A_145 = tpu.memref_squeeze %dma_start3A_144 : memref<1x80xi32, #tpu.memory_space<vmem>> -> memref<80xi32, #tpu.memory_space<vmem>>
        %dma_start3A_146 = arith.constant 0 : i32
        %dma_start3A_147 = arith.constant 0 : i32
        %dma_start3A_148 = tpu.memref_slice %arg10[%dma_start3A_146, %dma_start3A_147] : memref<10240x128xf32, #tpu.memory_space<vmem_shared>> -> memref<10240x128xf32, #tpu.memory_space<vmem_shared>>
        tpu.enqueue_indirect_dma source(%arg8 : memref<80x128xf32, #tpu.memory_space<vmem>>) target(%dma_start3A_148 : memref<10240x128xf32, #tpu.memory_space<vmem_shared>>) offsets(%dma_start3A_145 : memref<80xi32, #tpu.memory_space<vmem>>) semaphore(%arg13 : memref<!tpu.dma_semaphore, #tpu.memory_space<semaphore_mem>>) {add = true}
        %dma_wait3A_149 = arith.constant 0 : i32
        %dma_wait3A_150 = tpu.memref_slice %arg6[%dma_wait3A_149] : memref<10000xi32, #tpu.memory_space<vmem>> -> memref<80xi32, #tpu.memory_space<vmem>>
        %dma_wait3A_151 = arith.constant 0 : i32
        %dma_wait3A_152 = arith.constant 0 : i32
        %dma_wait3A_153 = tpu.memref_slice %arg2[%scan3A_37, %dma_wait3A_151, %dma_wait3A_152] : memref<2x10000x128xf32, #tpu.memory_space<hbm>> -> memref<1x10000x128xf32, #tpu.memory_space<hbm>>
        %dma_wait3A_154 = tpu.memref_squeeze %dma_wait3A_153 : memref<1x10000x128xf32, #tpu.memory_space<hbm>> -> memref<10000x128xf32, #tpu.memory_space<hbm>>
        %dma_wait3A_155 = arith.constant 0 : i32
        %dma_wait3A_156 = arith.constant 0 : i32
        %dma_wait3A_157 = tpu.memref_slice %dma_wait3A_154[%dma_wait3A_155, %dma_wait3A_156] : memref<10000x128xf32, #tpu.memory_space<hbm>> -> memref<10000x128xf32, #tpu.memory_space<hbm>>
        tpu.wait_indirect_dma semaphore(%arg12 : memref<!tpu.dma_semaphore, #tpu.memory_space<semaphore_mem>>) src(%dma_wait3A_157 : memref<10000x128xf32, #tpu.memory_space<hbm>>) dst(%arg9 : memref<80x128xf32, #tpu.memory_space<vmem>>)
        %add3A_158 = arith.constant 1 : i32
        %add3A_159 = arith.addi %mul3A_133, %add3A_158 : i32
        %dma_start3A_160 = arith.constant 0 : i32
        %dma_start3A_161 = tpu.memref_slice %arg7[%add3A_159, %dma_start3A_160] : memref<125x80xi32, #tpu.memory_space<vmem>> -> memref<1x80xi32, #tpu.memory_space<vmem>>
        %dma_start3A_162 = tpu.memref_squeeze %dma_start3A_161 : memref<1x80xi32, #tpu.memory_space<vmem>> -> memref<80xi32, #tpu.memory_space<vmem>>
        %dma_start3A_163 = arith.constant 0 : i32
        %dma_start3A_164 = arith.constant 0 : i32
        %dma_start3A_165 = tpu.memref_slice %arg10[%dma_start3A_163, %dma_start3A_164] : memref<10240x128xf32, #tpu.memory_space<vmem_shared>> -> memref<10240x128xf32, #tpu.memory_space<vmem_shared>>
        tpu.enqueue_indirect_dma source(%arg9 : memref<80x128xf32, #tpu.memory_space<vmem>>) target(%dma_start3A_165 : memref<10240x128xf32, #tpu.memory_space<vmem_shared>>) offsets(%dma_start3A_162 : memref<80xi32, #tpu.memory_space<vmem>>) semaphore(%arg14 : memref<!tpu.dma_semaphore, #tpu.memory_space<semaphore_mem>>) {add = true}
        %dma_wait3A_166 = arith.constant 0 : i32
        %dma_wait3A_167 = arith.constant 0 : i32
        %dma_wait3A_168 = tpu.memref_slice %arg7[%dma_wait3A_166, %dma_wait3A_167] : memref<125x80xi32, #tpu.memory_space<vmem>> -> memref<1x80xi32, #tpu.memory_space<vmem>>
        %dma_wait3A_169 = tpu.memref_squeeze %dma_wait3A_168 : memref<1x80xi32, #tpu.memory_space<vmem>> -> memref<80xi32, #tpu.memory_space<vmem>>
        %dma_wait3A_170 = arith.constant 0 : i32
        %dma_wait3A_171 = arith.constant 0 : i32
        %dma_wait3A_172 = tpu.memref_slice %arg10[%dma_wait3A_170, %dma_wait3A_171] : memref<10240x128xf32, #tpu.memory_space<vmem_shared>> -> memref<10240x128xf32, #tpu.memory_space<vmem_shared>>
        tpu.wait_indirect_dma semaphore(%arg13 : memref<!tpu.dma_semaphore, #tpu.memory_space<semaphore_mem>>) src(%arg8 : memref<80x128xf32, #tpu.memory_space<vmem>>) dst(%dma_wait3A_172 : memref<10240x128xf32, #tpu.memory_space<vmem_shared>>)
        %add3A_173 = arith.constant 2 : i32
        %add3A_174 = arith.addi %mul3A_133, %add3A_173 : i32
        %mul3A_175 = arith.constant 80 : i32
        %mul3A_176 = arith.muli %add3A_174, %mul3A_175 : i32
        %multiple_of3A_177 = tpu.assume_multiple %mul3A_176, 8 : i32
        %dma_start3A_178 = tpu.memref_slice %arg6[%multiple_of3A_177] : memref<10000xi32, #tpu.memory_space<vmem>> -> memref<80xi32, #tpu.memory_space<vmem>>
        %dma_start3A_179 = arith.constant 0 : i32
        %dma_start3A_180 = arith.constant 0 : i32
        %dma_start3A_181 = tpu.memref_slice %arg2[%scan3A_37, %dma_start3A_179, %dma_start3A_180] : memref<2x10000x128xf32, #tpu.memory_space<hbm>> -> memref<1x10000x128xf32, #tpu.memory_space<hbm>>
        %dma_start3A_182 = tpu.memref_squeeze %dma_start3A_181 : memref<1x10000x128xf32, #tpu.memory_space<hbm>> -> memref<10000x128xf32, #tpu.memory_space<hbm>>
        %dma_start3A_183 = arith.constant 0 : i32
        %dma_start3A_184 = arith.constant 0 : i32
        %dma_start3A_185 = tpu.memref_slice %dma_start3A_182[%dma_start3A_183, %dma_start3A_184] : memref<10000x128xf32, #tpu.memory_space<hbm>> -> memref<10000x128xf32, #tpu.memory_space<hbm>>
        tpu.enqueue_indirect_dma source(%dma_start3A_185 : memref<10000x128xf32, #tpu.memory_space<hbm>>) target(%arg8 : memref<80x128xf32, #tpu.memory_space<vmem>>) offsets(%dma_start3A_178 : memref<80xi32, #tpu.memory_space<vmem>>) semaphore(%arg11 : memref<!tpu.dma_semaphore, #tpu.memory_space<semaphore_mem>>)
        %dma_wait3A_186 = arith.constant 0 : i32
        %dma_wait3A_187 = arith.constant 0 : i32
        %dma_wait3A_188 = tpu.memref_slice %arg7[%dma_wait3A_186, %dma_wait3A_187] : memref<125x80xi32, #tpu.memory_space<vmem>> -> memref<1x80xi32, #tpu.memory_space<vmem>>
        %dma_wait3A_189 = tpu.memref_squeeze %dma_wait3A_188 : memref<1x80xi32, #tpu.memory_space<vmem>> -> memref<80xi32, #tpu.memory_space<vmem>>
        %dma_wait3A_190 = arith.constant 0 : i32
        %dma_wait3A_191 = arith.constant 0 : i32
        %dma_wait3A_192 = tpu.memref_slice %arg10[%dma_wait3A_190, %dma_wait3A_191] : memref<10240x128xf32, #tpu.memory_space<vmem_shared>> -> memref<10240x128xf32, #tpu.memory_space<vmem_shared>>
        tpu.wait_indirect_dma semaphore(%arg14 : memref<!tpu.dma_semaphore, #tpu.memory_space<semaphore_mem>>) src(%arg9 : memref<80x128xf32, #tpu.memory_space<vmem>>) dst(%dma_wait3A_192 : memref<10240x128xf32, #tpu.memory_space<vmem_shared>>)
        %add3A_193 = arith.constant 3 : i32
        %add3A_194 = arith.addi %mul3A_133, %add3A_193 : i32
        %mul3A_195 = arith.constant 80 : i32
        %mul3A_196 = arith.muli %add3A_194, %mul3A_195 : i32
        %multiple_of3A_197 = tpu.assume_multiple %mul3A_196, 8 : i32
        %dma_start3A_198 = tpu.memref_slice %arg6[%multiple_of3A_197] : memref<10000xi32, #tpu.memory_space<vmem>> -> memref<80xi32, #tpu.memory_space<vmem>>
        %dma_start3A_199 = arith.constant 0 : i32
        %dma_start3A_200 = arith.constant 0 : i32
        %dma_start3A_201 = tpu.memref_slice %arg2[%scan3A_37, %dma_start3A_199, %dma_start3A_200] : memref<2x10000x128xf32, #tpu.memory_space<hbm>> -> memref<1x10000x128xf32, #tpu.memory_space<hbm>>
        %dma_start3A_202 = tpu.memref_squeeze %dma_start3A_201 : memref<1x10000x128xf32, #tpu.memory_space<hbm>> -> memref<10000x128xf32, #tpu.memory_space<hbm>>
        %dma_start3A_203 = arith.constant 0 : i32
        %dma_start3A_204 = arith.constant 0 : i32
        %dma_start3A_205 = tpu.memref_slice %dma_start3A_202[%dma_start3A_203, %dma_start3A_204] : memref<10000x128xf32, #tpu.memory_space<hbm>> -> memref<10000x128xf32, #tpu.memory_space<hbm>>
        tpu.enqueue_indirect_dma source(%dma_start3A_205 : memref<10000x128xf32, #tpu.memory_space<hbm>>) target(%arg9 : memref<80x128xf32, #tpu.memory_space<vmem>>) offsets(%dma_start3A_198 : memref<80xi32, #tpu.memory_space<vmem>>) semaphore(%arg12 : memref<!tpu.dma_semaphore, #tpu.memory_space<semaphore_mem>>)
      }
      %scan3A_42 = arith.constant 61 : i32
      %dma_wait3A = arith.constant 0 : i32
      %dma_wait3A_43 = arith.constant 0 : i32
      %dma_wait3A_44 = tpu.memref_slice %arg6[%dma_wait3A_43] : memref<10000xi32, #tpu.memory_space<vmem>> -> memref<80xi32, #tpu.memory_space<vmem>>
      %dma_wait3A_45 = arith.constant 0 : i32
      %dma_wait3A_46 = arith.constant 0 : i32
      %dma_wait3A_47 = tpu.memref_slice %arg2[%dma_wait3A, %dma_wait3A_45, %dma_wait3A_46] : memref<2x10000x128xf32, #tpu.memory_space<hbm>> -> memref<1x10000x128xf32, #tpu.memory_space<hbm>>
      %dma_wait3A_48 = tpu.memref_squeeze %dma_wait3A_47 : memref<1x10000x128xf32, #tpu.memory_space<hbm>> -> memref<10000x128xf32, #tpu.memory_space<hbm>>
      %dma_wait3A_49 = arith.constant 0 : i32
      %dma_wait3A_50 = arith.constant 0 : i32
      %dma_wait3A_51 = tpu.memref_slice %dma_wait3A_48[%dma_wait3A_49, %dma_wait3A_50] : memref<10000x128xf32, #tpu.memory_space<hbm>> -> memref<10000x128xf32, #tpu.memory_space<hbm>>
      tpu.wait_indirect_dma semaphore(%arg11 : memref<!tpu.dma_semaphore, #tpu.memory_space<semaphore_mem>>) src(%dma_wait3A_51 : memref<10000x128xf32, #tpu.memory_space<hbm>>) dst(%arg8 : memref<80x128xf32, #tpu.memory_space<vmem>>)
      %dma_start3A_52 = arith.constant 122 : i32
      %dma_start3A_53 = arith.constant 0 : i32
      %dma_start3A_54 = tpu.memref_slice %arg7[%dma_start3A_52, %dma_start3A_53] : memref<125x80xi32, #tpu.memory_space<vmem>> -> memref<1x80xi32, #tpu.memory_space<vmem>>
      %dma_start3A_55 = tpu.memref_squeeze %dma_start3A_54 : memref<1x80xi32, #tpu.memory_space<vmem>> -> memref<80xi32, #tpu.memory_space<vmem>>
      %dma_start3A_56 = arith.constant 0 : i32
      %dma_start3A_57 = arith.constant 0 : i32
      %dma_start3A_58 = tpu.memref_slice %arg10[%dma_start3A_56, %dma_start3A_57] : memref<10240x128xf32, #tpu.memory_space<vmem_shared>> -> memref<10240x128xf32, #tpu.memory_space<vmem_shared>>
      tpu.enqueue_indirect_dma source(%arg8 : memref<80x128xf32, #tpu.memory_space<vmem>>) target(%dma_start3A_58 : memref<10240x128xf32, #tpu.memory_space<vmem_shared>>) offsets(%dma_start3A_55 : memref<80xi32, #tpu.memory_space<vmem>>) semaphore(%arg13 : memref<!tpu.dma_semaphore, #tpu.memory_space<semaphore_mem>>) {add = true}
      %dma_wait3A_59 = arith.constant 0 : i32
      %dma_wait3A_60 = arith.constant 0 : i32
      %dma_wait3A_61 = tpu.memref_slice %arg6[%dma_wait3A_60] : memref<10000xi32, #tpu.memory_space<vmem>> -> memref<80xi32, #tpu.memory_space<vmem>>
      %dma_wait3A_62 = arith.constant 0 : i32
      %dma_wait3A_63 = arith.constant 0 : i32
      %dma_wait3A_64 = tpu.memref_slice %arg2[%dma_wait3A_59, %dma_wait3A_62, %dma_wait3A_63] : memref<2x10000x128xf32, #tpu.memory_space<hbm>> -> memref<1x10000x128xf32, #tpu.memory_space<hbm>>
      %dma_wait3A_65 = tpu.memref_squeeze %dma_wait3A_64 : memref<1x10000x128xf32, #tpu.memory_space<hbm>> -> memref<10000x128xf32, #tpu.memory_space<hbm>>
      %dma_wait3A_66 = arith.constant 0 : i32
      %dma_wait3A_67 = arith.constant 0 : i32
      %dma_wait3A_68 = tpu.memref_slice %dma_wait3A_65[%dma_wait3A_66, %dma_wait3A_67] : memref<10000x128xf32, #tpu.memory_space<hbm>> -> memref<10000x128xf32, #tpu.memory_space<hbm>>
      tpu.wait_indirect_dma semaphore(%arg12 : memref<!tpu.dma_semaphore, #tpu.memory_space<semaphore_mem>>) src(%dma_wait3A_68 : memref<10000x128xf32, #tpu.memory_space<hbm>>) dst(%arg9 : memref<80x128xf32, #tpu.memory_space<vmem>>)
      %dma_start3A_69 = arith.constant 123 : i32
      %dma_start3A_70 = arith.constant 0 : i32
      %dma_start3A_71 = tpu.memref_slice %arg7[%dma_start3A_69, %dma_start3A_70] : memref<125x80xi32, #tpu.memory_space<vmem>> -> memref<1x80xi32, #tpu.memory_space<vmem>>
      %dma_start3A_72 = tpu.memref_squeeze %dma_start3A_71 : memref<1x80xi32, #tpu.memory_space<vmem>> -> memref<80xi32, #tpu.memory_space<vmem>>
      %dma_start3A_73 = arith.constant 0 : i32
      %dma_start3A_74 = arith.constant 0 : i32
      %dma_start3A_75 = tpu.memref_slice %arg10[%dma_start3A_73, %dma_start3A_74] : memref<10240x128xf32, #tpu.memory_space<vmem_shared>> -> memref<10240x128xf32, #tpu.memory_space<vmem_shared>>
      tpu.enqueue_indirect_dma source(%arg9 : memref<80x128xf32, #tpu.memory_space<vmem>>) target(%dma_start3A_75 : memref<10240x128xf32, #tpu.memory_space<vmem_shared>>) offsets(%dma_start3A_72 : memref<80xi32, #tpu.memory_space<vmem>>) semaphore(%arg14 : memref<!tpu.dma_semaphore, #tpu.memory_space<semaphore_mem>>) {add = true}
      %dma_wait3A_76 = arith.constant 0 : i32
      %dma_wait3A_77 = arith.constant 0 : i32
      %dma_wait3A_78 = tpu.memref_slice %arg7[%dma_wait3A_76, %dma_wait3A_77] : memref<125x80xi32, #tpu.memory_space<vmem>> -> memref<1x80xi32, #tpu.memory_space<vmem>>
      %dma_wait3A_79 = tpu.memref_squeeze %dma_wait3A_78 : memref<1x80xi32, #tpu.memory_space<vmem>> -> memref<80xi32, #tpu.memory_space<vmem>>
      %dma_wait3A_80 = arith.constant 0 : i32
      %dma_wait3A_81 = arith.constant 0 : i32
      %dma_wait3A_82 = tpu.memref_slice %arg10[%dma_wait3A_80, %dma_wait3A_81] : memref<10240x128xf32, #tpu.memory_space<vmem_shared>> -> memref<10240x128xf32, #tpu.memory_space<vmem_shared>>
      tpu.wait_indirect_dma semaphore(%arg13 : memref<!tpu.dma_semaphore, #tpu.memory_space<semaphore_mem>>) src(%arg8 : memref<80x128xf32, #tpu.memory_space<vmem>>) dst(%dma_wait3A_82 : memref<10240x128xf32, #tpu.memory_space<vmem_shared>>)
      %multiple_of3A_83 = arith.constant 9920 : i32
      %multiple_of3A_84 = tpu.assume_multiple %multiple_of3A_83, 8 : i32
      %dma_start3A_85 = arith.constant 0 : i32
      %dma_start3A_86 = tpu.memref_slice %arg6[%multiple_of3A_84] : memref<10000xi32, #tpu.memory_space<vmem>> -> memref<80xi32, #tpu.memory_space<vmem>>
      %dma_start3A_87 = arith.constant 0 : i32
      %dma_start3A_88 = arith.constant 0 : i32
      %dma_start3A_89 = tpu.memref_slice %arg2[%dma_start3A_85, %dma_start3A_87, %dma_start3A_88] : memref<2x10000x128xf32, #tpu.memory_space<hbm>> -> memref<1x10000x128xf32, #tpu.memory_space<hbm>>
      %dma_start3A_90 = tpu.memref_squeeze %dma_start3A_89 : memref<1x10000x128xf32, #tpu.memory_space<hbm>> -> memref<10000x128xf32, #tpu.memory_space<hbm>>
      %dma_start3A_91 = arith.constant 0 : i32
      %dma_start3A_92 = arith.constant 0 : i32
      %dma_start3A_93 = tpu.memref_slice %dma_start3A_90[%dma_start3A_91, %dma_start3A_92] : memref<10000x128xf32, #tpu.memory_space<hbm>> -> memref<10000x128xf32, #tpu.memory_space<hbm>>
      tpu.enqueue_indirect_dma source(%dma_start3A_93 : memref<10000x128xf32, #tpu.memory_space<hbm>>) target(%arg8 : memref<80x128xf32, #tpu.memory_space<vmem>>) offsets(%dma_start3A_86 : memref<80xi32, #tpu.memory_space<vmem>>) semaphore(%arg11 : memref<!tpu.dma_semaphore, #tpu.memory_space<semaphore_mem>>)
      %dma_wait3A_94 = arith.constant 0 : i32
      %dma_wait3A_95 = arith.constant 0 : i32
      %dma_wait3A_96 = tpu.memref_slice %arg6[%dma_wait3A_95] : memref<10000xi32, #tpu.memory_space<vmem>> -> memref<80xi32, #tpu.memory_space<vmem>>
      %dma_wait3A_97 = arith.constant 0 : i32
      %dma_wait3A_98 = arith.constant 0 : i32
      %dma_wait3A_99 = tpu.memref_slice %arg2[%dma_wait3A_94, %dma_wait3A_97, %dma_wait3A_98] : memref<2x10000x128xf32, #tpu.memory_space<hbm>> -> memref<1x10000x128xf32, #tpu.memory_space<hbm>>
      %dma_wait3A_100 = tpu.memref_squeeze %dma_wait3A_99 : memref<1x10000x128xf32, #tpu.memory_space<hbm>> -> memref<10000x128xf32, #tpu.memory_space<hbm>>
      %dma_wait3A_101 = arith.constant 0 : i32
      %dma_wait3A_102 = arith.constant 0 : i32
      %dma_wait3A_103 = tpu.memref_slice %dma_wait3A_100[%dma_wait3A_101, %dma_wait3A_102] : memref<10000x128xf32, #tpu.memory_space<hbm>> -> memref<10000x128xf32, #tpu.memory_space<hbm>>
      tpu.wait_indirect_dma semaphore(%arg11 : memref<!tpu.dma_semaphore, #tpu.memory_space<semaphore_mem>>) src(%dma_wait3A_103 : memref<10000x128xf32, #tpu.memory_space<hbm>>) dst(%arg8 : memref<80x128xf32, #tpu.memory_space<vmem>>)
      %dma_start3A_104 = arith.constant 124 : i32
      %dma_start3A_105 = arith.constant 0 : i32
      %dma_start3A_106 = tpu.memref_slice %arg7[%dma_start3A_104, %dma_start3A_105] : memref<125x80xi32, #tpu.memory_space<vmem>> -> memref<1x80xi32, #tpu.memory_space<vmem>>
      %dma_start3A_107 = tpu.memref_squeeze %dma_start3A_106 : memref<1x80xi32, #tpu.memory_space<vmem>> -> memref<80xi32, #tpu.memory_space<vmem>>
      %dma_start3A_108 = arith.constant 0 : i32
      %dma_start3A_109 = arith.constant 0 : i32
      %dma_start3A_110 = tpu.memref_slice %arg10[%dma_start3A_108, %dma_start3A_109] : memref<10240x128xf32, #tpu.memory_space<vmem_shared>> -> memref<10240x128xf32, #tpu.memory_space<vmem_shared>>
      tpu.enqueue_indirect_dma source(%arg8 : memref<80x128xf32, #tpu.memory_space<vmem>>) target(%dma_start3A_110 : memref<10240x128xf32, #tpu.memory_space<vmem_shared>>) offsets(%dma_start3A_107 : memref<80xi32, #tpu.memory_space<vmem>>) semaphore(%arg13 : memref<!tpu.dma_semaphore, #tpu.memory_space<semaphore_mem>>) {add = true}
      %dma_wait3A_111 = arith.constant 0 : i32
      %dma_wait3A_112 = arith.constant 0 : i32
      %dma_wait3A_113 = tpu.memref_slice %arg7[%dma_wait3A_111, %dma_wait3A_112] : memref<125x80xi32, #tpu.memory_space<vmem>> -> memref<1x80xi32, #tpu.memory_space<vmem>>
      %dma_wait3A_114 = tpu.memref_squeeze %dma_wait3A_113 : memref<1x80xi32, #tpu.memory_space<vmem>> -> memref<80xi32, #tpu.memory_space<vmem>>
      %dma_wait3A_115 = arith.constant 0 : i32
      %dma_wait3A_116 = arith.constant 0 : i32
      %dma_wait3A_117 = tpu.memref_slice %arg10[%dma_wait3A_115, %dma_wait3A_116] : memref<10240x128xf32, #tpu.memory_space<vmem_shared>> -> memref<10240x128xf32, #tpu.memory_space<vmem_shared>>
      tpu.wait_indirect_dma semaphore(%arg14 : memref<!tpu.dma_semaphore, #tpu.memory_space<semaphore_mem>>) src(%arg9 : memref<80x128xf32, #tpu.memory_space<vmem>>) dst(%dma_wait3A_117 : memref<10240x128xf32, #tpu.memory_space<vmem_shared>>)
      %dma_wait3A_118 = arith.constant 0 : i32
      %dma_wait3A_119 = arith.constant 0 : i32
      %dma_wait3A_120 = tpu.memref_slice %arg7[%dma_wait3A_118, %dma_wait3A_119] : memref<125x80xi32, #tpu.memory_space<vmem>> -> memref<1x80xi32, #tpu.memory_space<vmem>>
      %dma_wait3A_121 = tpu.memref_squeeze %dma_wait3A_120 : memref<1x80xi32, #tpu.memory_space<vmem>> -> memref<80xi32, #tpu.memory_space<vmem>>
      %dma_wait3A_122 = arith.constant 0 : i32
      %dma_wait3A_123 = arith.constant 0 : i32
      %dma_wait3A_124 = tpu.memref_slice %arg10[%dma_wait3A_122, %dma_wait3A_123] : memref<10240x128xf32, #tpu.memory_space<vmem_shared>> -> memref<10240x128xf32, #tpu.memory_space<vmem_shared>>
      tpu.wait_indirect_dma semaphore(%arg13 : memref<!tpu.dma_semaphore, #tpu.memory_space<semaphore_mem>>) src(%arg8 : memref<80x128xf32, #tpu.memory_space<vmem>>) dst(%dma_wait3A_124 : memref<10240x128xf32, #tpu.memory_space<vmem_shared>>)
      %barrier3A_125 = arith.constant 0 : index
      tpu.barrier barrier_id(%barrier3A_125)
      %mul3A_126 = arith.constant 640 : i32
      %mul3A_127 = arith.muli %arg1, %mul3A_126 : i32
      %run_scoped3A = arith.constant 0 : i32
      "tpu.region"() ({
        %run_scoped3A_128 = tpu.sem_alloc : memref<!tpu.dma_semaphore, #tpu.memory_space<semaphore_mem>>
        %dma_start3A_129 = arith.constant 0 : i32
        %dma_start3A_130 = arith.constant 0 : i32
        %dma_start3A_131 = tpu.memref_slice %arg5[%run_scoped3A, %dma_start3A_129, %dma_start3A_130] : memref<2x10240x128xf32, #tpu.memory_space<hbm>> -> memref<1x10240x128xf32, #tpu.memory_space<hbm>>
        %dma_start3A_132 = tpu.memref_squeeze %dma_start3A_131 : memref<1x10240x128xf32, #tpu.memory_space<hbm>> -> memref<10240x128xf32, #tpu.memory_space<hbm>>
        %dma_start3A_133 = arith.constant 0 : i32
        %dma_start3A_134 = tpu.memref_slice %dma_start3A_132[%mul3A_127, %dma_start3A_133] : memref<10240x128xf32, #tpu.memory_space<hbm>> -> memref<640x128xf32, #tpu.memory_space<hbm>>
        %dma_start3A_135 = arith.constant 0 : i32
        %dma_start3A_136 = tpu.memref_slice %arg10[%mul3A_127, %dma_start3A_135] : memref<10240x128xf32, #tpu.memory_space<vmem_shared>> -> memref<640x128xf32, #tpu.memory_space<vmem_shared>>
        tpu.enqueue_dma source(%dma_start3A_136 : memref<640x128xf32, #tpu.memory_space<vmem_shared>>) target(%dma_start3A_134 : memref<640x128xf32, #tpu.memory_space<hbm>>) target_semaphore(%run_scoped3A_128 : memref<!tpu.dma_semaphore, #tpu.memory_space<semaphore_mem>>)
        %dma_wait3A_137 = arith.constant 0 : i32
        %dma_wait3A_138 = arith.constant 0 : i32
        %dma_wait3A_139 = tpu.memref_slice %arg5[%run_scoped3A, %dma_wait3A_137, %dma_wait3A_138] : memref<2x10240x128xf32, #tpu.memory_space<hbm>> -> memref<1x10240x128xf32, #tpu.memory_space<hbm>>
        %dma_wait3A_140 = tpu.memref_squeeze %dma_wait3A_139 : memref<1x10240x128xf32, #tpu.memory_space<hbm>> -> memref<10240x128xf32, #tpu.memory_space<hbm>>
        %dma_wait3A_141 = arith.constant 0 : i32
        %dma_wait3A_142 = tpu.memref_slice %dma_wait3A_140[%mul3A_127, %dma_wait3A_141] : memref<10240x128xf32, #tpu.memory_space<hbm>> -> memref<640x128xf32, #tpu.memory_space<hbm>>
        %dma_wait3A_143 = arith.constant 0 : i32
        %dma_wait3A_144 = tpu.memref_slice %arg10[%mul3A_127, %dma_wait3A_143] : memref<10240x128xf32, #tpu.memory_space<vmem_shared>> -> memref<640x128xf32, #tpu.memory_space<vmem_shared>>
        tpu.wait_dma2 semaphore(%run_scoped3A_128 : memref<!tpu.dma_semaphore, #tpu.memory_space<semaphore_mem>>) src(%dma_wait3A_144 : memref<640x128xf32, #tpu.memory_space<vmem_shared>>) dst(%dma_wait3A_142 : memref<640x128xf32, #tpu.memory_space<hbm>>)
        tpu.yield
      }) : () -> ()
    } else {
    }
    %eq3A_3 = arith.constant 1 : i32
    %eq3A_4 = arith.cmpi eq, %arg0, %eq3A_3 : i32
    %convert_element_type3A_5 = arith.extui %eq3A_4 : i1 to i32
    %cond3A_6 = arith.constant 0 : i32
    %cond3A_7 = arith.cmpi ne, %convert_element_type3A_5, %cond3A_6 : i32
    scf.if %cond3A_7 {
      %scan3A = arith.constant 0 : i32
      %scan3A_8 = arith.constant 80 : i32
      %scan3A_9 = arith.addi %scan3A, %scan3A_8 : i32
      %scan3A_10 = arith.constant 1 : i32
      scf.for %scan3A_128 = %scan3A to %scan3A_9 step %scan3A_10  : i32 {
        %mul3A_129 = arith.constant 1 : i32
        %mul3A_130 = arith.muli %scan3A_128, %mul3A_129 : i32
        %add3A = arith.constant 0 : i32
        %add3A_131 = arith.addi %add3A, %mul3A_130 : i32
        %scan3A_132 = arith.constant 0 : i32
        %scan3A_133 = arith.constant 8 : i32
        %scan3A_134 = arith.addi %scan3A_132, %scan3A_133 : i32
        %scan3A_135 = arith.constant 1 : i32
        scf.for %scan3A_137 = %scan3A_132 to %scan3A_134 step %scan3A_135  : i32 {
          %mul3A_138 = arith.constant 16 : i32
          %mul3A_139 = arith.muli %scan3A_137, %mul3A_138 : i32
          %add3A_140 = arith.constant 0 : i32
          %add3A_141 = arith.addi %add3A_140, %mul3A_139 : i32
          %broadcast_in_dim3A = arith.constant 0.000000e+00 : f32
          %broadcast_in_dim3A_142 = vector.broadcast %broadcast_in_dim3A : f32 to vector<16xf32>
          %swap3A = arith.index_cast %add3A_131 : i32 to index
          %swap3A_143 = arith.index_cast %add3A_141 : i32 to index
          %swap3A_144 = tpu.vector_load %arg8[%swap3A, %swap3A_143] {strides = array<i32>} : memref<80x128xf32, #tpu.memory_space<vmem>>, vector<1x16xf32>,
          %swap3A_145 = vector.shape_cast %swap3A_144 : vector<1x16xf32> to vector<16xf32>
          %swap3A_146 = vector.shape_cast %broadcast_in_dim3A_142 : vector<16xf32> to vector<1x16xf32>
          tpu.vector_store %arg8[%swap3A, %swap3A_143], %swap3A_146 {strides = array<i32>} : memref<80x128xf32, #tpu.memory_space<vmem>>, vector<1x16xf32>,
        }
        %scan3A_136 = arith.constant 8 : i32
      }
      %scan3A_11 = arith.constant 80 : i32
      %scan3A_12 = arith.constant 0 : i32
      %scan3A_13 = arith.constant 8 : i32
      %scan3A_14 = arith.addi %scan3A_12, %scan3A_13 : i32
      %scan3A_15 = arith.constant 1 : i32
      scf.for %scan3A_128 = %scan3A_12 to %scan3A_14 step %scan3A_15  : i32 {
        %mul3A_129 = arith.constant 1 : i32
        %mul3A_130 = arith.muli %scan3A_128, %mul3A_129 : i32
        %add3A = arith.constant 0 : i32
        %add3A_131 = arith.addi %add3A, %mul3A_130 : i32
        %mul3A_132 = arith.constant 640 : i32
        %mul3A_133 = arith.muli %arg1, %mul3A_132 : i32
        %mul3A_134 = arith.constant 80 : i32
        %mul3A_135 = arith.muli %add3A_131, %mul3A_134 : i32
        %add3A_136 = arith.addi %mul3A_133, %mul3A_135 : i32
        "tpu.region"() ({
          %run_scoped3A_137 = tpu.sem_alloc : memref<!tpu.dma_semaphore, #tpu.memory_space<semaphore_mem>>
          %dma_start3A_138 = arith.constant 0 : i32
          %dma_start3A_139 = tpu.memref_slice %arg10[%add3A_136, %dma_start3A_138] : memref<10240x128xf32, #tpu.memory_space<vmem_shared>> -> memref<80x128xf32, #tpu.memory_space<vmem_shared>>
          %dma_start3A_140 = arith.constant 0 : i32
          %dma_start3A_141 = tpu.memref_slice %arg10[%add3A_136, %dma_start3A_140] : memref<10240x128xf32, #tpu.memory_space<vmem_shared>> -> memref<80x128xf32, #tpu.memory_space<vmem_shared>>
          tpu.enqueue_dma source(%arg8 : memref<80x128xf32, #tpu.memory_space<vmem>>) target(%dma_start3A_141 : memref<80x128xf32, #tpu.memory_space<vmem_shared>>) target_semaphore(%run_scoped3A_137 : memref<!tpu.dma_semaphore, #tpu.memory_space<semaphore_mem>>)
          %dma_wait3A_142 = arith.constant 0 : i32
          %dma_wait3A_143 = tpu.memref_slice %arg10[%add3A_136, %dma_wait3A_142] : memref<10240x128xf32, #tpu.memory_space<vmem_shared>> -> memref<80x128xf32, #tpu.memory_space<vmem_shared>>
          %dma_wait3A_144 = arith.constant 0 : i32
          %dma_wait3A_145 = tpu.memref_slice %arg10[%add3A_136, %dma_wait3A_144] : memref<10240x128xf32, #tpu.memory_space<vmem_shared>> -> memref<80x128xf32, #tpu.memory_space<vmem_shared>>
          tpu.wait_dma2 semaphore(%run_scoped3A_137 : memref<!tpu.dma_semaphore, #tpu.memory_space<semaphore_mem>>) src(%arg8 : memref<80x128xf32, #tpu.memory_space<vmem>>) dst(%dma_wait3A_145 : memref<80x128xf32, #tpu.memory_space<vmem_shared>>)
          tpu.yield
        }) : () -> ()
      }
      %scan3A_16 = arith.constant 8 : i32
      %barrier3A = arith.constant 0 : index
      tpu.barrier barrier_id(%barrier3A)
      %multiple_of3A = arith.constant 0 : i32
      %multiple_of3A_17 = tpu.assume_multiple %multiple_of3A, 8 : i32
      %dma_start3A = arith.constant 1 : i32
      %dma_start3A_18 = tpu.memref_slice %arg6[%multiple_of3A_17] : memref<10000xi32, #tpu.memory_space<vmem>> -> memref<80xi32, #tpu.memory_space<vmem>>
      %dma_start3A_19 = arith.constant 0 : i32
      %dma_start3A_20 = arith.constant 0 : i32
      %dma_start3A_21 = tpu.memref_slice %arg2[%dma_start3A, %dma_start3A_19, %dma_start3A_20] : memref<2x10000x128xf32, #tpu.memory_space<hbm>> -> memref<1x10000x128xf32, #tpu.memory_space<hbm>>
      %dma_start3A_22 = tpu.memref_squeeze %dma_start3A_21 : memref<1x10000x128xf32, #tpu.memory_space<hbm>> -> memref<10000x128xf32, #tpu.memory_space<hbm>>
      %dma_start3A_23 = arith.constant 0 : i32
      %dma_start3A_24 = arith.constant 0 : i32
      %dma_start3A_25 = tpu.memref_slice %dma_start3A_22[%dma_start3A_23, %dma_start3A_24] : memref<10000x128xf32, #tpu.memory_space<hbm>> -> memref<10000x128xf32, #tpu.memory_space<hbm>>
      tpu.enqueue_indirect_dma source(%dma_start3A_25 : memref<10000x128xf32, #tpu.memory_space<hbm>>) target(%arg8 : memref<80x128xf32, #tpu.memory_space<vmem>>) offsets(%dma_start3A_18 : memref<80xi32, #tpu.memory_space<vmem>>) semaphore(%arg11 : memref<!tpu.dma_semaphore, #tpu.memory_space<semaphore_mem>>)
      %multiple_of3A_26 = arith.constant 80 : i32
      %multiple_of3A_27 = tpu.assume_multiple %multiple_of3A_26, 8 : i32
      %dma_start3A_28 = arith.constant 1 : i32
      %dma_start3A_29 = tpu.memref_slice %arg6[%multiple_of3A_27] : memref<10000xi32, #tpu.memory_space<vmem>> -> memref<80xi32, #tpu.memory_space<vmem>>
      %dma_start3A_30 = arith.constant 0 : i32
      %dma_start3A_31 = arith.constant 0 : i32
      %dma_start3A_32 = tpu.memref_slice %arg2[%dma_start3A_28, %dma_start3A_30, %dma_start3A_31] : memref<2x10000x128xf32, #tpu.memory_space<hbm>> -> memref<1x10000x128xf32, #tpu.memory_space<hbm>>
      %dma_start3A_33 = tpu.memref_squeeze %dma_start3A_32 : memref<1x10000x128xf32, #tpu.memory_space<hbm>> -> memref<10000x128xf32, #tpu.memory_space<hbm>>
      %dma_start3A_34 = arith.constant 0 : i32
      %dma_start3A_35 = arith.constant 0 : i32
      %dma_start3A_36 = tpu.memref_slice %dma_start3A_33[%dma_start3A_34, %dma_start3A_35] : memref<10000x128xf32, #tpu.memory_space<hbm>> -> memref<10000x128xf32, #tpu.memory_space<hbm>>
      tpu.enqueue_indirect_dma source(%dma_start3A_36 : memref<10000x128xf32, #tpu.memory_space<hbm>>) target(%arg9 : memref<80x128xf32, #tpu.memory_space<vmem>>) offsets(%dma_start3A_29 : memref<80xi32, #tpu.memory_space<vmem>>) semaphore(%arg12 : memref<!tpu.dma_semaphore, #tpu.memory_space<semaphore_mem>>)
      %scan3A_37 = arith.constant 1 : i32
      %scan3A_38 = arith.constant 0 : i32
      %scan3A_39 = arith.constant 61 : i32
      %scan3A_40 = arith.addi %scan3A_38, %scan3A_39 : i32
      %scan3A_41 = arith.constant 1 : i32
      scf.for %scan3A_128 = %scan3A_38 to %scan3A_40 step %scan3A_41  : i32 {
        %mul3A_129 = arith.constant 1 : i32
        %mul3A_130 = arith.muli %scan3A_128, %mul3A_129 : i32
        %add3A = arith.constant 0 : i32
        %add3A_131 = arith.addi %add3A, %mul3A_130 : i32
        %mul3A_132 = arith.constant 2 : i32
        %mul3A_133 = arith.muli %mul3A_132, %add3A_131 : i32
        %dma_wait3A_134 = arith.constant 0 : i32
        %dma_wait3A_135 = tpu.memref_slice %arg6[%dma_wait3A_134] : memref<10000xi32, #tpu.memory_space<vmem>> -> memref<80xi32, #tpu.memory_space<vmem>>
        %dma_wait3A_136 = arith.constant 0 : i32
        %dma_wait3A_137 = arith.constant 0 : i32
        %dma_wait3A_138 = tpu.memref_slice %arg2[%scan3A_37, %dma_wait3A_136, %dma_wait3A_137] : memref<2x10000x128xf32, #tpu.memory_space<hbm>> -> memref<1x10000x128xf32, #tpu.memory_space<hbm>>
        %dma_wait3A_139 = tpu.memref_squeeze %dma_wait3A_138 : memref<1x10000x128xf32, #tpu.memory_space<hbm>> -> memref<10000x128xf32, #tpu.memory_space<hbm>>
        %dma_wait3A_140 = arith.constant 0 : i32
        %dma_wait3A_141 = arith.constant 0 : i32
        %dma_wait3A_142 = tpu.memref_slice %dma_wait3A_139[%dma_wait3A_140, %dma_wait3A_141] : memref<10000x128xf32, #tpu.memory_space<hbm>> -> memref<10000x128xf32, #tpu.memory_space<hbm>>
        tpu.wait_indirect_dma semaphore(%arg11 : memref<!tpu.dma_semaphore, #tpu.memory_space<semaphore_mem>>) src(%dma_wait3A_142 : memref<10000x128xf32, #tpu.memory_space<hbm>>) dst(%arg8 : memref<80x128xf32, #tpu.memory_space<vmem>>)
        %dma_start3A_143 = arith.constant 0 : i32
        %dma_start3A_144 = tpu.memref_slice %arg7[%mul3A_133, %dma_start3A_143] : memref<125x80xi32, #tpu.memory_space<vmem>> -> memref<1x80xi32, #tpu.memory_space<vmem>>
        %dma_start3A_145 = tpu.memref_squeeze %dma_start3A_144 : memref<1x80xi32, #tpu.memory_space<vmem>> -> memref<80xi32, #tpu.memory_space<vmem>>
        %dma_start3A_146 = arith.constant 0 : i32
        %dma_start3A_147 = arith.constant 0 : i32
        %dma_start3A_148 = tpu.memref_slice %arg10[%dma_start3A_146, %dma_start3A_147] : memref<10240x128xf32, #tpu.memory_space<vmem_shared>> -> memref<10240x128xf32, #tpu.memory_space<vmem_shared>>
        tpu.enqueue_indirect_dma source(%arg8 : memref<80x128xf32, #tpu.memory_space<vmem>>) target(%dma_start3A_148 : memref<10240x128xf32, #tpu.memory_space<vmem_shared>>) offsets(%dma_start3A_145 : memref<80xi32, #tpu.memory_space<vmem>>) semaphore(%arg13 : memref<!tpu.dma_semaphore, #tpu.memory_space<semaphore_mem>>) {add = true}
        %dma_wait3A_149 = arith.constant 0 : i32
        %dma_wait3A_150 = tpu.memref_slice %arg6[%dma_wait3A_149] : memref<10000xi32, #tpu.memory_space<vmem>> -> memref<80xi32, #tpu.memory_space<vmem>>
        %dma_wait3A_151 = arith.constant 0 : i32
        %dma_wait3A_152 = arith.constant 0 : i32
        %dma_wait3A_153 = tpu.memref_slice %arg2[%scan3A_37, %dma_wait3A_151, %dma_wait3A_152] : memref<2x10000x128xf32, #tpu.memory_space<hbm>> -> memref<1x10000x128xf32, #tpu.memory_space<hbm>>
        %dma_wait3A_154 = tpu.memref_squeeze %dma_wait3A_153 : memref<1x10000x128xf32, #tpu.memory_space<hbm>> -> memref<10000x128xf32, #tpu.memory_space<hbm>>
        %dma_wait3A_155 = arith.constant 0 : i32
        %dma_wait3A_156 = arith.constant 0 : i32
        %dma_wait3A_157 = tpu.memref_slice %dma_wait3A_154[%dma_wait3A_155, %dma_wait3A_156] : memref<10000x128xf32, #tpu.memory_space<hbm>> -> memref<10000x128xf32, #tpu.memory_space<hbm>>
        tpu.wait_indirect_dma semaphore(%arg12 : memref<!tpu.dma_semaphore, #tpu.memory_space<semaphore_mem>>) src(%dma_wait3A_157 : memref<10000x128xf32, #tpu.memory_space<hbm>>) dst(%arg9 : memref<80x128xf32, #tpu.memory_space<vmem>>)
        %add3A_158 = arith.constant 1 : i32
        %add3A_159 = arith.addi %mul3A_133, %add3A_158 : i32
        %dma_start3A_160 = arith.constant 0 : i32
        %dma_start3A_161 = tpu.memref_slice %arg7[%add3A_159, %dma_start3A_160] : memref<125x80xi32, #tpu.memory_space<vmem>> -> memref<1x80xi32, #tpu.memory_space<vmem>>
        %dma_start3A_162 = tpu.memref_squeeze %dma_start3A_161 : memref<1x80xi32, #tpu.memory_space<vmem>> -> memref<80xi32, #tpu.memory_space<vmem>>
        %dma_start3A_163 = arith.constant 0 : i32
        %dma_start3A_164 = arith.constant 0 : i32
        %dma_start3A_165 = tpu.memref_slice %arg10[%dma_start3A_163, %dma_start3A_164] : memref<10240x128xf32, #tpu.memory_space<vmem_shared>> -> memref<10240x128xf32, #tpu.memory_space<vmem_shared>>
        tpu.enqueue_indirect_dma source(%arg9 : memref<80x128xf32, #tpu.memory_space<vmem>>) target(%dma_start3A_165 : memref<10240x128xf32, #tpu.memory_space<vmem_shared>>) offsets(%dma_start3A_162 : memref<80xi32, #tpu.memory_space<vmem>>) semaphore(%arg14 : memref<!tpu.dma_semaphore, #tpu.memory_space<semaphore_mem>>) {add = true}
        %dma_wait3A_166 = arith.constant 0 : i32
        %dma_wait3A_167 = arith.constant 0 : i32
        %dma_wait3A_168 = tpu.memref_slice %arg7[%dma_wait3A_166, %dma_wait3A_167] : memref<125x80xi32, #tpu.memory_space<vmem>> -> memref<1x80xi32, #tpu.memory_space<vmem>>
        %dma_wait3A_169 = tpu.memref_squeeze %dma_wait3A_168 : memref<1x80xi32, #tpu.memory_space<vmem>> -> memref<80xi32, #tpu.memory_space<vmem>>
        %dma_wait3A_170 = arith.constant 0 : i32
        %dma_wait3A_171 = arith.constant 0 : i32
        %dma_wait3A_172 = tpu.memref_slice %arg10[%dma_wait3A_170, %dma_wait3A_171] : memref<10240x128xf32, #tpu.memory_space<vmem_shared>> -> memref<10240x128xf32, #tpu.memory_space<vmem_shared>>
        tpu.wait_indirect_dma semaphore(%arg13 : memref<!tpu.dma_semaphore, #tpu.memory_space<semaphore_mem>>) src(%arg8 : memref<80x128xf32, #tpu.memory_space<vmem>>) dst(%dma_wait3A_172 : memref<10240x128xf32, #tpu.memory_space<vmem_shared>>)
        %add3A_173 = arith.constant 2 : i32
        %add3A_174 = arith.addi %mul3A_133, %add3A_173 : i32
        %mul3A_175 = arith.constant 80 : i32
        %mul3A_176 = arith.muli %add3A_174, %mul3A_175 : i32
        %multiple_of3A_177 = tpu.assume_multiple %mul3A_176, 8 : i32
        %dma_start3A_178 = tpu.memref_slice %arg6[%multiple_of3A_177] : memref<10000xi32, #tpu.memory_space<vmem>> -> memref<80xi32, #tpu.memory_space<vmem>>
        %dma_start3A_179 = arith.constant 0 : i32
        %dma_start3A_180 = arith.constant 0 : i32
        %dma_start3A_181 = tpu.memref_slice %arg2[%scan3A_37, %dma_start3A_179, %dma_start3A_180] : memref<2x10000x128xf32, #tpu.memory_space<hbm>> -> memref<1x10000x128xf32, #tpu.memory_space<hbm>>
        %dma_start3A_182 = tpu.memref_squeeze %dma_start3A_181 : memref<1x10000x128xf32, #tpu.memory_space<hbm>> -> memref<10000x128xf32, #tpu.memory_space<hbm>>
        %dma_start3A_183 = arith.constant 0 : i32
        %dma_start3A_184 = arith.constant 0 : i32
        %dma_start3A_185 = tpu.memref_slice %dma_start3A_182[%dma_start3A_183, %dma_start3A_184] : memref<10000x128xf32, #tpu.memory_space<hbm>> -> memref<10000x128xf32, #tpu.memory_space<hbm>>
        tpu.enqueue_indirect_dma source(%dma_start3A_185 : memref<10000x128xf32, #tpu.memory_space<hbm>>) target(%arg8 : memref<80x128xf32, #tpu.memory_space<vmem>>) offsets(%dma_start3A_178 : memref<80xi32, #tpu.memory_space<vmem>>) semaphore(%arg11 : memref<!tpu.dma_semaphore, #tpu.memory_space<semaphore_mem>>)
        %dma_wait3A_186 = arith.constant 0 : i32
        %dma_wait3A_187 = arith.constant 0 : i32
        %dma_wait3A_188 = tpu.memref_slice %arg7[%dma_wait3A_186, %dma_wait3A_187] : memref<125x80xi32, #tpu.memory_space<vmem>> -> memref<1x80xi32, #tpu.memory_space<vmem>>
        %dma_wait3A_189 = tpu.memref_squeeze %dma_wait3A_188 : memref<1x80xi32, #tpu.memory_space<vmem>> -> memref<80xi32, #tpu.memory_space<vmem>>
        %dma_wait3A_190 = arith.constant 0 : i32
        %dma_wait3A_191 = arith.constant 0 : i32
        %dma_wait3A_192 = tpu.memref_slice %arg10[%dma_wait3A_190, %dma_wait3A_191] : memref<10240x128xf32, #tpu.memory_space<vmem_shared>> -> memref<10240x128xf32, #tpu.memory_space<vmem_shared>>
        tpu.wait_indirect_dma semaphore(%arg14 : memref<!tpu.dma_semaphore, #tpu.memory_space<semaphore_mem>>) src(%arg9 : memref<80x128xf32, #tpu.memory_space<vmem>>) dst(%dma_wait3A_192 : memref<10240x128xf32, #tpu.memory_space<vmem_shared>>)
        %add3A_193 = arith.constant 3 : i32
        %add3A_194 = arith.addi %mul3A_133, %add3A_193 : i32
        %mul3A_195 = arith.constant 80 : i32
        %mul3A_196 = arith.muli %add3A_194, %mul3A_195 : i32
        %multiple_of3A_197 = tpu.assume_multiple %mul3A_196, 8 : i32
        %dma_start3A_198 = tpu.memref_slice %arg6[%multiple_of3A_197] : memref<10000xi32, #tpu.memory_space<vmem>> -> memref<80xi32, #tpu.memory_space<vmem>>
        %dma_start3A_199 = arith.constant 0 : i32
        %dma_start3A_200 = arith.constant 0 : i32
        %dma_start3A_201 = tpu.memref_slice %arg2[%scan3A_37, %dma_start3A_199, %dma_start3A_200] : memref<2x10000x128xf32, #tpu.memory_space<hbm>> -> memref<1x10000x128xf32, #tpu.memory_space<hbm>>
        %dma_start3A_202 = tpu.memref_squeeze %dma_start3A_201 : memref<1x10000x128xf32, #tpu.memory_space<hbm>> -> memref<10000x128xf32, #tpu.memory_space<hbm>>
        %dma_start3A_203 = arith.constant 0 : i32
        %dma_start3A_204 = arith.constant 0 : i32
        %dma_start3A_205 = tpu.memref_slice %dma_start3A_202[%dma_start3A_203, %dma_start3A_204] : memref<10000x128xf32, #tpu.memory_space<hbm>> -> memref<10000x128xf32, #tpu.memory_space<hbm>>
        tpu.enqueue_indirect_dma source(%dma_start3A_205 : memref<10000x128xf32, #tpu.memory_space<hbm>>) target(%arg9 : memref<80x128xf32, #tpu.memory_space<vmem>>) offsets(%dma_start3A_198 : memref<80xi32, #tpu.memory_space<vmem>>) semaphore(%arg12 : memref<!tpu.dma_semaphore, #tpu.memory_space<semaphore_mem>>)
      }
      %scan3A_42 = arith.constant 61 : i32
      %dma_wait3A = arith.constant 1 : i32
      %dma_wait3A_43 = arith.constant 0 : i32
      %dma_wait3A_44 = tpu.memref_slice %arg6[%dma_wait3A_43] : memref<10000xi32, #tpu.memory_space<vmem>> -> memref<80xi32, #tpu.memory_space<vmem>>
      %dma_wait3A_45 = arith.constant 0 : i32
      %dma_wait3A_46 = arith.constant 0 : i32
      %dma_wait3A_47 = tpu.memref_slice %arg2[%dma_wait3A, %dma_wait3A_45, %dma_wait3A_46] : memref<2x10000x128xf32, #tpu.memory_space<hbm>> -> memref<1x10000x128xf32, #tpu.memory_space<hbm>>
      %dma_wait3A_48 = tpu.memref_squeeze %dma_wait3A_47 : memref<1x10000x128xf32, #tpu.memory_space<hbm>> -> memref<10000x128xf32, #tpu.memory_space<hbm>>
      %dma_wait3A_49 = arith.constant 0 : i32
      %dma_wait3A_50 = arith.constant 0 : i32
      %dma_wait3A_51 = tpu.memref_slice %dma_wait3A_48[%dma_wait3A_49, %dma_wait3A_50] : memref<10000x128xf32, #tpu.memory_space<hbm>> -> memref<10000x128xf32, #tpu.memory_space<hbm>>
      tpu.wait_indirect_dma semaphore(%arg11 : memref<!tpu.dma_semaphore, #tpu.memory_space<semaphore_mem>>) src(%dma_wait3A_51 : memref<10000x128xf32, #tpu.memory_space<hbm>>) dst(%arg8 : memref<80x128xf32, #tpu.memory_space<vmem>>)
      %dma_start3A_52 = arith.constant 122 : i32
      %dma_start3A_53 = arith.constant 0 : i32
      %dma_start3A_54 = tpu.memref_slice %arg7[%dma_start3A_52, %dma_start3A_53] : memref<125x80xi32, #tpu.memory_space<vmem>> -> memref<1x80xi32, #tpu.memory_space<vmem>>
      %dma_start3A_55 = tpu.memref_squeeze %dma_start3A_54 : memref<1x80xi32, #tpu.memory_space<vmem>> -> memref<80xi32, #tpu.memory_space<vmem>>
      %dma_start3A_56 = arith.constant 0 : i32
      %dma_start3A_57 = arith.constant 0 : i32
      %dma_start3A_58 = tpu.memref_slice %arg10[%dma_start3A_56, %dma_start3A_57] : memref<10240x128xf32, #tpu.memory_space<vmem_shared>> -> memref<10240x128xf32, #tpu.memory_space<vmem_shared>>
      tpu.enqueue_indirect_dma source(%arg8 : memref<80x128xf32, #tpu.memory_space<vmem>>) target(%dma_start3A_58 : memref<10240x128xf32, #tpu.memory_space<vmem_shared>>) offsets(%dma_start3A_55 : memref<80xi32, #tpu.memory_space<vmem>>) semaphore(%arg13 : memref<!tpu.dma_semaphore, #tpu.memory_space<semaphore_mem>>) {add = true}
      %dma_wait3A_59 = arith.constant 1 : i32
      %dma_wait3A_60 = arith.constant 0 : i32
      %dma_wait3A_61 = tpu.memref_slice %arg6[%dma_wait3A_60] : memref<10000xi32, #tpu.memory_space<vmem>> -> memref<80xi32, #tpu.memory_space<vmem>>
      %dma_wait3A_62 = arith.constant 0 : i32
      %dma_wait3A_63 = arith.constant 0 : i32
      %dma_wait3A_64 = tpu.memref_slice %arg2[%dma_wait3A_59, %dma_wait3A_62, %dma_wait3A_63] : memref<2x10000x128xf32, #tpu.memory_space<hbm>> -> memref<1x10000x128xf32, #tpu.memory_space<hbm>>
      %dma_wait3A_65 = tpu.memref_squeeze %dma_wait3A_64 : memref<1x10000x128xf32, #tpu.memory_space<hbm>> -> memref<10000x128xf32, #tpu.memory_space<hbm>>
      %dma_wait3A_66 = arith.constant 0 : i32
      %dma_wait3A_67 = arith.constant 0 : i32
      %dma_wait3A_68 = tpu.memref_slice %dma_wait3A_65[%dma_wait3A_66, %dma_wait3A_67] : memref<10000x128xf32, #tpu.memory_space<hbm>> -> memref<10000x128xf32, #tpu.memory_space<hbm>>
      tpu.wait_indirect_dma semaphore(%arg12 : memref<!tpu.dma_semaphore, #tpu.memory_space<semaphore_mem>>) src(%dma_wait3A_68 : memref<10000x128xf32, #tpu.memory_space<hbm>>) dst(%arg9 : memref<80x128xf32, #tpu.memory_space<vmem>>)
      %dma_start3A_69 = arith.constant 123 : i32
      %dma_start3A_70 = arith.constant 0 : i32
      %dma_start3A_71 = tpu.memref_slice %arg7[%dma_start3A_69, %dma_start3A_70] : memref<125x80xi32, #tpu.memory_space<vmem>> -> memref<1x80xi32, #tpu.memory_space<vmem>>
      %dma_start3A_72 = tpu.memref_squeeze %dma_start3A_71 : memref<1x80xi32, #tpu.memory_space<vmem>> -> memref<80xi32, #tpu.memory_space<vmem>>
      %dma_start3A_73 = arith.constant 0 : i32
      %dma_start3A_74 = arith.constant 0 : i32
      %dma_start3A_75 = tpu.memref_slice %arg10[%dma_start3A_73, %dma_start3A_74] : memref<10240x128xf32, #tpu.memory_space<vmem_shared>> -> memref<10240x128xf32, #tpu.memory_space<vmem_shared>>
      tpu.enqueue_indirect_dma source(%arg9 : memref<80x128xf32, #tpu.memory_space<vmem>>) target(%dma_start3A_75 : memref<10240x128xf32, #tpu.memory_space<vmem_shared>>) offsets(%dma_start3A_72 : memref<80xi32, #tpu.memory_space<vmem>>) semaphore(%arg14 : memref<!tpu.dma_semaphore, #tpu.memory_space<semaphore_mem>>) {add = true}
      %dma_wait3A_76 = arith.constant 0 : i32
      %dma_wait3A_77 = arith.constant 0 : i32
      %dma_wait3A_78 = tpu.memref_slice %arg7[%dma_wait3A_76, %dma_wait3A_77] : memref<125x80xi32, #tpu.memory_space<vmem>> -> memref<1x80xi32, #tpu.memory_space<vmem>>
      %dma_wait3A_79 = tpu.memref_squeeze %dma_wait3A_78 : memref<1x80xi32, #tpu.memory_space<vmem>> -> memref<80xi32, #tpu.memory_space<vmem>>
      %dma_wait3A_80 = arith.constant 0 : i32
      %dma_wait3A_81 = arith.constant 0 : i32
      %dma_wait3A_82 = tpu.memref_slice %arg10[%dma_wait3A_80, %dma_wait3A_81] : memref<10240x128xf32, #tpu.memory_space<vmem_shared>> -> memref<10240x128xf32, #tpu.memory_space<vmem_shared>>
      tpu.wait_indirect_dma semaphore(%arg13 : memref<!tpu.dma_semaphore, #tpu.memory_space<semaphore_mem>>) src(%arg8 : memref<80x128xf32, #tpu.memory_space<vmem>>) dst(%dma_wait3A_82 : memref<10240x128xf32, #tpu.memory_space<vmem_shared>>)
      %multiple_of3A_83 = arith.constant 9920 : i32
      %multiple_of3A_84 = tpu.assume_multiple %multiple_of3A_83, 8 : i32
      %dma_start3A_85 = arith.constant 1 : i32
      %dma_start3A_86 = tpu.memref_slice %arg6[%multiple_of3A_84] : memref<10000xi32, #tpu.memory_space<vmem>> -> memref<80xi32, #tpu.memory_space<vmem>>
      %dma_start3A_87 = arith.constant 0 : i32
      %dma_start3A_88 = arith.constant 0 : i32
      %dma_start3A_89 = tpu.memref_slice %arg2[%dma_start3A_85, %dma_start3A_87, %dma_start3A_88] : memref<2x10000x128xf32, #tpu.memory_space<hbm>> -> memref<1x10000x128xf32, #tpu.memory_space<hbm>>
      %dma_start3A_90 = tpu.memref_squeeze %dma_start3A_89 : memref<1x10000x128xf32, #tpu.memory_space<hbm>> -> memref<10000x128xf32, #tpu.memory_space<hbm>>
      %dma_start3A_91 = arith.constant 0 : i32
      %dma_start3A_92 = arith.constant 0 : i32
      %dma_start3A_93 = tpu.memref_slice %dma_start3A_90[%dma_start3A_91, %dma_start3A_92] : memref<10000x128xf32, #tpu.memory_space<hbm>> -> memref<10000x128xf32, #tpu.memory_space<hbm>>
      tpu.enqueue_indirect_dma source(%dma_start3A_93 : memref<10000x128xf32, #tpu.memory_space<hbm>>) target(%arg8 : memref<80x128xf32, #tpu.memory_space<vmem>>) offsets(%dma_start3A_86 : memref<80xi32, #tpu.memory_space<vmem>>) semaphore(%arg11 : memref<!tpu.dma_semaphore, #tpu.memory_space<semaphore_mem>>)
      %dma_wait3A_94 = arith.constant 1 : i32
      %dma_wait3A_95 = arith.constant 0 : i32
      %dma_wait3A_96 = tpu.memref_slice %arg6[%dma_wait3A_95] : memref<10000xi32, #tpu.memory_space<vmem>> -> memref<80xi32, #tpu.memory_space<vmem>>
      %dma_wait3A_97 = arith.constant 0 : i32
      %dma_wait3A_98 = arith.constant 0 : i32
      %dma_wait3A_99 = tpu.memref_slice %arg2[%dma_wait3A_94, %dma_wait3A_97, %dma_wait3A_98] : memref<2x10000x128xf32, #tpu.memory_space<hbm>> -> memref<1x10000x128xf32, #tpu.memory_space<hbm>>
      %dma_wait3A_100 = tpu.memref_squeeze %dma_wait3A_99 : memref<1x10000x128xf32, #tpu.memory_space<hbm>> -> memref<10000x128xf32, #tpu.memory_space<hbm>>
      %dma_wait3A_101 = arith.constant 0 : i32
      %dma_wait3A_102 = arith.constant 0 : i32
      %dma_wait3A_103 = tpu.memref_slice %dma_wait3A_100[%dma_wait3A_101, %dma_wait3A_102] : memref<10000x128xf32, #tpu.memory_space<hbm>> -> memref<10000x128xf32, #tpu.memory_space<hbm>>
      tpu.wait_indirect_dma semaphore(%arg11 : memref<!tpu.dma_semaphore, #tpu.memory_space<semaphore_mem>>) src(%dma_wait3A_103 : memref<10000x128xf32, #tpu.memory_space<hbm>>) dst(%arg8 : memref<80x128xf32, #tpu.memory_space<vmem>>)
      %dma_start3A_104 = arith.constant 124 : i32
      %dma_start3A_105 = arith.constant 0 : i32
      %dma_start3A_106 = tpu.memref_slice %arg7[%dma_start3A_104, %dma_start3A_105] : memref<125x80xi32, #tpu.memory_space<vmem>> -> memref<1x80xi32, #tpu.memory_space<vmem>>
      %dma_start3A_107 = tpu.memref_squeeze %dma_start3A_106 : memref<1x80xi32, #tpu.memory_space<vmem>> -> memref<80xi32, #tpu.memory_space<vmem>>
      %dma_start3A_108 = arith.constant 0 : i32
      %dma_start3A_109 = arith.constant 0 : i32
      %dma_start3A_110 = tpu.memref_slice %arg10[%dma_start3A_108, %dma_start3A_109] : memref<10240x128xf32, #tpu.memory_space<vmem_shared>> -> memref<10240x128xf32, #tpu.memory_space<vmem_shared>>
      tpu.enqueue_indirect_dma source(%arg8 : memref<80x128xf32, #tpu.memory_space<vmem>>) target(%dma_start3A_110 : memref<10240x128xf32, #tpu.memory_space<vmem_shared>>) offsets(%dma_start3A_107 : memref<80xi32, #tpu.memory_space<vmem>>) semaphore(%arg13 : memref<!tpu.dma_semaphore, #tpu.memory_space<semaphore_mem>>) {add = true}
      %dma_wait3A_111 = arith.constant 0 : i32
      %dma_wait3A_112 = arith.constant 0 : i32
      %dma_wait3A_113 = tpu.memref_slice %arg7[%dma_wait3A_111, %dma_wait3A_112] : memref<125x80xi32, #tpu.memory_space<vmem>> -> memref<1x80xi32, #tpu.memory_space<vmem>>
      %dma_wait3A_114 = tpu.memref_squeeze %dma_wait3A_113 : memref<1x80xi32, #tpu.memory_space<vmem>> -> memref<80xi32, #tpu.memory_space<vmem>>
      %dma_wait3A_115 = arith.constant 0 : i32
      %dma_wait3A_116 = arith.constant 0 : i32
      %dma_wait3A_117 = tpu.memref_slice %arg10[%dma_wait3A_115, %dma_wait3A_116] : memref<10240x128xf32, #tpu.memory_space<vmem_shared>> -> memref<10240x128xf32, #tpu.memory_space<vmem_shared>>
      tpu.wait_indirect_dma semaphore(%arg14 : memref<!tpu.dma_semaphore, #tpu.memory_space<semaphore_mem>>) src(%arg9 : memref<80x128xf32, #tpu.memory_space<vmem>>) dst(%dma_wait3A_117 : memref<10240x128xf32, #tpu.memory_space<vmem_shared>>)
      %dma_wait3A_118 = arith.constant 0 : i32
      %dma_wait3A_119 = arith.constant 0 : i32
      %dma_wait3A_120 = tpu.memref_slice %arg7[%dma_wait3A_118, %dma_wait3A_119] : memref<125x80xi32, #tpu.memory_space<vmem>> -> memref<1x80xi32, #tpu.memory_space<vmem>>
      %dma_wait3A_121 = tpu.memref_squeeze %dma_wait3A_120 : memref<1x80xi32, #tpu.memory_space<vmem>> -> memref<80xi32, #tpu.memory_space<vmem>>
      %dma_wait3A_122 = arith.constant 0 : i32
      %dma_wait3A_123 = arith.constant 0 : i32
      %dma_wait3A_124 = tpu.memref_slice %arg10[%dma_wait3A_122, %dma_wait3A_123] : memref<10240x128xf32, #tpu.memory_space<vmem_shared>> -> memref<10240x128xf32, #tpu.memory_space<vmem_shared>>
      tpu.wait_indirect_dma semaphore(%arg13 : memref<!tpu.dma_semaphore, #tpu.memory_space<semaphore_mem>>) src(%arg8 : memref<80x128xf32, #tpu.memory_space<vmem>>) dst(%dma_wait3A_124 : memref<10240x128xf32, #tpu.memory_space<vmem_shared>>)
      %barrier3A_125 = arith.constant 0 : index
      tpu.barrier barrier_id(%barrier3A_125)
      %mul3A_126 = arith.constant 640 : i32
      %mul3A_127 = arith.muli %arg1, %mul3A_126 : i32
      %run_scoped3A = arith.constant 1 : i32
      "tpu.region"() ({
        %run_scoped3A_128 = tpu.sem_alloc : memref<!tpu.dma_semaphore, #tpu.memory_space<semaphore_mem>>
        %dma_start3A_129 = arith.constant 0 : i32
        %dma_start3A_130 = arith.constant 0 : i32
        %dma_start3A_131 = tpu.memref_slice %arg5[%run_scoped3A, %dma_start3A_129, %dma_start3A_130] : memref<2x10240x128xf32, #tpu.memory_space<hbm>> -> memref<1x10240x128xf32, #tpu.memory_space<hbm>>
        %dma_start3A_132 = tpu.memref_squeeze %dma_start3A_131 : memref<1x10240x128xf32, #tpu.memory_space<hbm>> -> memref<10240x128xf32, #tpu.memory_space<hbm>>
        %dma_start3A_133 = arith.constant 0 : i32
        %dma_start3A_134 = tpu.memref_slice %dma_start3A_132[%mul3A_127, %dma_start3A_133] : memref<10240x128xf32, #tpu.memory_space<hbm>> -> memref<640x128xf32, #tpu.memory_space<hbm>>
        %dma_start3A_135 = arith.constant 0 : i32
        %dma_start3A_136 = tpu.memref_slice %arg10[%mul3A_127, %dma_start3A_135] : memref<10240x128xf32, #tpu.memory_space<vmem_shared>> -> memref<640x128xf32, #tpu.memory_space<vmem_shared>>
        tpu.enqueue_dma source(%dma_start3A_136 : memref<640x128xf32, #tpu.memory_space<vmem_shared>>) target(%dma_start3A_134 : memref<640x128xf32, #tpu.memory_space<hbm>>) target_semaphore(%run_scoped3A_128 : memref<!tpu.dma_semaphore, #tpu.memory_space<semaphore_mem>>)
        %dma_wait3A_137 = arith.constant 0 : i32
        %dma_wait3A_138 = arith.constant 0 : i32
        %dma_wait3A_139 = tpu.memref_slice %arg5[%run_scoped3A, %dma_wait3A_137, %dma_wait3A_138] : memref<2x10240x128xf32, #tpu.memory_space<hbm>> -> memref<1x10240x128xf32, #tpu.memory_space<hbm>>
        %dma_wait3A_140 = tpu.memref_squeeze %dma_wait3A_139 : memref<1x10240x128xf32, #tpu.memory_space<hbm>> -> memref<10240x128xf32, #tpu.memory_space<hbm>>
        %dma_wait3A_141 = arith.constant 0 : i32
        %dma_wait3A_142 = tpu.memref_slice %dma_wait3A_140[%mul3A_127, %dma_wait3A_141] : memref<10240x128xf32, #tpu.memory_space<hbm>> -> memref<640x128xf32, #tpu.memory_space<hbm>>
        %dma_wait3A_143 = arith.constant 0 : i32
        %dma_wait3A_144 = tpu.memref_slice %arg10[%mul3A_127, %dma_wait3A_143] : memref<10240x128xf32, #tpu.memory_space<vmem_shared>> -> memref<640x128xf32, #tpu.memory_space<vmem_shared>>
        tpu.wait_dma2 semaphore(%run_scoped3A_128 : memref<!tpu.dma_semaphore, #tpu.memory_space<semaphore_mem>>) src(%dma_wait3A_144 : memref<640x128xf32, #tpu.memory_space<vmem_shared>>) dst(%dma_wait3A_142 : memref<640x128xf32, #tpu.memory_space<hbm>>)
        tpu.yield
      }) : () -> ()
    } else {
    }
    return
  }
}

module attributes {stable_mosaic.version = 14 : i64} {
  func.func @body(%arg0: i32, %arg1: memref<2x400x16xf32, #tpu.memory_space<vmem>>, %arg2: memref<400x256xf32, #tpu.memory_space<vmem>>, %arg3: memref<400x1xf32, #tpu.memory_space<vmem>>, %arg4: memref<2x400x128xf32, #tpu.memory_space<vmem>>) attributes {dimension_semantics = [#tpu.dimension_semantics<arbitrary>], iteration_bounds = array<i64: 25>, scalar_prefetch = 0 : i64, scratch_operands = 0 : i64, tpu.core_type = #tpu.core_type<tc>, window_params = [{transform_indices = @transform_0, window_bounds = array<i64: 2, 400, 16>}, {transform_indices = @transform_1, window_bounds = array<i64: 400, 256>}, {transform_indices = @transform_2, window_bounds = array<i64: 400, 1>}, {transform_indices = @transform_3, window_bounds = array<i64: 2, 400, 128>}]} {
    %get3A = arith.constant 0 : index
    %get3A_0 = arith.constant 0 : index
    %get3A_1 = arith.constant 0 : index
    %get3A_2 = vector.load %arg1[%get3A, %get3A_0, %get3A_1] : memref<2x400x16xf32, #tpu.memory_space<vmem>>, vector<1x400x1xf32>
    %get3A_3 = vector.shape_cast %get3A_2 : vector<1x400x1xf32> to vector<400x1xf32>
    %get3A_4 = arith.constant 1 : index
    %get3A_5 = arith.constant 0 : index
    %get3A_6 = arith.constant 0 : index
    %get3A_7 = vector.load %arg1[%get3A_4, %get3A_5, %get3A_6] : memref<2x400x16xf32, #tpu.memory_space<vmem>>, vector<1x400x1xf32>
    %get3A_8 = vector.shape_cast %get3A_7 : vector<1x400x1xf32> to vector<400x1xf32>
    %add3A = arith.addf %get3A_3, %get3A_8 : vector<400x1xf32>
    %add3A_9 = arith.constant 1.000000e+00 : f32
    %add3A_10 = vector.broadcast %add3A_9 : f32 to vector<400x1xf32>
    %add3A_11 = arith.addf %add3A, %add3A_10 : vector<400x1xf32>
    %rsqrt3A = math.rsqrt %add3A_11 : vector<400x1xf32>
    %swap3A = arith.constant 0 : index
    %swap3A_12 = arith.constant 0 : index
    %swap3A_13 = vector.load %arg3[%swap3A, %swap3A_12] : memref<400x1xf32, #tpu.memory_space<vmem>>, vector<400x1xf32>
    tpu.vector_store %arg3[%swap3A, %swap3A_12], %rsqrt3A {strides = array<i32>} : memref<400x1xf32, #tpu.memory_space<vmem>>, vector<400x1xf32>,
    %get3A_14 = arith.constant 0 : index
    %get3A_15 = arith.constant 0 : index
    %get3A_16 = vector.load %arg2[%get3A_14, %get3A_15] : memref<400x256xf32, #tpu.memory_space<vmem>>, vector<400x256xf32>
    %mul3A = vector.broadcast %rsqrt3A : vector<400x1xf32> to vector<400x256xf32>
    %mul3A_17 = arith.mulf %get3A_16, %mul3A : vector<400x256xf32>
    %slice3A = vector.extract_strided_slice %mul3A_17 {offsets = [0, 0], sizes = [400, 128], strides = [1, 1]} : vector<400x256xf32> to vector<400x128xf32>
    %swap3A_18 = arith.constant 0 : index
    %swap3A_19 = arith.constant 0 : index
    %swap3A_20 = arith.constant 0 : index
    %swap3A_21 = vector.load %arg4[%swap3A_18, %swap3A_19, %swap3A_20] : memref<2x400x128xf32, #tpu.memory_space<vmem>>, vector<1x400x128xf32>
    %swap3A_22 = vector.shape_cast %swap3A_21 : vector<1x400x128xf32> to vector<400x128xf32>
    %swap3A_23 = vector.shape_cast %slice3A : vector<400x128xf32> to vector<1x400x128xf32>
    tpu.vector_store %arg4[%swap3A_18, %swap3A_19, %swap3A_20], %swap3A_23 {strides = array<i32>} : memref<2x400x128xf32, #tpu.memory_space<vmem>>, vector<1x400x128xf32>,
    %slice3A_24 = vector.extract_strided_slice %mul3A_17 {offsets = [0, 128], sizes = [400, 128], strides = [1, 1]} : vector<400x256xf32> to vector<400x128xf32>
    %swap3A_25 = arith.constant 1 : index
    %swap3A_26 = arith.constant 0 : index
    %swap3A_27 = arith.constant 0 : index
    %swap3A_28 = vector.load %arg4[%swap3A_25, %swap3A_26, %swap3A_27] : memref<2x400x128xf32, #tpu.memory_space<vmem>>, vector<1x400x128xf32>
    %swap3A_29 = vector.shape_cast %swap3A_28 : vector<1x400x128xf32> to vector<400x128xf32>
    %swap3A_30 = vector.shape_cast %slice3A_24 : vector<400x128xf32> to vector<1x400x128xf32>
    tpu.vector_store %arg4[%swap3A_25, %swap3A_26, %swap3A_27], %swap3A_30 {strides = array<i32>} : memref<2x400x128xf32, #tpu.memory_space<vmem>>, vector<1x400x128xf32>,
    return
  }
  func.func @transform_0(%arg0: i32) -> (i32, i32, i32) {
    %c0_i32 = arith.constant 0 : i32
    %c0_i32_0 = arith.constant 0 : i32
    %c0_i32_1 = arith.constant 0 : i32
    return %c0_i32, %arg0, %c0_i32_0 : i32, i32, i32
  }
  func.func @transform_1(%arg0: i32) -> (i32, i32) {
    %c0_i32 = arith.constant 0 : i32
    %c0_i32_0 = arith.constant 0 : i32
    return %arg0, %c0_i32 : i32, i32
  }
  func.func @transform_2(%arg0: i32) -> (i32, i32) {
    %c0_i32 = arith.constant 0 : i32
    %c0_i32_0 = arith.constant 0 : i32
    return %arg0, %c0_i32 : i32, i32
  }
  func.func @transform_3(%arg0: i32) -> (i32, i32, i32) {
    %c0_i32 = arith.constant 0 : i32
    %c0_i32_0 = arith.constant 0 : i32
    %c0_i32_1 = arith.constant 0 : i32
    return %c0_i32, %arg0, %c0_i32_0 : i32, i32, i32
  }
}

module attributes {stable_mosaic.version = 14 : i64} {
  func.func @body(%arg0: i32, %arg1: memref<2x400x128xf32, #tpu.memory_space<vmem>>, %arg2: memref<400x256xf32, #tpu.memory_space<vmem>>, %arg3: memref<400x1xf32, #tpu.memory_space<vmem>>, %arg4: memref<256x512xf32, #tpu.memory_space<vmem>>, %arg5: memref<1x512xf32, #tpu.memory_space<vmem>>, %arg6: memref<400x512xf32, #tpu.memory_space<vmem>>, %arg7: memref<4x400x128xf32, #tpu.memory_space<vmem>>) attributes {dimension_semantics = [#tpu.dimension_semantics<arbitrary>], iteration_bounds = array<i64: 25>, scalar_prefetch = 0 : i64, scratch_operands = 0 : i64, tpu.core_type = #tpu.core_type<tc>, window_params = [{transform_indices = @transform_0, window_bounds = array<i64: 2, 400, 128>}, {transform_indices = @transform_1, window_bounds = array<i64: 400, 256>}, {transform_indices = @transform_2, window_bounds = array<i64: 400, 1>}, {pipeline_mode = #tpu.pipeline_mode<synchronous>, transform_indices = @transform_3, window_bounds = array<i64: 256, 512>}, {pipeline_mode = #tpu.pipeline_mode<synchronous>, transform_indices = @transform_4, window_bounds = array<i64: 1, 512>}, {transform_indices = @transform_5, window_bounds = array<i64: 400, 512>}, {transform_indices = @transform_6, window_bounds = array<i64: 4, 400, 128>}]} {
    %get3A = arith.constant 0 : index
    %get3A_0 = arith.constant 0 : index
    %get3A_1 = vector.load %arg3[%get3A, %get3A_0] : memref<400x1xf32, #tpu.memory_space<vmem>>, vector<400x1xf32>
    %get3A_2 = arith.constant 0 : index
    %get3A_3 = arith.constant 0 : index
    %get3A_4 = arith.constant 0 : index
    %get3A_5 = vector.load %arg1[%get3A_2, %get3A_3, %get3A_4] : memref<2x400x128xf32, #tpu.memory_space<vmem>>, vector<1x400x128xf32>
    %get3A_6 = vector.shape_cast %get3A_5 : vector<1x400x128xf32> to vector<400x128xf32>
    %get3A_7 = arith.constant 1 : index
    %get3A_8 = arith.constant 0 : index
    %get3A_9 = arith.constant 0 : index
    %get3A_10 = vector.load %arg1[%get3A_7, %get3A_8, %get3A_9] : memref<2x400x128xf32, #tpu.memory_space<vmem>>, vector<1x400x128xf32>
    %get3A_11 = vector.shape_cast %get3A_10 : vector<1x400x128xf32> to vector<400x128xf32>
    %concatenate3A = tpu.concatenate %get3A_6, %get3A_11 in 1 : vector<400x128xf32>, vector<400x128xf32> -> vector<400x256xf32>
    %mul3A = vector.broadcast %get3A_1 : vector<400x1xf32> to vector<400x256xf32>
    %mul3A_12 = arith.mulf %mul3A, %concatenate3A : vector<400x256xf32>
    %mul3A_13 = arith.mulf %get3A_1, %get3A_1 : vector<400x1xf32>
    %get3A_14 = arith.constant 0 : index
    %get3A_15 = arith.constant 0 : index
    %get3A_16 = vector.load %arg2[%get3A_14, %get3A_15] : memref<400x256xf32, #tpu.memory_space<vmem>>, vector<400x256xf32>
    %mul3A_17 = vector.broadcast %mul3A_13 : vector<400x1xf32> to vector<400x256xf32>
    %mul3A_18 = arith.mulf %mul3A_17, %get3A_16 : vector<400x256xf32>
    %add3A = arith.addf %mul3A_12, %mul3A_18 : vector<400x256xf32>
    %get3A_19 = arith.constant 0 : index
    %get3A_20 = arith.constant 0 : index
    %get3A_21 = vector.load %arg4[%get3A_19, %get3A_20] : memref<256x512xf32, #tpu.memory_space<vmem>>, vector<256x512xf32>
    %dot_general3A = arith.constant dense<0.000000e+00> : vector<400x512xf32>
    %dot_general3A_22 = tpu.matmul %add3A, %get3A_21, %dot_general3A {dimension_numbers = #tpu.dot_dimension_numbers<[1], [0], [0], [1], [0, 0, 1, 1], [], []>, transpose_lhs_hint = false} : vector<400x256xf32>, vector<256x512xf32>, vector<400x512xf32> -> vector<400x512xf32>
    %get3A_23 = arith.constant 0 : index
    %get3A_24 = arith.constant 0 : index
    %get3A_25 = vector.load %arg5[%get3A_23, %get3A_24] : memref<1x512xf32, #tpu.memory_space<vmem>>, vector<1x512xf32>
    %add3A_26 = vector.broadcast %get3A_25 : vector<1x512xf32> to vector<400x512xf32>
    %add3A_27 = arith.addf %dot_general3A_22, %add3A_26 : vector<400x512xf32>
    %max3A = arith.constant 0.000000e+00 : f32
    %max3A_28 = vector.broadcast %max3A : f32 to vector<400x512xf32>
    %max3A_29 = arith.maximumf %add3A_27, %max3A_28 : vector<400x512xf32>
    %swap3A = arith.constant 0 : index
    %swap3A_30 = arith.constant 0 : index
    %swap3A_31 = vector.load %arg6[%swap3A, %swap3A_30] : memref<400x512xf32, #tpu.memory_space<vmem>>, vector<400x512xf32>
    tpu.vector_store %arg6[%swap3A, %swap3A_30], %max3A_29 {strides = array<i32>} : memref<400x512xf32, #tpu.memory_space<vmem>>, vector<400x512xf32>,
    %mul3A_32 = vector.broadcast %get3A_1 : vector<400x1xf32> to vector<400x512xf32>
    %mul3A_33 = arith.mulf %max3A_29, %mul3A_32 : vector<400x512xf32>
    %slice3A = vector.extract_strided_slice %mul3A_33 {offsets = [0, 0], sizes = [400, 128], strides = [1, 1]} : vector<400x512xf32> to vector<400x128xf32>
    %swap3A_34 = arith.constant 0 : index
    %swap3A_35 = arith.constant 0 : index
    %swap3A_36 = arith.constant 0 : index
    %swap3A_37 = vector.load %arg7[%swap3A_34, %swap3A_35, %swap3A_36] : memref<4x400x128xf32, #tpu.memory_space<vmem>>, vector<1x400x128xf32>
    %swap3A_38 = vector.shape_cast %swap3A_37 : vector<1x400x128xf32> to vector<400x128xf32>
    %swap3A_39 = vector.shape_cast %slice3A : vector<400x128xf32> to vector<1x400x128xf32>
    tpu.vector_store %arg7[%swap3A_34, %swap3A_35, %swap3A_36], %swap3A_39 {strides = array<i32>} : memref<4x400x128xf32, #tpu.memory_space<vmem>>, vector<1x400x128xf32>,
    %slice3A_40 = vector.extract_strided_slice %mul3A_33 {offsets = [0, 128], sizes = [400, 128], strides = [1, 1]} : vector<400x512xf32> to vector<400x128xf32>
    %swap3A_41 = arith.constant 1 : index
    %swap3A_42 = arith.constant 0 : index
    %swap3A_43 = arith.constant 0 : index
    %swap3A_44 = vector.load %arg7[%swap3A_41, %swap3A_42, %swap3A_43] : memref<4x400x128xf32, #tpu.memory_space<vmem>>, vector<1x400x128xf32>
    %swap3A_45 = vector.shape_cast %swap3A_44 : vector<1x400x128xf32> to vector<400x128xf32>
    %swap3A_46 = vector.shape_cast %slice3A_40 : vector<400x128xf32> to vector<1x400x128xf32>
    tpu.vector_store %arg7[%swap3A_41, %swap3A_42, %swap3A_43], %swap3A_46 {strides = array<i32>} : memref<4x400x128xf32, #tpu.memory_space<vmem>>, vector<1x400x128xf32>,
    %slice3A_47 = vector.extract_strided_slice %mul3A_33 {offsets = [0, 256], sizes = [400, 128], strides = [1, 1]} : vector<400x512xf32> to vector<400x128xf32>
    %swap3A_48 = arith.constant 2 : index
    %swap3A_49 = arith.constant 0 : index
    %swap3A_50 = arith.constant 0 : index
    %swap3A_51 = vector.load %arg7[%swap3A_48, %swap3A_49, %swap3A_50] : memref<4x400x128xf32, #tpu.memory_space<vmem>>, vector<1x400x128xf32>
    %swap3A_52 = vector.shape_cast %swap3A_51 : vector<1x400x128xf32> to vector<400x128xf32>
    %swap3A_53 = vector.shape_cast %slice3A_47 : vector<400x128xf32> to vector<1x400x128xf32>
    tpu.vector_store %arg7[%swap3A_48, %swap3A_49, %swap3A_50], %swap3A_53 {strides = array<i32>} : memref<4x400x128xf32, #tpu.memory_space<vmem>>, vector<1x400x128xf32>,
    %slice3A_54 = vector.extract_strided_slice %mul3A_33 {offsets = [0, 384], sizes = [400, 128], strides = [1, 1]} : vector<400x512xf32> to vector<400x128xf32>
    %swap3A_55 = arith.constant 3 : index
    %swap3A_56 = arith.constant 0 : index
    %swap3A_57 = arith.constant 0 : index
    %swap3A_58 = vector.load %arg7[%swap3A_55, %swap3A_56, %swap3A_57] : memref<4x400x128xf32, #tpu.memory_space<vmem>>, vector<1x400x128xf32>
    %swap3A_59 = vector.shape_cast %swap3A_58 : vector<1x400x128xf32> to vector<400x128xf32>
    %swap3A_60 = vector.shape_cast %slice3A_54 : vector<400x128xf32> to vector<1x400x128xf32>
    tpu.vector_store %arg7[%swap3A_55, %swap3A_56, %swap3A_57], %swap3A_60 {strides = array<i32>} : memref<4x400x128xf32, #tpu.memory_space<vmem>>, vector<1x400x128xf32>,
    return
  }
  func.func @transform_0(%arg0: i32) -> (i32, i32, i32) {
    %c0_i32 = arith.constant 0 : i32
    %c0_i32_0 = arith.constant 0 : i32
    %c0_i32_1 = arith.constant 0 : i32
    return %c0_i32, %arg0, %c0_i32_0 : i32, i32, i32
  }
  func.func @transform_1(%arg0: i32) -> (i32, i32) {
    %c0_i32 = arith.constant 0 : i32
    %c0_i32_0 = arith.constant 0 : i32
    return %arg0, %c0_i32 : i32, i32
  }
  func.func @transform_2(%arg0: i32) -> (i32, i32) {
    %c0_i32 = arith.constant 0 : i32
    %c0_i32_0 = arith.constant 0 : i32
    return %arg0, %c0_i32 : i32, i32
  }
  func.func @transform_3(%arg0: i32) -> (i32, i32) {
    %c0_i32 = arith.constant 0 : i32
    %c0_i32_0 = arith.constant 0 : i32
    %c0_i32_1 = arith.constant 0 : i32
    return %c0_i32, %c0_i32_0 : i32, i32
  }
  func.func @transform_4(%arg0: i32) -> (i32, i32) {
    %c0_i32 = arith.constant 0 : i32
    %c0_i32_0 = arith.constant 0 : i32
    %c0_i32_1 = arith.constant 0 : i32
    return %c0_i32, %c0_i32_0 : i32, i32
  }
  func.func @transform_5(%arg0: i32) -> (i32, i32) {
    %c0_i32 = arith.constant 0 : i32
    %c0_i32_0 = arith.constant 0 : i32
    return %arg0, %c0_i32 : i32, i32
  }
  func.func @transform_6(%arg0: i32) -> (i32, i32, i32) {
    %c0_i32 = arith.constant 0 : i32
    %c0_i32_0 = arith.constant 0 : i32
    %c0_i32_1 = arith.constant 0 : i32
    return %c0_i32, %arg0, %c0_i32_0 : i32, i32, i32
  }
}

module attributes {stable_mosaic.version = 14 : i64} {
  func.func @body(%arg0: i32, %arg1: memref<4x400x128xf32, #tpu.memory_space<vmem>>, %arg2: memref<400x512xf32, #tpu.memory_space<vmem>>, %arg3: memref<400x1xf32, #tpu.memory_space<vmem>>, %arg4: memref<512x512xf32, #tpu.memory_space<vmem>>, %arg5: memref<1x512xf32, #tpu.memory_space<vmem>>, %arg6: memref<1024x40xf32, #tpu.memory_space<vmem>>, %arg7: memref<400x40xf32, #tpu.memory_space<vmem>>, %arg8: memref<400x128xf32, #tpu.memory_space<vmem>>) attributes {dimension_semantics = [#tpu.dimension_semantics<arbitrary>], iteration_bounds = array<i64: 25>, scalar_prefetch = 0 : i64, scratch_operands = 0 : i64, tpu.core_type = #tpu.core_type<tc>, window_params = [{transform_indices = @transform_0, window_bounds = array<i64: 4, 400, 128>}, {transform_indices = @transform_1, window_bounds = array<i64: 400, 512>}, {transform_indices = @transform_2, window_bounds = array<i64: 400, 1>}, {pipeline_mode = #tpu.pipeline_mode<synchronous>, transform_indices = @transform_3, window_bounds = array<i64: 512, 512>}, {pipeline_mode = #tpu.pipeline_mode<synchronous>, transform_indices = @transform_4, window_bounds = array<i64: 1, 512>}, {pipeline_mode = #tpu.pipeline_mode<synchronous>, transform_indices = @transform_5, window_bounds = array<i64: 1024, 40>}, {transform_indices = @transform_6, window_bounds = array<i64: 400, 40>}, {transform_indices = @transform_7, window_bounds = array<i64: 400, 128>}]} {
    %get3A = arith.constant 0 : index
    %get3A_0 = arith.constant 0 : index
    %get3A_1 = vector.load %arg3[%get3A, %get3A_0] : memref<400x1xf32, #tpu.memory_space<vmem>>, vector<400x1xf32>
    %get3A_2 = arith.constant 0 : index
    %get3A_3 = arith.constant 0 : index
    %get3A_4 = arith.constant 0 : index
    %get3A_5 = vector.load %arg1[%get3A_2, %get3A_3, %get3A_4] : memref<4x400x128xf32, #tpu.memory_space<vmem>>, vector<1x400x128xf32>
    %get3A_6 = vector.shape_cast %get3A_5 : vector<1x400x128xf32> to vector<400x128xf32>
    %get3A_7 = arith.constant 1 : index
    %get3A_8 = arith.constant 0 : index
    %get3A_9 = arith.constant 0 : index
    %get3A_10 = vector.load %arg1[%get3A_7, %get3A_8, %get3A_9] : memref<4x400x128xf32, #tpu.memory_space<vmem>>, vector<1x400x128xf32>
    %get3A_11 = vector.shape_cast %get3A_10 : vector<1x400x128xf32> to vector<400x128xf32>
    %get3A_12 = arith.constant 2 : index
    %get3A_13 = arith.constant 0 : index
    %get3A_14 = arith.constant 0 : index
    %get3A_15 = vector.load %arg1[%get3A_12, %get3A_13, %get3A_14] : memref<4x400x128xf32, #tpu.memory_space<vmem>>, vector<1x400x128xf32>
    %get3A_16 = vector.shape_cast %get3A_15 : vector<1x400x128xf32> to vector<400x128xf32>
    %get3A_17 = arith.constant 3 : index
    %get3A_18 = arith.constant 0 : index
    %get3A_19 = arith.constant 0 : index
    %get3A_20 = vector.load %arg1[%get3A_17, %get3A_18, %get3A_19] : memref<4x400x128xf32, #tpu.memory_space<vmem>>, vector<1x400x128xf32>
    %get3A_21 = vector.shape_cast %get3A_20 : vector<1x400x128xf32> to vector<400x128xf32>
    %concatenate3A = tpu.concatenate %get3A_6, %get3A_11, %get3A_16, %get3A_21 in 1 : vector<400x128xf32>, vector<400x128xf32>, vector<400x128xf32>, vector<400x128xf32> -> vector<400x512xf32>
    %get3A_22 = arith.constant 0 : index
    %get3A_23 = arith.constant 0 : index
    %get3A_24 = vector.load %arg2[%get3A_22, %get3A_23] : memref<400x512xf32, #tpu.memory_space<vmem>>, vector<400x512xf32>
    %mul3A = vector.broadcast %get3A_1 : vector<400x1xf32> to vector<400x512xf32>
    %mul3A_25 = arith.mulf %mul3A, %concatenate3A : vector<400x512xf32>
    %mul3A_26 = arith.mulf %get3A_1, %get3A_1 : vector<400x1xf32>
    %mul3A_27 = vector.broadcast %mul3A_26 : vector<400x1xf32> to vector<400x512xf32>
    %mul3A_28 = arith.mulf %mul3A_27, %get3A_24 : vector<400x512xf32>
    %add3A = arith.addf %mul3A_25, %mul3A_28 : vector<400x512xf32>
    %get3A_29 = arith.constant 0 : index
    %get3A_30 = arith.constant 0 : index
    %get3A_31 = vector.load %arg4[%get3A_29, %get3A_30] : memref<512x512xf32, #tpu.memory_space<vmem>>, vector<512x512xf32>
    %dot_general3A = arith.constant dense<0.000000e+00> : vector<400x512xf32>
    %dot_general3A_32 = tpu.matmul %add3A, %get3A_31, %dot_general3A {dimension_numbers = #tpu.dot_dimension_numbers<[1], [0], [0], [1], [0, 0, 1, 1], [], []>, transpose_lhs_hint = false} : vector<400x512xf32>, vector<512x512xf32>, vector<400x512xf32> -> vector<400x512xf32>
    %get3A_33 = arith.constant 0 : index
    %get3A_34 = arith.constant 0 : index
    %get3A_35 = vector.load %arg5[%get3A_33, %get3A_34] : memref<1x512xf32, #tpu.memory_space<vmem>>, vector<1x512xf32>
    %add3A_36 = vector.broadcast %get3A_35 : vector<1x512xf32> to vector<400x512xf32>
    %add3A_37 = arith.addf %dot_general3A_32, %add3A_36 : vector<400x512xf32>
    %max3A = arith.constant 0.000000e+00 : f32
    %max3A_38 = vector.broadcast %max3A : f32 to vector<400x512xf32>
    %max3A_39 = arith.maximumf %add3A_37, %max3A_38 : vector<400x512xf32>
    %get3A_40 = arith.constant 0 : index
    %get3A_41 = arith.constant 0 : index
    %get3A_42 = vector.load %arg6[%get3A_40, %get3A_41] : memref<1024x40xf32, #tpu.memory_space<vmem>>, vector<1024x40xf32>
    %slice3A = vector.extract_strided_slice %get3A_42 {offsets = [0, 0], sizes = [512, 40], strides = [1, 1]} : vector<1024x40xf32> to vector<512x40xf32>
    %dot_general3A_43 = arith.constant dense<0.000000e+00> : vector<400x40xf32>
    %dot_general3A_44 = tpu.matmul %get3A_24, %slice3A, %dot_general3A_43 {dimension_numbers = #tpu.dot_dimension_numbers<[1], [0], [0], [1], [0, 0, 1, 1], [], []>, transpose_lhs_hint = false} : vector<400x512xf32>, vector<512x40xf32>, vector<400x40xf32> -> vector<400x40xf32>
    %slice3A_45 = vector.extract_strided_slice %get3A_42 {offsets = [512, 0], sizes = [512, 40], strides = [1, 1]} : vector<1024x40xf32> to vector<512x40xf32>
    %dot_general3A_46 = arith.constant dense<0.000000e+00> : vector<400x40xf32>
    %dot_general3A_47 = tpu.matmul %max3A_39, %slice3A_45, %dot_general3A_46 {dimension_numbers = #tpu.dot_dimension_numbers<[1], [0], [0], [1], [0, 0, 1, 1], [], []>, transpose_lhs_hint = false} : vector<400x512xf32>, vector<512x40xf32>, vector<400x40xf32> -> vector<400x40xf32>
    %add3A_48 = arith.addf %dot_general3A_44, %dot_general3A_47 : vector<400x40xf32>
    %swap3A = arith.constant 0 : index
    %swap3A_49 = arith.constant 0 : index
    %swap3A_50 = vector.load %arg7[%swap3A, %swap3A_49] : memref<400x40xf32, #tpu.memory_space<vmem>>, vector<400x40xf32>
    tpu.vector_store %arg7[%swap3A, %swap3A_49], %add3A_48 {strides = array<i32>} : memref<400x40xf32, #tpu.memory_space<vmem>>, vector<400x40xf32>,
    %mul3A_51 = vector.broadcast %get3A_1 : vector<400x1xf32> to vector<400x40xf32>
    %mul3A_52 = arith.mulf %add3A_48, %mul3A_51 : vector<400x40xf32>
    %broadcast_in_dim3A = arith.constant 0.000000e+00 : f32
    %broadcast_in_dim3A_53 = vector.broadcast %broadcast_in_dim3A : f32 to vector<400x88xf32>
    %concatenate3A_54 = tpu.concatenate %mul3A_52, %broadcast_in_dim3A_53 in 1 : vector<400x40xf32>, vector<400x88xf32> -> vector<400x128xf32>
    %swap3A_55 = arith.constant 0 : index
    %swap3A_56 = arith.constant 0 : index
    %swap3A_57 = vector.load %arg8[%swap3A_55, %swap3A_56] : memref<400x128xf32, #tpu.memory_space<vmem>>, vector<400x128xf32>
    tpu.vector_store %arg8[%swap3A_55, %swap3A_56], %concatenate3A_54 {strides = array<i32>} : memref<400x128xf32, #tpu.memory_space<vmem>>, vector<400x128xf32>,
    return
  }
  func.func @transform_0(%arg0: i32) -> (i32, i32, i32) {
    %c0_i32 = arith.constant 0 : i32
    %c0_i32_0 = arith.constant 0 : i32
    %c0_i32_1 = arith.constant 0 : i32
    return %c0_i32, %arg0, %c0_i32_0 : i32, i32, i32
  }
  func.func @transform_1(%arg0: i32) -> (i32, i32) {
    %c0_i32 = arith.constant 0 : i32
    %c0_i32_0 = arith.constant 0 : i32
    return %arg0, %c0_i32 : i32, i32
  }
  func.func @transform_2(%arg0: i32) -> (i32, i32) {
    %c0_i32 = arith.constant 0 : i32
    %c0_i32_0 = arith.constant 0 : i32
    return %arg0, %c0_i32 : i32, i32
  }
  func.func @transform_3(%arg0: i32) -> (i32, i32) {
    %c0_i32 = arith.constant 0 : i32
    %c0_i32_0 = arith.constant 0 : i32
    %c0_i32_1 = arith.constant 0 : i32
    return %c0_i32, %c0_i32_0 : i32, i32
  }
  func.func @transform_4(%arg0: i32) -> (i32, i32) {
    %c0_i32 = arith.constant 0 : i32
    %c0_i32_0 = arith.constant 0 : i32
    %c0_i32_1 = arith.constant 0 : i32
    return %c0_i32, %c0_i32_0 : i32, i32
  }
  func.func @transform_5(%arg0: i32) -> (i32, i32) {
    %c0_i32 = arith.constant 0 : i32
    %c0_i32_0 = arith.constant 0 : i32
    %c0_i32_1 = arith.constant 0 : i32
    return %c0_i32, %c0_i32_0 : i32, i32
  }
  func.func @transform_6(%arg0: i32) -> (i32, i32) {
    %c0_i32 = arith.constant 0 : i32
    %c0_i32_0 = arith.constant 0 : i32
    return %arg0, %c0_i32 : i32, i32
  }
  func.func @transform_7(%arg0: i32) -> (i32, i32) {
    %c0_i32 = arith.constant 0 : i32
    %c0_i32_0 = arith.constant 0 : i32
    return %arg0, %c0_i32 : i32, i32
  }
}

module attributes {stable_mosaic.version = 14 : i64} {
  func.func @body(%arg0: i32, %arg1: memref<2x400x128xf32, #tpu.memory_space<vmem>>, %arg2: memref<400x40xf32, #tpu.memory_space<vmem>>, %arg3: memref<400x1xf32, #tpu.memory_space<vmem>>, %arg4: memref<1x40xf32, #tpu.memory_space<vmem>>, %arg5: memref<400x40xf32, #tpu.memory_space<vmem>>) attributes {dimension_semantics = [#tpu.dimension_semantics<arbitrary>], iteration_bounds = array<i64: 25>, scalar_prefetch = 0 : i64, scratch_operands = 0 : i64, tpu.core_type = #tpu.core_type<tc>, window_params = [{transform_indices = @transform_0, window_bounds = array<i64: 2, 400, 128>}, {transform_indices = @transform_1, window_bounds = array<i64: 400, 40>}, {transform_indices = @transform_2, window_bounds = array<i64: 400, 1>}, {pipeline_mode = #tpu.pipeline_mode<synchronous>, transform_indices = @transform_3, window_bounds = array<i64: 1, 40>}, {transform_indices = @transform_4, window_bounds = array<i64: 400, 40>}]} {
    %get3A = arith.constant 0 : index
    %get3A_0 = arith.constant 0 : index
    %get3A_1 = vector.load %arg3[%get3A, %get3A_0] : memref<400x1xf32, #tpu.memory_space<vmem>>, vector<400x1xf32>
    %get3A_2 = arith.constant 0 : index
    %get3A_3 = arith.constant 0 : index
    %get3A_4 = arith.constant 0 : index
    %get3A_5 = vector.load %arg1[%get3A_2, %get3A_3, %get3A_4] : memref<2x400x128xf32, #tpu.memory_space<vmem>>, vector<1x400x128xf32>
    %get3A_6 = vector.shape_cast %get3A_5 : vector<1x400x128xf32> to vector<400x128xf32>
    %get3A_7 = arith.constant 1 : index
    %get3A_8 = arith.constant 0 : index
    %get3A_9 = arith.constant 0 : index
    %get3A_10 = vector.load %arg1[%get3A_7, %get3A_8, %get3A_9] : memref<2x400x128xf32, #tpu.memory_space<vmem>>, vector<1x400x128xf32>
    %get3A_11 = vector.shape_cast %get3A_10 : vector<1x400x128xf32> to vector<400x128xf32>
    %add3A = arith.addf %get3A_6, %get3A_11 : vector<400x128xf32>
    %slice3A = vector.extract_strided_slice %add3A {offsets = [0, 0], sizes = [400, 40], strides = [1, 1]} : vector<400x128xf32> to vector<400x40xf32>
    %mul3A = vector.broadcast %get3A_1 : vector<400x1xf32> to vector<400x40xf32>
    %mul3A_12 = arith.mulf %mul3A, %slice3A : vector<400x40xf32>
    %mul3A_13 = arith.mulf %get3A_1, %get3A_1 : vector<400x1xf32>
    %get3A_14 = arith.constant 0 : index
    %get3A_15 = arith.constant 0 : index
    %get3A_16 = vector.load %arg2[%get3A_14, %get3A_15] : memref<400x40xf32, #tpu.memory_space<vmem>>, vector<400x40xf32>
    %mul3A_17 = vector.broadcast %mul3A_13 : vector<400x1xf32> to vector<400x40xf32>
    %mul3A_18 = arith.mulf %mul3A_17, %get3A_16 : vector<400x40xf32>
    %add3A_19 = arith.addf %mul3A_12, %mul3A_18 : vector<400x40xf32>
    %get3A_20 = arith.constant 0 : index
    %get3A_21 = arith.constant 0 : index
    %get3A_22 = vector.load %arg4[%get3A_20, %get3A_21] : memref<1x40xf32, #tpu.memory_space<vmem>>, vector<1x40xf32>
    %add3A_23 = vector.broadcast %get3A_22 : vector<1x40xf32> to vector<400x40xf32>
    %add3A_24 = arith.addf %add3A_19, %add3A_23 : vector<400x40xf32>
    %swap3A = arith.constant 0 : index
    %swap3A_25 = arith.constant 0 : index
    %swap3A_26 = vector.load %arg5[%swap3A, %swap3A_25] : memref<400x40xf32, #tpu.memory_space<vmem>>, vector<400x40xf32>
    tpu.vector_store %arg5[%swap3A, %swap3A_25], %add3A_24 {strides = array<i32>} : memref<400x40xf32, #tpu.memory_space<vmem>>, vector<400x40xf32>,
    return
  }
  func.func @transform_0(%arg0: i32) -> (i32, i32, i32) {
    %c0_i32 = arith.constant 0 : i32
    %c0_i32_0 = arith.constant 0 : i32
    %c0_i32_1 = arith.constant 0 : i32
    return %c0_i32, %arg0, %c0_i32_0 : i32, i32, i32
  }
  func.func @transform_1(%arg0: i32) -> (i32, i32) {
    %c0_i32 = arith.constant 0 : i32
    %c0_i32_0 = arith.constant 0 : i32
    return %arg0, %c0_i32 : i32, i32
  }
  func.func @transform_2(%arg0: i32) -> (i32, i32) {
    %c0_i32 = arith.constant 0 : i32
    %c0_i32_0 = arith.constant 0 : i32
    return %arg0, %c0_i32 : i32, i32
  }
  func.func @transform_3(%arg0: i32) -> (i32, i32) {
    %c0_i32 = arith.constant 0 : i32
    %c0_i32_0 = arith.constant 0 : i32
    %c0_i32_1 = arith.constant 0 : i32
    return %c0_i32, %c0_i32_0 : i32, i32
  }
  func.func @transform_4(%arg0: i32) -> (i32, i32) {
    %c0_i32 = arith.constant 0 : i32
    %c0_i32_0 = arith.constant 0 : i32
    return %arg0, %c0_i32 : i32, i32
  }
}

</mosaic_0001>

<sc_bundles>
// kernel: kernel.10.cloned.1.call-start
scs
__scs_entry_jumppad:
0x0: {  	(pc) =	sbr.rel $0x88, $3  }
0x1: {  	(tag) =	ssettag $0x0;
	lr =	simm.s32 $0x1  }
0x2: {  	[smem:$0x3F99] =	sst lr;
	_ =	strace $0xD0000000  }
0x3: {  	_ = 	snop  }
0x4: {  	_ = 	snop  }
0x5: {  	_ = 	snop  }
0x6: {  	_ = 	snop  }
0x7: {  	_ = 	snop  }
__scs_overlays_trampoline_lowered:
0x8: {  	[smem:$0x3FA8] =	sst s0  }
0x9: {  	[smem:$0x3FA9] =	sst s1  }
0xa: {  	[smem:$0x3FAA] =	sst s2  }
0xb: {  	[smem:$0x3FAB] =	sst s3  }
0xc: {  	[smem:$0x3FAC] =	sst s4  }
0xd: {  	[smem:$0x3FAD] =	sst s5  }
0xe: {  	[smem:$0x3FAE] =	sst s6  }
0xf: {  	[smem:$0x3FAF] =	sst s7  }
0x10: {  	[smem:$0x3FB0] =	sst s8  }
0x11: {  	[smem:$0x3FB1] =	sst s9;
	s0 =	simm.s32 @!p0 $0x0  }
0x12: {  	s1 =	sld [smem:$0x3F97];
	s0 =	simm.s32 @p0 $0x1  }
0x13: {  	[smem:$0x3FB2] =	sst s0;
	s0 =	simm.s32 @!p1 $0x0  }
0x14: {  	s2 =	sld [smem:$0x3F96];
	s0 =	simm.s32 @p1 $0x1  }
0x15: {  	[smem:$0x3FB3] =	sst s0;
	s0 =	simm.s32 @!p2 $0x0  }
0x16: {  	s3 =	sld [smem:$0x3FDB];
	s0 =	simm.s32 @p2 $0x1  }
0x17: {  	s4 =	simm.s32 $0x1BF5;
	[smem:$0x3FB5] =	sst s0  }
0x18: {  	s0 =	sld [smem:$0x3F98];
	_ =	swait.ge [sflag:s4], $0x0  }
0x19: {  	s7 =	sld [smem:$0x3F99]  }
0x1a: {  	s8 =	sadd.s32 $0xFFFFE003, lr  }
0x1b: {  	s9 =	sadd.s32 $0xFFFFFEF7, lr;
	s5 =	simm.s32 $0xFFFFFFFF;
	p2 =	slt.u32 s8, $0xFFFFF086  }
0x1c: {  	p1 =	slt.u32 s9, $0xF7A;
	s5 =	simm.s32 @!p2 $0x0  }
0x1d: {  	s5 =	simm.s32 @p1 $0x1;
	p0 =	seq.s32 s7, s2  }
0x1e: {  	s7 =	smul.u32 @!p0 $0xF7A, s2;
	p2 =	seq.s32 @!p0 s5, $0x0  }
0x1f: {  	s9 =	smul.u32 $0xF7A, s1;
	s8 =	simm.s32 @!p0 $0x1BF5;
	p2 =	por !p2, p0  }
0x20: {  	[sflag:s8] =	ssyncset.s32 @!p0 $0xFFFFF086;
	s6 =	sadd.s32 @!p0 s3, s7;
	s7 =	simm.s32 @!p0 $0x108  }
0x21: {  	s3 =	sadd.s32 s3, s9;
	s6 =	sadd.s32 @!p0 $0x88, s6;
	s7 =	simm.s32 @p2 $0x1082  }
0x22: {  	[simem:s7], [sflag:s8] =	dma.local @!p0 [hbm:s6], $0xF7A  }
0x23: {  	s9 =	sor.u32 $0xD0000000, s2;
	s6 =	simm.s32 $0x108;
	_ =	swait.ge @!p0 [sflag:s8], $0x0  }
0x24: {  	s3 =	sadd.s32 $0x88, s3;
	s6 =	simm.s32 @!p1 $0x1082;
	[sflag:s4] =	ssyncset.s32 $0xFFFFF086  }
0x25: {  	[simem:s6], [sflag:s4] =	dma.local [hbm:s3], $0xF7A  }
0x26: {  	[smem:$0x3F99] =	sst s1;
	(tag) =	ssettag s2;
	_ =	strace s9  }
0x27: {  	s1 =	sld [smem:$0x3FA9]  }
0x28: {  	s2 =	sld [smem:$0x3FAA]  }
0x29: {  	s4 =	sld [smem:$0x3FAC]  }
0x2a: {  	p0 =	seq.s32 s5, $0x0;
	s5 =	sld [smem:$0x3FAD]  }
0x2b: {  	s6 =	sld [smem:$0x3FAE]  }
0x2c: {  	s7 =	sld [smem:$0x3FAF]  }
0x2d: {  	s3 =	simm.s32 $0x108;
	s8 =	sld [smem:$0x3FB0]  }
0x2e: {  	s3 =	simm.s32 @!p0 $0x1082;
	s9 =	sld [smem:$0x3FB1]  }
0x2f: {  	lr =	sadd.s32 s0, s3;
	s0 =	sld [smem:$0x3FA8]  }
0x30: {  	s3 =	sld [smem:$0x3FAB]  }
0x31: {  	[smem:$0x3FB4] =	sst s10  }
0x32: {  	s10 =	sld [smem:$0x3FB2];
	_ =	sdelay $0x3  }
0x33: {  	p0 =	seq.s32 s10, $0x1;
	s10 =	sld [smem:$0x3FB4];
	_ =	sdelay $0x3  }
0x34: {  	[smem:$0x3FB4] =	sst s10  }
0x35: {  	s10 =	sld [smem:$0x3FB3];
	_ =	sdelay $0x3  }
0x36: {  	p1 =	seq.s32 s10, $0x1;
	s10 =	sld [smem:$0x3FB4];
	_ =	sdelay $0x3  }
0x37: {  	[smem:$0x3FB4] =	sst s10  }
0x38: {  	s10 =	sld [smem:$0x3FB5]  }
0x39: {  	_ = 	snop;
	(pc) =	sbr.ind lr, $3  }
0x3a: {  	_ = 	snop  }
0x3b: {  	_ = 	snop  }
0x3c: {  	p2 =	seq.s32 s10, $0x1;
	s10 =	sld [smem:$0x3FB4]  }
0x3d: {  	_ =	shalt  }
0x3e: {  	_ =	shalt  }
0x3f: {  	_ =	shalt  }
0x40: {  	_ =	shalt  }
0x41: {  	_ =	shalt  }
0x42: {  	_ =	shalt  }
0x43: {  	_ =	shalt  }
0x44: {  	_ =	shalt  }
0x45: {  	_ =	shalt  }
0x46: {  	_ =	shalt  }
0x47: {  	_ =	shalt  }
0x48: {  	_ =	shalt  }
0x49: {  	_ =	shalt  }
0x4a: {  	_ =	shalt  }
0x4b: {  	_ =	shalt  }
0x4c: {  	_ =	shalt  }
0x4d: {  	_ =	shalt  }
0x4e: {  	_ =	shalt  }
0x4f: {  	_ =	shalt  }
0x50: {  	_ =	shalt  }
0x51: {  	_ =	shalt  }
0x52: {  	_ =	shalt  }
0x53: {  	_ =	shalt  }
0x54: {  	_ =	shalt  }
0x55: {  	_ =	shalt  }
0x56: {  	_ =	shalt  }
0x57: {  	_ =	shalt  }
0x58: {  	_ =	shalt  }
0x59: {  	_ =	shalt  }
0x5a: {  	_ =	shalt  }
0x5b: {  	_ =	shalt  }
0x5c: {  	_ =	shalt  }
0x5d: {  	_ =	shalt  }
0x5e: {  	_ =	shalt  }
0x5f: {  	_ =	shalt  }
0x60: {  	_ =	shalt  }
0x61: {  	_ =	shalt  }
0x62: {  	_ =	shalt  }
0x63: {  	_ =	shalt  }
0x64: {  	_ =	shalt  }
0x65: {  	_ =	shalt  }
0x66: {  	_ =	shalt  }
0x67: {  	_ =	shalt  }
0x68: {  	_ =	shalt  }
0x69: {  	_ =	shalt  }
0x6a: {  	_ =	shalt  }
0x6b: {  	_ =	shalt  }
0x6c: {  	_ =	shalt  }
0x6d: {  	_ =	shalt  }
0x6e: {  	_ =	shalt  }
0x6f: {  	_ =	shalt  }
0x70: {  	_ =	shalt  }
0x71: {  	_ =	shalt  }
0x72: {  	_ =	shalt  }
0x73: {  	_ =	shalt  }
0x74: {  	_ =	shalt  }
0x75: {  	_ =	shalt  }
0x76: {  	_ =	shalt  }
0x77: {  	_ =	shalt  }
0x78: {  	_ =	shalt  }
0x79: {  	_ =	shalt  }
0x7a: {  	_ =	shalt  }
0x7b: {  	_ =	shalt  }
0x7c: {  	_ =	shalt  }
0x7d: {  	_ =	shalt  }
0x7e: {  	_ =	shalt  }
0x7f: {  	_ =	shalt  }
0x80: {  	_ =	shalt  }
0x81: {  	_ =	shalt  }
0x82: {  	_ =	shalt  }
0x83: {  	_ =	shalt  }
0x84: {  	_ =	shalt  }
0x85: {  	_ =	shalt  }
0x86: {  	_ =	shalt  }
0x87: {  	_ =	shalt  }
.Lfunc_end0:
.L_simem_size_0:
called_computation_lowered:
.L_overlay_start_0:
0x88: {  	s2 =	sld [smem:$0x3FD9]  }
0x89: {  	s3 =	sld [smem:$0x3FFE];
	_ =	sdelay $0x1  }
0x8a: {  	s1 =	srdreg.scid  }
0x8b: {  	s0 =	sand.u32 $0x1, s1  }
0x8c: {  	s14 =	sshll.u32 s0, $0xA;
	s2 =	sadd.s32 s3, s2  }
0x8d: {  	s2 =	sadd.s32 s2, s14  }
0x8e: {  	[smem:$0x3FC0] =	sst s2  }
0x8f: {  	_ = 	snop  }
0x90: {  	s2 =	sld [smem:$0x3FD0];
	_ =	sdelay $0x2  }
0x91: {  	s15 =	simm.s32 $0xA;
	s4 =	simm.s32 $0x10  }
0x92: {  	[smem:s4], [sflag:s15] =	dma.local [hbm:s2], $0x1  }
0x93: {  	_ =	swait.eq [sflag:s15], $0x1  }
0x94: {  	[sflag:s15] =	ssyncset.done $0x0  }
0x95: {  	[sflag:s15] =	ssyncadd.s32 $0xFFFFFFFF  }
0x96: {  	s16 =	sld [smem:$0x11];
	(tm) =	ssettm $0x1  }
0x97: {  	s17 =	sld [smem:$0x3FFB];
	_ =	sdelay $0x3  }
0x98: {  	_ =	strace s17  }
0x99: {  	s3 =	sld [smem:$0x3FFC];
	_ =	sdelay $0x3  }
0x9a: {  	_ =	strace s3  }
0x9b: {  	s3 =	sld [smem:$0x3FFD];
	_ =	sdelay $0x3  }
0x9c: {  	_ =	strace s3  }
0x9d: {  	_ =	strace $0x8FFFFFFF  }
0x9e: {  	s18 =	sld [smem:$0x3FDB];
	_ =	sdelay $0x1  }
0x9f: {  	s19 =	simm.s32 $_scs_section_size  }
0xa0: {  	s5 =	simm.s32 $_size__tile_overlayer_lowered;
	s6 =	simm.s32 $_tile_overlayer_lowered  }
0xa1: {  	s22 =	simm.s32 $0x1BFF;
	s21 =	sshll.u32 s6, $0x1;
	s3 =	sadd.s32 s19, s18  }
0xa2: {  	s7 =	simm.s32 $0x0;
	s20 =	sshll.u32 s5, $0x1;
	s5 =	sadd.s32 s21, s3  }
0xa3: {  	[timem:s7], [sflag:s22] =	dma.local [hbm:s5], s20  }
0xa4: {  	_ =	swait.ge [sflag:s22], s20  }
0xa5: {  	s4 =	ssub.s32 $0x0, s20;
	[sflag:s22] =	ssyncset.done $0x0  }
0xa6: {  	[sflag:s22] =	ssyncadd.s32 s4;
	_ =	sdelay $0x1  }
0xa7: {  	s23 =	simm.s32 $0x1B8B  }
0xa8: {  	_ =	swait.ge [sflag:s23], $0x1  }
0xa9: {  	[sflag:s23] =	ssyncset.done $0x0  }
0xaa: {  	s25 =	simm.s32 $0x1B8E;
	s24 =	sld [smem:$0x3FFE];
	[sflag:s23] =	ssyncadd.s32 $0xFFFFFFFF  }
0xab: {  	s26 =	simm.s32 $execute0_lowered;
	[smem:$0x3FD2] =	sst s25  }
0xac: {  	s5 =	sshll.u32 s26, $0x1;
	_ =	strace $0x80000046;
	[dreg:$0x1] =	wrdreg $0xFFFFFFFF  }
0xad: {  	s28 =	simm.s32 $_size_execute0_lowered;
	s3 =	sadd.s32 s3, s5;
	[dreg:$0x0] =	wrdreg $0x0  }
0xae: {  	s5 =	sshll.u32 s28, $0x1;
	[dreg:$0x2] =	wrdreg s3  }
0xaf: {  	[dreg:$0x3] =	wrdreg s5  }
0xb0: {  	[dreg:$0x4] =	wrdreg $0xC0  }
0xb1: {  	_ =	task [dreg:s7], $0x5FFFF  }
0xb2: {  	[dreg:$0x1] =	wrdreg $0xFFFFFFFF  }
0xb3: {  	[dreg:$0x0] =	wrdreg $0x60  }
0xb4: {  	[dreg:$0x2] =	wrdreg s16  }
0xb5: {  	[dreg:$0x3] =	wrdreg s24  }
0xb6: {  	[dreg:$0x4] =	wrdreg $0x8C000  }
0xb7: {  	[dreg:$0x5] =	wrdreg $0x9  }
0xb8: {  	_ =	task.clear_ibuf [dreg:s7], $0x6FFFF;
	_ =	strace $0x90000046  }
0xb9: {  	s29 =	simm.s32 $0x9;
	_ =	strace $0x80000048  }
0xba: {  	_ =	swait.ge [sflag:s29], $0x1  }
0xbb: {  	[sflag:s29] =	ssyncadd.s32 $0xFFFFFFFF  }
0xbc: {  	_ =	strace $0x90000048  }
0xbd: {  	_ =	sfence  }
0xbe: {  	s30 =	sld [smem:$0x0];
	_ =	sdelay $0x2  }
0xbf: {  	s31 =	sshll.u32 s1, $0xD;
	s1 =	sshrl.u32 s1, $0x2  }
0xc0: {  	s3 =	sand.u32 $0x4000, s31;
	s1 =	sadd.s32 s1, s30  }
0xc1: {  	s0 =	sor.u32 s3, s0;
	s1 =	sshll.u32 s1, $0x11  }
0xc2: {  	s0 =	sor.u32 s1, s0  }
0xc3: {  	s0 =	sadd.s32 $0x8F2B, s0  }
0xc4: {  	[sflag:s0] =	ssyncadd.remote.s32 $0x1  }
0xc5: {  	_ =	sfence.sel $0xFFFF  }
0xc6: {  	[dreg:$0x0] =	wrdreg $0xFFFFFFFF;
	(pc) =	sbr.abs _section_cstart, $3  }
0xc7: {  	[dreg:$0x1] =	wrdreg $0xFFFFFFFF  }
0xc8: {  	_ =	task.clear_ibuf [dreg:s7], $0x2FFFF;
	_ =	strace $0x9FFFFFFF  }
0xc9: {  	(tm) =	ssettm $0x7FFFFFFF  }
tec
execute0_lowered:
.L_overlay_start_1:
0x0: {  	(tag) =	ssettag $0x1  }
0x1: {  	s4 =	rddreg [dreg:$0x0]  }
0x2: {  	s5 =	rddreg [dreg:$0x1]  }
0x3: {  	s1 =	rddreg [dreg:$0x2];
	s2 =	srdreg.scid  }
0x4: {  	s0 =	rddreg [dreg:$0x3];
	s3 =	simm.s32 $0x0;
	s11 =	simm.s32 $0x1  }
0x5: {  	s12 =	simm.s32 $0x4C00;
	s13 =	simm.s32 $0x50;
	s6 =	sand.u32 $0x1, s2  }
0x6: {  	s14 =	simm.s32 $0x2400;
	s2 =	stileid.u32;
	s7 =	smul.u32 $0x28000, s6  }
0x7: {  	[smem:$0x7FF] =	sst s3;
	s8 =	sshll.u32 s6, $0x4;
	s9 =	smul.u32 $0x50000, s2  }
0x8: {  	_ =	strace $0x80000047;
	s6 =	ssub.s32 $0x2, s6;
	s16 =	smul.u32 $0x2800, s2  }
0x9: {  	s17 =	sshll.u32 s2, $0x6;
	s8 =	sor.u32 s2, s8;
	s31 =	sshrl.u32 s6, $0x1  }
0xa: {  	s8 =	smul.u32 $0x480, s8;
	s7 =	sadd.s32 s7, s5;
	s9 =	sshrl.u32 s9, $0x2  }
0xb: {  	s6 =	ssub.s32 s6, s31;
	s5 =	sadd.s32 s9, s1;
	s15 =	sadd.s32 $0xD200, s7  }
0xc: {  	s6 =	smax.u32 s6, $0x1;
	s4 =	sadd.s32 s4, s8;
	s7 =	sadd.s32 $0x4000, s5  }
0xd: {  	s8 =	sadd.s32 $0x8000, s5;
	s9 =	sadd.s32 $0xC000, s5;
	s10 =	sadd.s32 $0x10000, s5  }
0xe: {  	v0 =	vimm.f32 $0.0e+00;
	v1 =	vimm.f32 $1.000000000e+00;
	s15 =	sadd.s32 s16, s15;
	s16 =	sor.u32 $0x1C01, s17;
	s17 =	sshrl.u32 s5, $0x3  }
.LBB2_1:
0xf: {  	s18 =	simm.s32 $0x0  }
.LBB2_2:
0x10: {  	p0 =	sne.s32 s18, $0xFE00  }
.Ltmp0:
0x11: {  	_ = 	snop;
	(pc) =	sbr.rel @p0 .LBB2_2-.Ltmp0, $3  }
0x12: {  	_ =	sdelay $0x1  }
0x13: {  	s19 =	sshra.s32 s18, $0x2  }
0x14: {  	s18 =	sadd.s32 $0x200, s18;
	[tilespmem:s19+$0x4C00] =	vst v0  }
0x15: {  	s18 =	simm.s32 $0x200;
	s19 =	simm.s32 $0x0  }
.LBB2_4:
0x16: {  	p0 =	sne.s32 s18, $0x9E00;
	[tilespmem:s19+$0x2400] =	vst v1;
	s19 =	smov.u32 s18;
	s18 =	sadd.s32 $0x200, s18  }
.Ltmp1:
0x17: {  	(pc) =	sbr.rel @p0 .LBB2_4-.Ltmp1, $2  }
0x18: {  	_ =	sdelay $0x2  }
0x19: {  	s19 =	sshra.s32 s19, $0x2  }
0x1a: {  	[tilespmem:s19+$0x2400] =	vst v1;
	s18 =	simm.s32 $0x0  }
0x1b: {  	[tilespmem:s18], [sflag:$0x1] =	stream.linear.gather [hbm4b:s4+s18], $0x2080, $0x38;
	[tilespmem:$0xB400] =	vst v63  }
0x1c: {  	_ =	swait.ge [sflag:s11], $0x2080  }
0x1d: {  	[sflag:s11] =	ssyncset.done $0x0  }
0x1e: {  	[sflag:s11] =	ssyncadd.s32 $0xFFFFDF80  }
0x1f: {  	[spmem:s5] =	stream.linear.scatter [tilespmem:s12], [sflag:$0x1], $0x4000, $0x38;
	[tilespmem:$0xB400] =	vst v63  }
0x20: {  	_ =	swait.ge [sflag:s11], $0x4000  }
0x21: {  	[sflag:s11] =	ssyncset.done $0x0  }
0x22: {  	[sflag:s11] =	ssyncadd.s32 $0xFFFFC000  }
0x23: {  	[spmem:s7] =	stream.linear.scatter [tilespmem:s12], [sflag:$0x1], $0x4000, $0x38;
	[tilespmem:$0xB400] =	vst v63  }
0x24: {  	_ =	swait.ge [sflag:s11], $0x4000  }
0x25: {  	[sflag:s11] =	ssyncset.done $0x0  }
0x26: {  	[sflag:s11] =	ssyncadd.s32 $0xFFFFC000  }
0x27: {  	[spmem:s8] =	stream.linear.scatter [tilespmem:s12], [sflag:$0x1], $0x4000, $0x38;
	[tilespmem:$0xB400] =	vst v63  }
0x28: {  	_ =	swait.ge [sflag:s11], $0x4000  }
0x29: {  	[sflag:s11] =	ssyncset.done $0x0  }
0x2a: {  	[sflag:s11] =	ssyncadd.s32 $0xFFFFC000  }
0x2b: {  	[spmem:s9] =	stream.linear.scatter [tilespmem:s12], [sflag:$0x1], $0x4000, $0x38;
	[tilespmem:$0xB400] =	vst v63  }
0x2c: {  	_ =	swait.ge [sflag:s11], $0x4000  }
0x2d: {  	[sflag:s11] =	ssyncset.done $0x0  }
0x2e: {  	[sflag:s11] =	ssyncadd.s32 $0xFFFFC000  }
0x2f: {  	[spmem:s10] =	stream.linear.scatter [tilespmem:s12], [sflag:$0x1], $0x4000, $0x38;
	[tilespmem:$0xB400] =	vst v63  }
0x30: {  	_ =	swait.ge [sflag:s11], $0x4000  }
0x31: {  	[sflag:s11] =	ssyncset.done $0x0  }
0x32: {  	[sflag:s11] =	ssyncadd.s32 $0xFFFFC000  }
0x33: {  	s31 =	simm.s32 $0x0;
	[bflag:$0x0] =	sbarrier.arrive $0xFFFF  }
0x34: {  	[spmem:s1] =	stream.indirect.scatter.add.f32 [tilespmem:s14], [sflag:$0x1], $0x10, s31, s13, $0xb8;
	[tilespmem:$0xB400] =	vst v63  }
0x35: {  	_ =	swait.ge [sflag:s11], $0x500  }
0x36: {  	s18 =	simm.s32 $0x200;
	[sflag:s11] =	ssyncset.done $0x0  }
.LBB2_6:
0x37: {  	s19 =	sshra.s32 s18, $0x2;
	[sflag:s11] =	ssyncadd.s32 $0xFFFFFB00;
	p0 =	sne.s32 s18, $0x8000  }
0x38: {  	[spmem:s1] =	stream.indirect.scatter.add.f32 [tilespmem:s14], [sflag:$0x1], $0x10, s19, s13, $0xb8;
	[tilespmem:$0xB400] =	vst v63  }
.Ltmp2:
0x39: {  	_ = 	snop;
	(pc) =	sbr.rel @p0 .LBB2_6-.Ltmp2, $4  }
0x3a: {  	_ = 	snop  }
0x3b: {  	s18 =	sadd.s32 $0x200, s18  }
0x3c: {  	_ =	swait.ge [sflag:s11], $0x500  }
0x3d: {  	[sflag:s11] =	ssyncset.done $0x0  }
0x3e: {  	s3 =	sadd.s32 $0x1, s3  }
0x3f: {  	[sflag:s11] =	ssyncadd.s32 $0xFFFFFB00;
	p0 =	sne.s32 s3, s6  }
.Ltmp3:
0x40: {  	[bflag:$0x0] =	sbarrier.arrive $0xFFFF;
	(pc) =	sbr.rel @p0 .LBB2_1-.Ltmp3, $4  }
0x41: {  	[hbm:s15], [sflag:s16] =	dma.local [spmem:s17], $0x2800  }
0x42: {  	_ =	swait.ge [sflag:s11], $0x2800  }
0x43: {  	[sflag:s11] =	ssyncset.done $0x0  }
0x44: {  	[sflag:s11] =	ssyncadd.s32 $0xFFFFD800  }
0x45: {  	_ =	sfence.sel $0x180000  }
0x46: {  	[bflag:$0x0] =	sbarrier.arrive $0xFFFF  }
0x47: {  	p0 =	sne.s32 s2, $0x0;
	_ =	strace $0x90000047  }
0x48: {  	s0 =	sadd.s32 @!p0 $0x100000, s0;
	[bflag:$0x2] =	sbarrier.arrive $0xFFFF  }
0x49: {  	[sflag:s0] =	ssyncadd.tile.s32 @!p0 $0x1;
	_ =	shalt  }
.Lfunc_end2:
_tile_overlayer_lowered:
.L_overlay_start_2:
0x4a: {  	(tag) =	ssettag $0x2  }
0x4b: {  	s0 =	rddreg [dreg:$0x0];
	s2 =	stileid.u32  }
0x4c: {  	s1 =	rddreg [dreg:$0x1];
	p0 =	sne.s32 s2, $0x0  }
0x4d: {  	s3 =	rddreg [dreg:$0x2];
	[bflag:$0x3] =	sbarrier.arrive $0xFFFF;
	s2 =	simm.s32 @!p0 $0x1C01  }
0x4e: {  	[timem:s3], [sflag:s2] =	dma.local @!p0 [hbm:s0], s1  }
0x4f: {  	s0 =	simm.s32 @!p0 $0x1  }
0x50: {  	_ =	swait.ge @!p0 [sflag:s0], s1  }
0x51: {  	s1 =	ssub.s32 @!p0 $0x0, s1;
	[sflag:s0] =	ssyncset.done @!p0 $0x0  }
0x52: {  	[sflag:s0] =	ssyncadd.s32 @!p0 s1  }
0x53: {  	[bflag:$0x3] =	sbarrier.arrive $0xFFFF  }
0x54: {  	_ =	shalt  }

// kernel: kernel.13.cloned.1.call-start
scs
__scs_entry_jumppad:
0x0: {  	(pc) =	sbr.rel $0x88, $3  }
0x1: {  	(tag) =	ssettag $0x0;
	lr =	simm.s32 $0x1  }
0x2: {  	[smem:$0x3F99] =	sst lr;
	_ =	strace $0xD0000000  }
0x3: {  	_ = 	snop  }
0x4: {  	_ = 	snop  }
0x5: {  	_ = 	snop  }
0x6: {  	_ = 	snop  }
0x7: {  	_ = 	snop  }
__scs_overlays_trampoline_lowered:
0x8: {  	[smem:$0x3FA8] =	sst s0  }
0x9: {  	[smem:$0x3FA9] =	sst s1  }
0xa: {  	[smem:$0x3FAA] =	sst s2  }
0xb: {  	[smem:$0x3FAB] =	sst s3  }
0xc: {  	[smem:$0x3FAC] =	sst s4  }
0xd: {  	[smem:$0x3FAD] =	sst s5  }
0xe: {  	[smem:$0x3FAE] =	sst s6  }
0xf: {  	[smem:$0x3FAF] =	sst s7  }
0x10: {  	[smem:$0x3FB0] =	sst s8  }
0x11: {  	[smem:$0x3FB1] =	sst s9;
	s0 =	simm.s32 @!p0 $0x0  }
0x12: {  	s1 =	sld [smem:$0x3F97];
	s0 =	simm.s32 @p0 $0x1  }
0x13: {  	[smem:$0x3FB2] =	sst s0;
	s0 =	simm.s32 @!p1 $0x0  }
0x14: {  	s2 =	sld [smem:$0x3F96];
	s0 =	simm.s32 @p1 $0x1  }
0x15: {  	[smem:$0x3FB3] =	sst s0;
	s0 =	simm.s32 @!p2 $0x0  }
0x16: {  	s3 =	sld [smem:$0x3FDB];
	s0 =	simm.s32 @p2 $0x1  }
0x17: {  	s4 =	simm.s32 $0x1BF5;
	[smem:$0x3FB5] =	sst s0  }
0x18: {  	s0 =	sld [smem:$0x3F98];
	_ =	swait.ge [sflag:s4], $0x0  }
0x19: {  	s7 =	sld [smem:$0x3F99]  }
0x1a: {  	s8 =	sadd.s32 $0xFFFFE003, lr  }
0x1b: {  	s9 =	sadd.s32 $0xFFFFFEF7, lr;
	s5 =	simm.s32 $0xFFFFFFFF;
	p2 =	slt.u32 s8, $0xFFFFF086  }
0x1c: {  	p1 =	slt.u32 s9, $0xF7A;
	s5 =	simm.s32 @!p2 $0x0  }
0x1d: {  	s5 =	simm.s32 @p1 $0x1;
	p0 =	seq.s32 s7, s2  }
0x1e: {  	s7 =	smul.u32 @!p0 $0xF7A, s2;
	p2 =	seq.s32 @!p0 s5, $0x0  }
0x1f: {  	s9 =	smul.u32 $0xF7A, s1;
	s8 =	simm.s32 @!p0 $0x1BF5;
	p2 =	por !p2, p0  }
0x20: {  	[sflag:s8] =	ssyncset.s32 @!p0 $0xFFFFF086;
	s6 =	sadd.s32 @!p0 s3, s7;
	s7 =	simm.s32 @!p0 $0x108  }
0x21: {  	s3 =	sadd.s32 s3, s9;
	s6 =	sadd.s32 @!p0 $0x88, s6;
	s7 =	simm.s32 @p2 $0x1082  }
0x22: {  	[simem:s7], [sflag:s8] =	dma.local @!p0 [hbm:s6], $0xF7A  }
0x23: {  	s9 =	sor.u32 $0xD0000000, s2;
	s6 =	simm.s32 $0x108;
	_ =	swait.ge @!p0 [sflag:s8], $0x0  }
0x24: {  	s3 =	sadd.s32 $0x88, s3;
	s6 =	simm.s32 @!p1 $0x1082;
	[sflag:s4] =	ssyncset.s32 $0xFFFFF086  }
0x25: {  	[simem:s6], [sflag:s4] =	dma.local [hbm:s3], $0xF7A  }
0x26: {  	[smem:$0x3F99] =	sst s1;
	(tag) =	ssettag s2;
	_ =	strace s9  }
0x27: {  	s1 =	sld [smem:$0x3FA9]  }
0x28: {  	s2 =	sld [smem:$0x3FAA]  }
0x29: {  	s4 =	sld [smem:$0x3FAC]  }
0x2a: {  	p0 =	seq.s32 s5, $0x0;
	s5 =	sld [smem:$0x3FAD]  }
0x2b: {  	s6 =	sld [smem:$0x3FAE]  }
0x2c: {  	s7 =	sld [smem:$0x3FAF]  }
0x2d: {  	s3 =	simm.s32 $0x108;
	s8 =	sld [smem:$0x3FB0]  }
0x2e: {  	s3 =	simm.s32 @!p0 $0x1082;
	s9 =	sld [smem:$0x3FB1]  }
0x2f: {  	lr =	sadd.s32 s0, s3;
	s0 =	sld [smem:$0x3FA8]  }
0x30: {  	s3 =	sld [smem:$0x3FAB]  }
0x31: {  	[smem:$0x3FB4] =	sst s10  }
0x32: {  	s10 =	sld [smem:$0x3FB2];
	_ =	sdelay $0x3  }
0x33: {  	p0 =	seq.s32 s10, $0x1;
	s10 =	sld [smem:$0x3FB4];
	_ =	sdelay $0x3  }
0x34: {  	[smem:$0x3FB4] =	sst s10  }
0x35: {  	s10 =	sld [smem:$0x3FB3];
	_ =	sdelay $0x3  }
0x36: {  	p1 =	seq.s32 s10, $0x1;
	s10 =	sld [smem:$0x3FB4];
	_ =	sdelay $0x3  }
0x37: {  	[smem:$0x3FB4] =	sst s10  }
0x38: {  	s10 =	sld [smem:$0x3FB5]  }
0x39: {  	_ = 	snop;
	(pc) =	sbr.ind lr, $3  }
0x3a: {  	_ = 	snop  }
0x3b: {  	_ = 	snop  }
0x3c: {  	p2 =	seq.s32 s10, $0x1;
	s10 =	sld [smem:$0x3FB4]  }
0x3d: {  	_ =	shalt  }
0x3e: {  	_ =	shalt  }
0x3f: {  	_ =	shalt  }
0x40: {  	_ =	shalt  }
0x41: {  	_ =	shalt  }
0x42: {  	_ =	shalt  }
0x43: {  	_ =	shalt  }
0x44: {  	_ =	shalt  }
0x45: {  	_ =	shalt  }
0x46: {  	_ =	shalt  }
0x47: {  	_ =	shalt  }
0x48: {  	_ =	shalt  }
0x49: {  	_ =	shalt  }
0x4a: {  	_ =	shalt  }
0x4b: {  	_ =	shalt  }
0x4c: {  	_ =	shalt  }
0x4d: {  	_ =	shalt  }
0x4e: {  	_ =	shalt  }
0x4f: {  	_ =	shalt  }
0x50: {  	_ =	shalt  }
0x51: {  	_ =	shalt  }
0x52: {  	_ =	shalt  }
0x53: {  	_ =	shalt  }
0x54: {  	_ =	shalt  }
0x55: {  	_ =	shalt  }
0x56: {  	_ =	shalt  }
0x57: {  	_ =	shalt  }
0x58: {  	_ =	shalt  }
0x59: {  	_ =	shalt  }
0x5a: {  	_ =	shalt  }
0x5b: {  	_ =	shalt  }
0x5c: {  	_ =	shalt  }
0x5d: {  	_ =	shalt  }
0x5e: {  	_ =	shalt  }
0x5f: {  	_ =	shalt  }
0x60: {  	_ =	shalt  }
0x61: {  	_ =	shalt  }
0x62: {  	_ =	shalt  }
0x63: {  	_ =	shalt  }
0x64: {  	_ =	shalt  }
0x65: {  	_ =	shalt  }
0x66: {  	_ =	shalt  }
0x67: {  	_ =	shalt  }
0x68: {  	_ =	shalt  }
0x69: {  	_ =	shalt  }
0x6a: {  	_ =	shalt  }
0x6b: {  	_ =	shalt  }
0x6c: {  	_ =	shalt  }
0x6d: {  	_ =	shalt  }
0x6e: {  	_ =	shalt  }
0x6f: {  	_ =	shalt  }
0x70: {  	_ =	shalt  }
0x71: {  	_ =	shalt  }
0x72: {  	_ =	shalt  }
0x73: {  	_ =	shalt  }
0x74: {  	_ =	shalt  }
0x75: {  	_ =	shalt  }
0x76: {  	_ =	shalt  }
0x77: {  	_ =	shalt  }
0x78: {  	_ =	shalt  }
0x79: {  	_ =	shalt  }
0x7a: {  	_ =	shalt  }
0x7b: {  	_ =	shalt  }
0x7c: {  	_ =	shalt  }
0x7d: {  	_ =	shalt  }
0x7e: {  	_ =	shalt  }
0x7f: {  	_ =	shalt  }
0x80: {  	_ =	shalt  }
0x81: {  	_ =	shalt  }
0x82: {  	_ =	shalt  }
0x83: {  	_ =	shalt  }
0x84: {  	_ =	shalt  }
0x85: {  	_ =	shalt  }
0x86: {  	_ =	shalt  }
0x87: {  	_ =	shalt  }
.Lfunc_end0:
.L_simem_size_0:
called_computation.1_lowered:
.L_overlay_start_0:
0x88: {  	s2 =	sld [smem:$0x3FD9]  }
0x89: {  	s3 =	sld [smem:$0x3FFE];
	_ =	sdelay $0x1  }
0x8a: {  	s1 =	srdreg.scid  }
0x8b: {  	s0 =	sand.u32 $0x1, s1  }
0x8c: {  	s14 =	sshll.u32 s0, $0xA;
	s2 =	sadd.s32 s3, s2  }
0x8d: {  	s2 =	sadd.s32 s2, s14  }
0x8e: {  	[smem:$0x3FC0] =	sst s2  }
0x8f: {  	_ = 	snop  }
0x90: {  	s2 =	sld [smem:$0x3FD0];
	_ =	sdelay $0x2  }
0x91: {  	s15 =	simm.s32 $0xA;
	s4 =	simm.s32 $0x10  }
0x92: {  	[smem:s4], [sflag:s15] =	dma.local [hbm:s2], $0x1  }
0x93: {  	_ =	swait.eq [sflag:s15], $0x1  }
0x94: {  	[sflag:s15] =	ssyncset.done $0x0  }
0x95: {  	[sflag:s15] =	ssyncadd.s32 $0xFFFFFFFF  }
0x96: {  	s16 =	sld [smem:$0x10];
	(tm) =	ssettm $0x1  }
0x97: {  	s17 =	sld [smem:$0x3FFB];
	_ =	sdelay $0x3  }
0x98: {  	_ =	strace s17  }
0x99: {  	s3 =	sld [smem:$0x3FFC];
	_ =	sdelay $0x3  }
0x9a: {  	_ =	strace s3  }
0x9b: {  	s3 =	sld [smem:$0x3FFD];
	_ =	sdelay $0x3  }
0x9c: {  	_ =	strace s3  }
0x9d: {  	_ =	strace $0x8FFFFFFF  }
0x9e: {  	s18 =	sld [smem:$0x3FDB];
	_ =	sdelay $0x1  }
0x9f: {  	s19 =	simm.s32 $_scs_section_size  }
0xa0: {  	s5 =	simm.s32 $_size__tile_overlayer_lowered;
	s6 =	simm.s32 $_tile_overlayer_lowered  }
0xa1: {  	s22 =	simm.s32 $0x1BFF;
	s21 =	sshll.u32 s6, $0x1;
	s3 =	sadd.s32 s19, s18  }
0xa2: {  	s7 =	simm.s32 $0x0;
	s20 =	sshll.u32 s5, $0x1;
	s5 =	sadd.s32 s21, s3  }
0xa3: {  	[timem:s7], [sflag:s22] =	dma.local [hbm:s5], s20  }
0xa4: {  	_ =	swait.ge [sflag:s22], s20  }
0xa5: {  	s4 =	ssub.s32 $0x0, s20;
	[sflag:s22] =	ssyncset.done $0x0  }
0xa6: {  	[sflag:s22] =	ssyncadd.s32 s4;
	_ =	sdelay $0x1  }
0xa7: {  	s23 =	simm.s32 $0x1B8B  }
0xa8: {  	_ =	swait.ge [sflag:s23], $0x1  }
0xa9: {  	[sflag:s23] =	ssyncset.done $0x0  }
0xaa: {  	s25 =	simm.s32 $0x1B8E;
	s24 =	sld [smem:$0x3FFE];
	[sflag:s23] =	ssyncadd.s32 $0xFFFFFFFF  }
0xab: {  	s26 =	simm.s32 $execute0_lowered;
	[smem:$0x3FD2] =	sst s25  }
0xac: {  	s5 =	sshll.u32 s26, $0x1;
	_ =	strace $0x80000049;
	[dreg:$0x1] =	wrdreg $0xFFFFFFFF  }
0xad: {  	s28 =	simm.s32 $_size_execute0_lowered;
	s3 =	sadd.s32 s3, s5;
	[dreg:$0x0] =	wrdreg $0x0  }
0xae: {  	s5 =	sshll.u32 s28, $0x1;
	[dreg:$0x2] =	wrdreg s3  }
0xaf: {  	[dreg:$0x3] =	wrdreg s5  }
0xb0: {  	[dreg:$0x4] =	wrdreg $0xC0  }
0xb1: {  	_ =	task [dreg:s7], $0x5FFFF  }
0xb2: {  	[dreg:$0x1] =	wrdreg $0xFFFFFFFF  }
0xb3: {  	[dreg:$0x0] =	wrdreg $0x60  }
0xb4: {  	[dreg:$0x2] =	wrdreg s24  }
0xb5: {  	[dreg:$0x3] =	wrdreg s16  }
0xb6: {  	[dreg:$0x4] =	wrdreg $0xB7800  }
0xb7: {  	[dreg:$0x5] =	wrdreg $0x9  }
0xb8: {  	_ =	task.clear_ibuf [dreg:s7], $0x6FFFF;
	_ =	strace $0x90000049  }
0xb9: {  	s29 =	simm.s32 $0x9;
	_ =	strace $0x8000004B  }
0xba: {  	_ =	swait.ge [sflag:s29], $0x1  }
0xbb: {  	[sflag:s29] =	ssyncadd.s32 $0xFFFFFFFF  }
0xbc: {  	_ =	strace $0x9000004B  }
0xbd: {  	_ =	sfence  }
0xbe: {  	s30 =	sld [smem:$0x0];
	_ =	sdelay $0x2  }
0xbf: {  	s31 =	sshll.u32 s1, $0xD;
	s1 =	sshrl.u32 s1, $0x2  }
0xc0: {  	s3 =	sand.u32 $0x4000, s31;
	s1 =	sadd.s32 s1, s30  }
0xc1: {  	s0 =	sor.u32 s3, s0;
	s1 =	sshll.u32 s1, $0x11  }
0xc2: {  	s0 =	sor.u32 s1, s0  }
0xc3: {  	s0 =	sadd.s32 $0x8F2B, s0  }
0xc4: {  	[sflag:s0] =	ssyncadd.remote.s32 $0x1  }
0xc5: {  	_ =	sfence.sel $0xFFFF  }
0xc6: {  	[dreg:$0x0] =	wrdreg $0xFFFFFFFF;
	(pc) =	sbr.abs _section_cstart, $3  }
0xc7: {  	[dreg:$0x1] =	wrdreg $0xFFFFFFFF  }
0xc8: {  	_ =	task.clear_ibuf [dreg:s7], $0x2FFFF;
	_ =	strace $0x9FFFFFFF  }
0xc9: {  	(tm) =	ssettm $0x7FFFFFFF  }
tec
execute0_lowered:
.L_overlay_start_1:
0x0: {  	(tag) =	ssettag $0x1  }
0x1: {  	s0 =	rddreg [dreg:$0x0]  }
0x2: {  	s6 =	rddreg [dreg:$0x1]  }
0x3: {  	s2 =	rddreg [dreg:$0x2];
	s3 =	simm.s32 $0x0;
	s1 =	stileid.u32  }
0x4: {  	s4 =	srdreg.scid;
	s18 =	simm.s32 $0x5;
	s20 =	simm.s32 $0x6780  }
0x5: {  	s21 =	simm.s32 $0x50;
	s22 =	simm.s32 $0x8F80;
	s23 =	simm.s32 $0x1  }
0x6: {  	s25 =	simm.s32 $0x2;
	s26 =	simm.s32 $0x3;
	s28 =	simm.s32 $0x4  }
0x7: {  	s19 =	simm.s32 $0x0;
	[smem:$0x7FF] =	sst s3;
	s5 =	smul.u32 $0x4E2, s1  }
0x8: {  	s8 =	smul.u32 $0x2800, s1;
	s7 =	sand.u32 $0x1, s4;
	s4 =	sadd.s32 $0xD200, s0  }
0x9: {  	s12 =	smul.u32 $0x50000, s1;
	s29 =	sshll.u32 s1, $0xB;
	_ =	strace $0x8000004A  }
0xa: {  	s9 =	ssub.s32 $0x2, s7;
	s6 =	sadd.s32 s6, s29;
	p0 =	seq.s32 s7, $0x1  }
0xb: {  	s5 =	sadd.s32 s5, s0;
	s10 =	sadd.s32 s8, s0;
	s11 =	sshrl.u32 s9, $0x1  }
0xc: {  	s30 =	sshrl.u32 s12, $0x2;
	s11 =	ssub.s32 s9, s11;
	s5 =	sadd.s32 $0x3000, s5  }
.Ltmp0:
0xd: {  	s7 =	sadd.s32 s30, s2;
	s31 =	sadd.s32 $0x5B400, s10;
	(pc) =	sbr.rel .LBB2_1-.Ltmp0, $4  }
0xe: {  	s9 =	sadd.s32 $0x34300, s0;
	s0 =	sadd.s32 $0x83400, s0;
	[dreg:$0x4] =	wrdreg s31  }
0xf: {  	s10 =	smax.u32 s11, $0x1;
	s11 =	sadd.s32 $0x2800, s7;
	s12 =	sadd.s32 $0x5000, s7  }
0x10: {  	s13 =	sadd.s32 $0x7800, s7;
	s14 =	sadd.s32 $0xA000, s7;
	s15 =	sadd.s32 $0xC800, s7  }
0x11: {  	v0 =	vimm.f32 $0.0e+00;
	s16 =	sadd.s32 $0xF000, s7;
	s17 =	sadd.s32 $0x11800, s7;
	s24 =	sadd.s32 s8, s0  }
.LBB2_9:
0x12: {  	[tilespmem:s22], [sflag:$0x2] =	stream.indirect.gather [hbm4b:s9+s21], $0x80, s8, s21, $0xb8;
	[tilespmem:$0x1F780] =	vst v63  }
0x13: {  	_ =	swait.ge [sflag:s23], $0x2800  }
0x14: {  	[sflag:s23] =	ssyncset.done $0x0  }
0x15: {  	s0 =	simm.s32 $0x6480;
	[sflag:s23] =	ssyncadd.s32 $0xFFFFD800  }
0x16: {  	[spmem:s2] =	stream.indirect.scatter.add.f32 [tilespmem:s20], [sflag:$0x3], $0x80, s0, s21, $0xb8;
	[tilespmem:$0x1F780] =	vst v63  }
0x17: {  	_ =	swait.ge [sflag:s25], $0x2800  }
0x18: {  	[sflag:s25] =	ssyncset.done $0x0  }
0x19: {  	s29 =	simm.s32 $0x6500;
	[sflag:s25] =	ssyncadd.s32 $0xFFFFD800  }
0x1a: {  	[spmem:s2] =	stream.indirect.scatter.add.f32 [tilespmem:s22], [sflag:$0x4], $0x80, s29, s21, $0xb8;
	[tilespmem:$0x1F780] =	vst v63  }
0x1b: {  	_ =	swait.ge [sflag:s26], $0x2800  }
0x1c: {  	[sflag:s26] =	ssyncset.done $0x0  }
0x1d: {  	s30 =	simm.s32 $0x26C0;
	[sflag:s26] =	ssyncadd.s32 $0xFFFFD800  }
0x1e: {  	[tilespmem:s20], [sflag:$0x1] =	stream.indirect.gather [hbm4b:s9+s21], $0x80, s30, s21, $0xb8;
	[tilespmem:$0x1F780] =	vst v63  }
0x1f: {  	_ =	swait.ge [sflag:s23], $0x2800  }
0x20: {  	[sflag:s23] =	ssyncset.done $0x0  }
0x21: {  	s31 =	simm.s32 $0x6580;
	[sflag:s23] =	ssyncadd.s32 $0xFFFFD800  }
0x22: {  	[spmem:s2] =	stream.indirect.scatter.add.f32 [tilespmem:s20], [sflag:$0x3], $0x80, s31, s21, $0xb8;
	[tilespmem:$0x1F780] =	vst v63  }
0x23: {  	_ =	swait.ge [sflag:s28], $0x2800  }
0x24: {  	[sflag:s28] =	ssyncset.done $0x0  }
0x25: {  	[sflag:s28] =	ssyncadd.s32 $0xFFFFD800  }
0x26: {  	_ =	swait.ge [sflag:s26], $0x2800  }
0x27: {  	[sflag:s26] =	ssyncset.done $0x0  }
0x28: {  	[sflag:s26] =	ssyncadd.s32 $0xFFFFD800  }
0x29: {  	s8 =	smov.u32 s24;
	[bflag:$0x0] =	sbarrier.arrive $0xFFFF  }
.LBB2_10:
0x2a: {  	s19 =	sadd.s32 $0x1, s19  }
0x2b: {  	s0 =	sshll.u32 s1, $0x6;
	p1 =	sne.s32 s19, s10  }
.Ltmp1:
0x2c: {  	s29 =	sshrl.u32 s7, $0x3;
	s0 =	sor.u32 $0x1C05, s0;
	(pc) =	sbr.rel @!p1 .LBB2_11-.Ltmp1, $4  }
0x2d: {  	[hbm:s8], [sflag:s0] =	dma.local [spmem:s29], $0x2800  }
0x2e: {  	_ =	swait.ge [sflag:s18], $0x2800  }
0x2f: {  	[sflag:s18] =	ssyncset.done $0x0  }
0x30: {  	[sflag:s18] =	ssyncadd.s32 $0xFFFFD800  }
.LBB2_1:
0x31: {  	[tilespmem:s3], [sflag:$0x5] =	stream.linear.gather [hbm4b:s5+s3], $0x2710, $0x38;
	[tilespmem:$0x1F780] =	vst v63  }
0x32: {  	_ =	swait.ge [sflag:s18], $0x2710  }
0x33: {  	[sflag:s18] =	ssyncset.done $0x0  }
.Ltmp2:
0x34: {  	s0 =	simm.s32 $0x2780;
	[sflag:s18] =	ssyncadd.s32 $0xFFFFD8F0;
	(pc) =	sbr.rel @!p0 .LBB2_2-.Ltmp2, $4  }
0x35: {  	[tilespmem:s0], [sflag:$0x5] =	stream.linear.gather [hbm4b:s6+s3], $0x3E80, $0x38;
	[tilespmem:$0x1F780] =	vst v63  }
0x36: {  	_ =	swait.ge [sflag:s18], $0x3E80  }
0x37: {  	s29 =	simm.s32 $0x1C0;
	[sflag:s18] =	ssyncset.done $0x0  }
0x38: {  	s8 =	sshra.s32 s29, $0x2;
	s29 =	sadd.s32 $0x200, s29;
	[sflag:s18] =	ssyncadd.s32 $0xFFFFC180  }
.LBB2_6:
0x39: {  	p1 =	sne.s32 s29, $0x9FC0;
	[tilespmem:s8+$0x6780] =	vst v0  }
0x3a: {  	[tilespmem:s8+$0x6710] =	vst v0  }
0x3b: {  	[tilespmem:s8+$0x6720] =	vst v0  }
.Ltmp3:
0x3c: {  	[tilespmem:s8+$0x6730] =	vst v0;
	(pc) =	sbr.rel @p1 .LBB2_6-.Ltmp3, $4  }
0x3d: {  	[tilespmem:s8+$0x6740] =	vst v0  }
0x3e: {  	[tilespmem:s8+$0x6750] =	vst v0  }
0x3f: {  	[tilespmem:s8+$0x6760] =	vst v0  }
0x40: {  	[tilespmem:s8+$0x6770] =	vst v0;
	s8 =	sshra.s32 s29, $0x2;
	s29 =	sadd.s32 $0x200, s29  }
0x41: {  	[tilespmem:s8+$0x6780] =	vst v0  }
0x42: {  	[tilespmem:s8+$0x6710] =	vst v0  }
0x43: {  	[tilespmem:s8+$0x6720] =	vst v0  }
0x44: {  	[tilespmem:s8+$0x6730] =	vst v0  }
0x45: {  	[tilespmem:s8+$0x6740] =	vst v0  }
0x46: {  	[tilespmem:s8+$0x6750] =	vst v0  }
0x47: {  	[tilespmem:s8+$0x6760] =	vst v0  }
0x48: {  	[tilespmem:s8+$0x6770] =	vst v0  }
0x49: {  	[spmem:s7] =	stream.linear.scatter [tilespmem:s20], [sflag:$0x5], $0x2800, $0x38;
	[tilespmem:$0x1F780] =	vst v63  }
0x4a: {  	_ =	swait.ge [sflag:s18], $0x2800  }
0x4b: {  	[sflag:s18] =	ssyncset.done $0x0  }
0x4c: {  	[sflag:s18] =	ssyncadd.s32 $0xFFFFD800  }
0x4d: {  	[spmem:s11] =	stream.linear.scatter [tilespmem:s20], [sflag:$0x5], $0x2800, $0x38;
	[tilespmem:$0x1F780] =	vst v63  }
0x4e: {  	_ =	swait.ge [sflag:s18], $0x2800  }
0x4f: {  	[sflag:s18] =	ssyncset.done $0x0  }
0x50: {  	[sflag:s18] =	ssyncadd.s32 $0xFFFFD800  }
0x51: {  	[spmem:s12] =	stream.linear.scatter [tilespmem:s20], [sflag:$0x5], $0x2800, $0x38;
	[tilespmem:$0x1F780] =	vst v63  }
0x52: {  	_ =	swait.ge [sflag:s18], $0x2800  }
0x53: {  	[sflag:s18] =	ssyncset.done $0x0  }
0x54: {  	[sflag:s18] =	ssyncadd.s32 $0xFFFFD800  }
0x55: {  	[spmem:s13] =	stream.linear.scatter [tilespmem:s20], [sflag:$0x5], $0x2800, $0x38;
	[tilespmem:$0x1F780] =	vst v63  }
0x56: {  	_ =	swait.ge [sflag:s18], $0x2800  }
0x57: {  	[sflag:s18] =	ssyncset.done $0x0  }
0x58: {  	[sflag:s18] =	ssyncadd.s32 $0xFFFFD800  }
0x59: {  	[spmem:s14] =	stream.linear.scatter [tilespmem:s20], [sflag:$0x5], $0x2800, $0x38;
	[tilespmem:$0x1F780] =	vst v63  }
0x5a: {  	_ =	swait.ge [sflag:s18], $0x2800  }
0x5b: {  	[sflag:s18] =	ssyncset.done $0x0  }
0x5c: {  	[sflag:s18] =	ssyncadd.s32 $0xFFFFD800  }
0x5d: {  	[spmem:s15] =	stream.linear.scatter [tilespmem:s20], [sflag:$0x5], $0x2800, $0x38;
	[tilespmem:$0x1F780] =	vst v63  }
0x5e: {  	_ =	swait.ge [sflag:s18], $0x2800  }
0x5f: {  	[sflag:s18] =	ssyncset.done $0x0  }
0x60: {  	[sflag:s18] =	ssyncadd.s32 $0xFFFFD800  }
0x61: {  	[spmem:s16] =	stream.linear.scatter [tilespmem:s20], [sflag:$0x5], $0x2800, $0x38;
	[tilespmem:$0x1F780] =	vst v63  }
0x62: {  	_ =	swait.ge [sflag:s18], $0x2800  }
0x63: {  	[sflag:s18] =	ssyncset.done $0x0  }
0x64: {  	[sflag:s18] =	ssyncadd.s32 $0xFFFFD800  }
0x65: {  	[spmem:s17] =	stream.linear.scatter [tilespmem:s20], [sflag:$0x5], $0x2800, $0x38;
	[tilespmem:$0x1F780] =	vst v63  }
0x66: {  	_ =	swait.ge [sflag:s18], $0x2800  }
0x67: {  	[sflag:s18] =	ssyncset.done $0x0  }
0x68: {  	[sflag:s18] =	ssyncadd.s32 $0xFFFFD800  }
0x69: {  	s0 =	simm.s32 $0x0;
	[bflag:$0x0] =	sbarrier.arrive $0xFFFF  }
0x6a: {  	[tilespmem:s20], [sflag:$0x1] =	stream.indirect.gather [hbm4b:s9+s21], $0x80, s0, s21, $0xb8;
	[tilespmem:$0x1F780] =	vst v63  }
0x6b: {  	_ = 	snop  }
0x6c: {  	[tilespmem:s22], [sflag:$0x2] =	stream.indirect.gather [hbm4b:s9+s21], $0x80, s21, s21, $0xb8;
	[tilespmem:$0x1F780] =	vst v63  }
0x6d: {  	_ =	swait.ge [sflag:s23], $0x2800  }
0x6e: {  	[sflag:s23] =	ssyncset.done $0x0  }
0x6f: {  	s31 =	simm.s32 $0x2780;
	[sflag:s23] =	ssyncadd.s32 $0xFFFFD800  }
0x70: {  	[spmem:s2] =	stream.indirect.scatter.add.f32 [tilespmem:s20], [sflag:$0x3], $0x80, s31, s21, $0xb8;
	[tilespmem:$0x1F780] =	vst v63  }
0x71: {  	_ =	swait.ge [sflag:s25], $0x2800  }
0x72: {  	[sflag:s25] =	ssyncset.done $0x0  }
0x73: {  	s8 =	simm.s32 $0x2800;
	[sflag:s25] =	ssyncadd.s32 $0xFFFFD800  }
0x74: {  	[spmem:s2] =	stream.indirect.scatter.add.f32 [tilespmem:s22], [sflag:$0x4], $0x80, s8, s21, $0xb8;
	[tilespmem:$0x1F780] =	vst v63  }
0x75: {  	_ =	swait.ge [sflag:s26], $0x2800  }
0x76: {  	[sflag:s26] =	ssyncset.done $0x0  }
0x77: {  	s31 =	simm.s32 $0xA0;
	[sflag:s26] =	ssyncadd.s32 $0xFFFFD800  }
0x78: {  	[tilespmem:s20], [sflag:$0x1] =	stream.indirect.gather [hbm4b:s9+s21], $0x80, s31, s21, $0xb8;
	[tilespmem:$0x1F780] =	vst v63  }
0x79: {  	_ =	swait.ge [sflag:s28], $0x2800  }
0x7a: {  	s29 =	simm.s32 $0x400;
	[sflag:s28] =	ssyncset.done $0x0  }
0x7b: {  	s30 =	simm.s32 $0x190;
	s8 =	simm.s32 $0xF0;
	[sflag:s28] =	ssyncadd.s32 $0xFFFFD800  }
.LBB2_8:
0x7c: {  	[tilespmem:s22], [sflag:$0x2] =	stream.indirect.gather [hbm4b:s9+s21], $0x80, s8, s21, $0xb8;
	[tilespmem:$0x1F780] =	vst v63  }
0x7d: {  	s0 =	smov.u32 s29;
	s8 =	smov.u32 s30  }
0x7e: {  	p1 =	sne.s32 s29, $0xF000;
	s29 =	sadd.s32 $0x400, s29;
	_ =	swait.ge [sflag:s23], $0x2800  }
0x7f: {  	s0 =	sshra.s32 s0, $0x2;
	[sflag:s23] =	ssyncset.done $0x0  }
0x80: {  	s31 =	sadd.s32 $0x2780, s0;
	[sflag:s23] =	ssyncadd.s32 $0xFFFFD800  }
0x81: {  	[spmem:s2] =	stream.indirect.scatter.add.f32 [tilespmem:s20], [sflag:$0x3], $0x80, s31, s21, $0xb8;
	[tilespmem:$0x1F780] =	vst v63  }
0x82: {  	_ =	swait.ge [sflag:s25], $0x2800  }
0x83: {  	[sflag:s25] =	ssyncset.done $0x0  }
0x84: {  	s0 =	sadd.s32 $0x2800, s0;
	[sflag:s25] =	ssyncadd.s32 $0xFFFFD800  }
0x85: {  	[spmem:s2] =	stream.indirect.scatter.add.f32 [tilespmem:s22], [sflag:$0x4], $0x80, s0, s21, $0xb8;
	[tilespmem:$0x1F780] =	vst v63  }
0x86: {  	_ =	swait.ge [sflag:s26], $0x2800  }
0x87: {  	[sflag:s26] =	ssyncset.done $0x0  }
.Ltmp4:
0x88: {  	s0 =	sadd.s32 $0xFFFFFFB0, s30;
	[sflag:s26] =	ssyncadd.s32 $0xFFFFD800;
	(pc) =	sbr.rel @p1 .LBB2_8-.Ltmp4, $4  }
0x89: {  	[tilespmem:s20], [sflag:$0x1] =	stream.indirect.gather [hbm4b:s9+s21], $0x80, s0, s21, $0xb8;
	[tilespmem:$0x1F780] =	vst v63  }
0x8a: {  	_ =	swait.ge [sflag:s28], $0x2800  }
0x8b: {  	[sflag:s28] =	ssyncset.done $0x0  }
0x8c: {  	s30 =	sadd.s32 $0xA0, s30;
	[sflag:s28] =	ssyncadd.s32 $0xFFFFD800  }
.Ltmp5:
0x8d: {  	_ = 	snop;
	(pc) =	sbr.rel .LBB2_9-.Ltmp5, $1  }
0x8e: {  	_ =	sdelay $0x3  }
.LBB2_2:
0x8f: {  	p1 =	sne.s32 s29, $0x9FC0;
	[tilespmem:s8+$0x6780] =	vst v0  }
0x90: {  	[tilespmem:s8+$0x6710] =	vst v0  }
0x91: {  	[tilespmem:s8+$0x6720] =	vst v0  }
.Ltmp6:
0x92: {  	[tilespmem:s8+$0x6730] =	vst v0;
	(pc) =	sbr.rel @p1 .LBB2_2-.Ltmp6, $4  }
0x93: {  	[tilespmem:s8+$0x6740] =	vst v0  }
0x94: {  	[tilespmem:s8+$0x6750] =	vst v0  }
0x95: {  	[tilespmem:s8+$0x6760] =	vst v0  }
0x96: {  	[tilespmem:s8+$0x6770] =	vst v0;
	s8 =	sshra.s32 s29, $0x2;
	s29 =	sadd.s32 $0x200, s29  }
0x97: {  	[tilespmem:s8+$0x6780] =	vst v0  }
0x98: {  	[tilespmem:s8+$0x6710] =	vst v0  }
0x99: {  	[tilespmem:s8+$0x6720] =	vst v0  }
0x9a: {  	[tilespmem:s8+$0x6730] =	vst v0  }
0x9b: {  	[tilespmem:s8+$0x6740] =	vst v0  }
0x9c: {  	[tilespmem:s8+$0x6750] =	vst v0  }
0x9d: {  	[tilespmem:s8+$0x6760] =	vst v0  }
0x9e: {  	[tilespmem:s8+$0x6770] =	vst v0  }
0x9f: {  	[spmem:s7] =	stream.linear.scatter [tilespmem:s20], [sflag:$0x5], $0x2800, $0x38;
	[tilespmem:$0x1F780] =	vst v63  }
0xa0: {  	_ =	swait.ge [sflag:s18], $0x2800  }
0xa1: {  	[sflag:s18] =	ssyncset.done $0x0  }
0xa2: {  	[sflag:s18] =	ssyncadd.s32 $0xFFFFD800  }
0xa3: {  	[spmem:s11] =	stream.linear.scatter [tilespmem:s20], [sflag:$0x5], $0x2800, $0x38;
	[tilespmem:$0x1F780] =	vst v63  }
0xa4: {  	_ =	swait.ge [sflag:s18], $0x2800  }
0xa5: {  	[sflag:s18] =	ssyncset.done $0x0  }
0xa6: {  	[sflag:s18] =	ssyncadd.s32 $0xFFFFD800  }
0xa7: {  	[spmem:s12] =	stream.linear.scatter [tilespmem:s20], [sflag:$0x5], $0x2800, $0x38;
	[tilespmem:$0x1F780] =	vst v63  }
0xa8: {  	_ =	swait.ge [sflag:s18], $0x2800  }
0xa9: {  	[sflag:s18] =	ssyncset.done $0x0  }
0xaa: {  	[sflag:s18] =	ssyncadd.s32 $0xFFFFD800  }
0xab: {  	[spmem:s13] =	stream.linear.scatter [tilespmem:s20], [sflag:$0x5], $0x2800, $0x38;
	[tilespmem:$0x1F780] =	vst v63  }
0xac: {  	_ =	swait.ge [sflag:s18], $0x2800  }
0xad: {  	[sflag:s18] =	ssyncset.done $0x0  }
0xae: {  	[sflag:s18] =	ssyncadd.s32 $0xFFFFD800  }
0xaf: {  	[spmem:s14] =	stream.linear.scatter [tilespmem:s20], [sflag:$0x5], $0x2800, $0x38;
	[tilespmem:$0x1F780] =	vst v63  }
0xb0: {  	_ =	swait.ge [sflag:s18], $0x2800  }
0xb1: {  	[sflag:s18] =	ssyncset.done $0x0  }
0xb2: {  	[sflag:s18] =	ssyncadd.s32 $0xFFFFD800  }
0xb3: {  	[spmem:s15] =	stream.linear.scatter [tilespmem:s20], [sflag:$0x5], $0x2800, $0x38;
	[tilespmem:$0x1F780] =	vst v63  }
0xb4: {  	_ =	swait.ge [sflag:s18], $0x2800  }
0xb5: {  	[sflag:s18] =	ssyncset.done $0x0  }
0xb6: {  	[sflag:s18] =	ssyncadd.s32 $0xFFFFD800  }
0xb7: {  	[spmem:s16] =	stream.linear.scatter [tilespmem:s20], [sflag:$0x5], $0x2800, $0x38;
	[tilespmem:$0x1F780] =	vst v63  }
0xb8: {  	_ =	swait.ge [sflag:s18], $0x2800  }
0xb9: {  	[sflag:s18] =	ssyncset.done $0x0  }
0xba: {  	[sflag:s18] =	ssyncadd.s32 $0xFFFFD800  }
0xbb: {  	[spmem:s17] =	stream.linear.scatter [tilespmem:s20], [sflag:$0x5], $0x2800, $0x38;
	[tilespmem:$0x1F780] =	vst v63  }
0xbc: {  	_ =	swait.ge [sflag:s18], $0x2800  }
0xbd: {  	[sflag:s18] =	ssyncset.done $0x0  }
0xbe: {  	[sflag:s18] =	ssyncadd.s32 $0xFFFFD800  }
0xbf: {  	s0 =	simm.s32 $0x0;
	[bflag:$0x0] =	sbarrier.arrive $0xFFFF  }
0xc0: {  	[tilespmem:s20], [sflag:$0x1] =	stream.indirect.gather [hbm4b:s4+s21], $0x80, s0, s21, $0xb8;
	[tilespmem:$0x1F780] =	vst v63  }
0xc1: {  	_ = 	snop  }
0xc2: {  	[tilespmem:s22], [sflag:$0x2] =	stream.indirect.gather [hbm4b:s4+s21], $0x80, s21, s21, $0xb8;
	[tilespmem:$0x1F780] =	vst v63  }
0xc3: {  	_ =	swait.ge [sflag:s23], $0x2800  }
0xc4: {  	[sflag:s23] =	ssyncset.done $0x0  }
0xc5: {  	s31 =	simm.s32 $0x2780;
	[sflag:s23] =	ssyncadd.s32 $0xFFFFD800  }
0xc6: {  	[spmem:s2] =	stream.indirect.scatter.add.f32 [tilespmem:s20], [sflag:$0x3], $0x80, s31, s21, $0xb8;
	[tilespmem:$0x1F780] =	vst v63  }
0xc7: {  	_ =	swait.ge [sflag:s25], $0x2800  }
0xc8: {  	[sflag:s25] =	ssyncset.done $0x0  }
0xc9: {  	s0 =	simm.s32 $0x2800;
	[sflag:s25] =	ssyncadd.s32 $0xFFFFD800  }
0xca: {  	[spmem:s2] =	stream.indirect.scatter.add.f32 [tilespmem:s22], [sflag:$0x4], $0x80, s0, s21, $0xb8;
	[tilespmem:$0x1F780] =	vst v63  }
0xcb: {  	_ =	swait.ge [sflag:s26], $0x2800  }
0xcc: {  	[sflag:s26] =	ssyncset.done $0x0  }
0xcd: {  	s31 =	simm.s32 $0xA0;
	[sflag:s26] =	ssyncadd.s32 $0xFFFFD800  }
0xce: {  	[tilespmem:s20], [sflag:$0x1] =	stream.indirect.gather [hbm4b:s4+s21], $0x80, s31, s21, $0xb8;
	[tilespmem:$0x1F780] =	vst v63  }
0xcf: {  	_ =	swait.ge [sflag:s28], $0x2800  }
0xd0: {  	s8 =	simm.s32 $0xF0;
	[sflag:s28] =	ssyncset.done $0x0  }
0xd1: {  	s29 =	simm.s32 $0x400;
	s30 =	simm.s32 $0x190;
	[sflag:s28] =	ssyncadd.s32 $0xFFFFD800  }
.LBB2_4:
0xd2: {  	[tilespmem:s22], [sflag:$0x2] =	stream.indirect.gather [hbm4b:s4+s21], $0x80, s8, s21, $0xb8;
	[tilespmem:$0x1F780] =	vst v63  }
0xd3: {  	s31 =	smov.u32 s29;
	s8 =	smov.u32 s30  }
0xd4: {  	p1 =	sne.s32 s29, $0xF000;
	s29 =	sadd.s32 $0x400, s29;
	_ =	swait.ge [sflag:s23], $0x2800  }
0xd5: {  	s31 =	sshra.s32 s31, $0x2;
	[sflag:s23] =	ssyncset.done $0x0  }
0xd6: {  	s0 =	sadd.s32 $0x2780, s31;
	[sflag:s23] =	ssyncadd.s32 $0xFFFFD800  }
0xd7: {  	[spmem:s2] =	stream.indirect.scatter.add.f32 [tilespmem:s20], [sflag:$0x3], $0x80, s0, s21, $0xb8;
	[tilespmem:$0x1F780] =	vst v63  }
0xd8: {  	_ =	swait.ge [sflag:s25], $0x2800  }
0xd9: {  	[sflag:s25] =	ssyncset.done $0x0  }
0xda: {  	s0 =	sadd.s32 $0x2800, s31;
	[sflag:s25] =	ssyncadd.s32 $0xFFFFD800  }
0xdb: {  	[spmem:s2] =	stream.indirect.scatter.add.f32 [tilespmem:s22], [sflag:$0x4], $0x80, s0, s21, $0xb8;
	[tilespmem:$0x1F780] =	vst v63  }
0xdc: {  	_ =	swait.ge [sflag:s26], $0x2800  }
0xdd: {  	[sflag:s26] =	ssyncset.done $0x0  }
.Ltmp7:
0xde: {  	s0 =	sadd.s32 $0xFFFFFFB0, s30;
	[sflag:s26] =	ssyncadd.s32 $0xFFFFD800;
	(pc) =	sbr.rel @p1 .LBB2_4-.Ltmp7, $4  }
0xdf: {  	[tilespmem:s20], [sflag:$0x1] =	stream.indirect.gather [hbm4b:s4+s21], $0x80, s0, s21, $0xb8;
	[tilespmem:$0x1F780] =	vst v63  }
0xe0: {  	_ =	swait.ge [sflag:s28], $0x2800  }
0xe1: {  	[sflag:s28] =	ssyncset.done $0x0  }
0xe2: {  	s30 =	sadd.s32 $0xA0, s30;
	[sflag:s28] =	ssyncadd.s32 $0xFFFFD800  }
0xe3: {  	[tilespmem:s22], [sflag:$0x2] =	stream.indirect.gather [hbm4b:s4+s21], $0x80, s8, s21, $0xb8;
	[tilespmem:$0x1F780] =	vst v63  }
0xe4: {  	_ =	swait.ge [sflag:s23], $0x2800  }
0xe5: {  	[sflag:s23] =	ssyncset.done $0x0  }
0xe6: {  	s0 =	simm.s32 $0x6480;
	[sflag:s23] =	ssyncadd.s32 $0xFFFFD800  }
0xe7: {  	[spmem:s2] =	stream.indirect.scatter.add.f32 [tilespmem:s20], [sflag:$0x3], $0x80, s0, s21, $0xb8;
	[tilespmem:$0x1F780] =	vst v63  }
0xe8: {  	_ =	swait.ge [sflag:s25], $0x2800  }
0xe9: {  	[sflag:s25] =	ssyncset.done $0x0  }
0xea: {  	s29 =	simm.s32 $0x6500;
	[sflag:s25] =	ssyncadd.s32 $0xFFFFD800  }
0xeb: {  	[spmem:s2] =	stream.indirect.scatter.add.f32 [tilespmem:s22], [sflag:$0x4], $0x80, s29, s21, $0xb8;
	[tilespmem:$0x1F780] =	vst v63  }
0xec: {  	_ =	swait.ge [sflag:s26], $0x2800  }
0xed: {  	[sflag:s26] =	ssyncset.done $0x0  }
0xee: {  	s30 =	simm.s32 $0x26C0;
	[sflag:s26] =	ssyncadd.s32 $0xFFFFD800  }
0xef: {  	[tilespmem:s20], [sflag:$0x1] =	stream.indirect.gather [hbm4b:s4+s21], $0x80, s30, s21, $0xb8;
	[tilespmem:$0x1F780] =	vst v63  }
0xf0: {  	_ =	swait.ge [sflag:s23], $0x2800  }
0xf1: {  	[sflag:s23] =	ssyncset.done $0x0  }
0xf2: {  	s31 =	simm.s32 $0x6580;
	[sflag:s23] =	ssyncadd.s32 $0xFFFFD800  }
0xf3: {  	[spmem:s2] =	stream.indirect.scatter.add.f32 [tilespmem:s20], [sflag:$0x3], $0x80, s31, s21, $0xb8;
	[tilespmem:$0x1F780] =	vst v63  }
0xf4: {  	_ =	swait.ge [sflag:s28], $0x2800  }
0xf5: {  	[sflag:s28] =	ssyncset.done $0x0  }
0xf6: {  	[sflag:s28] =	ssyncadd.s32 $0xFFFFD800  }
.Ltmp8:
0xf7: {  	_ =	swait.ge [sflag:s26], $0x2800;
	(pc) =	sbr.rel .LBB2_10-.Ltmp8, $4  }
0xf8: {  	[sflag:s26] =	ssyncset.done $0x0  }
0xf9: {  	[sflag:s26] =	ssyncadd.s32 $0xFFFFD800  }
0xfa: {  	[bflag:$0x0] =	sbarrier.arrive $0xFFFF  }
0xfb: {  	s8 =	rddreg [dreg:$0x4]  }
.LBB2_11:
0xfc: {  	_ =	sfence.sel $0x180000  }
0xfd: {  	[bflag:$0x0] =	sbarrier.arrive $0xFFFF  }
0xfe: {  	_ =	strace $0x9000004A  }
0xff: {  	[bflag:$0x2] =	sbarrier.arrive $0xFFFF  }
0x100: {  	p0 =	sne.s32 s1, $0x0;
	s0 =	rddreg [dreg:$0x3]  }
0x101: {  	s0 =	sadd.s32 @!p0 $0x100000, s0  }
0x102: {  	[sflag:s0] =	ssyncadd.tile.s32 @!p0 $0x1;
	_ =	shalt  }
.Lfunc_end2:
_tile_overlayer_lowered:
.L_overlay_start_2:
0x103: {  	(tag) =	ssettag $0x2  }
0x104: {  	s0 =	rddreg [dreg:$0x0];
	s2 =	stileid.u32  }
0x105: {  	s1 =	rddreg [dreg:$0x1];
	p0 =	sne.s32 s2, $0x0  }
0x106: {  	s3 =	rddreg [dreg:$0x2];
	[bflag:$0x3] =	sbarrier.arrive $0xFFFF;
	s2 =	simm.s32 @!p0 $0x1C05  }
0x107: {  	[timem:s3], [sflag:s2] =	dma.local @!p0 [hbm:s0], s1  }
0x108: {  	s0 =	simm.s32 @!p0 $0x5  }
0x109: {  	_ =	swait.ge @!p0 [sflag:s0], s1  }
0x10a: {  	s1 =	ssub.s32 @!p0 $0x0, s1;
	[sflag:s0] =	ssyncset.done @!p0 $0x0  }
0x10b: {  	[sflag:s0] =	ssyncadd.s32 @!p0 s1  }
0x10c: {  	[bflag:$0x3] =	sbarrier.arrive $0xFFFF  }
0x10d: {  	_ =	shalt  }

// kernel: kernel.16.cloned.1.call-start
scs
__scs_entry_jumppad:
0x0: {  	(pc) =	sbr.rel $0x88, $3  }
0x1: {  	(tag) =	ssettag $0x0;
	lr =	simm.s32 $0x1  }
0x2: {  	[smem:$0x3F99] =	sst lr;
	_ =	strace $0xD0000000  }
0x3: {  	_ = 	snop  }
0x4: {  	_ = 	snop  }
0x5: {  	_ = 	snop  }
0x6: {  	_ = 	snop  }
0x7: {  	_ = 	snop  }
__scs_overlays_trampoline_lowered:
0x8: {  	[smem:$0x3FA8] =	sst s0  }
0x9: {  	[smem:$0x3FA9] =	sst s1  }
0xa: {  	[smem:$0x3FAA] =	sst s2  }
0xb: {  	[smem:$0x3FAB] =	sst s3  }
0xc: {  	[smem:$0x3FAC] =	sst s4  }
0xd: {  	[smem:$0x3FAD] =	sst s5  }
0xe: {  	[smem:$0x3FAE] =	sst s6  }
0xf: {  	[smem:$0x3FAF] =	sst s7  }
0x10: {  	[smem:$0x3FB0] =	sst s8  }
0x11: {  	[smem:$0x3FB1] =	sst s9;
	s0 =	simm.s32 @!p0 $0x0  }
0x12: {  	s1 =	sld [smem:$0x3F97];
	s0 =	simm.s32 @p0 $0x1  }
0x13: {  	[smem:$0x3FB2] =	sst s0;
	s0 =	simm.s32 @!p1 $0x0  }
0x14: {  	s2 =	sld [smem:$0x3F96];
	s0 =	simm.s32 @p1 $0x1  }
0x15: {  	[smem:$0x3FB3] =	sst s0;
	s0 =	simm.s32 @!p2 $0x0  }
0x16: {  	s3 =	sld [smem:$0x3FDB];
	s0 =	simm.s32 @p2 $0x1  }
0x17: {  	s4 =	simm.s32 $0x1BF5;
	[smem:$0x3FB5] =	sst s0  }
0x18: {  	s0 =	sld [smem:$0x3F98];
	_ =	swait.ge [sflag:s4], $0x0  }
0x19: {  	s7 =	sld [smem:$0x3F99]  }
0x1a: {  	s8 =	sadd.s32 $0xFFFFE003, lr  }
0x1b: {  	s9 =	sadd.s32 $0xFFFFFEF7, lr;
	s5 =	simm.s32 $0xFFFFFFFF;
	p2 =	slt.u32 s8, $0xFFFFF086  }
0x1c: {  	p1 =	slt.u32 s9, $0xF7A;
	s5 =	simm.s32 @!p2 $0x0  }
0x1d: {  	s5 =	simm.s32 @p1 $0x1;
	p0 =	seq.s32 s7, s2  }
0x1e: {  	s7 =	smul.u32 @!p0 $0xF7A, s2;
	p2 =	seq.s32 @!p0 s5, $0x0  }
0x1f: {  	s9 =	smul.u32 $0xF7A, s1;
	s8 =	simm.s32 @!p0 $0x1BF5;
	p2 =	por !p2, p0  }
0x20: {  	[sflag:s8] =	ssyncset.s32 @!p0 $0xFFFFF086;
	s6 =	sadd.s32 @!p0 s3, s7;
	s7 =	simm.s32 @!p0 $0x108  }
0x21: {  	s3 =	sadd.s32 s3, s9;
	s6 =	sadd.s32 @!p0 $0x88, s6;
	s7 =	simm.s32 @p2 $0x1082  }
0x22: {  	[simem:s7], [sflag:s8] =	dma.local @!p0 [hbm:s6], $0xF7A  }
0x23: {  	s9 =	sor.u32 $0xD0000000, s2;
	s6 =	simm.s32 $0x108;
	_ =	swait.ge @!p0 [sflag:s8], $0x0  }
0x24: {  	s3 =	sadd.s32 $0x88, s3;
	s6 =	simm.s32 @!p1 $0x1082;
	[sflag:s4] =	ssyncset.s32 $0xFFFFF086  }
0x25: {  	[simem:s6], [sflag:s4] =	dma.local [hbm:s3], $0xF7A  }
0x26: {  	[smem:$0x3F99] =	sst s1;
	(tag) =	ssettag s2;
	_ =	strace s9  }
0x27: {  	s1 =	sld [smem:$0x3FA9]  }
0x28: {  	s2 =	sld [smem:$0x3FAA]  }
0x29: {  	s4 =	sld [smem:$0x3FAC]  }
0x2a: {  	p0 =	seq.s32 s5, $0x0;
	s5 =	sld [smem:$0x3FAD]  }
0x2b: {  	s6 =	sld [smem:$0x3FAE]  }
0x2c: {  	s7 =	sld [smem:$0x3FAF]  }
0x2d: {  	s3 =	simm.s32 $0x108;
	s8 =	sld [smem:$0x3FB0]  }
0x2e: {  	s3 =	simm.s32 @!p0 $0x1082;
	s9 =	sld [smem:$0x3FB1]  }
0x2f: {  	lr =	sadd.s32 s0, s3;
	s0 =	sld [smem:$0x3FA8]  }
0x30: {  	s3 =	sld [smem:$0x3FAB]  }
0x31: {  	[smem:$0x3FB4] =	sst s10  }
0x32: {  	s10 =	sld [smem:$0x3FB2];
	_ =	sdelay $0x3  }
0x33: {  	p0 =	seq.s32 s10, $0x1;
	s10 =	sld [smem:$0x3FB4];
	_ =	sdelay $0x3  }
0x34: {  	[smem:$0x3FB4] =	sst s10  }
0x35: {  	s10 =	sld [smem:$0x3FB3];
	_ =	sdelay $0x3  }
0x36: {  	p1 =	seq.s32 s10, $0x1;
	s10 =	sld [smem:$0x3FB4];
	_ =	sdelay $0x3  }
0x37: {  	[smem:$0x3FB4] =	sst s10  }
0x38: {  	s10 =	sld [smem:$0x3FB5]  }
0x39: {  	_ = 	snop;
	(pc) =	sbr.ind lr, $3  }
0x3a: {  	_ = 	snop  }
0x3b: {  	_ = 	snop  }
0x3c: {  	p2 =	seq.s32 s10, $0x1;
	s10 =	sld [smem:$0x3FB4]  }
0x3d: {  	_ =	shalt  }
0x3e: {  	_ =	shalt  }
0x3f: {  	_ =	shalt  }
0x40: {  	_ =	shalt  }
0x41: {  	_ =	shalt  }
0x42: {  	_ =	shalt  }
0x43: {  	_ =	shalt  }
0x44: {  	_ =	shalt  }
0x45: {  	_ =	shalt  }
0x46: {  	_ =	shalt  }
0x47: {  	_ =	shalt  }
0x48: {  	_ =	shalt  }
0x49: {  	_ =	shalt  }
0x4a: {  	_ =	shalt  }
0x4b: {  	_ =	shalt  }
0x4c: {  	_ =	shalt  }
0x4d: {  	_ =	shalt  }
0x4e: {  	_ =	shalt  }
0x4f: {  	_ =	shalt  }
0x50: {  	_ =	shalt  }
0x51: {  	_ =	shalt  }
0x52: {  	_ =	shalt  }
0x53: {  	_ =	shalt  }
0x54: {  	_ =	shalt  }
0x55: {  	_ =	shalt  }
0x56: {  	_ =	shalt  }
0x57: {  	_ =	shalt  }
0x58: {  	_ =	shalt  }
0x59: {  	_ =	shalt  }
0x5a: {  	_ =	shalt  }
0x5b: {  	_ =	shalt  }
0x5c: {  	_ =	shalt  }
0x5d: {  	_ =	shalt  }
0x5e: {  	_ =	shalt  }
0x5f: {  	_ =	shalt  }
0x60: {  	_ =	shalt  }
0x61: {  	_ =	shalt  }
0x62: {  	_ =	shalt  }
0x63: {  	_ =	shalt  }
0x64: {  	_ =	shalt  }
0x65: {  	_ =	shalt  }
0x66: {  	_ =	shalt  }
0x67: {  	_ =	shalt  }
0x68: {  	_ =	shalt  }
0x69: {  	_ =	shalt  }
0x6a: {  	_ =	shalt  }
0x6b: {  	_ =	shalt  }
0x6c: {  	_ =	shalt  }
0x6d: {  	_ =	shalt  }
0x6e: {  	_ =	shalt  }
0x6f: {  	_ =	shalt  }
0x70: {  	_ =	shalt  }
0x71: {  	_ =	shalt  }
0x72: {  	_ =	shalt  }
0x73: {  	_ =	shalt  }
0x74: {  	_ =	shalt  }
0x75: {  	_ =	shalt  }
0x76: {  	_ =	shalt  }
0x77: {  	_ =	shalt  }
0x78: {  	_ =	shalt  }
0x79: {  	_ =	shalt  }
0x7a: {  	_ =	shalt  }
0x7b: {  	_ =	shalt  }
0x7c: {  	_ =	shalt  }
0x7d: {  	_ =	shalt  }
0x7e: {  	_ =	shalt  }
0x7f: {  	_ =	shalt  }
0x80: {  	_ =	shalt  }
0x81: {  	_ =	shalt  }
0x82: {  	_ =	shalt  }
0x83: {  	_ =	shalt  }
0x84: {  	_ =	shalt  }
0x85: {  	_ =	shalt  }
0x86: {  	_ =	shalt  }
0x87: {  	_ =	shalt  }
.Lfunc_end0:
.L_simem_size_0:
called_computation.2_lowered:
.L_overlay_start_0:
0x88: {  	s2 =	sld [smem:$0x3FD9]  }
0x89: {  	s3 =	sld [smem:$0x3FFE];
	_ =	sdelay $0x1  }
0x8a: {  	s1 =	srdreg.scid  }
0x8b: {  	s0 =	sand.u32 $0x1, s1  }
0x8c: {  	s14 =	sshll.u32 s0, $0xA;
	s2 =	sadd.s32 s3, s2  }
0x8d: {  	s2 =	sadd.s32 s2, s14  }
0x8e: {  	[smem:$0x3FC0] =	sst s2  }
0x8f: {  	_ = 	snop  }
0x90: {  	s2 =	sld [smem:$0x3FD0];
	_ =	sdelay $0x2  }
0x91: {  	s15 =	simm.s32 $0xA;
	s4 =	simm.s32 $0x10  }
0x92: {  	[smem:s4], [sflag:s15] =	dma.local [hbm:s2], $0x1  }
0x93: {  	_ =	swait.eq [sflag:s15], $0x1  }
0x94: {  	[sflag:s15] =	ssyncset.done $0x0  }
0x95: {  	[sflag:s15] =	ssyncadd.s32 $0xFFFFFFFF  }
0x96: {  	s16 =	sld [smem:$0x10];
	(tm) =	ssettm $0x1  }
0x97: {  	s17 =	sld [smem:$0x3FFB];
	_ =	sdelay $0x3  }
0x98: {  	_ =	strace s17  }
0x99: {  	s3 =	sld [smem:$0x3FFC];
	_ =	sdelay $0x3  }
0x9a: {  	_ =	strace s3  }
0x9b: {  	s3 =	sld [smem:$0x3FFD];
	_ =	sdelay $0x3  }
0x9c: {  	_ =	strace s3  }
0x9d: {  	_ =	strace $0x8FFFFFFF  }
0x9e: {  	s18 =	sld [smem:$0x3FDB];
	_ =	sdelay $0x1  }
0x9f: {  	s19 =	simm.s32 $_scs_section_size  }
0xa0: {  	s5 =	simm.s32 $_size__tile_overlayer_lowered;
	s6 =	simm.s32 $_tile_overlayer_lowered  }
0xa1: {  	s22 =	simm.s32 $0x1BFF;
	s21 =	sshll.u32 s6, $0x1;
	s3 =	sadd.s32 s19, s18  }
0xa2: {  	s7 =	simm.s32 $0x0;
	s20 =	sshll.u32 s5, $0x1;
	s5 =	sadd.s32 s21, s3  }
0xa3: {  	[timem:s7], [sflag:s22] =	dma.local [hbm:s5], s20  }
0xa4: {  	_ =	swait.ge [sflag:s22], s20  }
0xa5: {  	s4 =	ssub.s32 $0x0, s20;
	[sflag:s22] =	ssyncset.done $0x0  }
0xa6: {  	[sflag:s22] =	ssyncadd.s32 s4;
	_ =	sdelay $0x1  }
0xa7: {  	s23 =	simm.s32 $0x1B8B  }
0xa8: {  	_ =	swait.ge [sflag:s23], $0x1  }
0xa9: {  	[sflag:s23] =	ssyncset.done $0x0  }
0xaa: {  	s25 =	simm.s32 $0x1B8E;
	s24 =	sld [smem:$0x3FFE];
	[sflag:s23] =	ssyncadd.s32 $0xFFFFFFFF  }
0xab: {  	s26 =	simm.s32 $execute0_lowered;
	[smem:$0x3FD2] =	sst s25  }
0xac: {  	s5 =	sshll.u32 s26, $0x1;
	_ =	strace $0x8000004C;
	[dreg:$0x1] =	wrdreg $0xFFFFFFFF  }
0xad: {  	s28 =	simm.s32 $_size_execute0_lowered;
	s3 =	sadd.s32 s3, s5;
	[dreg:$0x0] =	wrdreg $0x0  }
0xae: {  	s5 =	sshll.u32 s28, $0x1;
	[dreg:$0x2] =	wrdreg s3  }
0xaf: {  	[dreg:$0x3] =	wrdreg s5  }
0xb0: {  	[dreg:$0x4] =	wrdreg $0xC0  }
0xb1: {  	_ =	task [dreg:s7], $0x5FFFF  }
0xb2: {  	[dreg:$0x1] =	wrdreg $0xFFFFFFFF  }
0xb3: {  	[dreg:$0x0] =	wrdreg $0x60  }
0xb4: {  	[dreg:$0x2] =	wrdreg s24  }
0xb5: {  	[dreg:$0x3] =	wrdreg s16  }
0xb6: {  	[dreg:$0x4] =	wrdreg $0xB7800  }
0xb7: {  	[dreg:$0x5] =	wrdreg $0x9  }
0xb8: {  	_ =	task.clear_ibuf [dreg:s7], $0x6FFFF;
	_ =	strace $0x9000004C  }
0xb9: {  	s29 =	simm.s32 $0x9;
	_ =	strace $0x8000004E  }
0xba: {  	_ =	swait.ge [sflag:s29], $0x1  }
0xbb: {  	[sflag:s29] =	ssyncadd.s32 $0xFFFFFFFF  }
0xbc: {  	_ =	strace $0x9000004E  }
0xbd: {  	_ =	sfence  }
0xbe: {  	s30 =	sld [smem:$0x0];
	_ =	sdelay $0x2  }
0xbf: {  	s31 =	sshll.u32 s1, $0xD;
	s1 =	sshrl.u32 s1, $0x2  }
0xc0: {  	s3 =	sand.u32 $0x4000, s31;
	s1 =	sadd.s32 s1, s30  }
0xc1: {  	s0 =	sor.u32 s3, s0;
	s1 =	sshll.u32 s1, $0x11  }
0xc2: {  	s0 =	sor.u32 s1, s0  }
0xc3: {  	s0 =	sadd.s32 $0x8F2B, s0  }
0xc4: {  	[sflag:s0] =	ssyncadd.remote.s32 $0x1  }
0xc5: {  	_ =	sfence.sel $0xFFFF  }
0xc6: {  	[dreg:$0x0] =	wrdreg $0xFFFFFFFF;
	(pc) =	sbr.abs _section_cstart, $3  }
0xc7: {  	[dreg:$0x1] =	wrdreg $0xFFFFFFFF  }
0xc8: {  	_ =	task.clear_ibuf [dreg:s7], $0x2FFFF;
	_ =	strace $0x9FFFFFFF  }
0xc9: {  	(tm) =	ssettm $0x7FFFFFFF  }
tec
execute0_lowered:
.L_overlay_start_1:
0x0: {  	(tag) =	ssettag $0x1  }
0x1: {  	s0 =	rddreg [dreg:$0x0]  }
0x2: {  	s1 =	rddreg [dreg:$0x1]  }
0x3: {  	s2 =	rddreg [dreg:$0x2];
	s3 =	simm.s32 $0x0;
	s11 =	stileid.u32  }
0x4: {  	s6 =	srdreg.scid;
	s28 =	simm.s32 $0x50;
	s29 =	simm.s32 $0x8F80  }
0x5: {  	s30 =	simm.s32 $0x1;
	s31 =	simm.s32 $0x2;
	s20 =	smul.u32 $0x4E2, s11  }
0x6: {  	s14 =	simm.s32 $0x26C0;
	[smem:$0x7FF] =	sst s3;
	s4 =	smul.u32 $0x2800, s11  }
0x7: {  	s5 =	sadd.s32 $0xAB400, s0;
	s10 =	sshll.u32 s11, $0xB;
	s11 =	smul.u32 $0x50000, s11  }
0x8: {  	s6 =	sand.u32 $0x1, s6;
	s23 =	sadd.s32 $0x20BC00, s0;
	s24 =	sadd.s32 $0x233C00, s0  }
0x9: {  	s13 =	sadd.s32 $0x120700, s0;
	_ =	strace $0x8000004D;
	s8 =	ssub.s32 $0x2, s6  }
0xa: {  	s1 =	sadd.s32 s1, s10;
	p0 =	seq.s32 s6, $0x1;
	[dreg:$0x7] =	wrdreg s23  }
0xb: {  	s23 =	simm.s32 $0x5;
	s3 =	sadd.s32 s20, s0;
	s7 =	sadd.s32 s4, s0  }
0xc: {  	s9 =	sshrl.u32 s8, $0x1;
	[dreg:$0x5] =	wrdreg s1;
	s21 =	sshrl.u32 s11, $0x2  }
0xd: {  	s11 =	sadd.s32 $0xF9600, s0;
	s26 =	sadd.s32 s4, s24;
	s24 =	simm.s32 $0x4  }
0xe: {  	s1 =	simm.s32 $0x0;
	s8 =	ssub.s32 s8, s9;
	s3 =	sadd.s32 $0x3000, s3  }
0xf: {  	s22 =	sadd.s32 $0x1E3C00, s7;
	s9 =	sadd.s32 $0xD2500, s0;
	[dreg:$0xa] =	wrdreg s26  }
0x10: {  	s12 =	sadd.s32 s21, s2;
	s0 =	sadd.s32 $0x25BC00, s0;
	[dreg:$0x4] =	wrdreg s3  }
.Ltmp0:
0x11: {  	s26 =	simm.s32 $0x6780;
	[dreg:$0x6] =	wrdreg s22;
	(pc) =	sbr.rel .LBB2_1-.Ltmp0, $4  }
0x12: {  	[dreg:$0x8] =	wrdreg s0;
	s25 =	smax.u32 s8, $0x1;
	s16 =	sadd.s32 $0x2800, s12  }
0x13: {  	s17 =	sadd.s32 $0x5000, s12;
	s18 =	sadd.s32 $0x7800, s12;
	s19 =	sadd.s32 $0xA000, s12  }
0x14: {  	s20 =	sadd.s32 $0xC800, s12;
	s21 =	sadd.s32 $0xF000, s12;
	s22 =	sadd.s32 $0x11800, s12  }
0x15: {  	v0 =	vimm.f32 $0.0e+00;
	s0 =	simm.s32 $0x3;
	[dreg:$0x9] =	wrdreg s25;
	s25 =	simm.s32 $0x6580  }
.LBB2_17:
0x16: {  	[tilespmem:s29], [sflag:$0x2] =	stream.indirect.gather [hbm4b:s13+s28], $0x80, s6, s28, $0xb8;
	[tilespmem:$0x1F780] =	vst v63  }
0x17: {  	s7 =	smov.u32 s13;
	s6 =	rddreg [dreg:$0x8]  }
.LBB2_18:
0x18: {  	_ =	swait.ge [sflag:s30], $0x2800  }
0x19: {  	[sflag:s30] =	ssyncset.done $0x0  }
0x1a: {  	s8 =	simm.s32 $0x6480;
	[sflag:s30] =	ssyncadd.s32 $0xFFFFD800  }
0x1b: {  	[spmem:s2] =	stream.indirect.scatter.add.f32 [tilespmem:s26], [sflag:$0x3], $0x80, s8, s28, $0xb8;
	[tilespmem:$0x1F780] =	vst v63  }
0x1c: {  	_ =	swait.ge [sflag:s31], $0x2800  }
0x1d: {  	[sflag:s31] =	ssyncset.done $0x0  }
0x1e: {  	s15 =	simm.s32 $0x6500;
	[sflag:s31] =	ssyncadd.s32 $0xFFFFD800  }
0x1f: {  	[spmem:s2] =	stream.indirect.scatter.add.f32 [tilespmem:s29], [sflag:$0x4], $0x80, s15, s28, $0xb8;
	[tilespmem:$0x1F780] =	vst v63  }
0x20: {  	_ =	swait.ge [sflag:s0], $0x2800  }
0x21: {  	[sflag:s0] =	ssyncset.done $0x0  }
0x22: {  	[sflag:s0] =	ssyncadd.s32 $0xFFFFD800  }
0x23: {  	[tilespmem:s26], [sflag:$0x1] =	stream.indirect.gather [hbm4b:s7+s28], $0x80, s14, s28, $0xb8;
	[tilespmem:$0x1F780] =	vst v63  }
0x24: {  	_ =	swait.ge [sflag:s30], $0x2800  }
0x25: {  	[sflag:s30] =	ssyncset.done $0x0  }
0x26: {  	[sflag:s30] =	ssyncadd.s32 $0xFFFFD800  }
0x27: {  	[spmem:s2] =	stream.indirect.scatter.add.f32 [tilespmem:s26], [sflag:$0x3], $0x80, s25, s28, $0xb8;
	[tilespmem:$0x1F780] =	vst v63  }
0x28: {  	_ =	swait.ge [sflag:s24], $0x2800  }
0x29: {  	[sflag:s24] =	ssyncset.done $0x0  }
0x2a: {  	[sflag:s24] =	ssyncadd.s32 $0xFFFFD800  }
0x2b: {  	_ =	swait.ge [sflag:s0], $0x2800  }
0x2c: {  	[sflag:s0] =	ssyncset.done $0x0  }
0x2d: {  	[sflag:s0] =	ssyncadd.s32 $0xFFFFD800  }
0x2e: {  	s6 =	sadd.s32 s4, s6;
	s10 =	sshrl.u32 s12, $0x3;
	[bflag:$0x0] =	sbarrier.arrive $0xFFFF  }
0x2f: {  	[hbm:s6], [sflag:s3] =	dma.local [spmem:s10], $0x2800  }
0x30: {  	_ =	swait.ge [sflag:s23], $0x2800  }
0x31: {  	s1 =	sadd.s32 $0x1, s1;
	s15 =	rddreg [dreg:$0x9]  }
0x32: {  	p1 =	sne.s32 s1, s15  }
.Ltmp1:
0x33: {  	_ = 	snop;
	(pc) =	sbr.rel @!p1 .LBB2_19-.Ltmp1, $3  }
0x34: {  	_ =	sdelay $0x1  }
0x35: {  	[sflag:s23] =	ssyncset.done $0x0  }
0x36: {  	[sflag:s23] =	ssyncadd.s32 $0xFFFFD800  }
.LBB2_1:
0x37: {  	s3 =	simm.s32 $0x0;
	s6 =	rddreg [dreg:$0x4]  }
0x38: {  	[tilespmem:s3], [sflag:$0x5] =	stream.linear.gather [hbm4b:s6+s3], $0x2710, $0x38;
	[tilespmem:$0x1F780] =	vst v63  }
0x39: {  	_ =	swait.ge [sflag:s23], $0x2710  }
0x3a: {  	s7 =	simm.s32 $0x2780;
	[sflag:s23] =	ssyncset.done $0x0  }
.Ltmp2:
0x3b: {  	s10 =	rddreg [dreg:$0x5];
	[sflag:s23] =	ssyncadd.s32 $0xFFFFD8F0;
	(pc) =	sbr.rel @!p0 .LBB2_2-.Ltmp2, $4  }
0x3c: {  	[tilespmem:s7], [sflag:$0x5] =	stream.linear.gather [hbm4b:s10+s3], $0x3E80, $0x38;
	[tilespmem:$0x1F780] =	vst v63  }
0x3d: {  	_ =	swait.ge [sflag:s23], $0x3E80  }
0x3e: {  	s15 =	simm.s32 $0x1C0;
	[sflag:s23] =	ssyncset.done $0x0  }
0x3f: {  	s6 =	sadd.s32 $0x200, s15;
	s3 =	sshra.s32 s15, $0x2;
	[sflag:s23] =	ssyncadd.s32 $0xFFFFC180  }
.LBB2_10:
0x40: {  	p1 =	sne.s32 s6, $0x9FC0;
	[tilespmem:s3+$0x6780] =	vst v0  }
0x41: {  	[tilespmem:s3+$0x6710] =	vst v0  }
0x42: {  	[tilespmem:s3+$0x6720] =	vst v0  }
.Ltmp3:
0x43: {  	[tilespmem:s3+$0x6730] =	vst v0;
	(pc) =	sbr.rel @p1 .LBB2_10-.Ltmp3, $4  }
0x44: {  	[tilespmem:s3+$0x6740] =	vst v0  }
0x45: {  	[tilespmem:s3+$0x6750] =	vst v0  }
0x46: {  	[tilespmem:s3+$0x6760] =	vst v0  }
0x47: {  	[tilespmem:s3+$0x6770] =	vst v0;
	s3 =	sshra.s32 s6, $0x2;
	s6 =	sadd.s32 $0x200, s6  }
0x48: {  	[tilespmem:s3+$0x6780] =	vst v0  }
0x49: {  	[tilespmem:s3+$0x6710] =	vst v0  }
0x4a: {  	[tilespmem:s3+$0x6720] =	vst v0  }
0x4b: {  	[tilespmem:s3+$0x6730] =	vst v0  }
0x4c: {  	[tilespmem:s3+$0x6740] =	vst v0  }
0x4d: {  	[tilespmem:s3+$0x6750] =	vst v0  }
0x4e: {  	[tilespmem:s3+$0x6760] =	vst v0  }
0x4f: {  	[tilespmem:s3+$0x6770] =	vst v0  }
0x50: {  	[spmem:s12] =	stream.linear.scatter [tilespmem:s26], [sflag:$0x5], $0x2800, $0x38;
	[tilespmem:$0x1F780] =	vst v63  }
0x51: {  	_ =	swait.ge [sflag:s23], $0x2800  }
0x52: {  	[sflag:s23] =	ssyncset.done $0x0  }
0x53: {  	[sflag:s23] =	ssyncadd.s32 $0xFFFFD800  }
0x54: {  	[spmem:s16] =	stream.linear.scatter [tilespmem:s26], [sflag:$0x5], $0x2800, $0x38;
	[tilespmem:$0x1F780] =	vst v63  }
0x55: {  	_ =	swait.ge [sflag:s23], $0x2800  }
0x56: {  	[sflag:s23] =	ssyncset.done $0x0  }
0x57: {  	[sflag:s23] =	ssyncadd.s32 $0xFFFFD800  }
0x58: {  	[spmem:s17] =	stream.linear.scatter [tilespmem:s26], [sflag:$0x5], $0x2800, $0x38;
	[tilespmem:$0x1F780] =	vst v63  }
0x59: {  	_ =	swait.ge [sflag:s23], $0x2800  }
0x5a: {  	[sflag:s23] =	ssyncset.done $0x0  }
0x5b: {  	[sflag:s23] =	ssyncadd.s32 $0xFFFFD800  }
0x5c: {  	[spmem:s18] =	stream.linear.scatter [tilespmem:s26], [sflag:$0x5], $0x2800, $0x38;
	[tilespmem:$0x1F780] =	vst v63  }
0x5d: {  	_ =	swait.ge [sflag:s23], $0x2800  }
0x5e: {  	[sflag:s23] =	ssyncset.done $0x0  }
0x5f: {  	[sflag:s23] =	ssyncadd.s32 $0xFFFFD800  }
0x60: {  	[spmem:s19] =	stream.linear.scatter [tilespmem:s26], [sflag:$0x5], $0x2800, $0x38;
	[tilespmem:$0x1F780] =	vst v63  }
0x61: {  	_ =	swait.ge [sflag:s23], $0x2800  }
0x62: {  	[sflag:s23] =	ssyncset.done $0x0  }
0x63: {  	[sflag:s23] =	ssyncadd.s32 $0xFFFFD800  }
0x64: {  	[spmem:s20] =	stream.linear.scatter [tilespmem:s26], [sflag:$0x5], $0x2800, $0x38;
	[tilespmem:$0x1F780] =	vst v63  }
0x65: {  	_ =	swait.ge [sflag:s23], $0x2800  }
0x66: {  	[sflag:s23] =	ssyncset.done $0x0  }
0x67: {  	[sflag:s23] =	ssyncadd.s32 $0xFFFFD800  }
0x68: {  	[spmem:s21] =	stream.linear.scatter [tilespmem:s26], [sflag:$0x5], $0x2800, $0x38;
	[tilespmem:$0x1F780] =	vst v63  }
0x69: {  	_ =	swait.ge [sflag:s23], $0x2800  }
0x6a: {  	[sflag:s23] =	ssyncset.done $0x0  }
0x6b: {  	[sflag:s23] =	ssyncadd.s32 $0xFFFFD800  }
0x6c: {  	[spmem:s22] =	stream.linear.scatter [tilespmem:s26], [sflag:$0x5], $0x2800, $0x38;
	[tilespmem:$0x1F780] =	vst v63  }
0x6d: {  	_ =	swait.ge [sflag:s23], $0x2800  }
0x6e: {  	[sflag:s23] =	ssyncset.done $0x0  }
0x6f: {  	[sflag:s23] =	ssyncadd.s32 $0xFFFFD800  }
0x70: {  	s7 =	simm.s32 $0x0;
	[bflag:$0x0] =	sbarrier.arrive $0xFFFF  }
0x71: {  	[tilespmem:s26], [sflag:$0x1] =	stream.indirect.gather [hbm4b:s11+s28], $0x80, s7, s28, $0xb8;
	[tilespmem:$0x1F780] =	vst v63  }
0x72: {  	_ = 	snop  }
0x73: {  	[tilespmem:s29], [sflag:$0x2] =	stream.indirect.gather [hbm4b:s11+s28], $0x80, s28, s28, $0xb8;
	[tilespmem:$0x1F780] =	vst v63  }
0x74: {  	_ =	swait.ge [sflag:s30], $0x2800  }
0x75: {  	[sflag:s30] =	ssyncset.done $0x0  }
0x76: {  	s8 =	simm.s32 $0x2780;
	[sflag:s30] =	ssyncadd.s32 $0xFFFFD800  }
0x77: {  	[spmem:s2] =	stream.indirect.scatter.add.f32 [tilespmem:s26], [sflag:$0x3], $0x80, s8, s28, $0xb8;
	[tilespmem:$0x1F780] =	vst v63  }
0x78: {  	_ =	swait.ge [sflag:s31], $0x2800  }
0x79: {  	[sflag:s31] =	ssyncset.done $0x0  }
0x7a: {  	s10 =	simm.s32 $0x2800;
	[sflag:s31] =	ssyncadd.s32 $0xFFFFD800  }
0x7b: {  	[spmem:s2] =	stream.indirect.scatter.add.f32 [tilespmem:s29], [sflag:$0x4], $0x80, s10, s28, $0xb8;
	[tilespmem:$0x1F780] =	vst v63  }
0x7c: {  	_ =	swait.ge [sflag:s0], $0x2800  }
0x7d: {  	[sflag:s0] =	ssyncset.done $0x0  }
0x7e: {  	s15 =	simm.s32 $0xA0;
	[sflag:s0] =	ssyncadd.s32 $0xFFFFD800  }
0x7f: {  	[tilespmem:s26], [sflag:$0x1] =	stream.indirect.gather [hbm4b:s11+s28], $0x80, s15, s28, $0xb8;
	[tilespmem:$0x1F780] =	vst v63  }
0x80: {  	_ =	swait.ge [sflag:s24], $0x2800  }
0x81: {  	s3 =	simm.s32 $0xF0;
	[sflag:s24] =	ssyncset.done $0x0  }
0x82: {  	s6 =	simm.s32 $0x400;
	s7 =	simm.s32 $0x190;
	[sflag:s24] =	ssyncadd.s32 $0xFFFFD800  }
.LBB2_12:
0x83: {  	[tilespmem:s29], [sflag:$0x2] =	stream.indirect.gather [hbm4b:s11+s28], $0x80, s3, s28, $0xb8;
	[tilespmem:$0x1F780] =	vst v63  }
0x84: {  	s8 =	smov.u32 s6;
	s3 =	smov.u32 s7  }
0x85: {  	p1 =	sne.s32 s6, $0xF000;
	s6 =	sadd.s32 $0x400, s6;
	_ =	swait.ge [sflag:s30], $0x2800  }
0x86: {  	s8 =	sshra.s32 s8, $0x2;
	[sflag:s30] =	ssyncset.done $0x0  }
0x87: {  	s10 =	sadd.s32 $0x2780, s8;
	[sflag:s30] =	ssyncadd.s32 $0xFFFFD800  }
0x88: {  	[spmem:s2] =	stream.indirect.scatter.add.f32 [tilespmem:s26], [sflag:$0x3], $0x80, s10, s28, $0xb8;
	[tilespmem:$0x1F780] =	vst v63  }
0x89: {  	_ =	swait.ge [sflag:s31], $0x2800  }
0x8a: {  	[sflag:s31] =	ssyncset.done $0x0  }
0x8b: {  	s8 =	sadd.s32 $0x2800, s8;
	[sflag:s31] =	ssyncadd.s32 $0xFFFFD800  }
0x8c: {  	[spmem:s2] =	stream.indirect.scatter.add.f32 [tilespmem:s29], [sflag:$0x4], $0x80, s8, s28, $0xb8;
	[tilespmem:$0x1F780] =	vst v63  }
0x8d: {  	_ =	swait.ge [sflag:s0], $0x2800  }
0x8e: {  	[sflag:s0] =	ssyncset.done $0x0  }
.Ltmp4:
0x8f: {  	s8 =	sadd.s32 $0xFFFFFFB0, s7;
	[sflag:s0] =	ssyncadd.s32 $0xFFFFD800;
	(pc) =	sbr.rel @p1 .LBB2_12-.Ltmp4, $4  }
0x90: {  	[tilespmem:s26], [sflag:$0x1] =	stream.indirect.gather [hbm4b:s11+s28], $0x80, s8, s28, $0xb8;
	[tilespmem:$0x1F780] =	vst v63  }
0x91: {  	_ =	swait.ge [sflag:s24], $0x2800  }
0x92: {  	[sflag:s24] =	ssyncset.done $0x0  }
0x93: {  	s7 =	sadd.s32 $0xA0, s7;
	[sflag:s24] =	ssyncadd.s32 $0xFFFFD800  }
0x94: {  	[tilespmem:s29], [sflag:$0x2] =	stream.indirect.gather [hbm4b:s11+s28], $0x80, s3, s28, $0xb8;
	[tilespmem:$0x1F780] =	vst v63  }
0x95: {  	_ =	swait.ge [sflag:s30], $0x2800  }
0x96: {  	[sflag:s30] =	ssyncset.done $0x0  }
0x97: {  	s8 =	simm.s32 $0x6480;
	[sflag:s30] =	ssyncadd.s32 $0xFFFFD800  }
0x98: {  	[spmem:s2] =	stream.indirect.scatter.add.f32 [tilespmem:s26], [sflag:$0x3], $0x80, s8, s28, $0xb8;
	[tilespmem:$0x1F780] =	vst v63  }
0x99: {  	_ =	swait.ge [sflag:s31], $0x2800  }
0x9a: {  	[sflag:s31] =	ssyncset.done $0x0  }
0x9b: {  	s10 =	simm.s32 $0x6500;
	[sflag:s31] =	ssyncadd.s32 $0xFFFFD800  }
0x9c: {  	[spmem:s2] =	stream.indirect.scatter.add.f32 [tilespmem:s29], [sflag:$0x4], $0x80, s10, s28, $0xb8;
	[tilespmem:$0x1F780] =	vst v63  }
0x9d: {  	_ =	swait.ge [sflag:s0], $0x2800  }
0x9e: {  	[sflag:s0] =	ssyncset.done $0x0  }
0x9f: {  	[sflag:s0] =	ssyncadd.s32 $0xFFFFD800  }
0xa0: {  	[tilespmem:s26], [sflag:$0x1] =	stream.indirect.gather [hbm4b:s11+s28], $0x80, s14, s28, $0xb8;
	[tilespmem:$0x1F780] =	vst v63  }
0xa1: {  	_ =	swait.ge [sflag:s30], $0x2800  }
0xa2: {  	[sflag:s30] =	ssyncset.done $0x0  }
0xa3: {  	[sflag:s30] =	ssyncadd.s32 $0xFFFFD800  }
0xa4: {  	[spmem:s2] =	stream.indirect.scatter.add.f32 [tilespmem:s26], [sflag:$0x3], $0x80, s25, s28, $0xb8;
	[tilespmem:$0x1F780] =	vst v63  }
0xa5: {  	_ =	swait.ge [sflag:s24], $0x2800  }
0xa6: {  	[sflag:s24] =	ssyncset.done $0x0  }
0xa7: {  	[sflag:s24] =	ssyncadd.s32 $0xFFFFD800  }
0xa8: {  	_ =	swait.ge [sflag:s0], $0x2800  }
0xa9: {  	[sflag:s0] =	ssyncset.done $0x0  }
0xaa: {  	s15 =	stileid.u32;
	[sflag:s0] =	ssyncadd.s32 $0xFFFFD800  }
0xab: {  	s3 =	sshll.u32 s15, $0x6;
	[bflag:$0x0] =	sbarrier.arrive $0xFFFF  }
0xac: {  	s6 =	sshrl.u32 s12, $0x3;
	s3 =	sor.u32 $0x1C05, s3;
	s7 =	rddreg [dreg:$0xa]  }
0xad: {  	[hbm:s7], [sflag:s3] =	dma.local [spmem:s6], $0x2800  }
0xae: {  	_ =	swait.ge [sflag:s23], $0x2800  }
0xaf: {  	[sflag:s23] =	ssyncset.done $0x0  }
0xb0: {  	s6 =	simm.s32 $0x70;
	s7 =	simm.s32 $0x3C0;
	[sflag:s23] =	ssyncadd.s32 $0xFFFFD800  }
.LBB2_14:
0xb1: {  	p1 =	sne.s32 s7, $0x9FC0;
	[tilespmem:s6+$0x6780] =	vst v0  }
0xb2: {  	[tilespmem:s6+$0x6710] =	vst v0  }
0xb3: {  	[tilespmem:s6+$0x6720] =	vst v0  }
.Ltmp5:
0xb4: {  	[tilespmem:s6+$0x6730] =	vst v0;
	(pc) =	sbr.rel @p1 .LBB2_14-.Ltmp5, $4  }
0xb5: {  	[tilespmem:s6+$0x6740] =	vst v0  }
0xb6: {  	[tilespmem:s6+$0x6750] =	vst v0  }
0xb7: {  	[tilespmem:s6+$0x6760] =	vst v0  }
0xb8: {  	[tilespmem:s6+$0x6770] =	vst v0;
	s6 =	sshra.s32 s7, $0x2;
	s7 =	sadd.s32 $0x200, s7  }
0xb9: {  	[tilespmem:s6+$0x6780] =	vst v0  }
0xba: {  	[tilespmem:s6+$0x6710] =	vst v0  }
0xbb: {  	[tilespmem:s6+$0x6720] =	vst v0  }
0xbc: {  	[tilespmem:s6+$0x6730] =	vst v0  }
0xbd: {  	[tilespmem:s6+$0x6740] =	vst v0  }
0xbe: {  	[tilespmem:s6+$0x6750] =	vst v0  }
0xbf: {  	[tilespmem:s6+$0x6760] =	vst v0  }
0xc0: {  	[tilespmem:s6+$0x6770] =	vst v0  }
0xc1: {  	[spmem:s12] =	stream.linear.scatter [tilespmem:s26], [sflag:$0x5], $0x2800, $0x38;
	[tilespmem:$0x1F780] =	vst v63  }
0xc2: {  	_ =	swait.ge [sflag:s23], $0x2800  }
0xc3: {  	[sflag:s23] =	ssyncset.done $0x0  }
0xc4: {  	[sflag:s23] =	ssyncadd.s32 $0xFFFFD800  }
0xc5: {  	[spmem:s16] =	stream.linear.scatter [tilespmem:s26], [sflag:$0x5], $0x2800, $0x38;
	[tilespmem:$0x1F780] =	vst v63  }
0xc6: {  	_ =	swait.ge [sflag:s23], $0x2800  }
0xc7: {  	[sflag:s23] =	ssyncset.done $0x0  }
0xc8: {  	[sflag:s23] =	ssyncadd.s32 $0xFFFFD800  }
0xc9: {  	[spmem:s17] =	stream.linear.scatter [tilespmem:s26], [sflag:$0x5], $0x2800, $0x38;
	[tilespmem:$0x1F780] =	vst v63  }
0xca: {  	_ =	swait.ge [sflag:s23], $0x2800  }
0xcb: {  	[sflag:s23] =	ssyncset.done $0x0  }
0xcc: {  	[sflag:s23] =	ssyncadd.s32 $0xFFFFD800  }
0xcd: {  	[spmem:s18] =	stream.linear.scatter [tilespmem:s26], [sflag:$0x5], $0x2800, $0x38;
	[tilespmem:$0x1F780] =	vst v63  }
0xce: {  	_ =	swait.ge [sflag:s23], $0x2800  }
0xcf: {  	[sflag:s23] =	ssyncset.done $0x0  }
0xd0: {  	[sflag:s23] =	ssyncadd.s32 $0xFFFFD800  }
0xd1: {  	[spmem:s19] =	stream.linear.scatter [tilespmem:s26], [sflag:$0x5], $0x2800, $0x38;
	[tilespmem:$0x1F780] =	vst v63  }
0xd2: {  	_ =	swait.ge [sflag:s23], $0x2800  }
0xd3: {  	[sflag:s23] =	ssyncset.done $0x0  }
0xd4: {  	[sflag:s23] =	ssyncadd.s32 $0xFFFFD800  }
0xd5: {  	[spmem:s20] =	stream.linear.scatter [tilespmem:s26], [sflag:$0x5], $0x2800, $0x38;
	[tilespmem:$0x1F780] =	vst v63  }
0xd6: {  	_ =	swait.ge [sflag:s23], $0x2800  }
0xd7: {  	[sflag:s23] =	ssyncset.done $0x0  }
0xd8: {  	[sflag:s23] =	ssyncadd.s32 $0xFFFFD800  }
0xd9: {  	[spmem:s21] =	stream.linear.scatter [tilespmem:s26], [sflag:$0x5], $0x2800, $0x38;
	[tilespmem:$0x1F780] =	vst v63  }
0xda: {  	_ =	swait.ge [sflag:s23], $0x2800  }
0xdb: {  	[sflag:s23] =	ssyncset.done $0x0  }
0xdc: {  	[sflag:s23] =	ssyncadd.s32 $0xFFFFD800  }
0xdd: {  	[spmem:s22] =	stream.linear.scatter [tilespmem:s26], [sflag:$0x5], $0x2800, $0x38;
	[tilespmem:$0x1F780] =	vst v63  }
0xde: {  	_ =	swait.ge [sflag:s23], $0x2800  }
0xdf: {  	[sflag:s23] =	ssyncset.done $0x0  }
0xe0: {  	[sflag:s23] =	ssyncadd.s32 $0xFFFFD800  }
0xe1: {  	s7 =	simm.s32 $0x0;
	[bflag:$0x0] =	sbarrier.arrive $0xFFFF  }
0xe2: {  	[tilespmem:s26], [sflag:$0x1] =	stream.indirect.gather [hbm4b:s13+s28], $0x80, s7, s28, $0xb8;
	[tilespmem:$0x1F780] =	vst v63  }
0xe3: {  	_ = 	snop  }
0xe4: {  	[tilespmem:s29], [sflag:$0x2] =	stream.indirect.gather [hbm4b:s13+s28], $0x80, s28, s28, $0xb8;
	[tilespmem:$0x1F780] =	vst v63  }
0xe5: {  	_ =	swait.ge [sflag:s30], $0x2800  }
0xe6: {  	[sflag:s30] =	ssyncset.done $0x0  }
0xe7: {  	s8 =	simm.s32 $0x2780;
	[sflag:s30] =	ssyncadd.s32 $0xFFFFD800  }
0xe8: {  	[spmem:s2] =	stream.indirect.scatter.add.f32 [tilespmem:s26], [sflag:$0x3], $0x80, s8, s28, $0xb8;
	[tilespmem:$0x1F780] =	vst v63  }
0xe9: {  	_ =	swait.ge [sflag:s31], $0x2800  }
0xea: {  	[sflag:s31] =	ssyncset.done $0x0  }
0xeb: {  	s10 =	simm.s32 $0x2800;
	[sflag:s31] =	ssyncadd.s32 $0xFFFFD800  }
0xec: {  	[spmem:s2] =	stream.indirect.scatter.add.f32 [tilespmem:s29], [sflag:$0x4], $0x80, s10, s28, $0xb8;
	[tilespmem:$0x1F780] =	vst v63  }
0xed: {  	_ =	swait.ge [sflag:s0], $0x2800  }
0xee: {  	[sflag:s0] =	ssyncset.done $0x0  }
0xef: {  	s15 =	simm.s32 $0xA0;
	[sflag:s0] =	ssyncadd.s32 $0xFFFFD800  }
0xf0: {  	[tilespmem:s26], [sflag:$0x1] =	stream.indirect.gather [hbm4b:s13+s28], $0x80, s15, s28, $0xb8;
	[tilespmem:$0x1F780] =	vst v63  }
0xf1: {  	_ =	swait.ge [sflag:s24], $0x2800  }
0xf2: {  	s6 =	simm.s32 $0xF0;
	[sflag:s24] =	ssyncset.done $0x0  }
0xf3: {  	s7 =	simm.s32 $0x400;
	s15 =	simm.s32 $0x190;
	[sflag:s24] =	ssyncadd.s32 $0xFFFFD800  }
.LBB2_16:
0xf4: {  	[tilespmem:s29], [sflag:$0x2] =	stream.indirect.gather [hbm4b:s13+s28], $0x80, s6, s28, $0xb8;
	[tilespmem:$0x1F780] =	vst v63  }
0xf5: {  	s8 =	smov.u32 s7;
	s6 =	smov.u32 s15  }
0xf6: {  	p1 =	sne.s32 s7, $0xF000;
	s7 =	sadd.s32 $0x400, s7;
	_ =	swait.ge [sflag:s30], $0x2800  }
0xf7: {  	s8 =	sshra.s32 s8, $0x2;
	[sflag:s30] =	ssyncset.done $0x0  }
0xf8: {  	s10 =	sadd.s32 $0x2780, s8;
	[sflag:s30] =	ssyncadd.s32 $0xFFFFD800  }
0xf9: {  	[spmem:s2] =	stream.indirect.scatter.add.f32 [tilespmem:s26], [sflag:$0x3], $0x80, s10, s28, $0xb8;
	[tilespmem:$0x1F780] =	vst v63  }
0xfa: {  	_ =	swait.ge [sflag:s31], $0x2800  }
0xfb: {  	[sflag:s31] =	ssyncset.done $0x0  }
0xfc: {  	s8 =	sadd.s32 $0x2800, s8;
	[sflag:s31] =	ssyncadd.s32 $0xFFFFD800  }
0xfd: {  	[spmem:s2] =	stream.indirect.scatter.add.f32 [tilespmem:s29], [sflag:$0x4], $0x80, s8, s28, $0xb8;
	[tilespmem:$0x1F780] =	vst v63  }
0xfe: {  	_ =	swait.ge [sflag:s0], $0x2800  }
0xff: {  	[sflag:s0] =	ssyncset.done $0x0  }
.Ltmp6:
0x100: {  	s8 =	sadd.s32 $0xFFFFFFB0, s15;
	[sflag:s0] =	ssyncadd.s32 $0xFFFFD800;
	(pc) =	sbr.rel @p1 .LBB2_16-.Ltmp6, $4  }
0x101: {  	[tilespmem:s26], [sflag:$0x1] =	stream.indirect.gather [hbm4b:s13+s28], $0x80, s8, s28, $0xb8;
	[tilespmem:$0x1F780] =	vst v63  }
0x102: {  	_ =	swait.ge [sflag:s24], $0x2800  }
0x103: {  	[sflag:s24] =	ssyncset.done $0x0  }
0x104: {  	s15 =	sadd.s32 $0xA0, s15;
	[sflag:s24] =	ssyncadd.s32 $0xFFFFD800  }
.Ltmp7:
0x105: {  	_ = 	snop;
	(pc) =	sbr.rel .LBB2_17-.Ltmp7, $1  }
0x106: {  	_ =	sdelay $0x3  }
.LBB2_2:
0x107: {  	p1 =	sne.s32 s6, $0x9FC0;
	[tilespmem:s3+$0x6780] =	vst v0  }
0x108: {  	[tilespmem:s3+$0x6710] =	vst v0  }
0x109: {  	[tilespmem:s3+$0x6720] =	vst v0  }
.Ltmp8:
0x10a: {  	[tilespmem:s3+$0x6730] =	vst v0;
	(pc) =	sbr.rel @p1 .LBB2_2-.Ltmp8, $4  }
0x10b: {  	[tilespmem:s3+$0x6740] =	vst v0  }
0x10c: {  	[tilespmem:s3+$0x6750] =	vst v0  }
0x10d: {  	[tilespmem:s3+$0x6760] =	vst v0  }
0x10e: {  	[tilespmem:s3+$0x6770] =	vst v0;
	s3 =	sshra.s32 s6, $0x2;
	s6 =	sadd.s32 $0x200, s6  }
0x10f: {  	[tilespmem:s3+$0x6780] =	vst v0  }
0x110: {  	[tilespmem:s3+$0x6710] =	vst v0  }
0x111: {  	[tilespmem:s3+$0x6720] =	vst v0  }
0x112: {  	[tilespmem:s3+$0x6730] =	vst v0  }
0x113: {  	[tilespmem:s3+$0x6740] =	vst v0  }
0x114: {  	[tilespmem:s3+$0x6750] =	vst v0  }
0x115: {  	[tilespmem:s3+$0x6760] =	vst v0  }
0x116: {  	[tilespmem:s3+$0x6770] =	vst v0  }
0x117: {  	[spmem:s12] =	stream.linear.scatter [tilespmem:s26], [sflag:$0x5], $0x2800, $0x38;
	[tilespmem:$0x1F780] =	vst v63  }
0x118: {  	_ =	swait.ge [sflag:s23], $0x2800  }
0x119: {  	[sflag:s23] =	ssyncset.done $0x0  }
0x11a: {  	[sflag:s23] =	ssyncadd.s32 $0xFFFFD800  }
0x11b: {  	[spmem:s16] =	stream.linear.scatter [tilespmem:s26], [sflag:$0x5], $0x2800, $0x38;
	[tilespmem:$0x1F780] =	vst v63  }
0x11c: {  	_ =	swait.ge [sflag:s23], $0x2800  }
0x11d: {  	[sflag:s23] =	ssyncset.done $0x0  }
0x11e: {  	[sflag:s23] =	ssyncadd.s32 $0xFFFFD800  }
0x11f: {  	[spmem:s17] =	stream.linear.scatter [tilespmem:s26], [sflag:$0x5], $0x2800, $0x38;
	[tilespmem:$0x1F780] =	vst v63  }
0x120: {  	_ =	swait.ge [sflag:s23], $0x2800  }
0x121: {  	[sflag:s23] =	ssyncset.done $0x0  }
0x122: {  	[sflag:s23] =	ssyncadd.s32 $0xFFFFD800  }
0x123: {  	[spmem:s18] =	stream.linear.scatter [tilespmem:s26], [sflag:$0x5], $0x2800, $0x38;
	[tilespmem:$0x1F780] =	vst v63  }
0x124: {  	_ =	swait.ge [sflag:s23], $0x2800  }
0x125: {  	[sflag:s23] =	ssyncset.done $0x0  }
0x126: {  	[sflag:s23] =	ssyncadd.s32 $0xFFFFD800  }
0x127: {  	[spmem:s19] =	stream.linear.scatter [tilespmem:s26], [sflag:$0x5], $0x2800, $0x38;
	[tilespmem:$0x1F780] =	vst v63  }
0x128: {  	_ =	swait.ge [sflag:s23], $0x2800  }
0x129: {  	[sflag:s23] =	ssyncset.done $0x0  }
0x12a: {  	[sflag:s23] =	ssyncadd.s32 $0xFFFFD800  }
0x12b: {  	[spmem:s20] =	stream.linear.scatter [tilespmem:s26], [sflag:$0x5], $0x2800, $0x38;
	[tilespmem:$0x1F780] =	vst v63  }
0x12c: {  	_ =	swait.ge [sflag:s23], $0x2800  }
0x12d: {  	[sflag:s23] =	ssyncset.done $0x0  }
0x12e: {  	[sflag:s23] =	ssyncadd.s32 $0xFFFFD800  }
0x12f: {  	[spmem:s21] =	stream.linear.scatter [tilespmem:s26], [sflag:$0x5], $0x2800, $0x38;
	[tilespmem:$0x1F780] =	vst v63  }
0x130: {  	_ =	swait.ge [sflag:s23], $0x2800  }
0x131: {  	[sflag:s23] =	ssyncset.done $0x0  }
0x132: {  	[sflag:s23] =	ssyncadd.s32 $0xFFFFD800  }
0x133: {  	[spmem:s22] =	stream.linear.scatter [tilespmem:s26], [sflag:$0x5], $0x2800, $0x38;
	[tilespmem:$0x1F780] =	vst v63  }
0x134: {  	_ =	swait.ge [sflag:s23], $0x2800  }
0x135: {  	[sflag:s23] =	ssyncset.done $0x0  }
0x136: {  	[sflag:s23] =	ssyncadd.s32 $0xFFFFD800  }
0x137: {  	s7 =	simm.s32 $0x0;
	[bflag:$0x0] =	sbarrier.arrive $0xFFFF  }
0x138: {  	[tilespmem:s26], [sflag:$0x1] =	stream.indirect.gather [hbm4b:s5+s28], $0x80, s7, s28, $0xb8;
	[tilespmem:$0x1F780] =	vst v63  }
0x139: {  	_ = 	snop  }
0x13a: {  	[tilespmem:s29], [sflag:$0x2] =	stream.indirect.gather [hbm4b:s5+s28], $0x80, s28, s28, $0xb8;
	[tilespmem:$0x1F780] =	vst v63  }
0x13b: {  	_ =	swait.ge [sflag:s30], $0x2800  }
0x13c: {  	[sflag:s30] =	ssyncset.done $0x0  }
0x13d: {  	s8 =	simm.s32 $0x2780;
	[sflag:s30] =	ssyncadd.s32 $0xFFFFD800  }
0x13e: {  	[spmem:s2] =	stream.indirect.scatter.add.f32 [tilespmem:s26], [sflag:$0x3], $0x80, s8, s28, $0xb8;
	[tilespmem:$0x1F780] =	vst v63  }
0x13f: {  	_ =	swait.ge [sflag:s31], $0x2800  }
0x140: {  	[sflag:s31] =	ssyncset.done $0x0  }
0x141: {  	s10 =	simm.s32 $0x2800;
	[sflag:s31] =	ssyncadd.s32 $0xFFFFD800  }
0x142: {  	[spmem:s2] =	stream.indirect.scatter.add.f32 [tilespmem:s29], [sflag:$0x4], $0x80, s10, s28, $0xb8;
	[tilespmem:$0x1F780] =	vst v63  }
0x143: {  	_ =	swait.ge [sflag:s0], $0x2800  }
0x144: {  	[sflag:s0] =	ssyncset.done $0x0  }
0x145: {  	s15 =	simm.s32 $0xA0;
	[sflag:s0] =	ssyncadd.s32 $0xFFFFD800  }
0x146: {  	[tilespmem:s26], [sflag:$0x1] =	stream.indirect.gather [hbm4b:s5+s28], $0x80, s15, s28, $0xb8;
	[tilespmem:$0x1F780] =	vst v63  }
0x147: {  	_ =	swait.ge [sflag:s24], $0x2800  }
0x148: {  	s3 =	simm.s32 $0xF0;
	[sflag:s24] =	ssyncset.done $0x0  }
0x149: {  	s6 =	simm.s32 $0x400;
	s7 =	simm.s32 $0x190;
	[sflag:s24] =	ssyncadd.s32 $0xFFFFD800  }
.LBB2_4:
0x14a: {  	[tilespmem:s29], [sflag:$0x2] =	stream.indirect.gather [hbm4b:s5+s28], $0x80, s3, s28, $0xb8;
	[tilespmem:$0x1F780] =	vst v63  }
0x14b: {  	s15 =	smov.u32 s6;
	s3 =	smov.u32 s7  }
0x14c: {  	p1 =	sne.s32 s6, $0xF000;
	s6 =	sadd.s32 $0x400, s6;
	_ =	swait.ge [sflag:s30], $0x2800  }
0x14d: {  	s15 =	sshra.s32 s15, $0x2;
	[sflag:s30] =	ssyncset.done $0x0  }
0x14e: {  	s8 =	sadd.s32 $0x2780, s15;
	[sflag:s30] =	ssyncadd.s32 $0xFFFFD800  }
0x14f: {  	[spmem:s2] =	stream.indirect.scatter.add.f32 [tilespmem:s26], [sflag:$0x3], $0x80, s8, s28, $0xb8;
	[tilespmem:$0x1F780] =	vst v63  }
0x150: {  	_ =	swait.ge [sflag:s31], $0x2800  }
0x151: {  	[sflag:s31] =	ssyncset.done $0x0  }
0x152: {  	s8 =	sadd.s32 $0x2800, s15;
	[sflag:s31] =	ssyncadd.s32 $0xFFFFD800  }
0x153: {  	[spmem:s2] =	stream.indirect.scatter.add.f32 [tilespmem:s29], [sflag:$0x4], $0x80, s8, s28, $0xb8;
	[tilespmem:$0x1F780] =	vst v63  }
0x154: {  	_ =	swait.ge [sflag:s0], $0x2800  }
0x155: {  	[sflag:s0] =	ssyncset.done $0x0  }
.Ltmp9:
0x156: {  	s8 =	sadd.s32 $0xFFFFFFB0, s7;
	[sflag:s0] =	ssyncadd.s32 $0xFFFFD800;
	(pc) =	sbr.rel @p1 .LBB2_4-.Ltmp9, $4  }
0x157: {  	[tilespmem:s26], [sflag:$0x1] =	stream.indirect.gather [hbm4b:s5+s28], $0x80, s8, s28, $0xb8;
	[tilespmem:$0x1F780] =	vst v63  }
0x158: {  	_ =	swait.ge [sflag:s24], $0x2800  }
0x159: {  	[sflag:s24] =	ssyncset.done $0x0  }
0x15a: {  	s7 =	sadd.s32 $0xA0, s7;
	[sflag:s24] =	ssyncadd.s32 $0xFFFFD800  }
0x15b: {  	[tilespmem:s29], [sflag:$0x2] =	stream.indirect.gather [hbm4b:s5+s28], $0x80, s3, s28, $0xb8;
	[tilespmem:$0x1F780] =	vst v63  }
0x15c: {  	_ =	swait.ge [sflag:s30], $0x2800  }
0x15d: {  	[sflag:s30] =	ssyncset.done $0x0  }
0x15e: {  	s8 =	simm.s32 $0x6480;
	[sflag:s30] =	ssyncadd.s32 $0xFFFFD800  }
0x15f: {  	[spmem:s2] =	stream.indirect.scatter.add.f32 [tilespmem:s26], [sflag:$0x3], $0x80, s8, s28, $0xb8;
	[tilespmem:$0x1F780] =	vst v63  }
0x160: {  	_ =	swait.ge [sflag:s31], $0x2800  }
0x161: {  	[sflag:s31] =	ssyncset.done $0x0  }
0x162: {  	s10 =	simm.s32 $0x6500;
	[sflag:s31] =	ssyncadd.s32 $0xFFFFD800  }
0x163: {  	[spmem:s2] =	stream.indirect.scatter.add.f32 [tilespmem:s29], [sflag:$0x4], $0x80, s10, s28, $0xb8;
	[tilespmem:$0x1F780] =	vst v63  }
0x164: {  	_ =	swait.ge [sflag:s0], $0x2800  }
0x165: {  	[sflag:s0] =	ssyncset.done $0x0  }
0x166: {  	[sflag:s0] =	ssyncadd.s32 $0xFFFFD800  }
0x167: {  	[tilespmem:s26], [sflag:$0x1] =	stream.indirect.gather [hbm4b:s5+s28], $0x80, s14, s28, $0xb8;
	[tilespmem:$0x1F780] =	vst v63  }
0x168: {  	_ =	swait.ge [sflag:s30], $0x2800  }
0x169: {  	[sflag:s30] =	ssyncset.done $0x0  }
0x16a: {  	[sflag:s30] =	ssyncadd.s32 $0xFFFFD800  }
0x16b: {  	[spmem:s2] =	stream.indirect.scatter.add.f32 [tilespmem:s26], [sflag:$0x3], $0x80, s25, s28, $0xb8;
	[tilespmem:$0x1F780] =	vst v63  }
0x16c: {  	_ =	swait.ge [sflag:s24], $0x2800  }
0x16d: {  	[sflag:s24] =	ssyncset.done $0x0  }
0x16e: {  	[sflag:s24] =	ssyncadd.s32 $0xFFFFD800  }
0x16f: {  	_ =	swait.ge [sflag:s0], $0x2800  }
0x170: {  	[sflag:s0] =	ssyncset.done $0x0  }
0x171: {  	s15 =	stileid.u32;
	[sflag:s0] =	ssyncadd.s32 $0xFFFFD800  }
0x172: {  	s3 =	sshll.u32 s15, $0x6;
	[bflag:$0x0] =	sbarrier.arrive $0xFFFF  }
0x173: {  	s6 =	sshrl.u32 s12, $0x3;
	s3 =	sor.u32 $0x1C05, s3;
	s7 =	rddreg [dreg:$0x6]  }
0x174: {  	[hbm:s7], [sflag:s3] =	dma.local [spmem:s6], $0x2800  }
0x175: {  	_ =	swait.ge [sflag:s23], $0x2800  }
0x176: {  	[sflag:s23] =	ssyncset.done $0x0  }
0x177: {  	s6 =	simm.s32 $0x70;
	s7 =	simm.s32 $0x3C0;
	[sflag:s23] =	ssyncadd.s32 $0xFFFFD800  }
.LBB2_6:
0x178: {  	p1 =	sne.s32 s7, $0x9FC0;
	[tilespmem:s6+$0x6780] =	vst v0  }
0x179: {  	[tilespmem:s6+$0x6710] =	vst v0  }
0x17a: {  	[tilespmem:s6+$0x6720] =	vst v0  }
.Ltmp10:
0x17b: {  	[tilespmem:s6+$0x6730] =	vst v0;
	(pc) =	sbr.rel @p1 .LBB2_6-.Ltmp10, $4  }
0x17c: {  	[tilespmem:s6+$0x6740] =	vst v0  }
0x17d: {  	[tilespmem:s6+$0x6750] =	vst v0  }
0x17e: {  	[tilespmem:s6+$0x6760] =	vst v0  }
0x17f: {  	[tilespmem:s6+$0x6770] =	vst v0;
	s6 =	sshra.s32 s7, $0x2;
	s7 =	sadd.s32 $0x200, s7  }
0x180: {  	[tilespmem:s6+$0x6780] =	vst v0  }
0x181: {  	[tilespmem:s6+$0x6710] =	vst v0  }
0x182: {  	[tilespmem:s6+$0x6720] =	vst v0  }
0x183: {  	[tilespmem:s6+$0x6730] =	vst v0  }
0x184: {  	[tilespmem:s6+$0x6740] =	vst v0  }
0x185: {  	[tilespmem:s6+$0x6750] =	vst v0  }
0x186: {  	[tilespmem:s6+$0x6760] =	vst v0  }
0x187: {  	[tilespmem:s6+$0x6770] =	vst v0  }
0x188: {  	[spmem:s12] =	stream.linear.scatter [tilespmem:s26], [sflag:$0x5], $0x2800, $0x38;
	[tilespmem:$0x1F780] =	vst v63  }
0x189: {  	_ =	swait.ge [sflag:s23], $0x2800  }
0x18a: {  	[sflag:s23] =	ssyncset.done $0x0  }
0x18b: {  	[sflag:s23] =	ssyncadd.s32 $0xFFFFD800  }
0x18c: {  	[spmem:s16] =	stream.linear.scatter [tilespmem:s26], [sflag:$0x5], $0x2800, $0x38;
	[tilespmem:$0x1F780] =	vst v63  }
0x18d: {  	_ =	swait.ge [sflag:s23], $0x2800  }
0x18e: {  	[sflag:s23] =	ssyncset.done $0x0  }
0x18f: {  	[sflag:s23] =	ssyncadd.s32 $0xFFFFD800  }
0x190: {  	[spmem:s17] =	stream.linear.scatter [tilespmem:s26], [sflag:$0x5], $0x2800, $0x38;
	[tilespmem:$0x1F780] =	vst v63  }
0x191: {  	_ =	swait.ge [sflag:s23], $0x2800  }
0x192: {  	[sflag:s23] =	ssyncset.done $0x0  }
0x193: {  	[sflag:s23] =	ssyncadd.s32 $0xFFFFD800  }
0x194: {  	[spmem:s18] =	stream.linear.scatter [tilespmem:s26], [sflag:$0x5], $0x2800, $0x38;
	[tilespmem:$0x1F780] =	vst v63  }
0x195: {  	_ =	swait.ge [sflag:s23], $0x2800  }
0x196: {  	[sflag:s23] =	ssyncset.done $0x0  }
0x197: {  	[sflag:s23] =	ssyncadd.s32 $0xFFFFD800  }
0x198: {  	[spmem:s19] =	stream.linear.scatter [tilespmem:s26], [sflag:$0x5], $0x2800, $0x38;
	[tilespmem:$0x1F780] =	vst v63  }
0x199: {  	_ =	swait.ge [sflag:s23], $0x2800  }
0x19a: {  	[sflag:s23] =	ssyncset.done $0x0  }
0x19b: {  	[sflag:s23] =	ssyncadd.s32 $0xFFFFD800  }
0x19c: {  	[spmem:s20] =	stream.linear.scatter [tilespmem:s26], [sflag:$0x5], $0x2800, $0x38;
	[tilespmem:$0x1F780] =	vst v63  }
0x19d: {  	_ =	swait.ge [sflag:s23], $0x2800  }
0x19e: {  	[sflag:s23] =	ssyncset.done $0x0  }
0x19f: {  	[sflag:s23] =	ssyncadd.s32 $0xFFFFD800  }
0x1a0: {  	[spmem:s21] =	stream.linear.scatter [tilespmem:s26], [sflag:$0x5], $0x2800, $0x38;
	[tilespmem:$0x1F780] =	vst v63  }
0x1a1: {  	_ =	swait.ge [sflag:s23], $0x2800  }
0x1a2: {  	[sflag:s23] =	ssyncset.done $0x0  }
0x1a3: {  	[sflag:s23] =	ssyncadd.s32 $0xFFFFD800  }
0x1a4: {  	[spmem:s22] =	stream.linear.scatter [tilespmem:s26], [sflag:$0x5], $0x2800, $0x38;
	[tilespmem:$0x1F780] =	vst v63  }
0x1a5: {  	_ =	swait.ge [sflag:s23], $0x2800  }
0x1a6: {  	[sflag:s23] =	ssyncset.done $0x0  }
0x1a7: {  	[sflag:s23] =	ssyncadd.s32 $0xFFFFD800  }
0x1a8: {  	s7 =	simm.s32 $0x0;
	[bflag:$0x0] =	sbarrier.arrive $0xFFFF  }
0x1a9: {  	[tilespmem:s26], [sflag:$0x1] =	stream.indirect.gather [hbm4b:s9+s28], $0x80, s7, s28, $0xb8;
	[tilespmem:$0x1F780] =	vst v63  }
0x1aa: {  	_ = 	snop  }
0x1ab: {  	[tilespmem:s29], [sflag:$0x2] =	stream.indirect.gather [hbm4b:s9+s28], $0x80, s28, s28, $0xb8;
	[tilespmem:$0x1F780] =	vst v63  }
0x1ac: {  	_ =	swait.ge [sflag:s30], $0x2800  }
0x1ad: {  	[sflag:s30] =	ssyncset.done $0x0  }
0x1ae: {  	s8 =	simm.s32 $0x2780;
	[sflag:s30] =	ssyncadd.s32 $0xFFFFD800  }
0x1af: {  	[spmem:s2] =	stream.indirect.scatter.add.f32 [tilespmem:s26], [sflag:$0x3], $0x80, s8, s28, $0xb8;
	[tilespmem:$0x1F780] =	vst v63  }
0x1b0: {  	_ =	swait.ge [sflag:s31], $0x2800  }
0x1b1: {  	[sflag:s31] =	ssyncset.done $0x0  }
0x1b2: {  	s10 =	simm.s32 $0x2800;
	[sflag:s31] =	ssyncadd.s32 $0xFFFFD800  }
0x1b3: {  	[spmem:s2] =	stream.indirect.scatter.add.f32 [tilespmem:s29], [sflag:$0x4], $0x80, s10, s28, $0xb8;
	[tilespmem:$0x1F780] =	vst v63  }
0x1b4: {  	_ =	swait.ge [sflag:s0], $0x2800  }
0x1b5: {  	[sflag:s0] =	ssyncset.done $0x0  }
0x1b6: {  	s15 =	simm.s32 $0xA0;
	[sflag:s0] =	ssyncadd.s32 $0xFFFFD800  }
0x1b7: {  	[tilespmem:s26], [sflag:$0x1] =	stream.indirect.gather [hbm4b:s9+s28], $0x80, s15, s28, $0xb8;
	[tilespmem:$0x1F780] =	vst v63  }
0x1b8: {  	_ =	swait.ge [sflag:s24], $0x2800  }
0x1b9: {  	s6 =	simm.s32 $0xF0;
	[sflag:s24] =	ssyncset.done $0x0  }
0x1ba: {  	s7 =	simm.s32 $0x400;
	s15 =	simm.s32 $0x190;
	[sflag:s24] =	ssyncadd.s32 $0xFFFFD800  }
.LBB2_8:
0x1bb: {  	[tilespmem:s29], [sflag:$0x2] =	stream.indirect.gather [hbm4b:s9+s28], $0x80, s6, s28, $0xb8;
	[tilespmem:$0x1F780] =	vst v63  }
0x1bc: {  	s8 =	smov.u32 s7;
	s6 =	smov.u32 s15  }
0x1bd: {  	p1 =	seq.s32 s7, $0xF000;
	s7 =	sadd.s32 $0x400, s7;
	_ =	swait.ge [sflag:s30], $0x2800  }
0x1be: {  	s8 =	sshra.s32 s8, $0x2;
	[sflag:s30] =	ssyncset.done $0x0  }
0x1bf: {  	s10 =	sadd.s32 $0x2780, s8;
	[sflag:s30] =	ssyncadd.s32 $0xFFFFD800  }
0x1c0: {  	[spmem:s2] =	stream.indirect.scatter.add.f32 [tilespmem:s26], [sflag:$0x3], $0x80, s10, s28, $0xb8;
	[tilespmem:$0x1F780] =	vst v63  }
0x1c1: {  	_ =	swait.ge [sflag:s31], $0x2800  }
0x1c2: {  	[sflag:s31] =	ssyncset.done $0x0  }
0x1c3: {  	s8 =	sadd.s32 $0x2800, s8;
	[sflag:s31] =	ssyncadd.s32 $0xFFFFD800  }
0x1c4: {  	[spmem:s2] =	stream.indirect.scatter.add.f32 [tilespmem:s29], [sflag:$0x4], $0x80, s8, s28, $0xb8;
	[tilespmem:$0x1F780] =	vst v63  }
0x1c5: {  	_ =	swait.ge [sflag:s0], $0x2800  }
0x1c6: {  	[sflag:s0] =	ssyncset.done $0x0  }
.Ltmp11:
0x1c7: {  	s8 =	sadd.s32 $0xFFFFFFB0, s15;
	[sflag:s0] =	ssyncadd.s32 $0xFFFFD800;
	(pc) =	sbr.rel @!p1 .LBB2_8-.Ltmp11, $4  }
0x1c8: {  	[tilespmem:s26], [sflag:$0x1] =	stream.indirect.gather [hbm4b:s9+s28], $0x80, s8, s28, $0xb8;
	[tilespmem:$0x1F780] =	vst v63  }
0x1c9: {  	_ =	swait.ge [sflag:s24], $0x2800  }
0x1ca: {  	[sflag:s24] =	ssyncset.done $0x0  }
0x1cb: {  	s15 =	sadd.s32 $0xA0, s15;
	[sflag:s24] =	ssyncadd.s32 $0xFFFFD800  }
.Ltmp12:
0x1cc: {  	(pc) =	sbr.rel .LBB2_18-.Ltmp12, $3  }
0x1cd: {  	_ =	sdelay $0x1  }
0x1ce: {  	[tilespmem:s29], [sflag:$0x2] =	stream.indirect.gather [hbm4b:s9+s28], $0x80, s6, s28, $0xb8;
	[tilespmem:$0x1F780] =	vst v63  }
0x1cf: {  	s7 =	smov.u32 s9;
	s6 =	rddreg [dreg:$0x7]  }
.LBB2_19:
0x1d0: {  	_ =	sfence.sel $0x180000  }
0x1d1: {  	[bflag:$0x0] =	sbarrier.arrive $0xFFFF  }
0x1d2: {  	_ =	strace $0x9000004D  }
0x1d3: {  	s0 =	stileid.u32;
	[bflag:$0x2] =	sbarrier.arrive $0xFFFF  }
0x1d4: {  	p0 =	sne.s32 s0, $0x0;
	s0 =	rddreg [dreg:$0x3]  }
0x1d5: {  	s0 =	sadd.s32 @!p0 $0x100000, s0  }
0x1d6: {  	[sflag:s0] =	ssyncadd.tile.s32 @!p0 $0x1;
	_ =	shalt  }
.Lfunc_end2:
_tile_overlayer_lowered:
.L_overlay_start_2:
0x1d7: {  	(tag) =	ssettag $0x2  }
0x1d8: {  	s0 =	rddreg [dreg:$0x0];
	s2 =	stileid.u32  }
0x1d9: {  	s1 =	rddreg [dreg:$0x1];
	p0 =	sne.s32 s2, $0x0  }
0x1da: {  	s3 =	rddreg [dreg:$0x2];
	[bflag:$0x3] =	sbarrier.arrive $0xFFFF;
	s2 =	simm.s32 @!p0 $0x1C05  }
0x1db: {  	[timem:s3], [sflag:s2] =	dma.local @!p0 [hbm:s0], s1  }
0x1dc: {  	s0 =	simm.s32 @!p0 $0x5  }
0x1dd: {  	_ =	swait.ge @!p0 [sflag:s0], s1  }
0x1de: {  	s1 =	ssub.s32 @!p0 $0x0, s1;
	[sflag:s0] =	ssyncset.done @!p0 $0x0  }
0x1df: {  	[sflag:s0] =	ssyncadd.s32 @!p0 s1  }
0x1e0: {  	[bflag:$0x3] =	sbarrier.arrive $0xFFFF  }
0x1e1: {  	_ =	shalt  }

// kernel: kernel.19.cloned.1.call-start
scs
__scs_entry_jumppad:
0x0: {  	(pc) =	sbr.rel $0x88, $3  }
0x1: {  	(tag) =	ssettag $0x0;
	lr =	simm.s32 $0x1  }
0x2: {  	[smem:$0x3F99] =	sst lr;
	_ =	strace $0xD0000000  }
0x3: {  	_ = 	snop  }
0x4: {  	_ = 	snop  }
0x5: {  	_ = 	snop  }
0x6: {  	_ = 	snop  }
0x7: {  	_ = 	snop  }
__scs_overlays_trampoline_lowered:
0x8: {  	[smem:$0x3FA8] =	sst s0  }
0x9: {  	[smem:$0x3FA9] =	sst s1  }
0xa: {  	[smem:$0x3FAA] =	sst s2  }
0xb: {  	[smem:$0x3FAB] =	sst s3  }
0xc: {  	[smem:$0x3FAC] =	sst s4  }
0xd: {  	[smem:$0x3FAD] =	sst s5  }
0xe: {  	[smem:$0x3FAE] =	sst s6  }
0xf: {  	[smem:$0x3FAF] =	sst s7  }
0x10: {  	[smem:$0x3FB0] =	sst s8  }
0x11: {  	[smem:$0x3FB1] =	sst s9;
	s0 =	simm.s32 @!p0 $0x0  }
0x12: {  	s1 =	sld [smem:$0x3F97];
	s0 =	simm.s32 @p0 $0x1  }
0x13: {  	[smem:$0x3FB2] =	sst s0;
	s0 =	simm.s32 @!p1 $0x0  }
0x14: {  	s2 =	sld [smem:$0x3F96];
	s0 =	simm.s32 @p1 $0x1  }
0x15: {  	[smem:$0x3FB3] =	sst s0;
	s0 =	simm.s32 @!p2 $0x0  }
0x16: {  	s3 =	sld [smem:$0x3FDB];
	s0 =	simm.s32 @p2 $0x1  }
0x17: {  	s4 =	simm.s32 $0x1BF5;
	[smem:$0x3FB5] =	sst s0  }
0x18: {  	s0 =	sld [smem:$0x3F98];
	_ =	swait.ge [sflag:s4], $0x0  }
0x19: {  	s7 =	sld [smem:$0x3F99]  }
0x1a: {  	s8 =	sadd.s32 $0xFFFFE003, lr  }
0x1b: {  	s9 =	sadd.s32 $0xFFFFFEF7, lr;
	s5 =	simm.s32 $0xFFFFFFFF;
	p2 =	slt.u32 s8, $0xFFFFF086  }
0x1c: {  	p1 =	slt.u32 s9, $0xF7A;
	s5 =	simm.s32 @!p2 $0x0  }
0x1d: {  	s5 =	simm.s32 @p1 $0x1;
	p0 =	seq.s32 s7, s2  }
0x1e: {  	s7 =	smul.u32 @!p0 $0xF7A, s2;
	p2 =	seq.s32 @!p0 s5, $0x0  }
0x1f: {  	s9 =	smul.u32 $0xF7A, s1;
	s8 =	simm.s32 @!p0 $0x1BF5;
	p2 =	por !p2, p0  }
0x20: {  	[sflag:s8] =	ssyncset.s32 @!p0 $0xFFFFF086;
	s6 =	sadd.s32 @!p0 s3, s7;
	s7 =	simm.s32 @!p0 $0x108  }
0x21: {  	s3 =	sadd.s32 s3, s9;
	s6 =	sadd.s32 @!p0 $0x88, s6;
	s7 =	simm.s32 @p2 $0x1082  }
0x22: {  	[simem:s7], [sflag:s8] =	dma.local @!p0 [hbm:s6], $0xF7A  }
0x23: {  	s9 =	sor.u32 $0xD0000000, s2;
	s6 =	simm.s32 $0x108;
	_ =	swait.ge @!p0 [sflag:s8], $0x0  }
0x24: {  	s3 =	sadd.s32 $0x88, s3;
	s6 =	simm.s32 @!p1 $0x1082;
	[sflag:s4] =	ssyncset.s32 $0xFFFFF086  }
0x25: {  	[simem:s6], [sflag:s4] =	dma.local [hbm:s3], $0xF7A  }
0x26: {  	[smem:$0x3F99] =	sst s1;
	(tag) =	ssettag s2;
	_ =	strace s9  }
0x27: {  	s1 =	sld [smem:$0x3FA9]  }
0x28: {  	s2 =	sld [smem:$0x3FAA]  }
0x29: {  	s4 =	sld [smem:$0x3FAC]  }
0x2a: {  	p0 =	seq.s32 s5, $0x0;
	s5 =	sld [smem:$0x3FAD]  }
0x2b: {  	s6 =	sld [smem:$0x3FAE]  }
0x2c: {  	s7 =	sld [smem:$0x3FAF]  }
0x2d: {  	s3 =	simm.s32 $0x108;
	s8 =	sld [smem:$0x3FB0]  }
0x2e: {  	s3 =	simm.s32 @!p0 $0x1082;
	s9 =	sld [smem:$0x3FB1]  }
0x2f: {  	lr =	sadd.s32 s0, s3;
	s0 =	sld [smem:$0x3FA8]  }
0x30: {  	s3 =	sld [smem:$0x3FAB]  }
0x31: {  	[smem:$0x3FB4] =	sst s10  }
0x32: {  	s10 =	sld [smem:$0x3FB2];
	_ =	sdelay $0x3  }
0x33: {  	p0 =	seq.s32 s10, $0x1;
	s10 =	sld [smem:$0x3FB4];
	_ =	sdelay $0x3  }
0x34: {  	[smem:$0x3FB4] =	sst s10  }
0x35: {  	s10 =	sld [smem:$0x3FB3];
	_ =	sdelay $0x3  }
0x36: {  	p1 =	seq.s32 s10, $0x1;
	s10 =	sld [smem:$0x3FB4];
	_ =	sdelay $0x3  }
0x37: {  	[smem:$0x3FB4] =	sst s10  }
0x38: {  	s10 =	sld [smem:$0x3FB5]  }
0x39: {  	_ = 	snop;
	(pc) =	sbr.ind lr, $3  }
0x3a: {  	_ = 	snop  }
0x3b: {  	_ = 	snop  }
0x3c: {  	p2 =	seq.s32 s10, $0x1;
	s10 =	sld [smem:$0x3FB4]  }
0x3d: {  	_ =	shalt  }
0x3e: {  	_ =	shalt  }
0x3f: {  	_ =	shalt  }
0x40: {  	_ =	shalt  }
0x41: {  	_ =	shalt  }
0x42: {  	_ =	shalt  }
0x43: {  	_ =	shalt  }
0x44: {  	_ =	shalt  }
0x45: {  	_ =	shalt  }
0x46: {  	_ =	shalt  }
0x47: {  	_ =	shalt  }
0x48: {  	_ =	shalt  }
0x49: {  	_ =	shalt  }
0x4a: {  	_ =	shalt  }
0x4b: {  	_ =	shalt  }
0x4c: {  	_ =	shalt  }
0x4d: {  	_ =	shalt  }
0x4e: {  	_ =	shalt  }
0x4f: {  	_ =	shalt  }
0x50: {  	_ =	shalt  }
0x51: {  	_ =	shalt  }
0x52: {  	_ =	shalt  }
0x53: {  	_ =	shalt  }
0x54: {  	_ =	shalt  }
0x55: {  	_ =	shalt  }
0x56: {  	_ =	shalt  }
0x57: {  	_ =	shalt  }
0x58: {  	_ =	shalt  }
0x59: {  	_ =	shalt  }
0x5a: {  	_ =	shalt  }
0x5b: {  	_ =	shalt  }
0x5c: {  	_ =	shalt  }
0x5d: {  	_ =	shalt  }
0x5e: {  	_ =	shalt  }
0x5f: {  	_ =	shalt  }
0x60: {  	_ =	shalt  }
0x61: {  	_ =	shalt  }
0x62: {  	_ =	shalt  }
0x63: {  	_ =	shalt  }
0x64: {  	_ =	shalt  }
0x65: {  	_ =	shalt  }
0x66: {  	_ =	shalt  }
0x67: {  	_ =	shalt  }
0x68: {  	_ =	shalt  }
0x69: {  	_ =	shalt  }
0x6a: {  	_ =	shalt  }
0x6b: {  	_ =	shalt  }
0x6c: {  	_ =	shalt  }
0x6d: {  	_ =	shalt  }
0x6e: {  	_ =	shalt  }
0x6f: {  	_ =	shalt  }
0x70: {  	_ =	shalt  }
0x71: {  	_ =	shalt  }
0x72: {  	_ =	shalt  }
0x73: {  	_ =	shalt  }
0x74: {  	_ =	shalt  }
0x75: {  	_ =	shalt  }
0x76: {  	_ =	shalt  }
0x77: {  	_ =	shalt  }
0x78: {  	_ =	shalt  }
0x79: {  	_ =	shalt  }
0x7a: {  	_ =	shalt  }
0x7b: {  	_ =	shalt  }
0x7c: {  	_ =	shalt  }
0x7d: {  	_ =	shalt  }
0x7e: {  	_ =	shalt  }
0x7f: {  	_ =	shalt  }
0x80: {  	_ =	shalt  }
0x81: {  	_ =	shalt  }
0x82: {  	_ =	shalt  }
0x83: {  	_ =	shalt  }
0x84: {  	_ =	shalt  }
0x85: {  	_ =	shalt  }
0x86: {  	_ =	shalt  }
0x87: {  	_ =	shalt  }
.Lfunc_end0:
.L_simem_size_0:
called_computation.3_lowered:
.L_overlay_start_0:
0x88: {  	s2 =	sld [smem:$0x3FD9]  }
0x89: {  	s3 =	sld [smem:$0x3FFE];
	_ =	sdelay $0x1  }
0x8a: {  	s1 =	srdreg.scid  }
0x8b: {  	s0 =	sand.u32 $0x1, s1  }
0x8c: {  	s14 =	sshll.u32 s0, $0xA;
	s2 =	sadd.s32 s3, s2  }
0x8d: {  	s2 =	sadd.s32 s2, s14  }
0x8e: {  	[smem:$0x3FC0] =	sst s2  }
0x8f: {  	_ = 	snop  }
0x90: {  	s2 =	sld [smem:$0x3FD0];
	_ =	sdelay $0x2  }
0x91: {  	s15 =	simm.s32 $0xA;
	s4 =	simm.s32 $0x10  }
0x92: {  	[smem:s4], [sflag:s15] =	dma.local [hbm:s2], $0x1  }
0x93: {  	_ =	swait.eq [sflag:s15], $0x1  }
0x94: {  	[sflag:s15] =	ssyncset.done $0x0  }
0x95: {  	[sflag:s15] =	ssyncadd.s32 $0xFFFFFFFF  }
0x96: {  	s16 =	sld [smem:$0x11];
	(tm) =	ssettm $0x1  }
0x97: {  	s17 =	sld [smem:$0x3FFB];
	_ =	sdelay $0x3  }
0x98: {  	_ =	strace s17  }
0x99: {  	s3 =	sld [smem:$0x3FFC];
	_ =	sdelay $0x3  }
0x9a: {  	_ =	strace s3  }
0x9b: {  	s3 =	sld [smem:$0x3FFD];
	_ =	sdelay $0x3  }
0x9c: {  	_ =	strace s3  }
0x9d: {  	_ =	strace $0x8FFFFFFF  }
0x9e: {  	s18 =	sld [smem:$0x3FDB];
	_ =	sdelay $0x1  }
0x9f: {  	s19 =	simm.s32 $_scs_section_size  }
0xa0: {  	s5 =	simm.s32 $_size__tile_overlayer_lowered;
	s6 =	simm.s32 $_tile_overlayer_lowered  }
0xa1: {  	s22 =	simm.s32 $0x1BFF;
	s21 =	sshll.u32 s6, $0x1;
	s3 =	sadd.s32 s19, s18  }
0xa2: {  	s7 =	simm.s32 $0x0;
	s20 =	sshll.u32 s5, $0x1;
	s5 =	sadd.s32 s21, s3  }
0xa3: {  	[timem:s7], [sflag:s22] =	dma.local [hbm:s5], s20  }
0xa4: {  	_ =	swait.ge [sflag:s22], s20  }
0xa5: {  	s4 =	ssub.s32 $0x0, s20;
	[sflag:s22] =	ssyncset.done $0x0  }
0xa6: {  	[sflag:s22] =	ssyncadd.s32 s4;
	_ =	sdelay $0x1  }
0xa7: {  	s23 =	simm.s32 $0x1B8B  }
0xa8: {  	_ =	swait.ge [sflag:s23], $0x1  }
0xa9: {  	[sflag:s23] =	ssyncset.done $0x0  }
0xaa: {  	s25 =	simm.s32 $0x1B8E;
	s24 =	sld [smem:$0x3FFE];
	[sflag:s23] =	ssyncadd.s32 $0xFFFFFFFF  }
0xab: {  	s26 =	simm.s32 $execute0_lowered;
	[smem:$0x3FD2] =	sst s25  }
0xac: {  	s5 =	sshll.u32 s26, $0x1;
	_ =	strace $0x8000004F;
	[dreg:$0x1] =	wrdreg $0xFFFFFFFF  }
0xad: {  	s28 =	simm.s32 $_size_execute0_lowered;
	s3 =	sadd.s32 s3, s5;
	[dreg:$0x0] =	wrdreg $0x0  }
0xae: {  	s5 =	sshll.u32 s28, $0x1;
	[dreg:$0x2] =	wrdreg s3  }
0xaf: {  	[dreg:$0x3] =	wrdreg s5  }
0xb0: {  	[dreg:$0x4] =	wrdreg $0xC0  }
0xb1: {  	_ =	task [dreg:s7], $0x5FFFF  }
0xb2: {  	[dreg:$0x1] =	wrdreg $0xFFFFFFFF  }
0xb3: {  	[dreg:$0x0] =	wrdreg $0x60  }
0xb4: {  	[dreg:$0x2] =	wrdreg s24  }
0xb5: {  	[dreg:$0x3] =	wrdreg s16  }
0xb6: {  	[dreg:$0x4] =	wrdreg $0x88800  }
0xb7: {  	[dreg:$0x5] =	wrdreg $0x9  }
0xb8: {  	_ =	task.clear_ibuf [dreg:s7], $0x6FFFF;
	_ =	strace $0x9000004F  }
0xb9: {  	s29 =	simm.s32 $0x9;
	_ =	strace $0x80000051  }
0xba: {  	_ =	swait.ge [sflag:s29], $0x1  }
0xbb: {  	[sflag:s29] =	ssyncadd.s32 $0xFFFFFFFF  }
0xbc: {  	_ =	strace $0x90000051  }
0xbd: {  	_ =	sfence  }
0xbe: {  	s30 =	sld [smem:$0x0];
	_ =	sdelay $0x2  }
0xbf: {  	s31 =	sshll.u32 s1, $0xD;
	s1 =	sshrl.u32 s1, $0x2  }
0xc0: {  	s3 =	sand.u32 $0x4000, s31;
	s1 =	sadd.s32 s1, s30  }
0xc1: {  	s0 =	sor.u32 s3, s0;
	s1 =	sshll.u32 s1, $0x11  }
0xc2: {  	s0 =	sor.u32 s1, s0  }
0xc3: {  	s0 =	sadd.s32 $0x8F2B, s0  }
0xc4: {  	[sflag:s0] =	ssyncadd.remote.s32 $0x1  }
0xc5: {  	_ =	sfence.sel $0xFFFF  }
0xc6: {  	[dreg:$0x0] =	wrdreg $0xFFFFFFFF;
	(pc) =	sbr.abs _section_cstart, $3  }
0xc7: {  	[dreg:$0x1] =	wrdreg $0xFFFFFFFF  }
0xc8: {  	_ =	task.clear_ibuf [dreg:s7], $0x2FFFF;
	_ =	strace $0x9FFFFFFF  }
0xc9: {  	(tm) =	ssettm $0x7FFFFFFF  }
tec
execute0_lowered:
.L_overlay_start_1:
0x0: {  	(tag) =	ssettag $0x1  }
0x1: {  	s0 =	rddreg [dreg:$0x0]  }
0x2: {  	s1 =	srdreg.scid;
	s6 =	rddreg [dreg:$0x1]  }
0x3: {  	s2 =	rddreg [dreg:$0x2];
	s11 =	stileid.u32  }
0x4: {  	s3 =	simm.s32 $0x0;
	s16 =	simm.s32 $0x5;
	s18 =	simm.s32 $0x3880  }
0x5: {  	s19 =	simm.s32 $0x50;
	s20 =	simm.s32 $0x6080;
	s21 =	simm.s32 $0x1  }
0x6: {  	s22 =	simm.s32 $0x2;
	s23 =	simm.s32 $0x3;
	s25 =	simm.s32 $0x4  }
0x7: {  	s29 =	simm.s32 $0x1400;
	s1 =	sand.u32 $0x1, s1;
	s9 =	smul.u32 $0x50000, s11  }
0x8: {  	s30 =	simm.s32 $0x3480;
	s17 =	smul.u32 $0x2800, s11;
	s4 =	sshll.u32 s1, $0x4  }
0x9: {  	s31 =	simm.s32 $0x0;
	s8 =	smul.u32 $0x28000, s1;
	s5 =	sor.u32 s11, s4  }
0xa: {  	[smem:$0x7FF] =	sst s3;
	s1 =	ssub.s32 $0x2, s1;
	s7 =	smul.u32 $0x28A, s5  }
0xb: {  	_ =	strace $0x80000050;
	s26 =	sshrl.u32 s1, $0x1;
	s10 =	smul.u32 $0x480, s5  }
0xc: {  	s4 =	sadd.s32 $0xD200, s0;
	s28 =	sshrl.u32 s9, $0x2;
	s1 =	ssub.s32 s1, s26  }
0xd: {  	s7 =	sadd.s32 s7, s0;
	s0 =	sadd.s32 s8, s0;
	s6 =	sadd.s32 s6, s10  }
0xe: {  	s8 =	smax.u32 s1, $0x1;
	s5 =	sadd.s32 $0x8000, s7;
	s7 =	sadd.s32 s28, s2  }
0xf: {  	s0 =	sadd.s32 $0x34400, s0;
	s9 =	sadd.s32 $0x2800, s7;
	s10 =	sadd.s32 $0x5000, s7  }
0x10: {  	s11 =	sadd.s32 $0x7800, s7;
	s12 =	sadd.s32 $0xA000, s7;
	s13 =	sadd.s32 $0xC800, s7  }
0x11: {  	v0 =	vimm.f32 $0.0e+00;
	s14 =	sadd.s32 $0xF000, s7;
	s15 =	sadd.s32 $0x11800, s7;
	s24 =	sadd.s32 s17, s0  }
.LBB2_1:
0x12: {  	[tilespmem:s3], [sflag:$0x5] =	stream.linear.gather [hbm4b:s5+s3], $0x1450, $0x38;
	[tilespmem:$0x1C880] =	vst v63  }
0x13: {  	_ =	swait.ge [sflag:s16], $0x1450  }
0x14: {  	[sflag:s16] =	ssyncset.done $0x0  }
0x15: {  	s0 =	simm.s32 $0x1480;
	[sflag:s16] =	ssyncadd.s32 $0xFFFFEBB0  }
0x16: {  	[tilespmem:s0], [sflag:$0x5] =	stream.linear.gather [hbm4b:s6+s3], $0x2080, $0x38;
	[tilespmem:$0x1C880] =	vst v63  }
0x17: {  	_ =	swait.ge [sflag:s16], $0x2080  }
0x18: {  	[sflag:s16] =	ssyncset.done $0x0  }
0x19: {  	s1 =	simm.s32 $0x3C0;
	s0 =	simm.s32 $0x70;
	[sflag:s16] =	ssyncadd.s32 $0xFFFFDF80  }
.LBB2_2:
0x1a: {  	p0 =	sne.s32 s1, $0x9FC0;
	[tilespmem:s0+$0x3880] =	vst v0  }
0x1b: {  	[tilespmem:s0+$0x3810] =	vst v0  }
0x1c: {  	[tilespmem:s0+$0x3820] =	vst v0  }
.Ltmp0:
0x1d: {  	[tilespmem:s0+$0x3830] =	vst v0;
	(pc) =	sbr.rel @p0 .LBB2_2-.Ltmp0, $4  }
0x1e: {  	[tilespmem:s0+$0x3840] =	vst v0  }
0x1f: {  	[tilespmem:s0+$0x3850] =	vst v0  }
0x20: {  	[tilespmem:s0+$0x3860] =	vst v0  }
0x21: {  	[tilespmem:s0+$0x3870] =	vst v0;
	s0 =	sshra.s32 s1, $0x2;
	s1 =	sadd.s32 $0x200, s1  }
0x22: {  	[tilespmem:s0+$0x3880] =	vst v0  }
0x23: {  	[tilespmem:s0+$0x3810] =	vst v0  }
0x24: {  	[tilespmem:s0+$0x3820] =	vst v0  }
0x25: {  	[tilespmem:s0+$0x3830] =	vst v0  }
0x26: {  	[tilespmem:s0+$0x3840] =	vst v0  }
0x27: {  	[tilespmem:s0+$0x3850] =	vst v0  }
0x28: {  	[tilespmem:s0+$0x3860] =	vst v0  }
0x29: {  	[tilespmem:s0+$0x3870] =	vst v0  }
0x2a: {  	[spmem:s7] =	stream.linear.scatter [tilespmem:s18], [sflag:$0x5], $0x2800, $0x38;
	[tilespmem:$0x1C880] =	vst v63  }
0x2b: {  	_ =	swait.ge [sflag:s16], $0x2800  }
0x2c: {  	[sflag:s16] =	ssyncset.done $0x0  }
0x2d: {  	[sflag:s16] =	ssyncadd.s32 $0xFFFFD800  }
0x2e: {  	[spmem:s9] =	stream.linear.scatter [tilespmem:s18], [sflag:$0x5], $0x2800, $0x38;
	[tilespmem:$0x1C880] =	vst v63  }
0x2f: {  	_ =	swait.ge [sflag:s16], $0x2800  }
0x30: {  	[sflag:s16] =	ssyncset.done $0x0  }
0x31: {  	[sflag:s16] =	ssyncadd.s32 $0xFFFFD800  }
0x32: {  	[spmem:s10] =	stream.linear.scatter [tilespmem:s18], [sflag:$0x5], $0x2800, $0x38;
	[tilespmem:$0x1C880] =	vst v63  }
0x33: {  	_ =	swait.ge [sflag:s16], $0x2800  }
0x34: {  	[sflag:s16] =	ssyncset.done $0x0  }
0x35: {  	[sflag:s16] =	ssyncadd.s32 $0xFFFFD800  }
0x36: {  	[spmem:s11] =	stream.linear.scatter [tilespmem:s18], [sflag:$0x5], $0x2800, $0x38;
	[tilespmem:$0x1C880] =	vst v63  }
0x37: {  	_ =	swait.ge [sflag:s16], $0x2800  }
0x38: {  	[sflag:s16] =	ssyncset.done $0x0  }
0x39: {  	[sflag:s16] =	ssyncadd.s32 $0xFFFFD800  }
0x3a: {  	[spmem:s12] =	stream.linear.scatter [tilespmem:s18], [sflag:$0x5], $0x2800, $0x38;
	[tilespmem:$0x1C880] =	vst v63  }
0x3b: {  	_ =	swait.ge [sflag:s16], $0x2800  }
0x3c: {  	[sflag:s16] =	ssyncset.done $0x0  }
0x3d: {  	[sflag:s16] =	ssyncadd.s32 $0xFFFFD800  }
0x3e: {  	[spmem:s13] =	stream.linear.scatter [tilespmem:s18], [sflag:$0x5], $0x2800, $0x38;
	[tilespmem:$0x1C880] =	vst v63  }
0x3f: {  	_ =	swait.ge [sflag:s16], $0x2800  }
0x40: {  	[sflag:s16] =	ssyncset.done $0x0  }
0x41: {  	[sflag:s16] =	ssyncadd.s32 $0xFFFFD800  }
0x42: {  	[spmem:s14] =	stream.linear.scatter [tilespmem:s18], [sflag:$0x5], $0x2800, $0x38;
	[tilespmem:$0x1C880] =	vst v63  }
0x43: {  	_ =	swait.ge [sflag:s16], $0x2800  }
0x44: {  	[sflag:s16] =	ssyncset.done $0x0  }
0x45: {  	[sflag:s16] =	ssyncadd.s32 $0xFFFFD800  }
0x46: {  	[spmem:s15] =	stream.linear.scatter [tilespmem:s18], [sflag:$0x5], $0x2800, $0x38;
	[tilespmem:$0x1C880] =	vst v63  }
0x47: {  	_ =	swait.ge [sflag:s16], $0x2800  }
0x48: {  	[sflag:s16] =	ssyncset.done $0x0  }
0x49: {  	[sflag:s16] =	ssyncadd.s32 $0xFFFFD800  }
0x4a: {  	s1 =	simm.s32 $0x0;
	[bflag:$0x0] =	sbarrier.arrive $0xFFFF  }
0x4b: {  	[tilespmem:s18], [sflag:$0x1] =	stream.indirect.gather [hbm4b:s4+s19], $0x80, s1, s19, $0xb8;
	[tilespmem:$0x1C880] =	vst v63  }
0x4c: {  	_ = 	snop  }
0x4d: {  	[tilespmem:s20], [sflag:$0x2] =	stream.indirect.gather [hbm4b:s4+s19], $0x80, s19, s19, $0xb8;
	[tilespmem:$0x1C880] =	vst v63  }
0x4e: {  	_ =	swait.ge [sflag:s21], $0x2800  }
0x4f: {  	[sflag:s21] =	ssyncset.done $0x0  }
0x50: {  	s17 =	simm.s32 $0x1480;
	[sflag:s21] =	ssyncadd.s32 $0xFFFFD800  }
0x51: {  	[spmem:s2] =	stream.indirect.scatter.add.f32 [tilespmem:s18], [sflag:$0x3], $0x80, s17, s19, $0xb8;
	[tilespmem:$0x1C880] =	vst v63  }
0x52: {  	_ =	swait.ge [sflag:s22], $0x2800  }
0x53: {  	[sflag:s22] =	ssyncset.done $0x0  }
0x54: {  	s26 =	simm.s32 $0x1500;
	[sflag:s22] =	ssyncadd.s32 $0xFFFFD800  }
0x55: {  	[spmem:s2] =	stream.indirect.scatter.add.f32 [tilespmem:s20], [sflag:$0x4], $0x80, s26, s19, $0xb8;
	[tilespmem:$0x1C880] =	vst v63  }
0x56: {  	_ =	swait.ge [sflag:s23], $0x2800  }
0x57: {  	[sflag:s23] =	ssyncset.done $0x0  }
0x58: {  	s28 =	simm.s32 $0xA0;
	[sflag:s23] =	ssyncadd.s32 $0xFFFFD800  }
0x59: {  	[tilespmem:s18], [sflag:$0x1] =	stream.indirect.gather [hbm4b:s4+s19], $0x80, s28, s19, $0xb8;
	[tilespmem:$0x1C880] =	vst v63  }
0x5a: {  	_ =	swait.ge [sflag:s25], $0x2800  }
0x5b: {  	s0 =	simm.s32 $0xF0;
	[sflag:s25] =	ssyncset.done $0x0  }
0x5c: {  	s1 =	simm.s32 $0x400;
	s17 =	simm.s32 $0x190;
	[sflag:s25] =	ssyncadd.s32 $0xFFFFD800  }
.LBB2_4:
0x5d: {  	[tilespmem:s20], [sflag:$0x2] =	stream.indirect.gather [hbm4b:s4+s19], $0x80, s0, s19, $0xb8;
	[tilespmem:$0x1C880] =	vst v63  }
0x5e: {  	s26 =	smov.u32 s1;
	s0 =	smov.u32 s17  }
0x5f: {  	p0 =	sne.s32 s1, $0x7800;
	s1 =	sadd.s32 $0x400, s1;
	_ =	swait.ge [sflag:s21], $0x2800  }
0x60: {  	s26 =	sshra.s32 s26, $0x2;
	[sflag:s21] =	ssyncset.done $0x0  }
0x61: {  	s28 =	sadd.s32 $0x1480, s26;
	[sflag:s21] =	ssyncadd.s32 $0xFFFFD800  }
0x62: {  	[spmem:s2] =	stream.indirect.scatter.add.f32 [tilespmem:s18], [sflag:$0x3], $0x80, s28, s19, $0xb8;
	[tilespmem:$0x1C880] =	vst v63  }
0x63: {  	_ =	swait.ge [sflag:s22], $0x2800  }
0x64: {  	[sflag:s22] =	ssyncset.done $0x0  }
0x65: {  	s26 =	sadd.s32 $0x1500, s26;
	[sflag:s22] =	ssyncadd.s32 $0xFFFFD800  }
0x66: {  	[spmem:s2] =	stream.indirect.scatter.add.f32 [tilespmem:s20], [sflag:$0x4], $0x80, s26, s19, $0xb8;
	[tilespmem:$0x1C880] =	vst v63  }
0x67: {  	_ =	swait.ge [sflag:s23], $0x2800  }
0x68: {  	[sflag:s23] =	ssyncset.done $0x0  }
.Ltmp1:
0x69: {  	s26 =	sadd.s32 $0xFFFFFFB0, s17;
	[sflag:s23] =	ssyncadd.s32 $0xFFFFD800;
	(pc) =	sbr.rel @p0 .LBB2_4-.Ltmp1, $4  }
0x6a: {  	[tilespmem:s18], [sflag:$0x1] =	stream.indirect.gather [hbm4b:s4+s19], $0x80, s26, s19, $0xb8;
	[tilespmem:$0x1C880] =	vst v63  }
0x6b: {  	_ =	swait.ge [sflag:s25], $0x2800  }
0x6c: {  	[sflag:s25] =	ssyncset.done $0x0  }
0x6d: {  	s17 =	sadd.s32 $0xA0, s17;
	[sflag:s25] =	ssyncadd.s32 $0xFFFFD800  }
0x6e: {  	[tilespmem:s20], [sflag:$0x2] =	stream.indirect.gather [hbm4b:s4+s19], $0x80, s0, s19, $0xb8;
	[tilespmem:$0x1C880] =	vst v63  }
0x6f: {  	_ =	swait.ge [sflag:s21], $0x2800  }
0x70: {  	[sflag:s21] =	ssyncset.done $0x0  }
0x71: {  	s17 =	simm.s32 $0x3380;
	[sflag:s21] =	ssyncadd.s32 $0xFFFFD800  }
0x72: {  	[spmem:s2] =	stream.indirect.scatter.add.f32 [tilespmem:s18], [sflag:$0x3], $0x80, s17, s19, $0xb8;
	[tilespmem:$0x1C880] =	vst v63  }
0x73: {  	_ =	swait.ge [sflag:s22], $0x2800  }
0x74: {  	[sflag:s22] =	ssyncset.done $0x0  }
0x75: {  	s26 =	simm.s32 $0x3400;
	[sflag:s22] =	ssyncadd.s32 $0xFFFFD800  }
0x76: {  	[spmem:s2] =	stream.indirect.scatter.add.f32 [tilespmem:s20], [sflag:$0x4], $0x80, s26, s19, $0xb8;
	[tilespmem:$0x1C880] =	vst v63  }
0x77: {  	_ =	swait.ge [sflag:s23], $0x2800  }
0x78: {  	[sflag:s23] =	ssyncset.done $0x0  }
0x79: {  	[sflag:s23] =	ssyncadd.s32 $0xFFFFD800  }
0x7a: {  	[tilespmem:s18], [sflag:$0x1] =	stream.indirect.gather [hbm4b:s4+s19], $0x80, s29, s19, $0xb8;
	[tilespmem:$0x1C880] =	vst v63  }
0x7b: {  	_ =	swait.ge [sflag:s21], $0x2800  }
0x7c: {  	[sflag:s21] =	ssyncset.done $0x0  }
0x7d: {  	[sflag:s21] =	ssyncadd.s32 $0xFFFFD800  }
0x7e: {  	[spmem:s2] =	stream.indirect.scatter.add.f32 [tilespmem:s18], [sflag:$0x3], $0x80, s30, s19, $0xb8;
	[tilespmem:$0x1C880] =	vst v63  }
0x7f: {  	_ =	swait.ge [sflag:s25], $0x2800  }
0x80: {  	[sflag:s25] =	ssyncset.done $0x0  }
0x81: {  	[sflag:s25] =	ssyncadd.s32 $0xFFFFD800  }
0x82: {  	s28 =	stileid.u32;
	_ =	swait.ge [sflag:s23], $0x2800  }
0x83: {  	s1 =	sshrl.u32 s7, $0x3;
	s31 =	sadd.s32 $0x1, s31;
	[sflag:s23] =	ssyncset.done $0x0  }
0x84: {  	s0 =	sshll.u32 s28, $0x6;
	p0 =	sne.s32 s31, s8;
	[sflag:s23] =	ssyncadd.s32 $0xFFFFD800  }
.Ltmp2:
0x85: {  	s0 =	sor.u32 $0x1C05, s0;
	[bflag:$0x0] =	sbarrier.arrive $0xFFFF;
	(pc) =	sbr.rel @p0 .LBB2_1-.Ltmp2, $4  }
0x86: {  	[hbm:s24], [sflag:s0] =	dma.local [spmem:s1], $0x2800  }
0x87: {  	_ =	swait.ge [sflag:s16], $0x2800  }
0x88: {  	[sflag:s16] =	ssyncset.done $0x0  }
0x89: {  	[sflag:s16] =	ssyncadd.s32 $0xFFFFD800  }
0x8a: {  	_ =	sfence.sel $0x180000  }
0x8b: {  	[bflag:$0x0] =	sbarrier.arrive $0xFFFF  }
0x8c: {  	_ =	strace $0x90000050  }
0x8d: {  	s0 =	stileid.u32;
	[bflag:$0x2] =	sbarrier.arrive $0xFFFF  }
0x8e: {  	p0 =	sne.s32 s0, $0x0;
	s0 =	rddreg [dreg:$0x3]  }
0x8f: {  	s0 =	sadd.s32 @!p0 $0x100000, s0  }
0x90: {  	[sflag:s0] =	ssyncadd.tile.s32 @!p0 $0x1;
	_ =	shalt  }
.Lfunc_end2:
_tile_overlayer_lowered:
.L_overlay_start_2:
0x91: {  	(tag) =	ssettag $0x2  }
0x92: {  	s0 =	rddreg [dreg:$0x0];
	s2 =	stileid.u32  }
0x93: {  	s1 =	rddreg [dreg:$0x1];
	p0 =	sne.s32 s2, $0x0  }
0x94: {  	s3 =	rddreg [dreg:$0x2];
	[bflag:$0x3] =	sbarrier.arrive $0xFFFF;
	s2 =	simm.s32 @!p0 $0x1C05  }
0x95: {  	[timem:s3], [sflag:s2] =	dma.local @!p0 [hbm:s0], s1  }
0x96: {  	s0 =	simm.s32 @!p0 $0x5  }
0x97: {  	_ =	swait.ge @!p0 [sflag:s0], s1  }
0x98: {  	s1 =	ssub.s32 @!p0 $0x0, s1;
	[sflag:s0] =	ssyncset.done @!p0 $0x0  }
0x99: {  	[sflag:s0] =	ssyncadd.s32 @!p0 s1  }
0x9a: {  	[bflag:$0x3] =	sbarrier.arrive $0xFFFF  }
0x9b: {  	_ =	shalt  }

</sc_bundles>
